<compile_context>
chip_gen: v7x
topology: tpu7x:2x2x1
jax: 0.10.2.dev20260603
libtpu: 0.0.44.dev20260713+nightly
codegen_flags: <defaults>
</compile_context>

<pallas_src>
import functools

import numpy as np
import jax
import jax.numpy as jnp
from jax import lax
from jax.experimental import pallas as pl
from jax.experimental.pallas import tpu as pltpu
from jax.experimental.pallas import tpu_sc as plsc

DIM = 256
NUM_HEADS = 8
DH = DIM // NUM_HEADS
RADIUS = 0.3
MAX_K = 32
N = 10000
M = 2500

NPAD = 10240
MPAD = 2560
CB = 256
PB = 512
NBLK_I = MPAD // CB
NBLK_J = NPAD // PB
BMROWS = MPAD // 32
NVEC = N // 16

NTILES = 32
EROWS = NPAD // NTILES

_BIG_COORD = np.float32(1.0e9)


def _center_indices():
    perm = jax.random.permutation(jax.random.key(1234), N)
    return perm[:M].astype(jnp.int32)


def _geom_body(ctr_ref, pts_ref, bm_ref, near_ref, gc_ref, cnt_ref,
               minv, mini, run):
    i = pl.program_id(0)
    j = pl.program_id(1)
    cx = ctr_ref[:, 0:1]
    cy = ctr_ref[:, 1:2]
    cz = ctr_ref[:, 2:3]
    px = pts_ref[0:1, :]
    py = pts_ref[1:2, :]
    pz = pts_ref[2:3, :]
    dx = cx - px
    dy = cy - py
    dz = cz - pz
    d2 = (dx * dx + dy * dy) + dz * dz
    dist = jnp.sqrt(jnp.maximum(d2, 0.0))
    mask = dist < jnp.float32(RADIUS)

    rowid = lax.broadcasted_iota(jnp.int32, (CB, PB), 0)
    bits = jnp.where(mask, jnp.left_shift(jnp.int32(1), rowid & 31), 0)
    bm_ref[...] = jnp.sum(bits.reshape(CB // 32, 32, PB), axis=1)

    maskf = mask.astype(jnp.float32)
    gsel = (
        lax.broadcasted_iota(jnp.int32, (PB, PB // 16), 0) >> 4
        == lax.broadcasted_iota(jnp.int32, (PB, PB // 16), 1)
    ).astype(jnp.float32)
    gcounts = jnp.dot(maskf, gsel, preferred_element_type=jnp.float32)
    gc_ref[0] = gcounts.astype(jnp.int32)

    tile_cnt = jnp.sum(maskf, axis=1, keepdims=True)
    old = jnp.where(j == 0, 0.0, run[...])
    newrun = old + tile_cnt
    run[...] = newrun

    sl = pl.ds(j * PB, PB)
    tmin = jnp.min(dist, axis=0, keepdims=True)
    rid_g = rowid + i * CB
    tidx = jnp.min(
        jnp.where(dist == tmin, rid_g, jnp.int32(1 << 30)),
        axis=0, keepdims=True,
    )

    @pl.when(i == 0)
    def _():
        minv[0:1, sl] = tmin
        mini[0:1, sl] = tidx

    @pl.when(i > 0)
    def _():
        upd = tmin < minv[0:1, sl]
        mini[0:1, sl] = jnp.where(upd, tidx, mini[0:1, sl])
        minv[0:1, sl] = jnp.where(upd, tmin, minv[0:1, sl])

    @pl.when(i == NBLK_I - 1)
    def _():
        near_ref[...] = jnp.broadcast_to(mini[0:1, sl], (8, PB))

    @pl.when(j == NBLK_J - 1)
    def _():
        cnt = jnp.minimum(newrun, np.float32(MAX_K)).astype(jnp.int32)
        cnt_ref[...] = jnp.broadcast_to(cnt, (CB, 128))


def _geom(ctr, pts, *, interpret=False):
    return pl.pallas_call(
        _geom_body,
        grid=(NBLK_I, NBLK_J),
        in_specs=[
            pl.BlockSpec((CB, 8), lambda i, j: (i, 0)),
            pl.BlockSpec((8, PB), lambda i, j: (0, j)),
        ],
        out_specs=[
            pl.BlockSpec((CB // 32, PB), lambda i, j: (i, j)),
            pl.BlockSpec((8, PB), lambda i, j: (0, j)),
            pl.BlockSpec((1, CB, PB // 16), lambda i, j: (j, i, 0)),
            pl.BlockSpec((CB, 128), lambda i, j: (i, 0)),
        ],
        out_shape=[
            jax.ShapeDtypeStruct((BMROWS, NPAD), jnp.int32),
            jax.ShapeDtypeStruct((8, NPAD), jnp.int32),
            jax.ShapeDtypeStruct((NBLK_J, MPAD, PB // 16), jnp.int32),
            jax.ShapeDtypeStruct((MPAD, 128), jnp.int32),
        ],
        scratch_shapes=[
            pltpu.VMEM((8, NPAD), jnp.float32),
            pltpu.VMEM((8, NPAD), jnp.int32),
            pltpu.VMEM((CB, 1), jnp.float32),
        ],
        interpret=interpret,
    )(ctr, pts)


def _kvproj_body(f_ref, w_ref, o_ref):
    o_ref[...] = jnp.dot(f_ref[...], w_ref[...],
                         preferred_element_type=jnp.float32)


def _kvproj(feats, wkv_t, *, interpret=False):
    rb = 1000
    return pl.pallas_call(
        _kvproj_body,
        grid=(N // rb,),
        in_specs=[
            pl.BlockSpec((rb, DIM), lambda i: (i, 0)),
            pl.BlockSpec((DIM, 2 * DIM), lambda i: (0, 0)),
        ],
        out_specs=pl.BlockSpec((rb, 2 * DIM), lambda i: (i, 0)),
        out_shape=jax.ShapeDtypeStruct((N, 2 * DIM), jnp.float32),
        interpret=interpret,
    )(feats, wkv_t)


QUOTA = MPAD // NTILES
GCW = NBLK_J * 32


def _compact_body(bm_hbm, gc_hbm, kv_hbm, feats_hbm, idxc_hbm,
                  nbrkv_hbm, cfeat_hbm,
                  bmslab, gcbuf, idxbuf, idxout0, idxout1, kvbuf, icvec,
                  cfbuf, nsm, semgc, semg, semw, semf):
    wid = lax.axis_index("s") * 2 + lax.axis_index("c")
    base = wid * QUOTA
    r0 = base >> 5
    rlast = (base + QUOTA - 1) >> 5
    zeros16 = jnp.zeros((16,), jnp.int32)
    iota16 = lax.iota(jnp.int32, 16)

    for rr in range(4):
        @pl.when(r0 + rr <= rlast)
        def _():
            pltpu.sync_copy(bm_hbm.at[r0 + rr],
                            bmslab.at[pl.ds(rr * NPAD, NPAD)])

    pltpu.sync_copy(idxc_hbm.at[pl.ds(base, QUOTA)], icvec)
    pltpu.async_copy(feats_hbm.at[icvec], cfbuf, semf).wait()
    pltpu.sync_copy(cfbuf, cfeat_hbm.at[pl.ds(base, QUOTA)])

    pltpu.async_copy(gc_hbm.at[base], gcbuf.at[pl.ds(0, GCW)], semgc)

    def do_center(c, slot):
        gc_s = gcbuf.at[pl.ds(slot * GCW, GCW)]
        gc_o = gcbuf.at[pl.ds((1 - slot) * GCW, GCW)]
        io_s = idxout0 if slot == 0 else idxout1
        io_o = idxout1 if slot == 0 else idxout0
        kv_s = kvbuf.at[slot]
        kv_o = kvbuf.at[1 - slot]

        @pl.when(c < M)
        def _():
            @pl.when(jnp.logical_and(c + 1 < M, c + 1 - base < QUOTA))
            def _():
                pltpu.async_copy(gc_hbm.at[c + 1], gc_o, semgc)

            pltpu.make_async_copy(gc_hbm.at[c], gc_s, semgc).wait()

            idxbuf[pl.ds(0, 16)] = zeros16
            idxbuf[pl.ds(16, 16)] = zeros16
            idxbuf[pl.ds(32, 16)] = zeros16
            nsm[0] = jnp.int32(0)
            rowoff = ((c >> 5) - r0) * NPAD
            cbit = c & 31

            def chunk_body(ch, _):
                n0 = nsm[0]

                @pl.when(n0 < MAX_K)
                def _():
                    g1 = gcbuf[pl.ds(slot * GCW + ch * 32, 16)]
                    g2 = gcbuf[pl.ds(slot * GCW + ch * 32 + 16, 16)]
                    n = n0
                    for k in range(32):
                        v = ch * 32 + k
                        gk = g1[k] if k < 16 else g2[k - 16]

                        @pl.when(gk > 0)
                        def _(n=n, v=v):
                            words = bmslab[pl.ds(rowoff + v * 16, 16)]
                            mvec = (jnp.right_shift(words, cbit) & 1) == 1
                            vals = iota16 + v * 16
                            off = jnp.minimum(n, MAX_K)
                            plsc.store_compressed(
                                idxbuf.at[pl.ds(off, 16)], vals, mask=mvec)

                        n = n + gk
                    nsm[0] = n
                return ()

            lax.fori_loop(0, NBLK_J, chunk_body, ())

            io_s[pl.ds(0, 16)] = idxbuf[pl.ds(0, 16)]
            io_s[pl.ds(16, 16)] = idxbuf[pl.ds(16, 16)]

            @pl.when(c - base >= 2)
            def _():
                pltpu.make_async_copy(kv_s, nbrkv_hbm.at[c - 2],
                                      semw).wait()

            @pl.when(c - base >= 1)
            def _():
                pltpu.make_async_copy(kv_hbm.at[io_o], kv_o, semg).wait()
                pltpu.async_copy(kv_o, nbrkv_hbm.at[c - 1], semw)

            pltpu.async_copy(kv_hbm.at[io_s], kv_s, semg)

    def center_body(t, _):
        c0 = base + 2 * t
        do_center(c0, 0)
        do_center(c0 + 1, 1)
        return ()

    lax.fori_loop(0, QUOTA // 2, center_body, ())

    nreal = jnp.minimum(M - base, QUOTA)
    cl = base + nreal - 1

    def drain(slot):
        kv_s = kvbuf.at[slot]
        kv_o = kvbuf.at[1 - slot]
        io_s = idxout0 if slot == 0 else idxout1
        pltpu.make_async_copy(kv_hbm.at[io_s], kv_s, semg).wait()
        pltpu.sync_copy(kv_s, nbrkv_hbm.at[cl])

        @pl.when(nreal >= 2)
        def _():
            pltpu.make_async_copy(kv_o, nbrkv_hbm.at[cl - 1], semw).wait()

    @pl.when((nreal - 1) % 2 == 0)
    def _():
        drain(0)

    @pl.when((nreal - 1) % 2 == 1)
    def _():
        drain(1)


def _compact_gather(bitmap, gcounts, kv_all, feats, idxc_pad):
    mesh = plsc.VectorSubcoreMesh(core_axis_name="c", subcore_axis_name="s")
    f = functools.partial(
        pl.kernel,
        mesh=mesh,
        compiler_params=pltpu.CompilerParams(needs_layout_passes=False),
        out_type=[
            jax.ShapeDtypeStruct((MPAD, MAX_K, 2 * DIM), jnp.float32),
            jax.ShapeDtypeStruct((MPAD, DIM), jnp.float32),
        ],
        scratch_types=[
            pltpu.VMEM((4 * NPAD,), jnp.int32),
            pltpu.VMEM((2 * GCW,), jnp.int32),
            pltpu.VMEM((48,), jnp.int32),
            pltpu.VMEM((MAX_K,), jnp.int32),
            pltpu.VMEM((MAX_K,), jnp.int32),
            pltpu.VMEM((2, MAX_K, 2 * DIM), jnp.float32),
            pltpu.VMEM((QUOTA,), jnp.int32),
            pltpu.VMEM((QUOTA, DIM), jnp.float32),
            pltpu.SMEM((1,), jnp.int32),
            pltpu.SemaphoreType.DMA,
            pltpu.SemaphoreType.DMA,
            pltpu.SemaphoreType.DMA,
            pltpu.SemaphoreType.DMA,
        ],
    )(_compact_body)
    return f(bitmap, gcounts, kv_all, feats, idxc_pad)


def _ln(x, g, b):
    mu = jnp.mean(x, axis=-1, keepdims=True)
    var = jnp.mean((x - mu) ** 2, axis=-1, keepdims=True)
    return (x - mu) / jnp.sqrt(var + 1e-5) * g + b


CB2 = 128


def _attn_body(cf_ref, kv_ref, cnt_ref, wq_ref, wo_ref, bo_ref,
               g_ref, b_ref, w1_ref, b1_ref, w2_ref, b2_ref, out_ref):
    scale = np.float32(DH ** -0.5)
    cf0 = cf_ref[...]
    q = jnp.dot(cf0, wq_ref[...], preferred_element_type=jnp.float32) * scale
    cnt = cnt_ref[:, 0:1]
    valid = lax.broadcasted_iota(jnp.int32, (CB2, MAX_K), 1) < cnt

    outs = []
    for h in range(NUM_HEADS):
        kh = kv_ref[:, :, h * DH:(h + 1) * DH]
        vh = kv_ref[:, :, DIM + h * DH:DIM + (h + 1) * DH]
        qh = q[:, None, h * DH:(h + 1) * DH]
        s = jnp.sum(qh * kh, axis=-1)
        s = jnp.where(valid, s, jnp.float32(-1e9))
        m = jnp.max(s, axis=-1, keepdims=True)
        e = jnp.exp(s - m)
        a = e / jnp.sum(e, axis=-1, keepdims=True)
        outs.append(jnp.sum(a[:, :, None] * vh, axis=1))
    att = jnp.concatenate(outs, axis=-1)

    upd = jnp.dot(att, wo_ref[...],
                  preferred_element_type=jnp.float32) + bo_ref[...]
    g = g_ref[...]
    b = b_ref[...]
    cf1 = cf0 + _ln(upd, g, b)
    h1 = jnp.maximum(
        jnp.dot(cf1, w1_ref[...], preferred_element_type=jnp.float32)
        + b1_ref[...], 0.0)
    f2 = jnp.dot(h1, w2_ref[...],
                 preferred_element_type=jnp.float32) + b2_ref[...]
    out_ref[...] = cf1 + _ln(f2, g, b)


def _attn_ffn(cfeat, nbr_kv, cnt_b, wq_t, wo_t, bout, ln_g, ln_b,
              w1_t, b1, w2_t, b2, *, interpret=False):
    return pl.pallas_call(
        _attn_body,
        grid=(MPAD // CB2,),
        in_specs=[
            pl.BlockSpec((CB2, DIM), lambda i: (i, 0)),
            pl.BlockSpec((CB2, MAX_K, 2 * DIM), lambda i: (i, 0, 0)),
            pl.BlockSpec((CB2, 128), lambda i: (i, 0)),
            pl.BlockSpec((DIM, DIM), lambda i: (0, 0)),
            pl.BlockSpec((DIM, DIM), lambda i: (0, 0)),
            pl.BlockSpec((1, DIM), lambda i: (0, 0)),
            pl.BlockSpec((1, DIM), lambda i: (0, 0)),
            pl.BlockSpec((1, DIM), lambda i: (0, 0)),
            pl.BlockSpec((DIM, 4 * DIM), lambda i: (0, 0)),
            pl.BlockSpec((1, 4 * DIM), lambda i: (0, 0)),
            pl.BlockSpec((4 * DIM, DIM), lambda i: (0, 0)),
            pl.BlockSpec((1, DIM), lambda i: (0, 0)),
        ],
        out_specs=pl.BlockSpec((CB2, DIM), lambda i: (i, 0)),
        out_shape=jax.ShapeDtypeStruct((MPAD, DIM), jnp.float32),
        interpret=interpret,
    )(cfeat, nbr_kv, cnt_b, wq_t, wo_t, bout, ln_g, ln_b, w1_t, b1, w2_t, b2)


def _ups_body(cf_hbm, feats_hbm, near_hbm, out_hbm,
              idxv, cbuf, fbuf, obuf, sem):
    wid = lax.axis_index("s") * 2 + lax.axis_index("c")
    base = wid * EROWS

    def chunk_body(t, _):
        start = base + t * 32
        pltpu.sync_copy(near_hbm.at[pl.ds(start, 32)], idxv)
        cp = pltpu.async_copy(cf_hbm.at[idxv], cbuf, sem)
        pltpu.sync_copy(feats_hbm.at[pl.ds(start, 32)], fbuf)
        cp.wait()

        def row_body(i, _):
            def lane_body(kk, _):
                sl = pl.ds(kk * 16, 16)
                obuf[i, sl] = fbuf[i, sl] + cbuf[i, sl]
                return ()
            lax.fori_loop(0, DIM // 16, lane_body, ())
            return ()

        lax.fori_loop(0, 32, row_body, ())
        pltpu.sync_copy(obuf, out_hbm.at[pl.ds(start, 32)])
        return ()

    lax.fori_loop(0, EROWS // 32, chunk_body, ())


def _upsample(cf, feats_pad, nearest):
    mesh = plsc.VectorSubcoreMesh(core_axis_name="c", subcore_axis_name="s")
    f = functools.partial(
        pl.kernel,
        mesh=mesh,
        compiler_params=pltpu.CompilerParams(needs_layout_passes=False),
        out_type=jax.ShapeDtypeStruct((NPAD, DIM), jnp.float32),
        scratch_types=[
            pltpu.VMEM((32,), jnp.int32),
            pltpu.VMEM((32, DIM), jnp.float32),
            pltpu.VMEM((32, DIM), jnp.float32),
            pltpu.VMEM((32, DIM), jnp.float32),
            pltpu.SemaphoreType.DMA,
        ],
    )(_ups_body)
    return f(cf, feats_pad, nearest)


def kernel(xyz, feats, Wqkv, Wout, bout, ln_g, ln_b, W1, b1, W2, b2):
    idxc = _center_indices()
    idxc_pad = jnp.zeros((MPAD,), jnp.int32).at[:M].set(idxc)

    center_xyz = xyz[idxc]
    ctr = jnp.full((MPAD, 8), _BIG_COORD, jnp.float32)
    ctr = ctr.at[:M, 0:3].set(center_xyz)
    pts = jnp.full((8, NPAD), _BIG_COORD, jnp.float32)
    pts = pts.at[0:3, :N].set(xyz.T)

    bitmap, near8, gcounts, cnt_b = _geom(ctr, pts)

    wkv_t = Wqkv[DIM:, :].T
    kv_all = _kvproj(feats, wkv_t)

    gc_c = jnp.transpose(gcounts, (1, 0, 2)).reshape(MPAD, GCW)
    nbr_kv, cfeat = _compact_gather(bitmap, gc_c, kv_all, feats, idxc_pad)

    cf = _attn_ffn(
        cfeat, nbr_kv, cnt_b,
        Wqkv[:DIM, :].T, Wout.T, bout[None, :], ln_g[None, :], ln_b[None, :],
        W1.T, b1[None, :], W2.T, b2[None, :],
    )

    feats_pad = jnp.zeros((NPAD, DIM), jnp.float32).at[:N, :].set(feats)
    out_pad = _upsample(cf, feats_pad, near8[0, :])
    return out_pad[:N, :]

# --- scband reference (transcript-rebuilt; emitter-appended) ---
"""Pipeline reference for scband-tiny-samodule-39496519254440 (READ-ONLY COPY).

The authoritative reference and input builder live on the scoring server;
editing this copy changes nothing except your own understanding.
"""

import jax, jax.numpy as jnp
import numpy as np

DIM = 256
NUM_HEADS = 8
RADIUS = 0.3
MAX_K = 32
SAMPLE_RATIO = 0.25
N = 10000

def setup_inputs(seed: int = 0) -> dict:
    key = jax.random.key(seed)
    ks = jax.random.split(key, 12)
    xyz = jax.random.normal(ks[0], (N, 3), dtype=jnp.float32)
    feats = jax.random.normal(ks[1], (N, DIM), dtype=jnp.float32)
    s = 1.0 / np.sqrt(DIM)
    Wqkv = jax.random.uniform(ks[2], (3 * DIM, DIM), minval=-s, maxval=s, dtype=jnp.float32)
    Wout = jax.random.uniform(ks[3], (DIM, DIM), minval=-s, maxval=s, dtype=jnp.float32)
    bout = jax.random.uniform(ks[4], (DIM,), minval=-s, maxval=s, dtype=jnp.float32)
    ln_g = jnp.ones((DIM,), dtype=jnp.float32)
    ln_b = jnp.zeros((DIM,), dtype=jnp.float32)
    W1 = jax.random.uniform(ks[5], (4 * DIM, DIM), minval=-s, maxval=s, dtype=jnp.float32)
    b1 = jax.random.uniform(ks[6], (4 * DIM,), minval=-s, maxval=s, dtype=jnp.float32)
    s2 = 1.0 / np.sqrt(4 * DIM)
    W2 = jax.random.uniform(ks[7], (DIM, 4 * DIM), minval=-s2, maxval=s2, dtype=jnp.float32)
    b2 = jax.random.uniform(ks[8], (DIM,), minval=-s2, maxval=s2, dtype=jnp.float32)
    return {"xyz": xyz, "feats": feats, "Wqkv": Wqkv, "Wout": Wout, "bout": bout,
            "ln_g": ln_g, "ln_b": ln_b, "W1": W1, "b1": b1, "W2": W2, "b2": b2}

def _layernorm(x, g, b, eps=1e-5):
    mu = jnp.mean(x, axis=-1, keepdims=True)
    var = jnp.mean((x - mu) ** 2, axis=-1, keepdims=True)
    return (x - mu) / jnp.sqrt(var + eps) * g + b

def reference(xyz, feats, Wqkv, Wout, bout, ln_g, ln_b, W1, b1, W2, b2):
    n = xyz.shape[0]
    M = max(1, int(n * SAMPLE_RATIO))
    perm = jax.random.permutation(jax.random.key(1234), n)
    idx_center = perm[:M]
    center_xyz = xyz[idx_center]
    center_feat = feats[idx_center]
    d2 = jnp.sum((center_xyz[:, None, :] - xyz[None, :, :]) ** 2, axis=-1)
    dist = jnp.sqrt(jnp.maximum(d2, 0.0))
    nbr_mask = dist < RADIUS
    nbr_mask = nbr_mask.at[jnp.arange(M), idx_center].set(True)
    # torch.nonzero returns ascending indices; take first MAX_K -> top_k on negated index
    score = jnp.where(nbr_mask, -jnp.arange(n, dtype=jnp.float32), -1e9)
    topv, _ = jax.lax.top_k(score, MAX_K)
    valid = topv > -1e8
    nbr_idx = jnp.where(valid, (-topv).astype(jnp.int32), 0)
    dh = DIM // NUM_HEADS
    scale = dh ** (-0.5)
    qkv_c = center_feat @ Wqkv.T
    q = qkv_c[:, :DIM].reshape(M, NUM_HEADS, 1, dh)
    nbr_f = feats[nbr_idx]  # (M, K, DIM) gather
    qkv_n = nbr_f @ Wqkv.T
    k = qkv_n[:, :, DIM:2 * DIM].reshape(M, MAX_K, NUM_HEADS, dh).transpose(0, 2, 1, 3)
    v = qkv_n[:, :, 2 * DIM:].reshape(M, MAX_K, NUM_HEADS, dh).transpose(0, 2, 1, 3)
    attn = (q * scale) @ jnp.swapaxes(k, -2, -1)  # (M, H, 1, K)
    attn = jnp.where(valid[:, None, None, :], attn, -1e9)
    attn = jax.nn.softmax(attn, axis=-1)
    out = (attn @ v).transpose(0, 2, 1, 3).reshape(M, DIM)
    updated = out @ Wout.T + bout
    cf = center_feat + _layernorm(updated, ln_g, ln_b)
    ffn = jax.nn.relu(cf @ W1.T + b1) @ W2.T + b2
    cf = cf + _layernorm(ffn, ln_g, ln_b)
    nearest = jnp.argmin(dist, axis=0)
    return feats + cf[nearest]

if __name__ == "__main__":
    import jax
    _d = setup_inputs()
    print(jax.jit(kernel)(*tuple(_d.values())))

</pallas_src>

<mosaic_0001>
#map = affine_map<(d0, d1) -> (0, 0)>
#map1 = affine_map<(d0, d1) -> (0)>
#map2 = affine_map<(d0, d1) -> (0, 0, 0)>
module attributes {stable_mosaic.version = 14 : i64} {
  func.func @_compact_body(%arg0: i32, %arg1: i32, %arg2: memref<80x10240xi32, #tpu.memory_space<hbm>>, %arg3: memref<2560x640xi32, #tpu.memory_space<hbm>>, %arg4: memref<10000x512xf32, #tpu.memory_space<hbm>>, %arg5: memref<10000x256xf32, #tpu.memory_space<hbm>>, %arg6: memref<2560xi32, #tpu.memory_space<hbm>>, %arg7: memref<2560x32x512xf32, #tpu.memory_space<hbm>>, %arg8: memref<2560x256xf32, #tpu.memory_space<hbm>>, %arg9: memref<40960xi32, #tpu.memory_space<vmem>>, %arg10: memref<1280xi32, #tpu.memory_space<vmem>>, %arg11: memref<48xi32, #tpu.memory_space<vmem>>, %arg12: memref<32xi32, #tpu.memory_space<vmem>>, %arg13: memref<32xi32, #tpu.memory_space<vmem>>, %arg14: memref<2x32x512xf32, #tpu.memory_space<vmem>>, %arg15: memref<80xi32, #tpu.memory_space<vmem>>, %arg16: memref<80x256xf32, #tpu.memory_space<vmem>>, %arg17: memref<1xi32, #tpu.memory_space<smem>>, %arg18: memref<!tpu.dma_semaphore, #tpu.memory_space<semaphore_mem>>, %arg19: memref<!tpu.dma_semaphore, #tpu.memory_space<semaphore_mem>>, %arg20: memref<!tpu.dma_semaphore, #tpu.memory_space<semaphore_mem>>, %arg21: memref<!tpu.dma_semaphore, #tpu.memory_space<semaphore_mem>>) attributes {dimension_semantics = [#tpu.dimension_semantics<core_parallel>, #tpu.dimension_semantics<subcore_parallel>], iteration_bounds = array<i64: 2, 16>, scalar_prefetch = 0 : i64, scratch_operands = 13 : i64, tpu.core_type = #tpu.core_type<sc_vector_subcore>, window_params = [{transform_indices = #map}, {transform_indices = #map}, {transform_indices = #map}, {transform_indices = #map}, {transform_indices = #map1}, {transform_indices = #map2}, {transform_indices = #map}]} {
    %mul3A = arith.constant 2 : i32
    %mul3A_0 = arith.muli %arg1, %mul3A : i32
    %add3A = arith.addi %mul3A_0, %arg0 : i32
    %mul3A_1 = arith.constant 80 : i32
    %mul3A_2 = arith.muli %add3A, %mul3A_1 : i32
    %shift_right_arithmetic3A = arith.constant 5 : i32
    %shift_right_arithmetic3A_3 = arith.shrsi %mul3A_2, %shift_right_arithmetic3A : i32
    %add3A_4 = arith.constant 80 : i32
    %add3A_5 = arith.addi %mul3A_2, %add3A_4 : i32
    %sub3A = arith.constant 1 : i32
    %sub3A_6 = arith.subi %add3A_5, %sub3A : i32
    %shift_right_arithmetic3A_7 = arith.constant 5 : i32
    %shift_right_arithmetic3A_8 = arith.shrsi %sub3A_6, %shift_right_arithmetic3A_7 : i32
    %broadcast_in_dim3A = arith.constant 0 : i32
    %broadcast_in_dim3A_9 = vector.broadcast %broadcast_in_dim3A : i32 to vector<16xi32>
    %iota3A = tpu.iota {dimensions = array<i32: 0>} : vector<16xi32>
    %add3A_10 = arith.constant 0 : i32
    %add3A_11 = arith.addi %shift_right_arithmetic3A_3, %add3A_10 : i32
    %le3A = arith.cmpi sle, %add3A_11, %shift_right_arithmetic3A_8 : i32
    %convert_element_type3A = arith.extui %le3A : i1 to i32
    %cond3A = arith.constant 0 : i32
    %cond3A_12 = arith.cmpi ne, %convert_element_type3A, %cond3A : i32
    scf.if %cond3A_12 {
      %add3A_94 = arith.constant 0 : i32
      %add3A_95 = arith.addi %shift_right_arithmetic3A_3, %add3A_94 : i32
      "tpu.region"() ({
        %run_scoped3A = tpu.sem_alloc : memref<!tpu.dma_semaphore, #tpu.memory_space<semaphore_mem>>
        %dma_start3A_96 = arith.constant 0 : i32
        %dma_start3A_97 = tpu.memref_slice %arg9[%dma_start3A_96] : memref<40960xi32, #tpu.memory_space<vmem>> -> memref<10240xi32, #tpu.memory_space<vmem>>
        %dma_start3A_98 = arith.constant 0 : i32
        %dma_start3A_99 = tpu.memref_slice %arg2[%add3A_95, %dma_start3A_98] : memref<80x10240xi32, #tpu.memory_space<hbm>> -> memref<1x10240xi32, #tpu.memory_space<hbm>>
        %dma_start3A_100 = tpu.memref_squeeze %dma_start3A_99 : memref<1x10240xi32, #tpu.memory_space<hbm>> -> memref<10240xi32, #tpu.memory_space<hbm>>
        %dma_start3A_101 = arith.constant 0 : i32
        %dma_start3A_102 = tpu.memref_slice %arg9[%dma_start3A_101] : memref<40960xi32, #tpu.memory_space<vmem>> -> memref<10240xi32, #tpu.memory_space<vmem>>
        %dma_start3A_103 = arith.constant 0 : i32
        %dma_start3A_104 = tpu.memref_slice %arg2[%add3A_95, %dma_start3A_103] : memref<80x10240xi32, #tpu.memory_space<hbm>> -> memref<1x10240xi32, #tpu.memory_space<hbm>>
        %dma_start3A_105 = tpu.memref_squeeze %dma_start3A_104 : memref<1x10240xi32, #tpu.memory_space<hbm>> -> memref<10240xi32, #tpu.memory_space<hbm>>
        tpu.enqueue_dma source(%dma_start3A_105 : memref<10240xi32, #tpu.memory_space<hbm>>) target(%dma_start3A_102 : memref<10240xi32, #tpu.memory_space<vmem>>) target_semaphore(%run_scoped3A : memref<!tpu.dma_semaphore, #tpu.memory_space<semaphore_mem>>)
        %dma_wait3A_106 = arith.constant 0 : i32
        %dma_wait3A_107 = tpu.memref_slice %arg9[%dma_wait3A_106] : memref<40960xi32, #tpu.memory_space<vmem>> -> memref<10240xi32, #tpu.memory_space<vmem>>
        %dma_wait3A_108 = arith.constant 0 : i32
        %dma_wait3A_109 = tpu.memref_slice %arg2[%add3A_95, %dma_wait3A_108] : memref<80x10240xi32, #tpu.memory_space<hbm>> -> memref<1x10240xi32, #tpu.memory_space<hbm>>
        %dma_wait3A_110 = tpu.memref_squeeze %dma_wait3A_109 : memref<1x10240xi32, #tpu.memory_space<hbm>> -> memref<10240xi32, #tpu.memory_space<hbm>>
        %dma_wait3A_111 = arith.constant 0 : i32
        %dma_wait3A_112 = tpu.memref_slice %arg9[%dma_wait3A_111] : memref<40960xi32, #tpu.memory_space<vmem>> -> memref<10240xi32, #tpu.memory_space<vmem>>
        %dma_wait3A_113 = arith.constant 0 : i32
        %dma_wait3A_114 = tpu.memref_slice %arg2[%add3A_95, %dma_wait3A_113] : memref<80x10240xi32, #tpu.memory_space<hbm>> -> memref<1x10240xi32, #tpu.memory_space<hbm>>
        %dma_wait3A_115 = tpu.memref_squeeze %dma_wait3A_114 : memref<1x10240xi32, #tpu.memory_space<hbm>> -> memref<10240xi32, #tpu.memory_space<hbm>>
        tpu.wait_dma2 semaphore(%run_scoped3A : memref<!tpu.dma_semaphore, #tpu.memory_space<semaphore_mem>>) src(%dma_wait3A_115 : memref<10240xi32, #tpu.memory_space<hbm>>) dst(%dma_wait3A_112 : memref<10240xi32, #tpu.memory_space<vmem>>)
        tpu.yield
      }) : () -> ()
    } else {
    }
    %add3A_13 = arith.constant 1 : i32
    %add3A_14 = arith.addi %shift_right_arithmetic3A_3, %add3A_13 : i32
    %le3A_15 = arith.cmpi sle, %add3A_14, %shift_right_arithmetic3A_8 : i32
    %convert_element_type3A_16 = arith.extui %le3A_15 : i1 to i32
    %cond3A_17 = arith.constant 0 : i32
    %cond3A_18 = arith.cmpi ne, %convert_element_type3A_16, %cond3A_17 : i32
    scf.if %cond3A_18 {
      %add3A_94 = arith.constant 1 : i32
      %add3A_95 = arith.addi %shift_right_arithmetic3A_3, %add3A_94 : i32
      "tpu.region"() ({
        %run_scoped3A = tpu.sem_alloc : memref<!tpu.dma_semaphore, #tpu.memory_space<semaphore_mem>>
        %dma_start3A_96 = arith.constant 10240 : i32
        %dma_start3A_97 = tpu.memref_slice %arg9[%dma_start3A_96] : memref<40960xi32, #tpu.memory_space<vmem>> -> memref<10240xi32, #tpu.memory_space<vmem>>
        %dma_start3A_98 = arith.constant 0 : i32
        %dma_start3A_99 = tpu.memref_slice %arg2[%add3A_95, %dma_start3A_98] : memref<80x10240xi32, #tpu.memory_space<hbm>> -> memref<1x10240xi32, #tpu.memory_space<hbm>>
        %dma_start3A_100 = tpu.memref_squeeze %dma_start3A_99 : memref<1x10240xi32, #tpu.memory_space<hbm>> -> memref<10240xi32, #tpu.memory_space<hbm>>
        %dma_start3A_101 = arith.constant 10240 : i32
        %dma_start3A_102 = tpu.memref_slice %arg9[%dma_start3A_101] : memref<40960xi32, #tpu.memory_space<vmem>> -> memref<10240xi32, #tpu.memory_space<vmem>>
        %dma_start3A_103 = arith.constant 0 : i32
        %dma_start3A_104 = tpu.memref_slice %arg2[%add3A_95, %dma_start3A_103] : memref<80x10240xi32, #tpu.memory_space<hbm>> -> memref<1x10240xi32, #tpu.memory_space<hbm>>
        %dma_start3A_105 = tpu.memref_squeeze %dma_start3A_104 : memref<1x10240xi32, #tpu.memory_space<hbm>> -> memref<10240xi32, #tpu.memory_space<hbm>>
        tpu.enqueue_dma source(%dma_start3A_105 : memref<10240xi32, #tpu.memory_space<hbm>>) target(%dma_start3A_102 : memref<10240xi32, #tpu.memory_space<vmem>>) target_semaphore(%run_scoped3A : memref<!tpu.dma_semaphore, #tpu.memory_space<semaphore_mem>>)
        %dma_wait3A_106 = arith.constant 10240 : i32
        %dma_wait3A_107 = tpu.memref_slice %arg9[%dma_wait3A_106] : memref<40960xi32, #tpu.memory_space<vmem>> -> memref<10240xi32, #tpu.memory_space<vmem>>
        %dma_wait3A_108 = arith.constant 0 : i32
        %dma_wait3A_109 = tpu.memref_slice %arg2[%add3A_95, %dma_wait3A_108] : memref<80x10240xi32, #tpu.memory_space<hbm>> -> memref<1x10240xi32, #tpu.memory_space<hbm>>
        %dma_wait3A_110 = tpu.memref_squeeze %dma_wait3A_109 : memref<1x10240xi32, #tpu.memory_space<hbm>> -> memref<10240xi32, #tpu.memory_space<hbm>>
        %dma_wait3A_111 = arith.constant 10240 : i32
        %dma_wait3A_112 = tpu.memref_slice %arg9[%dma_wait3A_111] : memref<40960xi32, #tpu.memory_space<vmem>> -> memref<10240xi32, #tpu.memory_space<vmem>>
        %dma_wait3A_113 = arith.constant 0 : i32
        %dma_wait3A_114 = tpu.memref_slice %arg2[%add3A_95, %dma_wait3A_113] : memref<80x10240xi32, #tpu.memory_space<hbm>> -> memref<1x10240xi32, #tpu.memory_space<hbm>>
        %dma_wait3A_115 = tpu.memref_squeeze %dma_wait3A_114 : memref<1x10240xi32, #tpu.memory_space<hbm>> -> memref<10240xi32, #tpu.memory_space<hbm>>
        tpu.wait_dma2 semaphore(%run_scoped3A : memref<!tpu.dma_semaphore, #tpu.memory_space<semaphore_mem>>) src(%dma_wait3A_115 : memref<10240xi32, #tpu.memory_space<hbm>>) dst(%dma_wait3A_112 : memref<10240xi32, #tpu.memory_space<vmem>>)
        tpu.yield
      }) : () -> ()
    } else {
    }
    %add3A_19 = arith.constant 2 : i32
    %add3A_20 = arith.addi %shift_right_arithmetic3A_3, %add3A_19 : i32
    %le3A_21 = arith.cmpi sle, %add3A_20, %shift_right_arithmetic3A_8 : i32
    %convert_element_type3A_22 = arith.extui %le3A_21 : i1 to i32
    %cond3A_23 = arith.constant 0 : i32
    %cond3A_24 = arith.cmpi ne, %convert_element_type3A_22, %cond3A_23 : i32
    scf.if %cond3A_24 {
      %add3A_94 = arith.constant 2 : i32
      %add3A_95 = arith.addi %shift_right_arithmetic3A_3, %add3A_94 : i32
      "tpu.region"() ({
        %run_scoped3A = tpu.sem_alloc : memref<!tpu.dma_semaphore, #tpu.memory_space<semaphore_mem>>
        %dma_start3A_96 = arith.constant 20480 : i32
        %dma_start3A_97 = tpu.memref_slice %arg9[%dma_start3A_96] : memref<40960xi32, #tpu.memory_space<vmem>> -> memref<10240xi32, #tpu.memory_space<vmem>>
        %dma_start3A_98 = arith.constant 0 : i32
        %dma_start3A_99 = tpu.memref_slice %arg2[%add3A_95, %dma_start3A_98] : memref<80x10240xi32, #tpu.memory_space<hbm>> -> memref<1x10240xi32, #tpu.memory_space<hbm>>
        %dma_start3A_100 = tpu.memref_squeeze %dma_start3A_99 : memref<1x10240xi32, #tpu.memory_space<hbm>> -> memref<10240xi32, #tpu.memory_space<hbm>>
        %dma_start3A_101 = arith.constant 20480 : i32
        %dma_start3A_102 = tpu.memref_slice %arg9[%dma_start3A_101] : memref<40960xi32, #tpu.memory_space<vmem>> -> memref<10240xi32, #tpu.memory_space<vmem>>
        %dma_start3A_103 = arith.constant 0 : i32
        %dma_start3A_104 = tpu.memref_slice %arg2[%add3A_95, %dma_start3A_103] : memref<80x10240xi32, #tpu.memory_space<hbm>> -> memref<1x10240xi32, #tpu.memory_space<hbm>>
        %dma_start3A_105 = tpu.memref_squeeze %dma_start3A_104 : memref<1x10240xi32, #tpu.memory_space<hbm>> -> memref<10240xi32, #tpu.memory_space<hbm>>
        tpu.enqueue_dma source(%dma_start3A_105 : memref<10240xi32, #tpu.memory_space<hbm>>) target(%dma_start3A_102 : memref<10240xi32, #tpu.memory_space<vmem>>) target_semaphore(%run_scoped3A : memref<!tpu.dma_semaphore, #tpu.memory_space<semaphore_mem>>)
        %dma_wait3A_106 = arith.constant 20480 : i32
        %dma_wait3A_107 = tpu.memref_slice %arg9[%dma_wait3A_106] : memref<40960xi32, #tpu.memory_space<vmem>> -> memref<10240xi32, #tpu.memory_space<vmem>>
        %dma_wait3A_108 = arith.constant 0 : i32
        %dma_wait3A_109 = tpu.memref_slice %arg2[%add3A_95, %dma_wait3A_108] : memref<80x10240xi32, #tpu.memory_space<hbm>> -> memref<1x10240xi32, #tpu.memory_space<hbm>>
        %dma_wait3A_110 = tpu.memref_squeeze %dma_wait3A_109 : memref<1x10240xi32, #tpu.memory_space<hbm>> -> memref<10240xi32, #tpu.memory_space<hbm>>
        %dma_wait3A_111 = arith.constant 20480 : i32
        %dma_wait3A_112 = tpu.memref_slice %arg9[%dma_wait3A_111] : memref<40960xi32, #tpu.memory_space<vmem>> -> memref<10240xi32, #tpu.memory_space<vmem>>
        %dma_wait3A_113 = arith.constant 0 : i32
        %dma_wait3A_114 = tpu.memref_slice %arg2[%add3A_95, %dma_wait3A_113] : memref<80x10240xi32, #tpu.memory_space<hbm>> -> memref<1x10240xi32, #tpu.memory_space<hbm>>
        %dma_wait3A_115 = tpu.memref_squeeze %dma_wait3A_114 : memref<1x10240xi32, #tpu.memory_space<hbm>> -> memref<10240xi32, #tpu.memory_space<hbm>>
        tpu.wait_dma2 semaphore(%run_scoped3A : memref<!tpu.dma_semaphore, #tpu.memory_space<semaphore_mem>>) src(%dma_wait3A_115 : memref<10240xi32, #tpu.memory_space<hbm>>) dst(%dma_wait3A_112 : memref<10240xi32, #tpu.memory_space<vmem>>)
        tpu.yield
      }) : () -> ()
    } else {
    }
    %add3A_25 = arith.constant 3 : i32
    %add3A_26 = arith.addi %shift_right_arithmetic3A_3, %add3A_25 : i32
    %le3A_27 = arith.cmpi sle, %add3A_26, %shift_right_arithmetic3A_8 : i32
    %convert_element_type3A_28 = arith.extui %le3A_27 : i1 to i32
    %cond3A_29 = arith.constant 0 : i32
    %cond3A_30 = arith.cmpi ne, %convert_element_type3A_28, %cond3A_29 : i32
    scf.if %cond3A_30 {
      %add3A_94 = arith.constant 3 : i32
      %add3A_95 = arith.addi %shift_right_arithmetic3A_3, %add3A_94 : i32
      "tpu.region"() ({
        %run_scoped3A = tpu.sem_alloc : memref<!tpu.dma_semaphore, #tpu.memory_space<semaphore_mem>>
        %dma_start3A_96 = arith.constant 30720 : i32
        %dma_start3A_97 = tpu.memref_slice %arg9[%dma_start3A_96] : memref<40960xi32, #tpu.memory_space<vmem>> -> memref<10240xi32, #tpu.memory_space<vmem>>
        %dma_start3A_98 = arith.constant 0 : i32
        %dma_start3A_99 = tpu.memref_slice %arg2[%add3A_95, %dma_start3A_98] : memref<80x10240xi32, #tpu.memory_space<hbm>> -> memref<1x10240xi32, #tpu.memory_space<hbm>>
        %dma_start3A_100 = tpu.memref_squeeze %dma_start3A_99 : memref<1x10240xi32, #tpu.memory_space<hbm>> -> memref<10240xi32, #tpu.memory_space<hbm>>
        %dma_start3A_101 = arith.constant 30720 : i32
        %dma_start3A_102 = tpu.memref_slice %arg9[%dma_start3A_101] : memref<40960xi32, #tpu.memory_space<vmem>> -> memref<10240xi32, #tpu.memory_space<vmem>>
        %dma_start3A_103 = arith.constant 0 : i32
        %dma_start3A_104 = tpu.memref_slice %arg2[%add3A_95, %dma_start3A_103] : memref<80x10240xi32, #tpu.memory_space<hbm>> -> memref<1x10240xi32, #tpu.memory_space<hbm>>
        %dma_start3A_105 = tpu.memref_squeeze %dma_start3A_104 : memref<1x10240xi32, #tpu.memory_space<hbm>> -> memref<10240xi32, #tpu.memory_space<hbm>>
        tpu.enqueue_dma source(%dma_start3A_105 : memref<10240xi32, #tpu.memory_space<hbm>>) target(%dma_start3A_102 : memref<10240xi32, #tpu.memory_space<vmem>>) target_semaphore(%run_scoped3A : memref<!tpu.dma_semaphore, #tpu.memory_space<semaphore_mem>>)
        %dma_wait3A_106 = arith.constant 30720 : i32
        %dma_wait3A_107 = tpu.memref_slice %arg9[%dma_wait3A_106] : memref<40960xi32, #tpu.memory_space<vmem>> -> memref<10240xi32, #tpu.memory_space<vmem>>
        %dma_wait3A_108 = arith.constant 0 : i32
        %dma_wait3A_109 = tpu.memref_slice %arg2[%add3A_95, %dma_wait3A_108] : memref<80x10240xi32, #tpu.memory_space<hbm>> -> memref<1x10240xi32, #tpu.memory_space<hbm>>
        %dma_wait3A_110 = tpu.memref_squeeze %dma_wait3A_109 : memref<1x10240xi32, #tpu.memory_space<hbm>> -> memref<10240xi32, #tpu.memory_space<hbm>>
        %dma_wait3A_111 = arith.constant 30720 : i32
        %dma_wait3A_112 = tpu.memref_slice %arg9[%dma_wait3A_111] : memref<40960xi32, #tpu.memory_space<vmem>> -> memref<10240xi32, #tpu.memory_space<vmem>>
        %dma_wait3A_113 = arith.constant 0 : i32
        %dma_wait3A_114 = tpu.memref_slice %arg2[%add3A_95, %dma_wait3A_113] : memref<80x10240xi32, #tpu.memory_space<hbm>> -> memref<1x10240xi32, #tpu.memory_space<hbm>>
        %dma_wait3A_115 = tpu.memref_squeeze %dma_wait3A_114 : memref<1x10240xi32, #tpu.memory_space<hbm>> -> memref<10240xi32, #tpu.memory_space<hbm>>
        tpu.wait_dma2 semaphore(%run_scoped3A : memref<!tpu.dma_semaphore, #tpu.memory_space<semaphore_mem>>) src(%dma_wait3A_115 : memref<10240xi32, #tpu.memory_space<hbm>>) dst(%dma_wait3A_112 : memref<10240xi32, #tpu.memory_space<vmem>>)
        tpu.yield
      }) : () -> ()
    } else {
    }
    "tpu.region"() ({
      %run_scoped3A = tpu.sem_alloc : memref<!tpu.dma_semaphore, #tpu.memory_space<semaphore_mem>>
      %dma_start3A_94 = tpu.memref_slice %arg6[%mul3A_2] : memref<2560xi32, #tpu.memory_space<hbm>> -> memref<80xi32, #tpu.memory_space<hbm>>
      %dma_start3A_95 = tpu.memref_slice %arg6[%mul3A_2] : memref<2560xi32, #tpu.memory_space<hbm>> -> memref<80xi32, #tpu.memory_space<hbm>>
      tpu.enqueue_dma source(%dma_start3A_95 : memref<80xi32, #tpu.memory_space<hbm>>) target(%arg15 : memref<80xi32, #tpu.memory_space<vmem>>) target_semaphore(%run_scoped3A : memref<!tpu.dma_semaphore, #tpu.memory_space<semaphore_mem>>)
      %dma_wait3A_96 = tpu.memref_slice %arg6[%mul3A_2] : memref<2560xi32, #tpu.memory_space<hbm>> -> memref<80xi32, #tpu.memory_space<hbm>>
      %dma_wait3A_97 = tpu.memref_slice %arg6[%mul3A_2] : memref<2560xi32, #tpu.memory_space<hbm>> -> memref<80xi32, #tpu.memory_space<hbm>>
      tpu.wait_dma2 semaphore(%run_scoped3A : memref<!tpu.dma_semaphore, #tpu.memory_space<semaphore_mem>>) src(%dma_wait3A_97 : memref<80xi32, #tpu.memory_space<hbm>>) dst(%arg15 : memref<80xi32, #tpu.memory_space<vmem>>)
      tpu.yield
    }) : () -> ()
    %dma_start3A = arith.constant 0 : i32
    %dma_start3A_31 = arith.constant 0 : i32
    %dma_start3A_32 = tpu.memref_slice %arg5[%dma_start3A, %dma_start3A_31] : memref<10000x256xf32, #tpu.memory_space<hbm>> -> memref<10000x256xf32, #tpu.memory_space<hbm>>
    tpu.enqueue_indirect_dma source(%dma_start3A_32 : memref<10000x256xf32, #tpu.memory_space<hbm>>) target(%arg16 : memref<80x256xf32, #tpu.memory_space<vmem>>) offsets(%arg15 : memref<80xi32, #tpu.memory_space<vmem>>) semaphore(%arg21 : memref<!tpu.dma_semaphore, #tpu.memory_space<semaphore_mem>>)
    %dma_wait3A = arith.constant 0 : i32
    %dma_wait3A_33 = arith.constant 0 : i32
    %dma_wait3A_34 = tpu.memref_slice %arg5[%dma_wait3A, %dma_wait3A_33] : memref<10000x256xf32, #tpu.memory_space<hbm>> -> memref<10000x256xf32, #tpu.memory_space<hbm>>
    tpu.wait_indirect_dma semaphore(%arg21 : memref<!tpu.dma_semaphore, #tpu.memory_space<semaphore_mem>>) src(%dma_wait3A_34 : memref<10000x256xf32, #tpu.memory_space<hbm>>) dst(%arg16 : memref<80x256xf32, #tpu.memory_space<vmem>>)
    "tpu.region"() ({
      %run_scoped3A = tpu.sem_alloc : memref<!tpu.dma_semaphore, #tpu.memory_space<semaphore_mem>>
      %dma_start3A_94 = arith.constant 0 : i32
      %dma_start3A_95 = tpu.memref_slice %arg8[%mul3A_2, %dma_start3A_94] : memref<2560x256xf32, #tpu.memory_space<hbm>> -> memref<80x256xf32, #tpu.memory_space<hbm>>
      %dma_start3A_96 = arith.constant 0 : i32
      %dma_start3A_97 = tpu.memref_slice %arg8[%mul3A_2, %dma_start3A_96] : memref<2560x256xf32, #tpu.memory_space<hbm>> -> memref<80x256xf32, #tpu.memory_space<hbm>>
      tpu.enqueue_dma source(%arg16 : memref<80x256xf32, #tpu.memory_space<vmem>>) target(%dma_start3A_97 : memref<80x256xf32, #tpu.memory_space<hbm>>) target_semaphore(%run_scoped3A : memref<!tpu.dma_semaphore, #tpu.memory_space<semaphore_mem>>)
      %dma_wait3A_98 = arith.constant 0 : i32
      %dma_wait3A_99 = tpu.memref_slice %arg8[%mul3A_2, %dma_wait3A_98] : memref<2560x256xf32, #tpu.memory_space<hbm>> -> memref<80x256xf32, #tpu.memory_space<hbm>>
      %dma_wait3A_100 = arith.constant 0 : i32
      %dma_wait3A_101 = tpu.memref_slice %arg8[%mul3A_2, %dma_wait3A_100] : memref<2560x256xf32, #tpu.memory_space<hbm>> -> memref<80x256xf32, #tpu.memory_space<hbm>>
      tpu.wait_dma2 semaphore(%run_scoped3A : memref<!tpu.dma_semaphore, #tpu.memory_space<semaphore_mem>>) src(%arg16 : memref<80x256xf32, #tpu.memory_space<vmem>>) dst(%dma_wait3A_101 : memref<80x256xf32, #tpu.memory_space<hbm>>)
      tpu.yield
    }) : () -> ()
    %dma_start3A_35 = arith.constant 0 : i32
    %dma_start3A_36 = tpu.memref_slice %arg10[%dma_start3A_35] : memref<1280xi32, #tpu.memory_space<vmem>> -> memref<640xi32, #tpu.memory_space<vmem>>
    %dma_start3A_37 = arith.constant 0 : i32
    %dma_start3A_38 = tpu.memref_slice %arg3[%mul3A_2, %dma_start3A_37] : memref<2560x640xi32, #tpu.memory_space<hbm>> -> memref<1x640xi32, #tpu.memory_space<hbm>>
    %dma_start3A_39 = tpu.memref_squeeze %dma_start3A_38 : memref<1x640xi32, #tpu.memory_space<hbm>> -> memref<640xi32, #tpu.memory_space<hbm>>
    %dma_start3A_40 = arith.constant 0 : i32
    %dma_start3A_41 = tpu.memref_slice %arg10[%dma_start3A_40] : memref<1280xi32, #tpu.memory_space<vmem>> -> memref<640xi32, #tpu.memory_space<vmem>>
    %dma_start3A_42 = arith.constant 0 : i32
    %dma_start3A_43 = tpu.memref_slice %arg3[%mul3A_2, %dma_start3A_42] : memref<2560x640xi32, #tpu.memory_space<hbm>> -> memref<1x640xi32, #tpu.memory_space<hbm>>
    %dma_start3A_44 = tpu.memref_squeeze %dma_start3A_43 : memref<1x640xi32, #tpu.memory_space<hbm>> -> memref<640xi32, #tpu.memory_space<hbm>>
    tpu.enqueue_dma source(%dma_start3A_44 : memref<640xi32, #tpu.memory_space<hbm>>) target(%dma_start3A_41 : memref<640xi32, #tpu.memory_space<vmem>>) target_semaphore(%arg18 : memref<!tpu.dma_semaphore, #tpu.memory_space<semaphore_mem>>)
    %scan3A = arith.constant 0 : i32
    %scan3A_45 = arith.constant 40 : i32
    %scan3A_46 = arith.addi %scan3A, %scan3A_45 : i32
    %scan3A_47 = arith.constant 1 : i32
    scf.for %scan3A_94 = %scan3A to %scan3A_46 step %scan3A_47  : i32 {
      %mul3A_95 = arith.constant 2 : i32
      %mul3A_96 = arith.muli %mul3A_95, %scan3A_94 : i32
      %add3A_97 = arith.addi %mul3A_2, %mul3A_96 : i32
      %lt3A_98 = arith.constant 2500 : i32
      %lt3A_99 = arith.cmpi slt, %add3A_97, %lt3A_98 : i32
      %convert_element_type3A_100 = arith.extui %lt3A_99 : i1 to i32
      %cond3A_101 = arith.constant 0 : i32
      %cond3A_102 = arith.constant 1 : i32
      %cond3A_103 = arith.constant 0 : i32
      %cond3A_104 = arith.cmpi ne, %convert_element_type3A_100, %cond3A_103 : i32
      scf.if %cond3A_104 {
        %add3A_114 = arith.constant 1 : i32
        %add3A_115 = arith.addi %add3A_97, %add3A_114 : i32
        %lt3A_116 = arith.constant 2500 : i32
        %lt3A_117 = arith.cmpi slt, %add3A_115, %lt3A_116 : i32
        %add3A_118 = arith.constant 1 : i32
        %add3A_119 = arith.addi %add3A_97, %add3A_118 : i32
        %sub3A_120 = arith.subi %add3A_119, %mul3A_2 : i32
        %lt3A_121 = arith.constant 80 : i32
        %lt3A_122 = arith.cmpi slt, %sub3A_120, %lt3A_121 : i32
        %and3A_123 = arith.andi %lt3A_117, %lt3A_122 : i1
        %convert_element_type3A_124 = arith.extui %and3A_123 : i1 to i32
        %cond3A_125 = arith.constant 0 : i32
        %cond3A_126 = arith.cmpi ne, %convert_element_type3A_124, %cond3A_125 : i32
        scf.if %cond3A_126 {
          %add3A_183 = arith.constant 1 : i32
          %add3A_184 = arith.addi %add3A_97, %add3A_183 : i32
          %dma_start3A_185 = arith.constant 640 : i32
          %dma_start3A_186 = tpu.memref_slice %arg10[%dma_start3A_185] : memref<1280xi32, #tpu.memory_space<vmem>> -> memref<640xi32, #tpu.memory_space<vmem>>
          %dma_start3A_187 = arith.constant 0 : i32
          %dma_start3A_188 = tpu.memref_slice %arg3[%add3A_184, %dma_start3A_187] : memref<2560x640xi32, #tpu.memory_space<hbm>> -> memref<1x640xi32, #tpu.memory_space<hbm>>
          %dma_start3A_189 = tpu.memref_squeeze %dma_start3A_188 : memref<1x640xi32, #tpu.memory_space<hbm>> -> memref<640xi32, #tpu.memory_space<hbm>>
          %dma_start3A_190 = arith.constant 640 : i32
          %dma_start3A_191 = tpu.memref_slice %arg10[%dma_start3A_190] : memref<1280xi32, #tpu.memory_space<vmem>> -> memref<640xi32, #tpu.memory_space<vmem>>
          %dma_start3A_192 = arith.constant 0 : i32
          %dma_start3A_193 = tpu.memref_slice %arg3[%add3A_184, %dma_start3A_192] : memref<2560x640xi32, #tpu.memory_space<hbm>> -> memref<1x640xi32, #tpu.memory_space<hbm>>
          %dma_start3A_194 = tpu.memref_squeeze %dma_start3A_193 : memref<1x640xi32, #tpu.memory_space<hbm>> -> memref<640xi32, #tpu.memory_space<hbm>>
          tpu.enqueue_dma source(%dma_start3A_194 : memref<640xi32, #tpu.memory_space<hbm>>) target(%dma_start3A_191 : memref<640xi32, #tpu.memory_space<vmem>>) target_semaphore(%arg18 : memref<!tpu.dma_semaphore, #tpu.memory_space<semaphore_mem>>)
        } else {
        }
        %dma_wait3A_127 = arith.constant 0 : i32
        %dma_wait3A_128 = tpu.memref_slice %arg10[%dma_wait3A_127] : memref<1280xi32, #tpu.memory_space<vmem>> -> memref<640xi32, #tpu.memory_space<vmem>>
        %dma_wait3A_129 = arith.constant 0 : i32
        %dma_wait3A_130 = tpu.memref_slice %arg3[%add3A_97, %dma_wait3A_129] : memref<2560x640xi32, #tpu.memory_space<hbm>> -> memref<1x640xi32, #tpu.memory_space<hbm>>
        %dma_wait3A_131 = tpu.memref_squeeze %dma_wait3A_130 : memref<1x640xi32, #tpu.memory_space<hbm>> -> memref<640xi32, #tpu.memory_space<hbm>>
        %dma_wait3A_132 = arith.constant 0 : i32
        %dma_wait3A_133 = tpu.memref_slice %arg10[%dma_wait3A_132] : memref<1280xi32, #tpu.memory_space<vmem>> -> memref<640xi32, #tpu.memory_space<vmem>>
        %dma_wait3A_134 = arith.constant 0 : i32
        %dma_wait3A_135 = tpu.memref_slice %arg3[%add3A_97, %dma_wait3A_134] : memref<2560x640xi32, #tpu.memory_space<hbm>> -> memref<1x640xi32, #tpu.memory_space<hbm>>
        %dma_wait3A_136 = tpu.memref_squeeze %dma_wait3A_135 : memref<1x640xi32, #tpu.memory_space<hbm>> -> memref<640xi32, #tpu.memory_space<hbm>>
        tpu.wait_dma2 semaphore(%arg18 : memref<!tpu.dma_semaphore, #tpu.memory_space<semaphore_mem>>) src(%dma_wait3A_136 : memref<640xi32, #tpu.memory_space<hbm>>) dst(%dma_wait3A_133 : memref<640xi32, #tpu.memory_space<vmem>>)
        %swap3A = arith.constant 0 : index
        %swap3A_137 = tpu.vector_load %arg11[%swap3A] {strides = array<i32>} : memref<48xi32, #tpu.memory_space<vmem>>, vector<16xi32>,
        tpu.vector_store %arg11[%swap3A], %broadcast_in_dim3A_9 {strides = array<i32>} : memref<48xi32, #tpu.memory_space<vmem>>, vector<16xi32>,
        %swap3A_138 = arith.constant 16 : index
        %swap3A_139 = tpu.vector_load %arg11[%swap3A_138] {strides = array<i32>} : memref<48xi32, #tpu.memory_space<vmem>>, vector<16xi32>,
        tpu.vector_store %arg11[%swap3A_138], %broadcast_in_dim3A_9 {strides = array<i32>} : memref<48xi32, #tpu.memory_space<vmem>>, vector<16xi32>,
        %swap3A_140 = arith.constant 32 : index
        %swap3A_141 = tpu.vector_load %arg11[%swap3A_140] {strides = array<i32>} : memref<48xi32, #tpu.memory_space<vmem>>, vector<16xi32>,
        tpu.vector_store %arg11[%swap3A_140], %broadcast_in_dim3A_9 {strides = array<i32>} : memref<48xi32, #tpu.memory_space<vmem>>, vector<16xi32>,
        %swap3A_142 = arith.constant 0 : i32
        %swap3A_143 = arith.constant 0 : i32
        %swap3A_144 = arith.index_cast %swap3A_143 : i32 to index
        %swap3A_145 = memref.load %arg17[%swap3A_144] : memref<1xi32, #tpu.memory_space<smem>>
        memref.store %swap3A_142, %arg17[%swap3A_144] : memref<1xi32, #tpu.memory_space<smem>>
        %shift_right_arithmetic3A_146 = arith.constant 5 : i32
        %shift_right_arithmetic3A_147 = arith.shrsi %add3A_97, %shift_right_arithmetic3A_146 : i32
        %sub3A_148 = arith.subi %shift_right_arithmetic3A_147, %shift_right_arithmetic3A_3 : i32
        %mul3A_149 = arith.constant 10240 : i32
        %mul3A_150 = arith.muli %sub3A_148, %mul3A_149 : i32
        %and3A_151 = arith.constant 31 : i32
        %and3A_152 = arith.andi %add3A_97, %and3A_151 : i32
        %scan3A_153 = arith.constant 0 : i32
        %scan3A_154 = arith.constant 20 : i32
        %scan3A_155 = arith.addi %scan3A_153, %scan3A_154 : i32
        %scan3A_156 = arith.constant 1 : i32
        scf.for %scan3A_183 = %scan3A_153 to %scan3A_155 step %scan3A_156  : i32 {
          %get3A_184 = arith.constant 0 : i32
          %get3A_185 = arith.index_cast %get3A_184 : i32 to index
          %get3A_186 = memref.load %arg17[%get3A_185] : memref<1xi32, #tpu.memory_space<smem>>
          %lt3A_187 = arith.constant 32 : i32
          %lt3A_188 = arith.cmpi slt, %get3A_186, %lt3A_187 : i32
          %convert_element_type3A_189 = arith.extui %lt3A_188 : i1 to i32
          %cond3A_190 = arith.constant 0 : i32
          %cond3A_191 = arith.cmpi ne, %convert_element_type3A_189, %cond3A_190 : i32
          scf.if %cond3A_191 {
            %mul3A_192 = arith.constant 32 : i32
            %mul3A_193 = arith.muli %scan3A_183, %mul3A_192 : i32
            %add3A_194 = arith.constant 0 : i32
            %add3A_195 = arith.addi %add3A_194, %mul3A_193 : i32
            %get3A_196 = arith.index_cast %add3A_195 : i32 to index
            %get3A_197 = tpu.vector_load %arg10[%get3A_196] {strides = array<i32>} : memref<1280xi32, #tpu.memory_space<vmem>>, vector<16xi32>,
            %mul3A_198 = arith.constant 32 : i32
            %mul3A_199 = arith.muli %scan3A_183, %mul3A_198 : i32
            %add3A_200 = arith.constant 0 : i32
            %add3A_201 = arith.addi %add3A_200, %mul3A_199 : i32
            %add3A_202 = arith.constant 16 : i32
            %add3A_203 = arith.addi %add3A_201, %add3A_202 : i32
            %get3A_204 = arith.index_cast %add3A_203 : i32 to index
            %get3A_205 = tpu.vector_load %arg10[%get3A_204] {strides = array<i32>} : memref<1280xi32, #tpu.memory_space<vmem>>, vector<16xi32>,
            %mul3A_206 = arith.constant 32 : i32
            %mul3A_207 = arith.muli %scan3A_183, %mul3A_206 : i32
            %add3A_208 = arith.constant 0 : i32
            %add3A_209 = arith.addi %mul3A_207, %add3A_208 : i32
            %slice3A = vector.extract_strided_slice %get3A_197 {offsets = [0], sizes = [1], strides = [1]} : vector<16xi32> to vector<1xi32>
            %squeeze3A = vector.extract %slice3A[0] : i32 from vector<1xi32>
            %gt3A = arith.constant 0 : i32
            %gt3A_210 = arith.cmpi sgt, %squeeze3A, %gt3A : i32
            %convert_element_type3A_211 = arith.extui %gt3A_210 : i1 to i32
            %cond3A_212 = arith.constant 0 : i32
            %cond3A_213 = arith.cmpi ne, %convert_element_type3A_211, %cond3A_212 : i32
            scf.if %cond3A_213 {
              %mul3A_590 = arith.constant 16 : i32
              %mul3A_591 = arith.muli %add3A_209, %mul3A_590 : i32
              %add3A_592 = arith.addi %mul3A_150, %mul3A_591 : i32
              %get3A_593 = arith.index_cast %add3A_592 : i32 to index
              %get3A_594 = tpu.vector_load %arg9[%get3A_593] {strides = array<i32>} : memref<40960xi32, #tpu.memory_space<vmem>>, vector<16xi32>,
              %shift_right_arithmetic3A_595 = vector.broadcast %and3A_152 : i32 to vector<16xi32>
              %shift_right_arithmetic3A_596 = arith.shrsi %get3A_594, %shift_right_arithmetic3A_595 : vector<16xi32>
              %and3A_597 = arith.constant 1 : i32
              %and3A_598 = vector.broadcast %and3A_597 : i32 to vector<16xi32>
              %and3A_599 = arith.andi %shift_right_arithmetic3A_596, %and3A_598 : vector<16xi32>
              %eq3A_600 = arith.constant 1 : i32
              %eq3A_601 = vector.broadcast %eq3A_600 : i32 to vector<16xi32>
              %eq3A_602 = arith.cmpi eq, %and3A_599, %eq3A_601 : vector<16xi32>
              %mul3A_603 = arith.constant 16 : i32
              %mul3A_604 = arith.muli %add3A_209, %mul3A_603 : i32
              %add3A_605 = vector.broadcast %mul3A_604 : i32 to vector<16xi32>
              %add3A_606 = arith.addi %iota3A, %add3A_605 : vector<16xi32>
              %min3A_607 = arith.constant 32 : i32
              %min3A_608 = arith.minsi %get3A_186, %min3A_607 : i32
              %swap3A_609 = arith.index_cast %min3A_608 : i32 to index
              %swap3A_610 = tpu.vector_load %arg11[%swap3A_609] masked %eq3A_602 {strides = array<i32>} : memref<48xi32, #tpu.memory_space<vmem>>, vector<16xi32>, vector<16xi1>
              tpu.vector_store %arg11[%swap3A_609], %add3A_606 masked %eq3A_602 {strides = array<i32>} : memref<48xi32, #tpu.memory_space<vmem>>, vector<16xi32>, vector<16xi1>
            } else {
            }
            %add3A_214 = arith.addi %get3A_186, %squeeze3A : i32
            %mul3A_215 = arith.constant 32 : i32
            %mul3A_216 = arith.muli %scan3A_183, %mul3A_215 : i32
            %add3A_217 = arith.constant 1 : i32
            %add3A_218 = arith.addi %mul3A_216, %add3A_217 : i32
            %slice3A_219 = vector.extract_strided_slice %get3A_197 {offsets = [1], sizes = [1], strides = [1]} : vector<16xi32> to vector<1xi32>
            %squeeze3A_220 = vector.extract %slice3A_219[0] : i32 from vector<1xi32>
            %gt3A_221 = arith.constant 0 : i32
            %gt3A_222 = arith.cmpi sgt, %squeeze3A_220, %gt3A_221 : i32
            %convert_element_type3A_223 = arith.extui %gt3A_222 : i1 to i32
            %cond3A_224 = arith.constant 0 : i32
            %cond3A_225 = arith.cmpi ne, %convert_element_type3A_223, %cond3A_224 : i32
            scf.if %cond3A_225 {
              %mul3A_590 = arith.constant 16 : i32
              %mul3A_591 = arith.muli %add3A_218, %mul3A_590 : i32
              %add3A_592 = arith.addi %mul3A_150, %mul3A_591 : i32
              %get3A_593 = arith.index_cast %add3A_592 : i32 to index
              %get3A_594 = tpu.vector_load %arg9[%get3A_593] {strides = array<i32>} : memref<40960xi32, #tpu.memory_space<vmem>>, vector<16xi32>,
              %shift_right_arithmetic3A_595 = vector.broadcast %and3A_152 : i32 to vector<16xi32>
              %shift_right_arithmetic3A_596 = arith.shrsi %get3A_594, %shift_right_arithmetic3A_595 : vector<16xi32>
              %and3A_597 = arith.constant 1 : i32
              %and3A_598 = vector.broadcast %and3A_597 : i32 to vector<16xi32>
              %and3A_599 = arith.andi %shift_right_arithmetic3A_596, %and3A_598 : vector<16xi32>
              %eq3A_600 = arith.constant 1 : i32
              %eq3A_601 = vector.broadcast %eq3A_600 : i32 to vector<16xi32>
              %eq3A_602 = arith.cmpi eq, %and3A_599, %eq3A_601 : vector<16xi32>
              %mul3A_603 = arith.constant 16 : i32
              %mul3A_604 = arith.muli %add3A_218, %mul3A_603 : i32
              %add3A_605 = vector.broadcast %mul3A_604 : i32 to vector<16xi32>
              %add3A_606 = arith.addi %iota3A, %add3A_605 : vector<16xi32>
              %min3A_607 = arith.constant 32 : i32
              %min3A_608 = arith.minsi %add3A_214, %min3A_607 : i32
              %swap3A_609 = arith.index_cast %min3A_608 : i32 to index
              %swap3A_610 = tpu.vector_load %arg11[%swap3A_609] masked %eq3A_602 {strides = array<i32>} : memref<48xi32, #tpu.memory_space<vmem>>, vector<16xi32>, vector<16xi1>
              tpu.vector_store %arg11[%swap3A_609], %add3A_606 masked %eq3A_602 {strides = array<i32>} : memref<48xi32, #tpu.memory_space<vmem>>, vector<16xi32>, vector<16xi1>
            } else {
            }
            %add3A_226 = arith.addi %add3A_214, %squeeze3A_220 : i32
            %mul3A_227 = arith.constant 32 : i32
            %mul3A_228 = arith.muli %scan3A_183, %mul3A_227 : i32
            %add3A_229 = arith.constant 2 : i32
            %add3A_230 = arith.addi %mul3A_228, %add3A_229 : i32
            %slice3A_231 = vector.extract_strided_slice %get3A_197 {offsets = [2], sizes = [1], strides = [1]} : vector<16xi32> to vector<1xi32>
            %squeeze3A_232 = vector.extract %slice3A_231[0] : i32 from vector<1xi32>
            %gt3A_233 = arith.constant 0 : i32
            %gt3A_234 = arith.cmpi sgt, %squeeze3A_232, %gt3A_233 : i32
            %convert_element_type3A_235 = arith.extui %gt3A_234 : i1 to i32
            %cond3A_236 = arith.constant 0 : i32
            %cond3A_237 = arith.cmpi ne, %convert_element_type3A_235, %cond3A_236 : i32
            scf.if %cond3A_237 {
              %mul3A_590 = arith.constant 16 : i32
              %mul3A_591 = arith.muli %add3A_230, %mul3A_590 : i32
              %add3A_592 = arith.addi %mul3A_150, %mul3A_591 : i32
              %get3A_593 = arith.index_cast %add3A_592 : i32 to index
              %get3A_594 = tpu.vector_load %arg9[%get3A_593] {strides = array<i32>} : memref<40960xi32, #tpu.memory_space<vmem>>, vector<16xi32>,
              %shift_right_arithmetic3A_595 = vector.broadcast %and3A_152 : i32 to vector<16xi32>
              %shift_right_arithmetic3A_596 = arith.shrsi %get3A_594, %shift_right_arithmetic3A_595 : vector<16xi32>
              %and3A_597 = arith.constant 1 : i32
              %and3A_598 = vector.broadcast %and3A_597 : i32 to vector<16xi32>
              %and3A_599 = arith.andi %shift_right_arithmetic3A_596, %and3A_598 : vector<16xi32>
              %eq3A_600 = arith.constant 1 : i32
              %eq3A_601 = vector.broadcast %eq3A_600 : i32 to vector<16xi32>
              %eq3A_602 = arith.cmpi eq, %and3A_599, %eq3A_601 : vector<16xi32>
              %mul3A_603 = arith.constant 16 : i32
              %mul3A_604 = arith.muli %add3A_230, %mul3A_603 : i32
              %add3A_605 = vector.broadcast %mul3A_604 : i32 to vector<16xi32>
              %add3A_606 = arith.addi %iota3A, %add3A_605 : vector<16xi32>
              %min3A_607 = arith.constant 32 : i32
              %min3A_608 = arith.minsi %add3A_226, %min3A_607 : i32
              %swap3A_609 = arith.index_cast %min3A_608 : i32 to index
              %swap3A_610 = tpu.vector_load %arg11[%swap3A_609] masked %eq3A_602 {strides = array<i32>} : memref<48xi32, #tpu.memory_space<vmem>>, vector<16xi32>, vector<16xi1>
              tpu.vector_store %arg11[%swap3A_609], %add3A_606 masked %eq3A_602 {strides = array<i32>} : memref<48xi32, #tpu.memory_space<vmem>>, vector<16xi32>, vector<16xi1>
            } else {
            }
            %add3A_238 = arith.addi %add3A_226, %squeeze3A_232 : i32
            %mul3A_239 = arith.constant 32 : i32
            %mul3A_240 = arith.muli %scan3A_183, %mul3A_239 : i32
            %add3A_241 = arith.constant 3 : i32
            %add3A_242 = arith.addi %mul3A_240, %add3A_241 : i32
            %slice3A_243 = vector.extract_strided_slice %get3A_197 {offsets = [3], sizes = [1], strides = [1]} : vector<16xi32> to vector<1xi32>
            %squeeze3A_244 = vector.extract %slice3A_243[0] : i32 from vector<1xi32>
            %gt3A_245 = arith.constant 0 : i32
            %gt3A_246 = arith.cmpi sgt, %squeeze3A_244, %gt3A_245 : i32
            %convert_element_type3A_247 = arith.extui %gt3A_246 : i1 to i32
            %cond3A_248 = arith.constant 0 : i32
            %cond3A_249 = arith.cmpi ne, %convert_element_type3A_247, %cond3A_248 : i32
            scf.if %cond3A_249 {
              %mul3A_590 = arith.constant 16 : i32
              %mul3A_591 = arith.muli %add3A_242, %mul3A_590 : i32
              %add3A_592 = arith.addi %mul3A_150, %mul3A_591 : i32
              %get3A_593 = arith.index_cast %add3A_592 : i32 to index
              %get3A_594 = tpu.vector_load %arg9[%get3A_593] {strides = array<i32>} : memref<40960xi32, #tpu.memory_space<vmem>>, vector<16xi32>,
              %shift_right_arithmetic3A_595 = vector.broadcast %and3A_152 : i32 to vector<16xi32>
              %shift_right_arithmetic3A_596 = arith.shrsi %get3A_594, %shift_right_arithmetic3A_595 : vector<16xi32>
              %and3A_597 = arith.constant 1 : i32
              %and3A_598 = vector.broadcast %and3A_597 : i32 to vector<16xi32>
              %and3A_599 = arith.andi %shift_right_arithmetic3A_596, %and3A_598 : vector<16xi32>
              %eq3A_600 = arith.constant 1 : i32
              %eq3A_601 = vector.broadcast %eq3A_600 : i32 to vector<16xi32>
              %eq3A_602 = arith.cmpi eq, %and3A_599, %eq3A_601 : vector<16xi32>
              %mul3A_603 = arith.constant 16 : i32
              %mul3A_604 = arith.muli %add3A_242, %mul3A_603 : i32
              %add3A_605 = vector.broadcast %mul3A_604 : i32 to vector<16xi32>
              %add3A_606 = arith.addi %iota3A, %add3A_605 : vector<16xi32>
              %min3A_607 = arith.constant 32 : i32
              %min3A_608 = arith.minsi %add3A_238, %min3A_607 : i32
              %swap3A_609 = arith.index_cast %min3A_608 : i32 to index
              %swap3A_610 = tpu.vector_load %arg11[%swap3A_609] masked %eq3A_602 {strides = array<i32>} : memref<48xi32, #tpu.memory_space<vmem>>, vector<16xi32>, vector<16xi1>
              tpu.vector_store %arg11[%swap3A_609], %add3A_606 masked %eq3A_602 {strides = array<i32>} : memref<48xi32, #tpu.memory_space<vmem>>, vector<16xi32>, vector<16xi1>
            } else {
            }
            %add3A_250 = arith.addi %add3A_238, %squeeze3A_244 : i32
            %mul3A_251 = arith.constant 32 : i32
            %mul3A_252 = arith.muli %scan3A_183, %mul3A_251 : i32
            %add3A_253 = arith.constant 4 : i32
            %add3A_254 = arith.addi %mul3A_252, %add3A_253 : i32
            %slice3A_255 = vector.extract_strided_slice %get3A_197 {offsets = [4], sizes = [1], strides = [1]} : vector<16xi32> to vector<1xi32>
            %squeeze3A_256 = vector.extract %slice3A_255[0] : i32 from vector<1xi32>
            %gt3A_257 = arith.constant 0 : i32
            %gt3A_258 = arith.cmpi sgt, %squeeze3A_256, %gt3A_257 : i32
            %convert_element_type3A_259 = arith.extui %gt3A_258 : i1 to i32
            %cond3A_260 = arith.constant 0 : i32
            %cond3A_261 = arith.cmpi ne, %convert_element_type3A_259, %cond3A_260 : i32
            scf.if %cond3A_261 {
              %mul3A_590 = arith.constant 16 : i32
              %mul3A_591 = arith.muli %add3A_254, %mul3A_590 : i32
              %add3A_592 = arith.addi %mul3A_150, %mul3A_591 : i32
              %get3A_593 = arith.index_cast %add3A_592 : i32 to index
              %get3A_594 = tpu.vector_load %arg9[%get3A_593] {strides = array<i32>} : memref<40960xi32, #tpu.memory_space<vmem>>, vector<16xi32>,
              %shift_right_arithmetic3A_595 = vector.broadcast %and3A_152 : i32 to vector<16xi32>
              %shift_right_arithmetic3A_596 = arith.shrsi %get3A_594, %shift_right_arithmetic3A_595 : vector<16xi32>
              %and3A_597 = arith.constant 1 : i32
              %and3A_598 = vector.broadcast %and3A_597 : i32 to vector<16xi32>
              %and3A_599 = arith.andi %shift_right_arithmetic3A_596, %and3A_598 : vector<16xi32>
              %eq3A_600 = arith.constant 1 : i32
              %eq3A_601 = vector.broadcast %eq3A_600 : i32 to vector<16xi32>
              %eq3A_602 = arith.cmpi eq, %and3A_599, %eq3A_601 : vector<16xi32>
              %mul3A_603 = arith.constant 16 : i32
              %mul3A_604 = arith.muli %add3A_254, %mul3A_603 : i32
              %add3A_605 = vector.broadcast %mul3A_604 : i32 to vector<16xi32>
              %add3A_606 = arith.addi %iota3A, %add3A_605 : vector<16xi32>
              %min3A_607 = arith.constant 32 : i32
              %min3A_608 = arith.minsi %add3A_250, %min3A_607 : i32
              %swap3A_609 = arith.index_cast %min3A_608 : i32 to index
              %swap3A_610 = tpu.vector_load %arg11[%swap3A_609] masked %eq3A_602 {strides = array<i32>} : memref<48xi32, #tpu.memory_space<vmem>>, vector<16xi32>, vector<16xi1>
              tpu.vector_store %arg11[%swap3A_609], %add3A_606 masked %eq3A_602 {strides = array<i32>} : memref<48xi32, #tpu.memory_space<vmem>>, vector<16xi32>, vector<16xi1>
            } else {
            }
            %add3A_262 = arith.addi %add3A_250, %squeeze3A_256 : i32
            %mul3A_263 = arith.constant 32 : i32
            %mul3A_264 = arith.muli %scan3A_183, %mul3A_263 : i32
            %add3A_265 = arith.constant 5 : i32
            %add3A_266 = arith.addi %mul3A_264, %add3A_265 : i32
            %slice3A_267 = vector.extract_strided_slice %get3A_197 {offsets = [5], sizes = [1], strides = [1]} : vector<16xi32> to vector<1xi32>
            %squeeze3A_268 = vector.extract %slice3A_267[0] : i32 from vector<1xi32>
            %gt3A_269 = arith.constant 0 : i32
            %gt3A_270 = arith.cmpi sgt, %squeeze3A_268, %gt3A_269 : i32
            %convert_element_type3A_271 = arith.extui %gt3A_270 : i1 to i32
            %cond3A_272 = arith.constant 0 : i32
            %cond3A_273 = arith.cmpi ne, %convert_element_type3A_271, %cond3A_272 : i32
            scf.if %cond3A_273 {
              %mul3A_590 = arith.constant 16 : i32
              %mul3A_591 = arith.muli %add3A_266, %mul3A_590 : i32
              %add3A_592 = arith.addi %mul3A_150, %mul3A_591 : i32
              %get3A_593 = arith.index_cast %add3A_592 : i32 to index
              %get3A_594 = tpu.vector_load %arg9[%get3A_593] {strides = array<i32>} : memref<40960xi32, #tpu.memory_space<vmem>>, vector<16xi32>,
              %shift_right_arithmetic3A_595 = vector.broadcast %and3A_152 : i32 to vector<16xi32>
              %shift_right_arithmetic3A_596 = arith.shrsi %get3A_594, %shift_right_arithmetic3A_595 : vector<16xi32>
              %and3A_597 = arith.constant 1 : i32
              %and3A_598 = vector.broadcast %and3A_597 : i32 to vector<16xi32>
              %and3A_599 = arith.andi %shift_right_arithmetic3A_596, %and3A_598 : vector<16xi32>
              %eq3A_600 = arith.constant 1 : i32
              %eq3A_601 = vector.broadcast %eq3A_600 : i32 to vector<16xi32>
              %eq3A_602 = arith.cmpi eq, %and3A_599, %eq3A_601 : vector<16xi32>
              %mul3A_603 = arith.constant 16 : i32
              %mul3A_604 = arith.muli %add3A_266, %mul3A_603 : i32
              %add3A_605 = vector.broadcast %mul3A_604 : i32 to vector<16xi32>
              %add3A_606 = arith.addi %iota3A, %add3A_605 : vector<16xi32>
              %min3A_607 = arith.constant 32 : i32
              %min3A_608 = arith.minsi %add3A_262, %min3A_607 : i32
              %swap3A_609 = arith.index_cast %min3A_608 : i32 to index
              %swap3A_610 = tpu.vector_load %arg11[%swap3A_609] masked %eq3A_602 {strides = array<i32>} : memref<48xi32, #tpu.memory_space<vmem>>, vector<16xi32>, vector<16xi1>
              tpu.vector_store %arg11[%swap3A_609], %add3A_606 masked %eq3A_602 {strides = array<i32>} : memref<48xi32, #tpu.memory_space<vmem>>, vector<16xi32>, vector<16xi1>
            } else {
            }
            %add3A_274 = arith.addi %add3A_262, %squeeze3A_268 : i32
            %mul3A_275 = arith.constant 32 : i32
            %mul3A_276 = arith.muli %scan3A_183, %mul3A_275 : i32
            %add3A_277 = arith.constant 6 : i32
            %add3A_278 = arith.addi %mul3A_276, %add3A_277 : i32
            %slice3A_279 = vector.extract_strided_slice %get3A_197 {offsets = [6], sizes = [1], strides = [1]} : vector<16xi32> to vector<1xi32>
            %squeeze3A_280 = vector.extract %slice3A_279[0] : i32 from vector<1xi32>
            %gt3A_281 = arith.constant 0 : i32
            %gt3A_282 = arith.cmpi sgt, %squeeze3A_280, %gt3A_281 : i32
            %convert_element_type3A_283 = arith.extui %gt3A_282 : i1 to i32
            %cond3A_284 = arith.constant 0 : i32
            %cond3A_285 = arith.cmpi ne, %convert_element_type3A_283, %cond3A_284 : i32
            scf.if %cond3A_285 {
              %mul3A_590 = arith.constant 16 : i32
              %mul3A_591 = arith.muli %add3A_278, %mul3A_590 : i32
              %add3A_592 = arith.addi %mul3A_150, %mul3A_591 : i32
              %get3A_593 = arith.index_cast %add3A_592 : i32 to index
              %get3A_594 = tpu.vector_load %arg9[%get3A_593] {strides = array<i32>} : memref<40960xi32, #tpu.memory_space<vmem>>, vector<16xi32>,
              %shift_right_arithmetic3A_595 = vector.broadcast %and3A_152 : i32 to vector<16xi32>
              %shift_right_arithmetic3A_596 = arith.shrsi %get3A_594, %shift_right_arithmetic3A_595 : vector<16xi32>
              %and3A_597 = arith.constant 1 : i32
              %and3A_598 = vector.broadcast %and3A_597 : i32 to vector<16xi32>
              %and3A_599 = arith.andi %shift_right_arithmetic3A_596, %and3A_598 : vector<16xi32>
              %eq3A_600 = arith.constant 1 : i32
              %eq3A_601 = vector.broadcast %eq3A_600 : i32 to vector<16xi32>
              %eq3A_602 = arith.cmpi eq, %and3A_599, %eq3A_601 : vector<16xi32>
              %mul3A_603 = arith.constant 16 : i32
              %mul3A_604 = arith.muli %add3A_278, %mul3A_603 : i32
              %add3A_605 = vector.broadcast %mul3A_604 : i32 to vector<16xi32>
              %add3A_606 = arith.addi %iota3A, %add3A_605 : vector<16xi32>
              %min3A_607 = arith.constant 32 : i32
              %min3A_608 = arith.minsi %add3A_274, %min3A_607 : i32
              %swap3A_609 = arith.index_cast %min3A_608 : i32 to index
              %swap3A_610 = tpu.vector_load %arg11[%swap3A_609] masked %eq3A_602 {strides = array<i32>} : memref<48xi32, #tpu.memory_space<vmem>>, vector<16xi32>, vector<16xi1>
              tpu.vector_store %arg11[%swap3A_609], %add3A_606 masked %eq3A_602 {strides = array<i32>} : memref<48xi32, #tpu.memory_space<vmem>>, vector<16xi32>, vector<16xi1>
            } else {
            }
            %add3A_286 = arith.addi %add3A_274, %squeeze3A_280 : i32
            %mul3A_287 = arith.constant 32 : i32
            %mul3A_288 = arith.muli %scan3A_183, %mul3A_287 : i32
            %add3A_289 = arith.constant 7 : i32
            %add3A_290 = arith.addi %mul3A_288, %add3A_289 : i32
            %slice3A_291 = vector.extract_strided_slice %get3A_197 {offsets = [7], sizes = [1], strides = [1]} : vector<16xi32> to vector<1xi32>
            %squeeze3A_292 = vector.extract %slice3A_291[0] : i32 from vector<1xi32>
            %gt3A_293 = arith.constant 0 : i32
            %gt3A_294 = arith.cmpi sgt, %squeeze3A_292, %gt3A_293 : i32
            %convert_element_type3A_295 = arith.extui %gt3A_294 : i1 to i32
            %cond3A_296 = arith.constant 0 : i32
            %cond3A_297 = arith.cmpi ne, %convert_element_type3A_295, %cond3A_296 : i32
            scf.if %cond3A_297 {
              %mul3A_590 = arith.constant 16 : i32
              %mul3A_591 = arith.muli %add3A_290, %mul3A_590 : i32
              %add3A_592 = arith.addi %mul3A_150, %mul3A_591 : i32
              %get3A_593 = arith.index_cast %add3A_592 : i32 to index
              %get3A_594 = tpu.vector_load %arg9[%get3A_593] {strides = array<i32>} : memref<40960xi32, #tpu.memory_space<vmem>>, vector<16xi32>,
              %shift_right_arithmetic3A_595 = vector.broadcast %and3A_152 : i32 to vector<16xi32>
              %shift_right_arithmetic3A_596 = arith.shrsi %get3A_594, %shift_right_arithmetic3A_595 : vector<16xi32>
              %and3A_597 = arith.constant 1 : i32
              %and3A_598 = vector.broadcast %and3A_597 : i32 to vector<16xi32>
              %and3A_599 = arith.andi %shift_right_arithmetic3A_596, %and3A_598 : vector<16xi32>
              %eq3A_600 = arith.constant 1 : i32
              %eq3A_601 = vector.broadcast %eq3A_600 : i32 to vector<16xi32>
              %eq3A_602 = arith.cmpi eq, %and3A_599, %eq3A_601 : vector<16xi32>
              %mul3A_603 = arith.constant 16 : i32
              %mul3A_604 = arith.muli %add3A_290, %mul3A_603 : i32
              %add3A_605 = vector.broadcast %mul3A_604 : i32 to vector<16xi32>
              %add3A_606 = arith.addi %iota3A, %add3A_605 : vector<16xi32>
              %min3A_607 = arith.constant 32 : i32
              %min3A_608 = arith.minsi %add3A_286, %min3A_607 : i32
              %swap3A_609 = arith.index_cast %min3A_608 : i32 to index
              %swap3A_610 = tpu.vector_load %arg11[%swap3A_609] masked %eq3A_602 {strides = array<i32>} : memref<48xi32, #tpu.memory_space<vmem>>, vector<16xi32>, vector<16xi1>
              tpu.vector_store %arg11[%swap3A_609], %add3A_606 masked %eq3A_602 {strides = array<i32>} : memref<48xi32, #tpu.memory_space<vmem>>, vector<16xi32>, vector<16xi1>
            } else {
            }
            %add3A_298 = arith.addi %add3A_286, %squeeze3A_292 : i32
            %mul3A_299 = arith.constant 32 : i32
            %mul3A_300 = arith.muli %scan3A_183, %mul3A_299 : i32
            %add3A_301 = arith.constant 8 : i32
            %add3A_302 = arith.addi %mul3A_300, %add3A_301 : i32
            %slice3A_303 = vector.extract_strided_slice %get3A_197 {offsets = [8], sizes = [1], strides = [1]} : vector<16xi32> to vector<1xi32>
            %squeeze3A_304 = vector.extract %slice3A_303[0] : i32 from vector<1xi32>
            %gt3A_305 = arith.constant 0 : i32
            %gt3A_306 = arith.cmpi sgt, %squeeze3A_304, %gt3A_305 : i32
            %convert_element_type3A_307 = arith.extui %gt3A_306 : i1 to i32
            %cond3A_308 = arith.constant 0 : i32
            %cond3A_309 = arith.cmpi ne, %convert_element_type3A_307, %cond3A_308 : i32
            scf.if %cond3A_309 {
              %mul3A_590 = arith.constant 16 : i32
              %mul3A_591 = arith.muli %add3A_302, %mul3A_590 : i32
              %add3A_592 = arith.addi %mul3A_150, %mul3A_591 : i32
              %get3A_593 = arith.index_cast %add3A_592 : i32 to index
              %get3A_594 = tpu.vector_load %arg9[%get3A_593] {strides = array<i32>} : memref<40960xi32, #tpu.memory_space<vmem>>, vector<16xi32>,
              %shift_right_arithmetic3A_595 = vector.broadcast %and3A_152 : i32 to vector<16xi32>
              %shift_right_arithmetic3A_596 = arith.shrsi %get3A_594, %shift_right_arithmetic3A_595 : vector<16xi32>
              %and3A_597 = arith.constant 1 : i32
              %and3A_598 = vector.broadcast %and3A_597 : i32 to vector<16xi32>
              %and3A_599 = arith.andi %shift_right_arithmetic3A_596, %and3A_598 : vector<16xi32>
              %eq3A_600 = arith.constant 1 : i32
              %eq3A_601 = vector.broadcast %eq3A_600 : i32 to vector<16xi32>
              %eq3A_602 = arith.cmpi eq, %and3A_599, %eq3A_601 : vector<16xi32>
              %mul3A_603 = arith.constant 16 : i32
              %mul3A_604 = arith.muli %add3A_302, %mul3A_603 : i32
              %add3A_605 = vector.broadcast %mul3A_604 : i32 to vector<16xi32>
              %add3A_606 = arith.addi %iota3A, %add3A_605 : vector<16xi32>
              %min3A_607 = arith.constant 32 : i32
              %min3A_608 = arith.minsi %add3A_298, %min3A_607 : i32
              %swap3A_609 = arith.index_cast %min3A_608 : i32 to index
              %swap3A_610 = tpu.vector_load %arg11[%swap3A_609] masked %eq3A_602 {strides = array<i32>} : memref<48xi32, #tpu.memory_space<vmem>>, vector<16xi32>, vector<16xi1>
              tpu.vector_store %arg11[%swap3A_609], %add3A_606 masked %eq3A_602 {strides = array<i32>} : memref<48xi32, #tpu.memory_space<vmem>>, vector<16xi32>, vector<16xi1>
            } else {
            }
            %add3A_310 = arith.addi %add3A_298, %squeeze3A_304 : i32
            %mul3A_311 = arith.constant 32 : i32
            %mul3A_312 = arith.muli %scan3A_183, %mul3A_311 : i32
            %add3A_313 = arith.constant 9 : i32
            %add3A_314 = arith.addi %mul3A_312, %add3A_313 : i32
            %slice3A_315 = vector.extract_strided_slice %get3A_197 {offsets = [9], sizes = [1], strides = [1]} : vector<16xi32> to vector<1xi32>
            %squeeze3A_316 = vector.extract %slice3A_315[0] : i32 from vector<1xi32>
            %gt3A_317 = arith.constant 0 : i32
            %gt3A_318 = arith.cmpi sgt, %squeeze3A_316, %gt3A_317 : i32
            %convert_element_type3A_319 = arith.extui %gt3A_318 : i1 to i32
            %cond3A_320 = arith.constant 0 : i32
            %cond3A_321 = arith.cmpi ne, %convert_element_type3A_319, %cond3A_320 : i32
            scf.if %cond3A_321 {
              %mul3A_590 = arith.constant 16 : i32
              %mul3A_591 = arith.muli %add3A_314, %mul3A_590 : i32
              %add3A_592 = arith.addi %mul3A_150, %mul3A_591 : i32
              %get3A_593 = arith.index_cast %add3A_592 : i32 to index
              %get3A_594 = tpu.vector_load %arg9[%get3A_593] {strides = array<i32>} : memref<40960xi32, #tpu.memory_space<vmem>>, vector<16xi32>,
              %shift_right_arithmetic3A_595 = vector.broadcast %and3A_152 : i32 to vector<16xi32>
              %shift_right_arithmetic3A_596 = arith.shrsi %get3A_594, %shift_right_arithmetic3A_595 : vector<16xi32>
              %and3A_597 = arith.constant 1 : i32
              %and3A_598 = vector.broadcast %and3A_597 : i32 to vector<16xi32>
              %and3A_599 = arith.andi %shift_right_arithmetic3A_596, %and3A_598 : vector<16xi32>
              %eq3A_600 = arith.constant 1 : i32
              %eq3A_601 = vector.broadcast %eq3A_600 : i32 to vector<16xi32>
              %eq3A_602 = arith.cmpi eq, %and3A_599, %eq3A_601 : vector<16xi32>
              %mul3A_603 = arith.constant 16 : i32
              %mul3A_604 = arith.muli %add3A_314, %mul3A_603 : i32
              %add3A_605 = vector.broadcast %mul3A_604 : i32 to vector<16xi32>
              %add3A_606 = arith.addi %iota3A, %add3A_605 : vector<16xi32>
              %min3A_607 = arith.constant 32 : i32
              %min3A_608 = arith.minsi %add3A_310, %min3A_607 : i32
              %swap3A_609 = arith.index_cast %min3A_608 : i32 to index
              %swap3A_610 = tpu.vector_load %arg11[%swap3A_609] masked %eq3A_602 {strides = array<i32>} : memref<48xi32, #tpu.memory_space<vmem>>, vector<16xi32>, vector<16xi1>
              tpu.vector_store %arg11[%swap3A_609], %add3A_606 masked %eq3A_602 {strides = array<i32>} : memref<48xi32, #tpu.memory_space<vmem>>, vector<16xi32>, vector<16xi1>
            } else {
            }
            %add3A_322 = arith.addi %add3A_310, %squeeze3A_316 : i32
            %mul3A_323 = arith.constant 32 : i32
            %mul3A_324 = arith.muli %scan3A_183, %mul3A_323 : i32
            %add3A_325 = arith.constant 10 : i32
            %add3A_326 = arith.addi %mul3A_324, %add3A_325 : i32
            %slice3A_327 = vector.extract_strided_slice %get3A_197 {offsets = [10], sizes = [1], strides = [1]} : vector<16xi32> to vector<1xi32>
            %squeeze3A_328 = vector.extract %slice3A_327[0] : i32 from vector<1xi32>
            %gt3A_329 = arith.constant 0 : i32
            %gt3A_330 = arith.cmpi sgt, %squeeze3A_328, %gt3A_329 : i32
            %convert_element_type3A_331 = arith.extui %gt3A_330 : i1 to i32
            %cond3A_332 = arith.constant 0 : i32
            %cond3A_333 = arith.cmpi ne, %convert_element_type3A_331, %cond3A_332 : i32
            scf.if %cond3A_333 {
              %mul3A_590 = arith.constant 16 : i32
              %mul3A_591 = arith.muli %add3A_326, %mul3A_590 : i32
              %add3A_592 = arith.addi %mul3A_150, %mul3A_591 : i32
              %get3A_593 = arith.index_cast %add3A_592 : i32 to index
              %get3A_594 = tpu.vector_load %arg9[%get3A_593] {strides = array<i32>} : memref<40960xi32, #tpu.memory_space<vmem>>, vector<16xi32>,
              %shift_right_arithmetic3A_595 = vector.broadcast %and3A_152 : i32 to vector<16xi32>
              %shift_right_arithmetic3A_596 = arith.shrsi %get3A_594, %shift_right_arithmetic3A_595 : vector<16xi32>
              %and3A_597 = arith.constant 1 : i32
              %and3A_598 = vector.broadcast %and3A_597 : i32 to vector<16xi32>
              %and3A_599 = arith.andi %shift_right_arithmetic3A_596, %and3A_598 : vector<16xi32>
              %eq3A_600 = arith.constant 1 : i32
              %eq3A_601 = vector.broadcast %eq3A_600 : i32 to vector<16xi32>
              %eq3A_602 = arith.cmpi eq, %and3A_599, %eq3A_601 : vector<16xi32>
              %mul3A_603 = arith.constant 16 : i32
              %mul3A_604 = arith.muli %add3A_326, %mul3A_603 : i32
              %add3A_605 = vector.broadcast %mul3A_604 : i32 to vector<16xi32>
              %add3A_606 = arith.addi %iota3A, %add3A_605 : vector<16xi32>
              %min3A_607 = arith.constant 32 : i32
              %min3A_608 = arith.minsi %add3A_322, %min3A_607 : i32
              %swap3A_609 = arith.index_cast %min3A_608 : i32 to index
              %swap3A_610 = tpu.vector_load %arg11[%swap3A_609] masked %eq3A_602 {strides = array<i32>} : memref<48xi32, #tpu.memory_space<vmem>>, vector<16xi32>, vector<16xi1>
              tpu.vector_store %arg11[%swap3A_609], %add3A_606 masked %eq3A_602 {strides = array<i32>} : memref<48xi32, #tpu.memory_space<vmem>>, vector<16xi32>, vector<16xi1>
            } else {
            }
            %add3A_334 = arith.addi %add3A_322, %squeeze3A_328 : i32
            %mul3A_335 = arith.constant 32 : i32
            %mul3A_336 = arith.muli %scan3A_183, %mul3A_335 : i32
            %add3A_337 = arith.constant 11 : i32
            %add3A_338 = arith.addi %mul3A_336, %add3A_337 : i32
            %slice3A_339 = vector.extract_strided_slice %get3A_197 {offsets = [11], sizes = [1], strides = [1]} : vector<16xi32> to vector<1xi32>
            %squeeze3A_340 = vector.extract %slice3A_339[0] : i32 from vector<1xi32>
            %gt3A_341 = arith.constant 0 : i32
            %gt3A_342 = arith.cmpi sgt, %squeeze3A_340, %gt3A_341 : i32
            %convert_element_type3A_343 = arith.extui %gt3A_342 : i1 to i32
            %cond3A_344 = arith.constant 0 : i32
            %cond3A_345 = arith.cmpi ne, %convert_element_type3A_343, %cond3A_344 : i32
            scf.if %cond3A_345 {
              %mul3A_590 = arith.constant 16 : i32
              %mul3A_591 = arith.muli %add3A_338, %mul3A_590 : i32
              %add3A_592 = arith.addi %mul3A_150, %mul3A_591 : i32
              %get3A_593 = arith.index_cast %add3A_592 : i32 to index
              %get3A_594 = tpu.vector_load %arg9[%get3A_593] {strides = array<i32>} : memref<40960xi32, #tpu.memory_space<vmem>>, vector<16xi32>,
              %shift_right_arithmetic3A_595 = vector.broadcast %and3A_152 : i32 to vector<16xi32>
              %shift_right_arithmetic3A_596 = arith.shrsi %get3A_594, %shift_right_arithmetic3A_595 : vector<16xi32>
              %and3A_597 = arith.constant 1 : i32
              %and3A_598 = vector.broadcast %and3A_597 : i32 to vector<16xi32>
              %and3A_599 = arith.andi %shift_right_arithmetic3A_596, %and3A_598 : vector<16xi32>
              %eq3A_600 = arith.constant 1 : i32
              %eq3A_601 = vector.broadcast %eq3A_600 : i32 to vector<16xi32>
              %eq3A_602 = arith.cmpi eq, %and3A_599, %eq3A_601 : vector<16xi32>
              %mul3A_603 = arith.constant 16 : i32
              %mul3A_604 = arith.muli %add3A_338, %mul3A_603 : i32
              %add3A_605 = vector.broadcast %mul3A_604 : i32 to vector<16xi32>
              %add3A_606 = arith.addi %iota3A, %add3A_605 : vector<16xi32>
              %min3A_607 = arith.constant 32 : i32
              %min3A_608 = arith.minsi %add3A_334, %min3A_607 : i32
              %swap3A_609 = arith.index_cast %min3A_608 : i32 to index
              %swap3A_610 = tpu.vector_load %arg11[%swap3A_609] masked %eq3A_602 {strides = array<i32>} : memref<48xi32, #tpu.memory_space<vmem>>, vector<16xi32>, vector<16xi1>
              tpu.vector_store %arg11[%swap3A_609], %add3A_606 masked %eq3A_602 {strides = array<i32>} : memref<48xi32, #tpu.memory_space<vmem>>, vector<16xi32>, vector<16xi1>
            } else {
            }
            %add3A_346 = arith.addi %add3A_334, %squeeze3A_340 : i32
            %mul3A_347 = arith.constant 32 : i32
            %mul3A_348 = arith.muli %scan3A_183, %mul3A_347 : i32
            %add3A_349 = arith.constant 12 : i32
            %add3A_350 = arith.addi %mul3A_348, %add3A_349 : i32
            %slice3A_351 = vector.extract_strided_slice %get3A_197 {offsets = [12], sizes = [1], strides = [1]} : vector<16xi32> to vector<1xi32>
            %squeeze3A_352 = vector.extract %slice3A_351[0] : i32 from vector<1xi32>
            %gt3A_353 = arith.constant 0 : i32
            %gt3A_354 = arith.cmpi sgt, %squeeze3A_352, %gt3A_353 : i32
            %convert_element_type3A_355 = arith.extui %gt3A_354 : i1 to i32
            %cond3A_356 = arith.constant 0 : i32
            %cond3A_357 = arith.cmpi ne, %convert_element_type3A_355, %cond3A_356 : i32
            scf.if %cond3A_357 {
              %mul3A_590 = arith.constant 16 : i32
              %mul3A_591 = arith.muli %add3A_350, %mul3A_590 : i32
              %add3A_592 = arith.addi %mul3A_150, %mul3A_591 : i32
              %get3A_593 = arith.index_cast %add3A_592 : i32 to index
              %get3A_594 = tpu.vector_load %arg9[%get3A_593] {strides = array<i32>} : memref<40960xi32, #tpu.memory_space<vmem>>, vector<16xi32>,
              %shift_right_arithmetic3A_595 = vector.broadcast %and3A_152 : i32 to vector<16xi32>
              %shift_right_arithmetic3A_596 = arith.shrsi %get3A_594, %shift_right_arithmetic3A_595 : vector<16xi32>
              %and3A_597 = arith.constant 1 : i32
              %and3A_598 = vector.broadcast %and3A_597 : i32 to vector<16xi32>
              %and3A_599 = arith.andi %shift_right_arithmetic3A_596, %and3A_598 : vector<16xi32>
              %eq3A_600 = arith.constant 1 : i32
              %eq3A_601 = vector.broadcast %eq3A_600 : i32 to vector<16xi32>
              %eq3A_602 = arith.cmpi eq, %and3A_599, %eq3A_601 : vector<16xi32>
              %mul3A_603 = arith.constant 16 : i32
              %mul3A_604 = arith.muli %add3A_350, %mul3A_603 : i32
              %add3A_605 = vector.broadcast %mul3A_604 : i32 to vector<16xi32>
              %add3A_606 = arith.addi %iota3A, %add3A_605 : vector<16xi32>
              %min3A_607 = arith.constant 32 : i32
              %min3A_608 = arith.minsi %add3A_346, %min3A_607 : i32
              %swap3A_609 = arith.index_cast %min3A_608 : i32 to index
              %swap3A_610 = tpu.vector_load %arg11[%swap3A_609] masked %eq3A_602 {strides = array<i32>} : memref<48xi32, #tpu.memory_space<vmem>>, vector<16xi32>, vector<16xi1>
              tpu.vector_store %arg11[%swap3A_609], %add3A_606 masked %eq3A_602 {strides = array<i32>} : memref<48xi32, #tpu.memory_space<vmem>>, vector<16xi32>, vector<16xi1>
            } else {
            }
            %add3A_358 = arith.addi %add3A_346, %squeeze3A_352 : i32
            %mul3A_359 = arith.constant 32 : i32
            %mul3A_360 = arith.muli %scan3A_183, %mul3A_359 : i32
            %add3A_361 = arith.constant 13 : i32
            %add3A_362 = arith.addi %mul3A_360, %add3A_361 : i32
            %slice3A_363 = vector.extract_strided_slice %get3A_197 {offsets = [13], sizes = [1], strides = [1]} : vector<16xi32> to vector<1xi32>
            %squeeze3A_364 = vector.extract %slice3A_363[0] : i32 from vector<1xi32>
            %gt3A_365 = arith.constant 0 : i32
            %gt3A_366 = arith.cmpi sgt, %squeeze3A_364, %gt3A_365 : i32
            %convert_element_type3A_367 = arith.extui %gt3A_366 : i1 to i32
            %cond3A_368 = arith.constant 0 : i32
            %cond3A_369 = arith.cmpi ne, %convert_element_type3A_367, %cond3A_368 : i32
            scf.if %cond3A_369 {
              %mul3A_590 = arith.constant 16 : i32
              %mul3A_591 = arith.muli %add3A_362, %mul3A_590 : i32
              %add3A_592 = arith.addi %mul3A_150, %mul3A_591 : i32
              %get3A_593 = arith.index_cast %add3A_592 : i32 to index
              %get3A_594 = tpu.vector_load %arg9[%get3A_593] {strides = array<i32>} : memref<40960xi32, #tpu.memory_space<vmem>>, vector<16xi32>,
              %shift_right_arithmetic3A_595 = vector.broadcast %and3A_152 : i32 to vector<16xi32>
              %shift_right_arithmetic3A_596 = arith.shrsi %get3A_594, %shift_right_arithmetic3A_595 : vector<16xi32>
              %and3A_597 = arith.constant 1 : i32
              %and3A_598 = vector.broadcast %and3A_597 : i32 to vector<16xi32>
              %and3A_599 = arith.andi %shift_right_arithmetic3A_596, %and3A_598 : vector<16xi32>
              %eq3A_600 = arith.constant 1 : i32
              %eq3A_601 = vector.broadcast %eq3A_600 : i32 to vector<16xi32>
              %eq3A_602 = arith.cmpi eq, %and3A_599, %eq3A_601 : vector<16xi32>
              %mul3A_603 = arith.constant 16 : i32
              %mul3A_604 = arith.muli %add3A_362, %mul3A_603 : i32
              %add3A_605 = vector.broadcast %mul3A_604 : i32 to vector<16xi32>
              %add3A_606 = arith.addi %iota3A, %add3A_605 : vector<16xi32>
              %min3A_607 = arith.constant 32 : i32
              %min3A_608 = arith.minsi %add3A_358, %min3A_607 : i32
              %swap3A_609 = arith.index_cast %min3A_608 : i32 to index
              %swap3A_610 = tpu.vector_load %arg11[%swap3A_609] masked %eq3A_602 {strides = array<i32>} : memref<48xi32, #tpu.memory_space<vmem>>, vector<16xi32>, vector<16xi1>
              tpu.vector_store %arg11[%swap3A_609], %add3A_606 masked %eq3A_602 {strides = array<i32>} : memref<48xi32, #tpu.memory_space<vmem>>, vector<16xi32>, vector<16xi1>
            } else {
            }
            %add3A_370 = arith.addi %add3A_358, %squeeze3A_364 : i32
            %mul3A_371 = arith.constant 32 : i32
            %mul3A_372 = arith.muli %scan3A_183, %mul3A_371 : i32
            %add3A_373 = arith.constant 14 : i32
            %add3A_374 = arith.addi %mul3A_372, %add3A_373 : i32
            %slice3A_375 = vector.extract_strided_slice %get3A_197 {offsets = [14], sizes = [1], strides = [1]} : vector<16xi32> to vector<1xi32>
            %squeeze3A_376 = vector.extract %slice3A_375[0] : i32 from vector<1xi32>
            %gt3A_377 = arith.constant 0 : i32
            %gt3A_378 = arith.cmpi sgt, %squeeze3A_376, %gt3A_377 : i32
            %convert_element_type3A_379 = arith.extui %gt3A_378 : i1 to i32
            %cond3A_380 = arith.constant 0 : i32
            %cond3A_381 = arith.cmpi ne, %convert_element_type3A_379, %cond3A_380 : i32
            scf.if %cond3A_381 {
              %mul3A_590 = arith.constant 16 : i32
              %mul3A_591 = arith.muli %add3A_374, %mul3A_590 : i32
              %add3A_592 = arith.addi %mul3A_150, %mul3A_591 : i32
              %get3A_593 = arith.index_cast %add3A_592 : i32 to index
              %get3A_594 = tpu.vector_load %arg9[%get3A_593] {strides = array<i32>} : memref<40960xi32, #tpu.memory_space<vmem>>, vector<16xi32>,
              %shift_right_arithmetic3A_595 = vector.broadcast %and3A_152 : i32 to vector<16xi32>
              %shift_right_arithmetic3A_596 = arith.shrsi %get3A_594, %shift_right_arithmetic3A_595 : vector<16xi32>
              %and3A_597 = arith.constant 1 : i32
              %and3A_598 = vector.broadcast %and3A_597 : i32 to vector<16xi32>
              %and3A_599 = arith.andi %shift_right_arithmetic3A_596, %and3A_598 : vector<16xi32>
              %eq3A_600 = arith.constant 1 : i32
              %eq3A_601 = vector.broadcast %eq3A_600 : i32 to vector<16xi32>
              %eq3A_602 = arith.cmpi eq, %and3A_599, %eq3A_601 : vector<16xi32>
              %mul3A_603 = arith.constant 16 : i32
              %mul3A_604 = arith.muli %add3A_374, %mul3A_603 : i32
              %add3A_605 = vector.broadcast %mul3A_604 : i32 to vector<16xi32>
              %add3A_606 = arith.addi %iota3A, %add3A_605 : vector<16xi32>
              %min3A_607 = arith.constant 32 : i32
              %min3A_608 = arith.minsi %add3A_370, %min3A_607 : i32
              %swap3A_609 = arith.index_cast %min3A_608 : i32 to index
              %swap3A_610 = tpu.vector_load %arg11[%swap3A_609] masked %eq3A_602 {strides = array<i32>} : memref<48xi32, #tpu.memory_space<vmem>>, vector<16xi32>, vector<16xi1>
              tpu.vector_store %arg11[%swap3A_609], %add3A_606 masked %eq3A_602 {strides = array<i32>} : memref<48xi32, #tpu.memory_space<vmem>>, vector<16xi32>, vector<16xi1>
            } else {
            }
            %add3A_382 = arith.addi %add3A_370, %squeeze3A_376 : i32
            %mul3A_383 = arith.constant 32 : i32
            %mul3A_384 = arith.muli %scan3A_183, %mul3A_383 : i32
            %add3A_385 = arith.constant 15 : i32
            %add3A_386 = arith.addi %mul3A_384, %add3A_385 : i32
            %slice3A_387 = vector.extract_strided_slice %get3A_197 {offsets = [15], sizes = [1], strides = [1]} : vector<16xi32> to vector<1xi32>
            %squeeze3A_388 = vector.extract %slice3A_387[0] : i32 from vector<1xi32>
            %gt3A_389 = arith.constant 0 : i32
            %gt3A_390 = arith.cmpi sgt, %squeeze3A_388, %gt3A_389 : i32
            %convert_element_type3A_391 = arith.extui %gt3A_390 : i1 to i32
            %cond3A_392 = arith.constant 0 : i32
            %cond3A_393 = arith.cmpi ne, %convert_element_type3A_391, %cond3A_392 : i32
            scf.if %cond3A_393 {
              %mul3A_590 = arith.constant 16 : i32
              %mul3A_591 = arith.muli %add3A_386, %mul3A_590 : i32
              %add3A_592 = arith.addi %mul3A_150, %mul3A_591 : i32
              %get3A_593 = arith.index_cast %add3A_592 : i32 to index
              %get3A_594 = tpu.vector_load %arg9[%get3A_593] {strides = array<i32>} : memref<40960xi32, #tpu.memory_space<vmem>>, vector<16xi32>,
              %shift_right_arithmetic3A_595 = vector.broadcast %and3A_152 : i32 to vector<16xi32>
              %shift_right_arithmetic3A_596 = arith.shrsi %get3A_594, %shift_right_arithmetic3A_595 : vector<16xi32>
              %and3A_597 = arith.constant 1 : i32
              %and3A_598 = vector.broadcast %and3A_597 : i32 to vector<16xi32>
              %and3A_599 = arith.andi %shift_right_arithmetic3A_596, %and3A_598 : vector<16xi32>
              %eq3A_600 = arith.constant 1 : i32
              %eq3A_601 = vector.broadcast %eq3A_600 : i32 to vector<16xi32>
              %eq3A_602 = arith.cmpi eq, %and3A_599, %eq3A_601 : vector<16xi32>
              %mul3A_603 = arith.constant 16 : i32
              %mul3A_604 = arith.muli %add3A_386, %mul3A_603 : i32
              %add3A_605 = vector.broadcast %mul3A_604 : i32 to vector<16xi32>
              %add3A_606 = arith.addi %iota3A, %add3A_605 : vector<16xi32>
              %min3A_607 = arith.constant 32 : i32
              %min3A_608 = arith.minsi %add3A_382, %min3A_607 : i32
              %swap3A_609 = arith.index_cast %min3A_608 : i32 to index
              %swap3A_610 = tpu.vector_load %arg11[%swap3A_609] masked %eq3A_602 {strides = array<i32>} : memref<48xi32, #tpu.memory_space<vmem>>, vector<16xi32>, vector<16xi1>
              tpu.vector_store %arg11[%swap3A_609], %add3A_606 masked %eq3A_602 {strides = array<i32>} : memref<48xi32, #tpu.memory_space<vmem>>, vector<16xi32>, vector<16xi1>
            } else {
            }
            %add3A_394 = arith.addi %add3A_382, %squeeze3A_388 : i32
            %mul3A_395 = arith.constant 32 : i32
            %mul3A_396 = arith.muli %scan3A_183, %mul3A_395 : i32
            %add3A_397 = arith.constant 16 : i32
            %add3A_398 = arith.addi %mul3A_396, %add3A_397 : i32
            %slice3A_399 = vector.extract_strided_slice %get3A_205 {offsets = [0], sizes = [1], strides = [1]} : vector<16xi32> to vector<1xi32>
            %squeeze3A_400 = vector.extract %slice3A_399[0] : i32 from vector<1xi32>
            %gt3A_401 = arith.constant 0 : i32
            %gt3A_402 = arith.cmpi sgt, %squeeze3A_400, %gt3A_401 : i32
            %convert_element_type3A_403 = arith.extui %gt3A_402 : i1 to i32
            %cond3A_404 = arith.constant 0 : i32
            %cond3A_405 = arith.cmpi ne, %convert_element_type3A_403, %cond3A_404 : i32
            scf.if %cond3A_405 {
              %mul3A_590 = arith.constant 16 : i32
              %mul3A_591 = arith.muli %add3A_398, %mul3A_590 : i32
              %add3A_592 = arith.addi %mul3A_150, %mul3A_591 : i32
              %get3A_593 = arith.index_cast %add3A_592 : i32 to index
              %get3A_594 = tpu.vector_load %arg9[%get3A_593] {strides = array<i32>} : memref<40960xi32, #tpu.memory_space<vmem>>, vector<16xi32>,
              %shift_right_arithmetic3A_595 = vector.broadcast %and3A_152 : i32 to vector<16xi32>
              %shift_right_arithmetic3A_596 = arith.shrsi %get3A_594, %shift_right_arithmetic3A_595 : vector<16xi32>
              %and3A_597 = arith.constant 1 : i32
              %and3A_598 = vector.broadcast %and3A_597 : i32 to vector<16xi32>
              %and3A_599 = arith.andi %shift_right_arithmetic3A_596, %and3A_598 : vector<16xi32>
              %eq3A_600 = arith.constant 1 : i32
              %eq3A_601 = vector.broadcast %eq3A_600 : i32 to vector<16xi32>
              %eq3A_602 = arith.cmpi eq, %and3A_599, %eq3A_601 : vector<16xi32>
              %mul3A_603 = arith.constant 16 : i32
              %mul3A_604 = arith.muli %add3A_398, %mul3A_603 : i32
              %add3A_605 = vector.broadcast %mul3A_604 : i32 to vector<16xi32>
              %add3A_606 = arith.addi %iota3A, %add3A_605 : vector<16xi32>
              %min3A_607 = arith.constant 32 : i32
              %min3A_608 = arith.minsi %add3A_394, %min3A_607 : i32
              %swap3A_609 = arith.index_cast %min3A_608 : i32 to index
              %swap3A_610 = tpu.vector_load %arg11[%swap3A_609] masked %eq3A_602 {strides = array<i32>} : memref<48xi32, #tpu.memory_space<vmem>>, vector<16xi32>, vector<16xi1>
              tpu.vector_store %arg11[%swap3A_609], %add3A_606 masked %eq3A_602 {strides = array<i32>} : memref<48xi32, #tpu.memory_space<vmem>>, vector<16xi32>, vector<16xi1>
            } else {
            }
            %add3A_406 = arith.addi %add3A_394, %squeeze3A_400 : i32
            %mul3A_407 = arith.constant 32 : i32
            %mul3A_408 = arith.muli %scan3A_183, %mul3A_407 : i32
            %add3A_409 = arith.constant 17 : i32
            %add3A_410 = arith.addi %mul3A_408, %add3A_409 : i32
            %slice3A_411 = vector.extract_strided_slice %get3A_205 {offsets = [1], sizes = [1], strides = [1]} : vector<16xi32> to vector<1xi32>
            %squeeze3A_412 = vector.extract %slice3A_411[0] : i32 from vector<1xi32>
            %gt3A_413 = arith.constant 0 : i32
            %gt3A_414 = arith.cmpi sgt, %squeeze3A_412, %gt3A_413 : i32
            %convert_element_type3A_415 = arith.extui %gt3A_414 : i1 to i32
            %cond3A_416 = arith.constant 0 : i32
            %cond3A_417 = arith.cmpi ne, %convert_element_type3A_415, %cond3A_416 : i32
            scf.if %cond3A_417 {
              %mul3A_590 = arith.constant 16 : i32
              %mul3A_591 = arith.muli %add3A_410, %mul3A_590 : i32
              %add3A_592 = arith.addi %mul3A_150, %mul3A_591 : i32
              %get3A_593 = arith.index_cast %add3A_592 : i32 to index
              %get3A_594 = tpu.vector_load %arg9[%get3A_593] {strides = array<i32>} : memref<40960xi32, #tpu.memory_space<vmem>>, vector<16xi32>,
              %shift_right_arithmetic3A_595 = vector.broadcast %and3A_152 : i32 to vector<16xi32>
              %shift_right_arithmetic3A_596 = arith.shrsi %get3A_594, %shift_right_arithmetic3A_595 : vector<16xi32>
              %and3A_597 = arith.constant 1 : i32
              %and3A_598 = vector.broadcast %and3A_597 : i32 to vector<16xi32>
              %and3A_599 = arith.andi %shift_right_arithmetic3A_596, %and3A_598 : vector<16xi32>
              %eq3A_600 = arith.constant 1 : i32
              %eq3A_601 = vector.broadcast %eq3A_600 : i32 to vector<16xi32>
              %eq3A_602 = arith.cmpi eq, %and3A_599, %eq3A_601 : vector<16xi32>
              %mul3A_603 = arith.constant 16 : i32
              %mul3A_604 = arith.muli %add3A_410, %mul3A_603 : i32
              %add3A_605 = vector.broadcast %mul3A_604 : i32 to vector<16xi32>
              %add3A_606 = arith.addi %iota3A, %add3A_605 : vector<16xi32>
              %min3A_607 = arith.constant 32 : i32
              %min3A_608 = arith.minsi %add3A_406, %min3A_607 : i32
              %swap3A_609 = arith.index_cast %min3A_608 : i32 to index
              %swap3A_610 = tpu.vector_load %arg11[%swap3A_609] masked %eq3A_602 {strides = array<i32>} : memref<48xi32, #tpu.memory_space<vmem>>, vector<16xi32>, vector<16xi1>
              tpu.vector_store %arg11[%swap3A_609], %add3A_606 masked %eq3A_602 {strides = array<i32>} : memref<48xi32, #tpu.memory_space<vmem>>, vector<16xi32>, vector<16xi1>
            } else {
            }
            %add3A_418 = arith.addi %add3A_406, %squeeze3A_412 : i32
            %mul3A_419 = arith.constant 32 : i32
            %mul3A_420 = arith.muli %scan3A_183, %mul3A_419 : i32
            %add3A_421 = arith.constant 18 : i32
            %add3A_422 = arith.addi %mul3A_420, %add3A_421 : i32
            %slice3A_423 = vector.extract_strided_slice %get3A_205 {offsets = [2], sizes = [1], strides = [1]} : vector<16xi32> to vector<1xi32>
            %squeeze3A_424 = vector.extract %slice3A_423[0] : i32 from vector<1xi32>
            %gt3A_425 = arith.constant 0 : i32
            %gt3A_426 = arith.cmpi sgt, %squeeze3A_424, %gt3A_425 : i32
            %convert_element_type3A_427 = arith.extui %gt3A_426 : i1 to i32
            %cond3A_428 = arith.constant 0 : i32
            %cond3A_429 = arith.cmpi ne, %convert_element_type3A_427, %cond3A_428 : i32
            scf.if %cond3A_429 {
              %mul3A_590 = arith.constant 16 : i32
              %mul3A_591 = arith.muli %add3A_422, %mul3A_590 : i32
              %add3A_592 = arith.addi %mul3A_150, %mul3A_591 : i32
              %get3A_593 = arith.index_cast %add3A_592 : i32 to index
              %get3A_594 = tpu.vector_load %arg9[%get3A_593] {strides = array<i32>} : memref<40960xi32, #tpu.memory_space<vmem>>, vector<16xi32>,
              %shift_right_arithmetic3A_595 = vector.broadcast %and3A_152 : i32 to vector<16xi32>
              %shift_right_arithmetic3A_596 = arith.shrsi %get3A_594, %shift_right_arithmetic3A_595 : vector<16xi32>
              %and3A_597 = arith.constant 1 : i32
              %and3A_598 = vector.broadcast %and3A_597 : i32 to vector<16xi32>
              %and3A_599 = arith.andi %shift_right_arithmetic3A_596, %and3A_598 : vector<16xi32>
              %eq3A_600 = arith.constant 1 : i32
              %eq3A_601 = vector.broadcast %eq3A_600 : i32 to vector<16xi32>
              %eq3A_602 = arith.cmpi eq, %and3A_599, %eq3A_601 : vector<16xi32>
              %mul3A_603 = arith.constant 16 : i32
              %mul3A_604 = arith.muli %add3A_422, %mul3A_603 : i32
              %add3A_605 = vector.broadcast %mul3A_604 : i32 to vector<16xi32>
              %add3A_606 = arith.addi %iota3A, %add3A_605 : vector<16xi32>
              %min3A_607 = arith.constant 32 : i32
              %min3A_608 = arith.minsi %add3A_418, %min3A_607 : i32
              %swap3A_609 = arith.index_cast %min3A_608 : i32 to index
              %swap3A_610 = tpu.vector_load %arg11[%swap3A_609] masked %eq3A_602 {strides = array<i32>} : memref<48xi32, #tpu.memory_space<vmem>>, vector<16xi32>, vector<16xi1>
              tpu.vector_store %arg11[%swap3A_609], %add3A_606 masked %eq3A_602 {strides = array<i32>} : memref<48xi32, #tpu.memory_space<vmem>>, vector<16xi32>, vector<16xi1>
            } else {
            }
            %add3A_430 = arith.addi %add3A_418, %squeeze3A_424 : i32
            %mul3A_431 = arith.constant 32 : i32
            %mul3A_432 = arith.muli %scan3A_183, %mul3A_431 : i32
            %add3A_433 = arith.constant 19 : i32
            %add3A_434 = arith.addi %mul3A_432, %add3A_433 : i32
            %slice3A_435 = vector.extract_strided_slice %get3A_205 {offsets = [3], sizes = [1], strides = [1]} : vector<16xi32> to vector<1xi32>
            %squeeze3A_436 = vector.extract %slice3A_435[0] : i32 from vector<1xi32>
            %gt3A_437 = arith.constant 0 : i32
            %gt3A_438 = arith.cmpi sgt, %squeeze3A_436, %gt3A_437 : i32
            %convert_element_type3A_439 = arith.extui %gt3A_438 : i1 to i32
            %cond3A_440 = arith.constant 0 : i32
            %cond3A_441 = arith.cmpi ne, %convert_element_type3A_439, %cond3A_440 : i32
            scf.if %cond3A_441 {
              %mul3A_590 = arith.constant 16 : i32
              %mul3A_591 = arith.muli %add3A_434, %mul3A_590 : i32
              %add3A_592 = arith.addi %mul3A_150, %mul3A_591 : i32
              %get3A_593 = arith.index_cast %add3A_592 : i32 to index
              %get3A_594 = tpu.vector_load %arg9[%get3A_593] {strides = array<i32>} : memref<40960xi32, #tpu.memory_space<vmem>>, vector<16xi32>,
              %shift_right_arithmetic3A_595 = vector.broadcast %and3A_152 : i32 to vector<16xi32>
              %shift_right_arithmetic3A_596 = arith.shrsi %get3A_594, %shift_right_arithmetic3A_595 : vector<16xi32>
              %and3A_597 = arith.constant 1 : i32
              %and3A_598 = vector.broadcast %and3A_597 : i32 to vector<16xi32>
              %and3A_599 = arith.andi %shift_right_arithmetic3A_596, %and3A_598 : vector<16xi32>
              %eq3A_600 = arith.constant 1 : i32
              %eq3A_601 = vector.broadcast %eq3A_600 : i32 to vector<16xi32>
              %eq3A_602 = arith.cmpi eq, %and3A_599, %eq3A_601 : vector<16xi32>
              %mul3A_603 = arith.constant 16 : i32
              %mul3A_604 = arith.muli %add3A_434, %mul3A_603 : i32
              %add3A_605 = vector.broadcast %mul3A_604 : i32 to vector<16xi32>
              %add3A_606 = arith.addi %iota3A, %add3A_605 : vector<16xi32>
              %min3A_607 = arith.constant 32 : i32
              %min3A_608 = arith.minsi %add3A_430, %min3A_607 : i32
              %swap3A_609 = arith.index_cast %min3A_608 : i32 to index
              %swap3A_610 = tpu.vector_load %arg11[%swap3A_609] masked %eq3A_602 {strides = array<i32>} : memref<48xi32, #tpu.memory_space<vmem>>, vector<16xi32>, vector<16xi1>
              tpu.vector_store %arg11[%swap3A_609], %add3A_606 masked %eq3A_602 {strides = array<i32>} : memref<48xi32, #tpu.memory_space<vmem>>, vector<16xi32>, vector<16xi1>
            } else {
            }
            %add3A_442 = arith.addi %add3A_430, %squeeze3A_436 : i32
            %mul3A_443 = arith.constant 32 : i32
            %mul3A_444 = arith.muli %scan3A_183, %mul3A_443 : i32
            %add3A_445 = arith.constant 20 : i32
            %add3A_446 = arith.addi %mul3A_444, %add3A_445 : i32
            %slice3A_447 = vector.extract_strided_slice %get3A_205 {offsets = [4], sizes = [1], strides = [1]} : vector<16xi32> to vector<1xi32>
            %squeeze3A_448 = vector.extract %slice3A_447[0] : i32 from vector<1xi32>
            %gt3A_449 = arith.constant 0 : i32
            %gt3A_450 = arith.cmpi sgt, %squeeze3A_448, %gt3A_449 : i32
            %convert_element_type3A_451 = arith.extui %gt3A_450 : i1 to i32
            %cond3A_452 = arith.constant 0 : i32
            %cond3A_453 = arith.cmpi ne, %convert_element_type3A_451, %cond3A_452 : i32
            scf.if %cond3A_453 {
              %mul3A_590 = arith.constant 16 : i32
              %mul3A_591 = arith.muli %add3A_446, %mul3A_590 : i32
              %add3A_592 = arith.addi %mul3A_150, %mul3A_591 : i32
              %get3A_593 = arith.index_cast %add3A_592 : i32 to index
              %get3A_594 = tpu.vector_load %arg9[%get3A_593] {strides = array<i32>} : memref<40960xi32, #tpu.memory_space<vmem>>, vector<16xi32>,
              %shift_right_arithmetic3A_595 = vector.broadcast %and3A_152 : i32 to vector<16xi32>
              %shift_right_arithmetic3A_596 = arith.shrsi %get3A_594, %shift_right_arithmetic3A_595 : vector<16xi32>
              %and3A_597 = arith.constant 1 : i32
              %and3A_598 = vector.broadcast %and3A_597 : i32 to vector<16xi32>
              %and3A_599 = arith.andi %shift_right_arithmetic3A_596, %and3A_598 : vector<16xi32>
              %eq3A_600 = arith.constant 1 : i32
              %eq3A_601 = vector.broadcast %eq3A_600 : i32 to vector<16xi32>
              %eq3A_602 = arith.cmpi eq, %and3A_599, %eq3A_601 : vector<16xi32>
              %mul3A_603 = arith.constant 16 : i32
              %mul3A_604 = arith.muli %add3A_446, %mul3A_603 : i32
              %add3A_605 = vector.broadcast %mul3A_604 : i32 to vector<16xi32>
              %add3A_606 = arith.addi %iota3A, %add3A_605 : vector<16xi32>
              %min3A_607 = arith.constant 32 : i32
              %min3A_608 = arith.minsi %add3A_442, %min3A_607 : i32
              %swap3A_609 = arith.index_cast %min3A_608 : i32 to index
              %swap3A_610 = tpu.vector_load %arg11[%swap3A_609] masked %eq3A_602 {strides = array<i32>} : memref<48xi32, #tpu.memory_space<vmem>>, vector<16xi32>, vector<16xi1>
              tpu.vector_store %arg11[%swap3A_609], %add3A_606 masked %eq3A_602 {strides = array<i32>} : memref<48xi32, #tpu.memory_space<vmem>>, vector<16xi32>, vector<16xi1>
            } else {
            }
            %add3A_454 = arith.addi %add3A_442, %squeeze3A_448 : i32
            %mul3A_455 = arith.constant 32 : i32
            %mul3A_456 = arith.muli %scan3A_183, %mul3A_455 : i32
            %add3A_457 = arith.constant 21 : i32
            %add3A_458 = arith.addi %mul3A_456, %add3A_457 : i32
            %slice3A_459 = vector.extract_strided_slice %get3A_205 {offsets = [5], sizes = [1], strides = [1]} : vector<16xi32> to vector<1xi32>
            %squeeze3A_460 = vector.extract %slice3A_459[0] : i32 from vector<1xi32>
            %gt3A_461 = arith.constant 0 : i32
            %gt3A_462 = arith.cmpi sgt, %squeeze3A_460, %gt3A_461 : i32
            %convert_element_type3A_463 = arith.extui %gt3A_462 : i1 to i32
            %cond3A_464 = arith.constant 0 : i32
            %cond3A_465 = arith.cmpi ne, %convert_element_type3A_463, %cond3A_464 : i32
            scf.if %cond3A_465 {
              %mul3A_590 = arith.constant 16 : i32
              %mul3A_591 = arith.muli %add3A_458, %mul3A_590 : i32
              %add3A_592 = arith.addi %mul3A_150, %mul3A_591 : i32
              %get3A_593 = arith.index_cast %add3A_592 : i32 to index
              %get3A_594 = tpu.vector_load %arg9[%get3A_593] {strides = array<i32>} : memref<40960xi32, #tpu.memory_space<vmem>>, vector<16xi32>,
              %shift_right_arithmetic3A_595 = vector.broadcast %and3A_152 : i32 to vector<16xi32>
              %shift_right_arithmetic3A_596 = arith.shrsi %get3A_594, %shift_right_arithmetic3A_595 : vector<16xi32>
              %and3A_597 = arith.constant 1 : i32
              %and3A_598 = vector.broadcast %and3A_597 : i32 to vector<16xi32>
              %and3A_599 = arith.andi %shift_right_arithmetic3A_596, %and3A_598 : vector<16xi32>
              %eq3A_600 = arith.constant 1 : i32
              %eq3A_601 = vector.broadcast %eq3A_600 : i32 to vector<16xi32>
              %eq3A_602 = arith.cmpi eq, %and3A_599, %eq3A_601 : vector<16xi32>
              %mul3A_603 = arith.constant 16 : i32
              %mul3A_604 = arith.muli %add3A_458, %mul3A_603 : i32
              %add3A_605 = vector.broadcast %mul3A_604 : i32 to vector<16xi32>
              %add3A_606 = arith.addi %iota3A, %add3A_605 : vector<16xi32>
              %min3A_607 = arith.constant 32 : i32
              %min3A_608 = arith.minsi %add3A_454, %min3A_607 : i32
              %swap3A_609 = arith.index_cast %min3A_608 : i32 to index
              %swap3A_610 = tpu.vector_load %arg11[%swap3A_609] masked %eq3A_602 {strides = array<i32>} : memref<48xi32, #tpu.memory_space<vmem>>, vector<16xi32>, vector<16xi1>
              tpu.vector_store %arg11[%swap3A_609], %add3A_606 masked %eq3A_602 {strides = array<i32>} : memref<48xi32, #tpu.memory_space<vmem>>, vector<16xi32>, vector<16xi1>
            } else {
            }
            %add3A_466 = arith.addi %add3A_454, %squeeze3A_460 : i32
            %mul3A_467 = arith.constant 32 : i32
            %mul3A_468 = arith.muli %scan3A_183, %mul3A_467 : i32
            %add3A_469 = arith.constant 22 : i32
            %add3A_470 = arith.addi %mul3A_468, %add3A_469 : i32
            %slice3A_471 = vector.extract_strided_slice %get3A_205 {offsets = [6], sizes = [1], strides = [1]} : vector<16xi32> to vector<1xi32>
            %squeeze3A_472 = vector.extract %slice3A_471[0] : i32 from vector<1xi32>
            %gt3A_473 = arith.constant 0 : i32
            %gt3A_474 = arith.cmpi sgt, %squeeze3A_472, %gt3A_473 : i32
            %convert_element_type3A_475 = arith.extui %gt3A_474 : i1 to i32
            %cond3A_476 = arith.constant 0 : i32
            %cond3A_477 = arith.cmpi ne, %convert_element_type3A_475, %cond3A_476 : i32
            scf.if %cond3A_477 {
              %mul3A_590 = arith.constant 16 : i32
              %mul3A_591 = arith.muli %add3A_470, %mul3A_590 : i32
              %add3A_592 = arith.addi %mul3A_150, %mul3A_591 : i32
              %get3A_593 = arith.index_cast %add3A_592 : i32 to index
              %get3A_594 = tpu.vector_load %arg9[%get3A_593] {strides = array<i32>} : memref<40960xi32, #tpu.memory_space<vmem>>, vector<16xi32>,
              %shift_right_arithmetic3A_595 = vector.broadcast %and3A_152 : i32 to vector<16xi32>
              %shift_right_arithmetic3A_596 = arith.shrsi %get3A_594, %shift_right_arithmetic3A_595 : vector<16xi32>
              %and3A_597 = arith.constant 1 : i32
              %and3A_598 = vector.broadcast %and3A_597 : i32 to vector<16xi32>
              %and3A_599 = arith.andi %shift_right_arithmetic3A_596, %and3A_598 : vector<16xi32>
              %eq3A_600 = arith.constant 1 : i32
              %eq3A_601 = vector.broadcast %eq3A_600 : i32 to vector<16xi32>
              %eq3A_602 = arith.cmpi eq, %and3A_599, %eq3A_601 : vector<16xi32>
              %mul3A_603 = arith.constant 16 : i32
              %mul3A_604 = arith.muli %add3A_470, %mul3A_603 : i32
              %add3A_605 = vector.broadcast %mul3A_604 : i32 to vector<16xi32>
              %add3A_606 = arith.addi %iota3A, %add3A_605 : vector<16xi32>
              %min3A_607 = arith.constant 32 : i32
              %min3A_608 = arith.minsi %add3A_466, %min3A_607 : i32
              %swap3A_609 = arith.index_cast %min3A_608 : i32 to index
              %swap3A_610 = tpu.vector_load %arg11[%swap3A_609] masked %eq3A_602 {strides = array<i32>} : memref<48xi32, #tpu.memory_space<vmem>>, vector<16xi32>, vector<16xi1>
              tpu.vector_store %arg11[%swap3A_609], %add3A_606 masked %eq3A_602 {strides = array<i32>} : memref<48xi32, #tpu.memory_space<vmem>>, vector<16xi32>, vector<16xi1>
            } else {
            }
            %add3A_478 = arith.addi %add3A_466, %squeeze3A_472 : i32
            %mul3A_479 = arith.constant 32 : i32
            %mul3A_480 = arith.muli %scan3A_183, %mul3A_479 : i32
            %add3A_481 = arith.constant 23 : i32
            %add3A_482 = arith.addi %mul3A_480, %add3A_481 : i32
            %slice3A_483 = vector.extract_strided_slice %get3A_205 {offsets = [7], sizes = [1], strides = [1]} : vector<16xi32> to vector<1xi32>
            %squeeze3A_484 = vector.extract %slice3A_483[0] : i32 from vector<1xi32>
            %gt3A_485 = arith.constant 0 : i32
            %gt3A_486 = arith.cmpi sgt, %squeeze3A_484, %gt3A_485 : i32
            %convert_element_type3A_487 = arith.extui %gt3A_486 : i1 to i32
            %cond3A_488 = arith.constant 0 : i32
            %cond3A_489 = arith.cmpi ne, %convert_element_type3A_487, %cond3A_488 : i32
            scf.if %cond3A_489 {
              %mul3A_590 = arith.constant 16 : i32
              %mul3A_591 = arith.muli %add3A_482, %mul3A_590 : i32
              %add3A_592 = arith.addi %mul3A_150, %mul3A_591 : i32
              %get3A_593 = arith.index_cast %add3A_592 : i32 to index
              %get3A_594 = tpu.vector_load %arg9[%get3A_593] {strides = array<i32>} : memref<40960xi32, #tpu.memory_space<vmem>>, vector<16xi32>,
              %shift_right_arithmetic3A_595 = vector.broadcast %and3A_152 : i32 to vector<16xi32>
              %shift_right_arithmetic3A_596 = arith.shrsi %get3A_594, %shift_right_arithmetic3A_595 : vector<16xi32>
              %and3A_597 = arith.constant 1 : i32
              %and3A_598 = vector.broadcast %and3A_597 : i32 to vector<16xi32>
              %and3A_599 = arith.andi %shift_right_arithmetic3A_596, %and3A_598 : vector<16xi32>
              %eq3A_600 = arith.constant 1 : i32
              %eq3A_601 = vector.broadcast %eq3A_600 : i32 to vector<16xi32>
              %eq3A_602 = arith.cmpi eq, %and3A_599, %eq3A_601 : vector<16xi32>
              %mul3A_603 = arith.constant 16 : i32
              %mul3A_604 = arith.muli %add3A_482, %mul3A_603 : i32
              %add3A_605 = vector.broadcast %mul3A_604 : i32 to vector<16xi32>
              %add3A_606 = arith.addi %iota3A, %add3A_605 : vector<16xi32>
              %min3A_607 = arith.constant 32 : i32
              %min3A_608 = arith.minsi %add3A_478, %min3A_607 : i32
              %swap3A_609 = arith.index_cast %min3A_608 : i32 to index
              %swap3A_610 = tpu.vector_load %arg11[%swap3A_609] masked %eq3A_602 {strides = array<i32>} : memref<48xi32, #tpu.memory_space<vmem>>, vector<16xi32>, vector<16xi1>
              tpu.vector_store %arg11[%swap3A_609], %add3A_606 masked %eq3A_602 {strides = array<i32>} : memref<48xi32, #tpu.memory_space<vmem>>, vector<16xi32>, vector<16xi1>
            } else {
            }
            %add3A_490 = arith.addi %add3A_478, %squeeze3A_484 : i32
            %mul3A_491 = arith.constant 32 : i32
            %mul3A_492 = arith.muli %scan3A_183, %mul3A_491 : i32
            %add3A_493 = arith.constant 24 : i32
            %add3A_494 = arith.addi %mul3A_492, %add3A_493 : i32
            %slice3A_495 = vector.extract_strided_slice %get3A_205 {offsets = [8], sizes = [1], strides = [1]} : vector<16xi32> to vector<1xi32>
            %squeeze3A_496 = vector.extract %slice3A_495[0] : i32 from vector<1xi32>
            %gt3A_497 = arith.constant 0 : i32
            %gt3A_498 = arith.cmpi sgt, %squeeze3A_496, %gt3A_497 : i32
            %convert_element_type3A_499 = arith.extui %gt3A_498 : i1 to i32
            %cond3A_500 = arith.constant 0 : i32
            %cond3A_501 = arith.cmpi ne, %convert_element_type3A_499, %cond3A_500 : i32
            scf.if %cond3A_501 {
              %mul3A_590 = arith.constant 16 : i32
              %mul3A_591 = arith.muli %add3A_494, %mul3A_590 : i32
              %add3A_592 = arith.addi %mul3A_150, %mul3A_591 : i32
              %get3A_593 = arith.index_cast %add3A_592 : i32 to index
              %get3A_594 = tpu.vector_load %arg9[%get3A_593] {strides = array<i32>} : memref<40960xi32, #tpu.memory_space<vmem>>, vector<16xi32>,
              %shift_right_arithmetic3A_595 = vector.broadcast %and3A_152 : i32 to vector<16xi32>
              %shift_right_arithmetic3A_596 = arith.shrsi %get3A_594, %shift_right_arithmetic3A_595 : vector<16xi32>
              %and3A_597 = arith.constant 1 : i32
              %and3A_598 = vector.broadcast %and3A_597 : i32 to vector<16xi32>
              %and3A_599 = arith.andi %shift_right_arithmetic3A_596, %and3A_598 : vector<16xi32>
              %eq3A_600 = arith.constant 1 : i32
              %eq3A_601 = vector.broadcast %eq3A_600 : i32 to vector<16xi32>
              %eq3A_602 = arith.cmpi eq, %and3A_599, %eq3A_601 : vector<16xi32>
              %mul3A_603 = arith.constant 16 : i32
              %mul3A_604 = arith.muli %add3A_494, %mul3A_603 : i32
              %add3A_605 = vector.broadcast %mul3A_604 : i32 to vector<16xi32>
              %add3A_606 = arith.addi %iota3A, %add3A_605 : vector<16xi32>
              %min3A_607 = arith.constant 32 : i32
              %min3A_608 = arith.minsi %add3A_490, %min3A_607 : i32
              %swap3A_609 = arith.index_cast %min3A_608 : i32 to index
              %swap3A_610 = tpu.vector_load %arg11[%swap3A_609] masked %eq3A_602 {strides = array<i32>} : memref<48xi32, #tpu.memory_space<vmem>>, vector<16xi32>, vector<16xi1>
              tpu.vector_store %arg11[%swap3A_609], %add3A_606 masked %eq3A_602 {strides = array<i32>} : memref<48xi32, #tpu.memory_space<vmem>>, vector<16xi32>, vector<16xi1>
            } else {
            }
            %add3A_502 = arith.addi %add3A_490, %squeeze3A_496 : i32
            %mul3A_503 = arith.constant 32 : i32
            %mul3A_504 = arith.muli %scan3A_183, %mul3A_503 : i32
            %add3A_505 = arith.constant 25 : i32
            %add3A_506 = arith.addi %mul3A_504, %add3A_505 : i32
            %slice3A_507 = vector.extract_strided_slice %get3A_205 {offsets = [9], sizes = [1], strides = [1]} : vector<16xi32> to vector<1xi32>
            %squeeze3A_508 = vector.extract %slice3A_507[0] : i32 from vector<1xi32>
            %gt3A_509 = arith.constant 0 : i32
            %gt3A_510 = arith.cmpi sgt, %squeeze3A_508, %gt3A_509 : i32
            %convert_element_type3A_511 = arith.extui %gt3A_510 : i1 to i32
            %cond3A_512 = arith.constant 0 : i32
            %cond3A_513 = arith.cmpi ne, %convert_element_type3A_511, %cond3A_512 : i32
            scf.if %cond3A_513 {
              %mul3A_590 = arith.constant 16 : i32
              %mul3A_591 = arith.muli %add3A_506, %mul3A_590 : i32
              %add3A_592 = arith.addi %mul3A_150, %mul3A_591 : i32
              %get3A_593 = arith.index_cast %add3A_592 : i32 to index
              %get3A_594 = tpu.vector_load %arg9[%get3A_593] {strides = array<i32>} : memref<40960xi32, #tpu.memory_space<vmem>>, vector<16xi32>,
              %shift_right_arithmetic3A_595 = vector.broadcast %and3A_152 : i32 to vector<16xi32>
              %shift_right_arithmetic3A_596 = arith.shrsi %get3A_594, %shift_right_arithmetic3A_595 : vector<16xi32>
              %and3A_597 = arith.constant 1 : i32
              %and3A_598 = vector.broadcast %and3A_597 : i32 to vector<16xi32>
              %and3A_599 = arith.andi %shift_right_arithmetic3A_596, %and3A_598 : vector<16xi32>
              %eq3A_600 = arith.constant 1 : i32
              %eq3A_601 = vector.broadcast %eq3A_600 : i32 to vector<16xi32>
              %eq3A_602 = arith.cmpi eq, %and3A_599, %eq3A_601 : vector<16xi32>
              %mul3A_603 = arith.constant 16 : i32
              %mul3A_604 = arith.muli %add3A_506, %mul3A_603 : i32
              %add3A_605 = vector.broadcast %mul3A_604 : i32 to vector<16xi32>
              %add3A_606 = arith.addi %iota3A, %add3A_605 : vector<16xi32>
              %min3A_607 = arith.constant 32 : i32
              %min3A_608 = arith.minsi %add3A_502, %min3A_607 : i32
              %swap3A_609 = arith.index_cast %min3A_608 : i32 to index
              %swap3A_610 = tpu.vector_load %arg11[%swap3A_609] masked %eq3A_602 {strides = array<i32>} : memref<48xi32, #tpu.memory_space<vmem>>, vector<16xi32>, vector<16xi1>
              tpu.vector_store %arg11[%swap3A_609], %add3A_606 masked %eq3A_602 {strides = array<i32>} : memref<48xi32, #tpu.memory_space<vmem>>, vector<16xi32>, vector<16xi1>
            } else {
            }
            %add3A_514 = arith.addi %add3A_502, %squeeze3A_508 : i32
            %mul3A_515 = arith.constant 32 : i32
            %mul3A_516 = arith.muli %scan3A_183, %mul3A_515 : i32
            %add3A_517 = arith.constant 26 : i32
            %add3A_518 = arith.addi %mul3A_516, %add3A_517 : i32
            %slice3A_519 = vector.extract_strided_slice %get3A_205 {offsets = [10], sizes = [1], strides = [1]} : vector<16xi32> to vector<1xi32>
            %squeeze3A_520 = vector.extract %slice3A_519[0] : i32 from vector<1xi32>
            %gt3A_521 = arith.constant 0 : i32
            %gt3A_522 = arith.cmpi sgt, %squeeze3A_520, %gt3A_521 : i32
            %convert_element_type3A_523 = arith.extui %gt3A_522 : i1 to i32
            %cond3A_524 = arith.constant 0 : i32
            %cond3A_525 = arith.cmpi ne, %convert_element_type3A_523, %cond3A_524 : i32
            scf.if %cond3A_525 {
              %mul3A_590 = arith.constant 16 : i32
              %mul3A_591 = arith.muli %add3A_518, %mul3A_590 : i32
              %add3A_592 = arith.addi %mul3A_150, %mul3A_591 : i32
              %get3A_593 = arith.index_cast %add3A_592 : i32 to index
              %get3A_594 = tpu.vector_load %arg9[%get3A_593] {strides = array<i32>} : memref<40960xi32, #tpu.memory_space<vmem>>, vector<16xi32>,
              %shift_right_arithmetic3A_595 = vector.broadcast %and3A_152 : i32 to vector<16xi32>
              %shift_right_arithmetic3A_596 = arith.shrsi %get3A_594, %shift_right_arithmetic3A_595 : vector<16xi32>
              %and3A_597 = arith.constant 1 : i32
              %and3A_598 = vector.broadcast %and3A_597 : i32 to vector<16xi32>
              %and3A_599 = arith.andi %shift_right_arithmetic3A_596, %and3A_598 : vector<16xi32>
              %eq3A_600 = arith.constant 1 : i32
              %eq3A_601 = vector.broadcast %eq3A_600 : i32 to vector<16xi32>
              %eq3A_602 = arith.cmpi eq, %and3A_599, %eq3A_601 : vector<16xi32>
              %mul3A_603 = arith.constant 16 : i32
              %mul3A_604 = arith.muli %add3A_518, %mul3A_603 : i32
              %add3A_605 = vector.broadcast %mul3A_604 : i32 to vector<16xi32>
              %add3A_606 = arith.addi %iota3A, %add3A_605 : vector<16xi32>
              %min3A_607 = arith.constant 32 : i32
              %min3A_608 = arith.minsi %add3A_514, %min3A_607 : i32
              %swap3A_609 = arith.index_cast %min3A_608 : i32 to index
              %swap3A_610 = tpu.vector_load %arg11[%swap3A_609] masked %eq3A_602 {strides = array<i32>} : memref<48xi32, #tpu.memory_space<vmem>>, vector<16xi32>, vector<16xi1>
              tpu.vector_store %arg11[%swap3A_609], %add3A_606 masked %eq3A_602 {strides = array<i32>} : memref<48xi32, #tpu.memory_space<vmem>>, vector<16xi32>, vector<16xi1>
            } else {
            }
            %add3A_526 = arith.addi %add3A_514, %squeeze3A_520 : i32
            %mul3A_527 = arith.constant 32 : i32
            %mul3A_528 = arith.muli %scan3A_183, %mul3A_527 : i32
            %add3A_529 = arith.constant 27 : i32
            %add3A_530 = arith.addi %mul3A_528, %add3A_529 : i32
            %slice3A_531 = vector.extract_strided_slice %get3A_205 {offsets = [11], sizes = [1], strides = [1]} : vector<16xi32> to vector<1xi32>
            %squeeze3A_532 = vector.extract %slice3A_531[0] : i32 from vector<1xi32>
            %gt3A_533 = arith.constant 0 : i32
            %gt3A_534 = arith.cmpi sgt, %squeeze3A_532, %gt3A_533 : i32
            %convert_element_type3A_535 = arith.extui %gt3A_534 : i1 to i32
            %cond3A_536 = arith.constant 0 : i32
            %cond3A_537 = arith.cmpi ne, %convert_element_type3A_535, %cond3A_536 : i32
            scf.if %cond3A_537 {
              %mul3A_590 = arith.constant 16 : i32
              %mul3A_591 = arith.muli %add3A_530, %mul3A_590 : i32
              %add3A_592 = arith.addi %mul3A_150, %mul3A_591 : i32
              %get3A_593 = arith.index_cast %add3A_592 : i32 to index
              %get3A_594 = tpu.vector_load %arg9[%get3A_593] {strides = array<i32>} : memref<40960xi32, #tpu.memory_space<vmem>>, vector<16xi32>,
              %shift_right_arithmetic3A_595 = vector.broadcast %and3A_152 : i32 to vector<16xi32>
              %shift_right_arithmetic3A_596 = arith.shrsi %get3A_594, %shift_right_arithmetic3A_595 : vector<16xi32>
              %and3A_597 = arith.constant 1 : i32
              %and3A_598 = vector.broadcast %and3A_597 : i32 to vector<16xi32>
              %and3A_599 = arith.andi %shift_right_arithmetic3A_596, %and3A_598 : vector<16xi32>
              %eq3A_600 = arith.constant 1 : i32
              %eq3A_601 = vector.broadcast %eq3A_600 : i32 to vector<16xi32>
              %eq3A_602 = arith.cmpi eq, %and3A_599, %eq3A_601 : vector<16xi32>
              %mul3A_603 = arith.constant 16 : i32
              %mul3A_604 = arith.muli %add3A_530, %mul3A_603 : i32
              %add3A_605 = vector.broadcast %mul3A_604 : i32 to vector<16xi32>
              %add3A_606 = arith.addi %iota3A, %add3A_605 : vector<16xi32>
              %min3A_607 = arith.constant 32 : i32
              %min3A_608 = arith.minsi %add3A_526, %min3A_607 : i32
              %swap3A_609 = arith.index_cast %min3A_608 : i32 to index
              %swap3A_610 = tpu.vector_load %arg11[%swap3A_609] masked %eq3A_602 {strides = array<i32>} : memref<48xi32, #tpu.memory_space<vmem>>, vector<16xi32>, vector<16xi1>
              tpu.vector_store %arg11[%swap3A_609], %add3A_606 masked %eq3A_602 {strides = array<i32>} : memref<48xi32, #tpu.memory_space<vmem>>, vector<16xi32>, vector<16xi1>
            } else {
            }
            %add3A_538 = arith.addi %add3A_526, %squeeze3A_532 : i32
            %mul3A_539 = arith.constant 32 : i32
            %mul3A_540 = arith.muli %scan3A_183, %mul3A_539 : i32
            %add3A_541 = arith.constant 28 : i32
            %add3A_542 = arith.addi %mul3A_540, %add3A_541 : i32
            %slice3A_543 = vector.extract_strided_slice %get3A_205 {offsets = [12], sizes = [1], strides = [1]} : vector<16xi32> to vector<1xi32>
            %squeeze3A_544 = vector.extract %slice3A_543[0] : i32 from vector<1xi32>
            %gt3A_545 = arith.constant 0 : i32
            %gt3A_546 = arith.cmpi sgt, %squeeze3A_544, %gt3A_545 : i32
            %convert_element_type3A_547 = arith.extui %gt3A_546 : i1 to i32
            %cond3A_548 = arith.constant 0 : i32
            %cond3A_549 = arith.cmpi ne, %convert_element_type3A_547, %cond3A_548 : i32
            scf.if %cond3A_549 {
              %mul3A_590 = arith.constant 16 : i32
              %mul3A_591 = arith.muli %add3A_542, %mul3A_590 : i32
              %add3A_592 = arith.addi %mul3A_150, %mul3A_591 : i32
              %get3A_593 = arith.index_cast %add3A_592 : i32 to index
              %get3A_594 = tpu.vector_load %arg9[%get3A_593] {strides = array<i32>} : memref<40960xi32, #tpu.memory_space<vmem>>, vector<16xi32>,
              %shift_right_arithmetic3A_595 = vector.broadcast %and3A_152 : i32 to vector<16xi32>
              %shift_right_arithmetic3A_596 = arith.shrsi %get3A_594, %shift_right_arithmetic3A_595 : vector<16xi32>
              %and3A_597 = arith.constant 1 : i32
              %and3A_598 = vector.broadcast %and3A_597 : i32 to vector<16xi32>
              %and3A_599 = arith.andi %shift_right_arithmetic3A_596, %and3A_598 : vector<16xi32>
              %eq3A_600 = arith.constant 1 : i32
              %eq3A_601 = vector.broadcast %eq3A_600 : i32 to vector<16xi32>
              %eq3A_602 = arith.cmpi eq, %and3A_599, %eq3A_601 : vector<16xi32>
              %mul3A_603 = arith.constant 16 : i32
              %mul3A_604 = arith.muli %add3A_542, %mul3A_603 : i32
              %add3A_605 = vector.broadcast %mul3A_604 : i32 to vector<16xi32>
              %add3A_606 = arith.addi %iota3A, %add3A_605 : vector<16xi32>
              %min3A_607 = arith.constant 32 : i32
              %min3A_608 = arith.minsi %add3A_538, %min3A_607 : i32
              %swap3A_609 = arith.index_cast %min3A_608 : i32 to index
              %swap3A_610 = tpu.vector_load %arg11[%swap3A_609] masked %eq3A_602 {strides = array<i32>} : memref<48xi32, #tpu.memory_space<vmem>>, vector<16xi32>, vector<16xi1>
              tpu.vector_store %arg11[%swap3A_609], %add3A_606 masked %eq3A_602 {strides = array<i32>} : memref<48xi32, #tpu.memory_space<vmem>>, vector<16xi32>, vector<16xi1>
            } else {
            }
            %add3A_550 = arith.addi %add3A_538, %squeeze3A_544 : i32
            %mul3A_551 = arith.constant 32 : i32
            %mul3A_552 = arith.muli %scan3A_183, %mul3A_551 : i32
            %add3A_553 = arith.constant 29 : i32
            %add3A_554 = arith.addi %mul3A_552, %add3A_553 : i32
            %slice3A_555 = vector.extract_strided_slice %get3A_205 {offsets = [13], sizes = [1], strides = [1]} : vector<16xi32> to vector<1xi32>
            %squeeze3A_556 = vector.extract %slice3A_555[0] : i32 from vector<1xi32>
            %gt3A_557 = arith.constant 0 : i32
            %gt3A_558 = arith.cmpi sgt, %squeeze3A_556, %gt3A_557 : i32
            %convert_element_type3A_559 = arith.extui %gt3A_558 : i1 to i32
            %cond3A_560 = arith.constant 0 : i32
            %cond3A_561 = arith.cmpi ne, %convert_element_type3A_559, %cond3A_560 : i32
            scf.if %cond3A_561 {
              %mul3A_590 = arith.constant 16 : i32
              %mul3A_591 = arith.muli %add3A_554, %mul3A_590 : i32
              %add3A_592 = arith.addi %mul3A_150, %mul3A_591 : i32
              %get3A_593 = arith.index_cast %add3A_592 : i32 to index
              %get3A_594 = tpu.vector_load %arg9[%get3A_593] {strides = array<i32>} : memref<40960xi32, #tpu.memory_space<vmem>>, vector<16xi32>,
              %shift_right_arithmetic3A_595 = vector.broadcast %and3A_152 : i32 to vector<16xi32>
              %shift_right_arithmetic3A_596 = arith.shrsi %get3A_594, %shift_right_arithmetic3A_595 : vector<16xi32>
              %and3A_597 = arith.constant 1 : i32
              %and3A_598 = vector.broadcast %and3A_597 : i32 to vector<16xi32>
              %and3A_599 = arith.andi %shift_right_arithmetic3A_596, %and3A_598 : vector<16xi32>
              %eq3A_600 = arith.constant 1 : i32
              %eq3A_601 = vector.broadcast %eq3A_600 : i32 to vector<16xi32>
              %eq3A_602 = arith.cmpi eq, %and3A_599, %eq3A_601 : vector<16xi32>
              %mul3A_603 = arith.constant 16 : i32
              %mul3A_604 = arith.muli %add3A_554, %mul3A_603 : i32
              %add3A_605 = vector.broadcast %mul3A_604 : i32 to vector<16xi32>
              %add3A_606 = arith.addi %iota3A, %add3A_605 : vector<16xi32>
              %min3A_607 = arith.constant 32 : i32
              %min3A_608 = arith.minsi %add3A_550, %min3A_607 : i32
              %swap3A_609 = arith.index_cast %min3A_608 : i32 to index
              %swap3A_610 = tpu.vector_load %arg11[%swap3A_609] masked %eq3A_602 {strides = array<i32>} : memref<48xi32, #tpu.memory_space<vmem>>, vector<16xi32>, vector<16xi1>
              tpu.vector_store %arg11[%swap3A_609], %add3A_606 masked %eq3A_602 {strides = array<i32>} : memref<48xi32, #tpu.memory_space<vmem>>, vector<16xi32>, vector<16xi1>
            } else {
            }
            %add3A_562 = arith.addi %add3A_550, %squeeze3A_556 : i32
            %mul3A_563 = arith.constant 32 : i32
            %mul3A_564 = arith.muli %scan3A_183, %mul3A_563 : i32
            %add3A_565 = arith.constant 30 : i32
            %add3A_566 = arith.addi %mul3A_564, %add3A_565 : i32
            %slice3A_567 = vector.extract_strided_slice %get3A_205 {offsets = [14], sizes = [1], strides = [1]} : vector<16xi32> to vector<1xi32>
            %squeeze3A_568 = vector.extract %slice3A_567[0] : i32 from vector<1xi32>
            %gt3A_569 = arith.constant 0 : i32
            %gt3A_570 = arith.cmpi sgt, %squeeze3A_568, %gt3A_569 : i32
            %convert_element_type3A_571 = arith.extui %gt3A_570 : i1 to i32
            %cond3A_572 = arith.constant 0 : i32
            %cond3A_573 = arith.cmpi ne, %convert_element_type3A_571, %cond3A_572 : i32
            scf.if %cond3A_573 {
              %mul3A_590 = arith.constant 16 : i32
              %mul3A_591 = arith.muli %add3A_566, %mul3A_590 : i32
              %add3A_592 = arith.addi %mul3A_150, %mul3A_591 : i32
              %get3A_593 = arith.index_cast %add3A_592 : i32 to index
              %get3A_594 = tpu.vector_load %arg9[%get3A_593] {strides = array<i32>} : memref<40960xi32, #tpu.memory_space<vmem>>, vector<16xi32>,
              %shift_right_arithmetic3A_595 = vector.broadcast %and3A_152 : i32 to vector<16xi32>
              %shift_right_arithmetic3A_596 = arith.shrsi %get3A_594, %shift_right_arithmetic3A_595 : vector<16xi32>
              %and3A_597 = arith.constant 1 : i32
              %and3A_598 = vector.broadcast %and3A_597 : i32 to vector<16xi32>
              %and3A_599 = arith.andi %shift_right_arithmetic3A_596, %and3A_598 : vector<16xi32>
              %eq3A_600 = arith.constant 1 : i32
              %eq3A_601 = vector.broadcast %eq3A_600 : i32 to vector<16xi32>
              %eq3A_602 = arith.cmpi eq, %and3A_599, %eq3A_601 : vector<16xi32>
              %mul3A_603 = arith.constant 16 : i32
              %mul3A_604 = arith.muli %add3A_566, %mul3A_603 : i32
              %add3A_605 = vector.broadcast %mul3A_604 : i32 to vector<16xi32>
              %add3A_606 = arith.addi %iota3A, %add3A_605 : vector<16xi32>
              %min3A_607 = arith.constant 32 : i32
              %min3A_608 = arith.minsi %add3A_562, %min3A_607 : i32
              %swap3A_609 = arith.index_cast %min3A_608 : i32 to index
              %swap3A_610 = tpu.vector_load %arg11[%swap3A_609] masked %eq3A_602 {strides = array<i32>} : memref<48xi32, #tpu.memory_space<vmem>>, vector<16xi32>, vector<16xi1>
              tpu.vector_store %arg11[%swap3A_609], %add3A_606 masked %eq3A_602 {strides = array<i32>} : memref<48xi32, #tpu.memory_space<vmem>>, vector<16xi32>, vector<16xi1>
            } else {
            }
            %add3A_574 = arith.addi %add3A_562, %squeeze3A_568 : i32
            %mul3A_575 = arith.constant 32 : i32
            %mul3A_576 = arith.muli %scan3A_183, %mul3A_575 : i32
            %add3A_577 = arith.constant 31 : i32
            %add3A_578 = arith.addi %mul3A_576, %add3A_577 : i32
            %slice3A_579 = vector.extract_strided_slice %get3A_205 {offsets = [15], sizes = [1], strides = [1]} : vector<16xi32> to vector<1xi32>
            %squeeze3A_580 = vector.extract %slice3A_579[0] : i32 from vector<1xi32>
            %gt3A_581 = arith.constant 0 : i32
            %gt3A_582 = arith.cmpi sgt, %squeeze3A_580, %gt3A_581 : i32
            %convert_element_type3A_583 = arith.extui %gt3A_582 : i1 to i32
            %cond3A_584 = arith.constant 0 : i32
            %cond3A_585 = arith.cmpi ne, %convert_element_type3A_583, %cond3A_584 : i32
            scf.if %cond3A_585 {
              %mul3A_590 = arith.constant 16 : i32
              %mul3A_591 = arith.muli %add3A_578, %mul3A_590 : i32
              %add3A_592 = arith.addi %mul3A_150, %mul3A_591 : i32
              %get3A_593 = arith.index_cast %add3A_592 : i32 to index
              %get3A_594 = tpu.vector_load %arg9[%get3A_593] {strides = array<i32>} : memref<40960xi32, #tpu.memory_space<vmem>>, vector<16xi32>,
              %shift_right_arithmetic3A_595 = vector.broadcast %and3A_152 : i32 to vector<16xi32>
              %shift_right_arithmetic3A_596 = arith.shrsi %get3A_594, %shift_right_arithmetic3A_595 : vector<16xi32>
              %and3A_597 = arith.constant 1 : i32
              %and3A_598 = vector.broadcast %and3A_597 : i32 to vector<16xi32>
              %and3A_599 = arith.andi %shift_right_arithmetic3A_596, %and3A_598 : vector<16xi32>
              %eq3A_600 = arith.constant 1 : i32
              %eq3A_601 = vector.broadcast %eq3A_600 : i32 to vector<16xi32>
              %eq3A_602 = arith.cmpi eq, %and3A_599, %eq3A_601 : vector<16xi32>
              %mul3A_603 = arith.constant 16 : i32
              %mul3A_604 = arith.muli %add3A_578, %mul3A_603 : i32
              %add3A_605 = vector.broadcast %mul3A_604 : i32 to vector<16xi32>
              %add3A_606 = arith.addi %iota3A, %add3A_605 : vector<16xi32>
              %min3A_607 = arith.constant 32 : i32
              %min3A_608 = arith.minsi %add3A_574, %min3A_607 : i32
              %swap3A_609 = arith.index_cast %min3A_608 : i32 to index
              %swap3A_610 = tpu.vector_load %arg11[%swap3A_609] masked %eq3A_602 {strides = array<i32>} : memref<48xi32, #tpu.memory_space<vmem>>, vector<16xi32>, vector<16xi1>
              tpu.vector_store %arg11[%swap3A_609], %add3A_606 masked %eq3A_602 {strides = array<i32>} : memref<48xi32, #tpu.memory_space<vmem>>, vector<16xi32>, vector<16xi1>
            } else {
            }
            %add3A_586 = arith.addi %add3A_574, %squeeze3A_580 : i32
            %swap3A_587 = arith.constant 0 : i32
            %swap3A_588 = arith.index_cast %swap3A_587 : i32 to index
            %swap3A_589 = memref.load %arg17[%swap3A_588] : memref<1xi32, #tpu.memory_space<smem>>
            memref.store %add3A_586, %arg17[%swap3A_588] : memref<1xi32, #tpu.memory_space<smem>>
          } else {
          }
        }
        %scan3A_157 = arith.constant 20 : i32
        %get3A = arith.constant 0 : index
        %get3A_158 = tpu.vector_load %arg11[%get3A] {strides = array<i32>} : memref<48xi32, #tpu.memory_space<vmem>>, vector<16xi32>,
        %swap3A_159 = arith.constant 0 : index
        %swap3A_160 = tpu.vector_load %arg12[%swap3A_159] {strides = array<i32>} : memref<32xi32, #tpu.memory_space<vmem>>, vector<16xi32>,
        tpu.vector_store %arg12[%swap3A_159], %get3A_158 {strides = array<i32>} : memref<32xi32, #tpu.memory_space<vmem>>, vector<16xi32>,
        %get3A_161 = arith.constant 16 : index
        %get3A_162 = tpu.vector_load %arg11[%get3A_161] {strides = array<i32>} : memref<48xi32, #tpu.memory_space<vmem>>, vector<16xi32>,
        %swap3A_163 = arith.constant 16 : index
        %swap3A_164 = tpu.vector_load %arg12[%swap3A_163] {strides = array<i32>} : memref<32xi32, #tpu.memory_space<vmem>>, vector<16xi32>,
        tpu.vector_store %arg12[%swap3A_163], %get3A_162 {strides = array<i32>} : memref<32xi32, #tpu.memory_space<vmem>>, vector<16xi32>,
        %sub3A_165 = arith.subi %add3A_97, %mul3A_2 : i32
        %ge3A = arith.constant 2 : i32
        %ge3A_166 = arith.cmpi sge, %sub3A_165, %ge3A : i32
        %convert_element_type3A_167 = arith.extui %ge3A_166 : i1 to i32
        %cond3A_168 = arith.constant 0 : i32
        %cond3A_169 = arith.cmpi ne, %convert_element_type3A_167, %cond3A_168 : i32
        scf.if %cond3A_169 {
          %sub3A_183 = arith.constant 2 : i32
          %sub3A_184 = arith.subi %add3A_97, %sub3A_183 : i32
          %dma_wait3A_185 = arith.constant 0 : i32
          %dma_wait3A_186 = arith.constant 0 : i32
          %dma_wait3A_187 = tpu.memref_slice %arg14[%cond3A_101, %dma_wait3A_185, %dma_wait3A_186] : memref<2x32x512xf32, #tpu.memory_space<vmem>> -> memref<1x32x512xf32, #tpu.memory_space<vmem>>
          %dma_wait3A_188 = tpu.memref_squeeze %dma_wait3A_187 : memref<1x32x512xf32, #tpu.memory_space<vmem>> -> memref<32x512xf32, #tpu.memory_space<vmem>>
          %dma_wait3A_189 = arith.constant 0 : i32
          %dma_wait3A_190 = arith.constant 0 : i32
          %dma_wait3A_191 = tpu.memref_slice %arg7[%sub3A_184, %dma_wait3A_189, %dma_wait3A_190] : memref<2560x32x512xf32, #tpu.memory_space<hbm>> -> memref<1x32x512xf32, #tpu.memory_space<hbm>>
          %dma_wait3A_192 = tpu.memref_squeeze %dma_wait3A_191 : memref<1x32x512xf32, #tpu.memory_space<hbm>> -> memref<32x512xf32, #tpu.memory_space<hbm>>
          %dma_wait3A_193 = arith.constant 0 : i32
          %dma_wait3A_194 = arith.constant 0 : i32
          %dma_wait3A_195 = tpu.memref_slice %arg7[%sub3A_184, %dma_wait3A_193, %dma_wait3A_194] : memref<2560x32x512xf32, #tpu.memory_space<hbm>> -> memref<1x32x512xf32, #tpu.memory_space<hbm>>
          %dma_wait3A_196 = tpu.memref_squeeze %dma_wait3A_195 : memref<1x32x512xf32, #tpu.memory_space<hbm>> -> memref<32x512xf32, #tpu.memory_space<hbm>>
          %dma_wait3A_197 = arith.constant 0 : i32
          %dma_wait3A_198 = arith.constant 0 : i32
          %dma_wait3A_199 = tpu.memref_slice %arg14[%cond3A_101, %dma_wait3A_197, %dma_wait3A_198] : memref<2x32x512xf32, #tpu.memory_space<vmem>> -> memref<1x32x512xf32, #tpu.memory_space<vmem>>
          %dma_wait3A_200 = tpu.memref_squeeze %dma_wait3A_199 : memref<1x32x512xf32, #tpu.memory_space<vmem>> -> memref<32x512xf32, #tpu.memory_space<vmem>>
          tpu.wait_dma2 semaphore(%arg20 : memref<!tpu.dma_semaphore, #tpu.memory_space<semaphore_mem>>) src(%dma_wait3A_200 : memref<32x512xf32, #tpu.memory_space<vmem>>) dst(%dma_wait3A_196 : memref<32x512xf32, #tpu.memory_space<hbm>>)
        } else {
        }
        %sub3A_170 = arith.subi %add3A_97, %mul3A_2 : i32
        %ge3A_171 = arith.constant 1 : i32
        %ge3A_172 = arith.cmpi sge, %sub3A_170, %ge3A_171 : i32
        %convert_element_type3A_173 = arith.extui %ge3A_172 : i1 to i32
        %cond3A_174 = arith.constant 0 : i32
        %cond3A_175 = arith.cmpi ne, %convert_element_type3A_173, %cond3A_174 : i32
        scf.if %cond3A_175 {
          %dma_wait3A_183 = arith.constant 0 : i32
          %dma_wait3A_184 = arith.constant 0 : i32
          %dma_wait3A_185 = tpu.memref_slice %arg14[%cond3A_102, %dma_wait3A_183, %dma_wait3A_184] : memref<2x32x512xf32, #tpu.memory_space<vmem>> -> memref<1x32x512xf32, #tpu.memory_space<vmem>>
          %dma_wait3A_186 = tpu.memref_squeeze %dma_wait3A_185 : memref<1x32x512xf32, #tpu.memory_space<vmem>> -> memref<32x512xf32, #tpu.memory_space<vmem>>
          %dma_wait3A_187 = arith.constant 0 : i32
          %dma_wait3A_188 = arith.constant 0 : i32
          %dma_wait3A_189 = tpu.memref_slice %arg4[%dma_wait3A_187, %dma_wait3A_188] : memref<10000x512xf32, #tpu.memory_space<hbm>> -> memref<10000x512xf32, #tpu.memory_space<hbm>>
          tpu.wait_indirect_dma semaphore(%arg19 : memref<!tpu.dma_semaphore, #tpu.memory_space<semaphore_mem>>) src(%dma_wait3A_189 : memref<10000x512xf32, #tpu.memory_space<hbm>>) dst(%dma_wait3A_186 : memref<32x512xf32, #tpu.memory_space<vmem>>)
          %sub3A_190 = arith.constant 1 : i32
          %sub3A_191 = arith.subi %add3A_97, %sub3A_190 : i32
          %dma_start3A_192 = arith.constant 0 : i32
          %dma_start3A_193 = arith.constant 0 : i32
          %dma_start3A_194 = tpu.memref_slice %arg14[%cond3A_102, %dma_start3A_192, %dma_start3A_193] : memref<2x32x512xf32, #tpu.memory_space<vmem>> -> memref<1x32x512xf32, #tpu.memory_space<vmem>>
          %dma_start3A_195 = tpu.memref_squeeze %dma_start3A_194 : memref<1x32x512xf32, #tpu.memory_space<vmem>> -> memref<32x512xf32, #tpu.memory_space<vmem>>
          %dma_start3A_196 = arith.constant 0 : i32
          %dma_start3A_197 = arith.constant 0 : i32
          %dma_start3A_198 = tpu.memref_slice %arg7[%sub3A_191, %dma_start3A_196, %dma_start3A_197] : memref<2560x32x512xf32, #tpu.memory_space<hbm>> -> memref<1x32x512xf32, #tpu.memory_space<hbm>>
          %dma_start3A_199 = tpu.memref_squeeze %dma_start3A_198 : memref<1x32x512xf32, #tpu.memory_space<hbm>> -> memref<32x512xf32, #tpu.memory_space<hbm>>
          %dma_start3A_200 = arith.constant 0 : i32
          %dma_start3A_201 = arith.constant 0 : i32
          %dma_start3A_202 = tpu.memref_slice %arg7[%sub3A_191, %dma_start3A_200, %dma_start3A_201] : memref<2560x32x512xf32, #tpu.memory_space<hbm>> -> memref<1x32x512xf32, #tpu.memory_space<hbm>>
          %dma_start3A_203 = tpu.memref_squeeze %dma_start3A_202 : memref<1x32x512xf32, #tpu.memory_space<hbm>> -> memref<32x512xf32, #tpu.memory_space<hbm>>
          %dma_start3A_204 = arith.constant 0 : i32
          %dma_start3A_205 = arith.constant 0 : i32
          %dma_start3A_206 = tpu.memref_slice %arg14[%cond3A_102, %dma_start3A_204, %dma_start3A_205] : memref<2x32x512xf32, #tpu.memory_space<vmem>> -> memref<1x32x512xf32, #tpu.memory_space<vmem>>
          %dma_start3A_207 = tpu.memref_squeeze %dma_start3A_206 : memref<1x32x512xf32, #tpu.memory_space<vmem>> -> memref<32x512xf32, #tpu.memory_space<vmem>>
          tpu.enqueue_dma source(%dma_start3A_207 : memref<32x512xf32, #tpu.memory_space<vmem>>) target(%dma_start3A_203 : memref<32x512xf32, #tpu.memory_space<hbm>>) target_semaphore(%arg20 : memref<!tpu.dma_semaphore, #tpu.memory_space<semaphore_mem>>)
        } else {
        }
        %dma_start3A_176 = arith.constant 0 : i32
        %dma_start3A_177 = arith.constant 0 : i32
        %dma_start3A_178 = tpu.memref_slice %arg14[%cond3A_101, %dma_start3A_176, %dma_start3A_177] : memref<2x32x512xf32, #tpu.memory_space<vmem>> -> memref<1x32x512xf32, #tpu.memory_space<vmem>>
        %dma_start3A_179 = tpu.memref_squeeze %dma_start3A_178 : memref<1x32x512xf32, #tpu.memory_space<vmem>> -> memref<32x512xf32, #tpu.memory_space<vmem>>
        %dma_start3A_180 = arith.constant 0 : i32
        %dma_start3A_181 = arith.constant 0 : i32
        %dma_start3A_182 = tpu.memref_slice %arg4[%dma_start3A_180, %dma_start3A_181] : memref<10000x512xf32, #tpu.memory_space<hbm>> -> memref<10000x512xf32, #tpu.memory_space<hbm>>
        tpu.enqueue_indirect_dma source(%dma_start3A_182 : memref<10000x512xf32, #tpu.memory_space<hbm>>) target(%dma_start3A_179 : memref<32x512xf32, #tpu.memory_space<vmem>>) offsets(%arg12 : memref<32xi32, #tpu.memory_space<vmem>>) semaphore(%arg19 : memref<!tpu.dma_semaphore, #tpu.memory_space<semaphore_mem>>)
      } else {
      }
      %add3A_105 = arith.constant 1 : i32
      %add3A_106 = arith.addi %add3A_97, %add3A_105 : i32
      %lt3A_107 = arith.constant 2500 : i32
      %lt3A_108 = arith.cmpi slt, %add3A_106, %lt3A_107 : i32
      %convert_element_type3A_109 = arith.extui %lt3A_108 : i1 to i32
      %cond3A_110 = arith.constant 1 : i32
      %cond3A_111 = arith.constant 0 : i32
      %cond3A_112 = arith.constant 0 : i32
      %cond3A_113 = arith.cmpi ne, %convert_element_type3A_109, %cond3A_112 : i32
      scf.if %cond3A_113 {
        %add3A_114 = arith.constant 1 : i32
        %add3A_115 = arith.addi %add3A_106, %add3A_114 : i32
        %lt3A_116 = arith.constant 2500 : i32
        %lt3A_117 = arith.cmpi slt, %add3A_115, %lt3A_116 : i32
        %add3A_118 = arith.constant 1 : i32
        %add3A_119 = arith.addi %add3A_106, %add3A_118 : i32
        %sub3A_120 = arith.subi %add3A_119, %mul3A_2 : i32
        %lt3A_121 = arith.constant 80 : i32
        %lt3A_122 = arith.cmpi slt, %sub3A_120, %lt3A_121 : i32
        %and3A_123 = arith.andi %lt3A_117, %lt3A_122 : i1
        %convert_element_type3A_124 = arith.extui %and3A_123 : i1 to i32
        %cond3A_125 = arith.constant 0 : i32
        %cond3A_126 = arith.cmpi ne, %convert_element_type3A_124, %cond3A_125 : i32
        scf.if %cond3A_126 {
          %add3A_183 = arith.constant 1 : i32
          %add3A_184 = arith.addi %add3A_106, %add3A_183 : i32
          %dma_start3A_185 = arith.constant 0 : i32
          %dma_start3A_186 = tpu.memref_slice %arg10[%dma_start3A_185] : memref<1280xi32, #tpu.memory_space<vmem>> -> memref<640xi32, #tpu.memory_space<vmem>>
          %dma_start3A_187 = arith.constant 0 : i32
          %dma_start3A_188 = tpu.memref_slice %arg3[%add3A_184, %dma_start3A_187] : memref<2560x640xi32, #tpu.memory_space<hbm>> -> memref<1x640xi32, #tpu.memory_space<hbm>>
          %dma_start3A_189 = tpu.memref_squeeze %dma_start3A_188 : memref<1x640xi32, #tpu.memory_space<hbm>> -> memref<640xi32, #tpu.memory_space<hbm>>
          %dma_start3A_190 = arith.constant 0 : i32
          %dma_start3A_191 = tpu.memref_slice %arg10[%dma_start3A_190] : memref<1280xi32, #tpu.memory_space<vmem>> -> memref<640xi32, #tpu.memory_space<vmem>>
          %dma_start3A_192 = arith.constant 0 : i32
          %dma_start3A_193 = tpu.memref_slice %arg3[%add3A_184, %dma_start3A_192] : memref<2560x640xi32, #tpu.memory_space<hbm>> -> memref<1x640xi32, #tpu.memory_space<hbm>>
          %dma_start3A_194 = tpu.memref_squeeze %dma_start3A_193 : memref<1x640xi32, #tpu.memory_space<hbm>> -> memref<640xi32, #tpu.memory_space<hbm>>
          tpu.enqueue_dma source(%dma_start3A_194 : memref<640xi32, #tpu.memory_space<hbm>>) target(%dma_start3A_191 : memref<640xi32, #tpu.memory_space<vmem>>) target_semaphore(%arg18 : memref<!tpu.dma_semaphore, #tpu.memory_space<semaphore_mem>>)
        } else {
        }
        %dma_wait3A_127 = arith.constant 640 : i32
        %dma_wait3A_128 = tpu.memref_slice %arg10[%dma_wait3A_127] : memref<1280xi32, #tpu.memory_space<vmem>> -> memref<640xi32, #tpu.memory_space<vmem>>
        %dma_wait3A_129 = arith.constant 0 : i32
        %dma_wait3A_130 = tpu.memref_slice %arg3[%add3A_106, %dma_wait3A_129] : memref<2560x640xi32, #tpu.memory_space<hbm>> -> memref<1x640xi32, #tpu.memory_space<hbm>>
        %dma_wait3A_131 = tpu.memref_squeeze %dma_wait3A_130 : memref<1x640xi32, #tpu.memory_space<hbm>> -> memref<640xi32, #tpu.memory_space<hbm>>
        %dma_wait3A_132 = arith.constant 640 : i32
        %dma_wait3A_133 = tpu.memref_slice %arg10[%dma_wait3A_132] : memref<1280xi32, #tpu.memory_space<vmem>> -> memref<640xi32, #tpu.memory_space<vmem>>
        %dma_wait3A_134 = arith.constant 0 : i32
        %dma_wait3A_135 = tpu.memref_slice %arg3[%add3A_106, %dma_wait3A_134] : memref<2560x640xi32, #tpu.memory_space<hbm>> -> memref<1x640xi32, #tpu.memory_space<hbm>>
        %dma_wait3A_136 = tpu.memref_squeeze %dma_wait3A_135 : memref<1x640xi32, #tpu.memory_space<hbm>> -> memref<640xi32, #tpu.memory_space<hbm>>
        tpu.wait_dma2 semaphore(%arg18 : memref<!tpu.dma_semaphore, #tpu.memory_space<semaphore_mem>>) src(%dma_wait3A_136 : memref<640xi32, #tpu.memory_space<hbm>>) dst(%dma_wait3A_133 : memref<640xi32, #tpu.memory_space<vmem>>)
        %swap3A = arith.constant 0 : index
        %swap3A_137 = tpu.vector_load %arg11[%swap3A] {strides = array<i32>} : memref<48xi32, #tpu.memory_space<vmem>>, vector<16xi32>,
        tpu.vector_store %arg11[%swap3A], %broadcast_in_dim3A_9 {strides = array<i32>} : memref<48xi32, #tpu.memory_space<vmem>>, vector<16xi32>,
        %swap3A_138 = arith.constant 16 : index
        %swap3A_139 = tpu.vector_load %arg11[%swap3A_138] {strides = array<i32>} : memref<48xi32, #tpu.memory_space<vmem>>, vector<16xi32>,
        tpu.vector_store %arg11[%swap3A_138], %broadcast_in_dim3A_9 {strides = array<i32>} : memref<48xi32, #tpu.memory_space<vmem>>, vector<16xi32>,
        %swap3A_140 = arith.constant 32 : index
        %swap3A_141 = tpu.vector_load %arg11[%swap3A_140] {strides = array<i32>} : memref<48xi32, #tpu.memory_space<vmem>>, vector<16xi32>,
        tpu.vector_store %arg11[%swap3A_140], %broadcast_in_dim3A_9 {strides = array<i32>} : memref<48xi32, #tpu.memory_space<vmem>>, vector<16xi32>,
        %swap3A_142 = arith.constant 0 : i32
        %swap3A_143 = arith.constant 0 : i32
        %swap3A_144 = arith.index_cast %swap3A_143 : i32 to index
        %swap3A_145 = memref.load %arg17[%swap3A_144] : memref<1xi32, #tpu.memory_space<smem>>
        memref.store %swap3A_142, %arg17[%swap3A_144] : memref<1xi32, #tpu.memory_space<smem>>
        %shift_right_arithmetic3A_146 = arith.constant 5 : i32
        %shift_right_arithmetic3A_147 = arith.shrsi %add3A_106, %shift_right_arithmetic3A_146 : i32
        %sub3A_148 = arith.subi %shift_right_arithmetic3A_147, %shift_right_arithmetic3A_3 : i32
        %mul3A_149 = arith.constant 10240 : i32
        %mul3A_150 = arith.muli %sub3A_148, %mul3A_149 : i32
        %and3A_151 = arith.constant 31 : i32
        %and3A_152 = arith.andi %add3A_106, %and3A_151 : i32
        %scan3A_153 = arith.constant 0 : i32
        %scan3A_154 = arith.constant 20 : i32
        %scan3A_155 = arith.addi %scan3A_153, %scan3A_154 : i32
        %scan3A_156 = arith.constant 1 : i32
        scf.for %scan3A_183 = %scan3A_153 to %scan3A_155 step %scan3A_156  : i32 {
          %get3A_184 = arith.constant 0 : i32
          %get3A_185 = arith.index_cast %get3A_184 : i32 to index
          %get3A_186 = memref.load %arg17[%get3A_185] : memref<1xi32, #tpu.memory_space<smem>>
          %lt3A_187 = arith.constant 32 : i32
          %lt3A_188 = arith.cmpi slt, %get3A_186, %lt3A_187 : i32
          %convert_element_type3A_189 = arith.extui %lt3A_188 : i1 to i32
          %cond3A_190 = arith.constant 0 : i32
          %cond3A_191 = arith.cmpi ne, %convert_element_type3A_189, %cond3A_190 : i32
          scf.if %cond3A_191 {
            %mul3A_192 = arith.constant 32 : i32
            %mul3A_193 = arith.muli %scan3A_183, %mul3A_192 : i32
            %add3A_194 = arith.constant 640 : i32
            %add3A_195 = arith.addi %add3A_194, %mul3A_193 : i32
            %get3A_196 = arith.index_cast %add3A_195 : i32 to index
            %get3A_197 = tpu.vector_load %arg10[%get3A_196] {strides = array<i32>} : memref<1280xi32, #tpu.memory_space<vmem>>, vector<16xi32>,
            %mul3A_198 = arith.constant 32 : i32
            %mul3A_199 = arith.muli %scan3A_183, %mul3A_198 : i32
            %add3A_200 = arith.constant 640 : i32
            %add3A_201 = arith.addi %add3A_200, %mul3A_199 : i32
            %add3A_202 = arith.constant 16 : i32
            %add3A_203 = arith.addi %add3A_201, %add3A_202 : i32
            %get3A_204 = arith.index_cast %add3A_203 : i32 to index
            %get3A_205 = tpu.vector_load %arg10[%get3A_204] {strides = array<i32>} : memref<1280xi32, #tpu.memory_space<vmem>>, vector<16xi32>,
            %mul3A_206 = arith.constant 32 : i32
            %mul3A_207 = arith.muli %scan3A_183, %mul3A_206 : i32
            %add3A_208 = arith.constant 0 : i32
            %add3A_209 = arith.addi %mul3A_207, %add3A_208 : i32
            %slice3A = vector.extract_strided_slice %get3A_197 {offsets = [0], sizes = [1], strides = [1]} : vector<16xi32> to vector<1xi32>
            %squeeze3A = vector.extract %slice3A[0] : i32 from vector<1xi32>
            %gt3A = arith.constant 0 : i32
            %gt3A_210 = arith.cmpi sgt, %squeeze3A, %gt3A : i32
            %convert_element_type3A_211 = arith.extui %gt3A_210 : i1 to i32
            %cond3A_212 = arith.constant 0 : i32
            %cond3A_213 = arith.cmpi ne, %convert_element_type3A_211, %cond3A_212 : i32
            scf.if %cond3A_213 {
              %mul3A_590 = arith.constant 16 : i32
              %mul3A_591 = arith.muli %add3A_209, %mul3A_590 : i32
              %add3A_592 = arith.addi %mul3A_150, %mul3A_591 : i32
              %get3A_593 = arith.index_cast %add3A_592 : i32 to index
              %get3A_594 = tpu.vector_load %arg9[%get3A_593] {strides = array<i32>} : memref<40960xi32, #tpu.memory_space<vmem>>, vector<16xi32>,
              %shift_right_arithmetic3A_595 = vector.broadcast %and3A_152 : i32 to vector<16xi32>
              %shift_right_arithmetic3A_596 = arith.shrsi %get3A_594, %shift_right_arithmetic3A_595 : vector<16xi32>
              %and3A_597 = arith.constant 1 : i32
              %and3A_598 = vector.broadcast %and3A_597 : i32 to vector<16xi32>
              %and3A_599 = arith.andi %shift_right_arithmetic3A_596, %and3A_598 : vector<16xi32>
              %eq3A_600 = arith.constant 1 : i32
              %eq3A_601 = vector.broadcast %eq3A_600 : i32 to vector<16xi32>
              %eq3A_602 = arith.cmpi eq, %and3A_599, %eq3A_601 : vector<16xi32>
              %mul3A_603 = arith.constant 16 : i32
              %mul3A_604 = arith.muli %add3A_209, %mul3A_603 : i32
              %add3A_605 = vector.broadcast %mul3A_604 : i32 to vector<16xi32>
              %add3A_606 = arith.addi %iota3A, %add3A_605 : vector<16xi32>
              %min3A_607 = arith.constant 32 : i32
              %min3A_608 = arith.minsi %get3A_186, %min3A_607 : i32
              %swap3A_609 = arith.index_cast %min3A_608 : i32 to index
              %swap3A_610 = tpu.vector_load %arg11[%swap3A_609] masked %eq3A_602 {strides = array<i32>} : memref<48xi32, #tpu.memory_space<vmem>>, vector<16xi32>, vector<16xi1>
              tpu.vector_store %arg11[%swap3A_609], %add3A_606 masked %eq3A_602 {strides = array<i32>} : memref<48xi32, #tpu.memory_space<vmem>>, vector<16xi32>, vector<16xi1>
            } else {
            }
            %add3A_214 = arith.addi %get3A_186, %squeeze3A : i32
            %mul3A_215 = arith.constant 32 : i32
            %mul3A_216 = arith.muli %scan3A_183, %mul3A_215 : i32
            %add3A_217 = arith.constant 1 : i32
            %add3A_218 = arith.addi %mul3A_216, %add3A_217 : i32
            %slice3A_219 = vector.extract_strided_slice %get3A_197 {offsets = [1], sizes = [1], strides = [1]} : vector<16xi32> to vector<1xi32>
            %squeeze3A_220 = vector.extract %slice3A_219[0] : i32 from vector<1xi32>
            %gt3A_221 = arith.constant 0 : i32
            %gt3A_222 = arith.cmpi sgt, %squeeze3A_220, %gt3A_221 : i32
            %convert_element_type3A_223 = arith.extui %gt3A_222 : i1 to i32
            %cond3A_224 = arith.constant 0 : i32
            %cond3A_225 = arith.cmpi ne, %convert_element_type3A_223, %cond3A_224 : i32
            scf.if %cond3A_225 {
              %mul3A_590 = arith.constant 16 : i32
              %mul3A_591 = arith.muli %add3A_218, %mul3A_590 : i32
              %add3A_592 = arith.addi %mul3A_150, %mul3A_591 : i32
              %get3A_593 = arith.index_cast %add3A_592 : i32 to index
              %get3A_594 = tpu.vector_load %arg9[%get3A_593] {strides = array<i32>} : memref<40960xi32, #tpu.memory_space<vmem>>, vector<16xi32>,
              %shift_right_arithmetic3A_595 = vector.broadcast %and3A_152 : i32 to vector<16xi32>
              %shift_right_arithmetic3A_596 = arith.shrsi %get3A_594, %shift_right_arithmetic3A_595 : vector<16xi32>
              %and3A_597 = arith.constant 1 : i32
              %and3A_598 = vector.broadcast %and3A_597 : i32 to vector<16xi32>
              %and3A_599 = arith.andi %shift_right_arithmetic3A_596, %and3A_598 : vector<16xi32>
              %eq3A_600 = arith.constant 1 : i32
              %eq3A_601 = vector.broadcast %eq3A_600 : i32 to vector<16xi32>
              %eq3A_602 = arith.cmpi eq, %and3A_599, %eq3A_601 : vector<16xi32>
              %mul3A_603 = arith.constant 16 : i32
              %mul3A_604 = arith.muli %add3A_218, %mul3A_603 : i32
              %add3A_605 = vector.broadcast %mul3A_604 : i32 to vector<16xi32>
              %add3A_606 = arith.addi %iota3A, %add3A_605 : vector<16xi32>
              %min3A_607 = arith.constant 32 : i32
              %min3A_608 = arith.minsi %add3A_214, %min3A_607 : i32
              %swap3A_609 = arith.index_cast %min3A_608 : i32 to index
              %swap3A_610 = tpu.vector_load %arg11[%swap3A_609] masked %eq3A_602 {strides = array<i32>} : memref<48xi32, #tpu.memory_space<vmem>>, vector<16xi32>, vector<16xi1>
              tpu.vector_store %arg11[%swap3A_609], %add3A_606 masked %eq3A_602 {strides = array<i32>} : memref<48xi32, #tpu.memory_space<vmem>>, vector<16xi32>, vector<16xi1>
            } else {
            }
            %add3A_226 = arith.addi %add3A_214, %squeeze3A_220 : i32
            %mul3A_227 = arith.constant 32 : i32
            %mul3A_228 = arith.muli %scan3A_183, %mul3A_227 : i32
            %add3A_229 = arith.constant 2 : i32
            %add3A_230 = arith.addi %mul3A_228, %add3A_229 : i32
            %slice3A_231 = vector.extract_strided_slice %get3A_197 {offsets = [2], sizes = [1], strides = [1]} : vector<16xi32> to vector<1xi32>
            %squeeze3A_232 = vector.extract %slice3A_231[0] : i32 from vector<1xi32>
            %gt3A_233 = arith.constant 0 : i32
            %gt3A_234 = arith.cmpi sgt, %squeeze3A_232, %gt3A_233 : i32
            %convert_element_type3A_235 = arith.extui %gt3A_234 : i1 to i32
            %cond3A_236 = arith.constant 0 : i32
            %cond3A_237 = arith.cmpi ne, %convert_element_type3A_235, %cond3A_236 : i32
            scf.if %cond3A_237 {
              %mul3A_590 = arith.constant 16 : i32
              %mul3A_591 = arith.muli %add3A_230, %mul3A_590 : i32
              %add3A_592 = arith.addi %mul3A_150, %mul3A_591 : i32
              %get3A_593 = arith.index_cast %add3A_592 : i32 to index
              %get3A_594 = tpu.vector_load %arg9[%get3A_593] {strides = array<i32>} : memref<40960xi32, #tpu.memory_space<vmem>>, vector<16xi32>,
              %shift_right_arithmetic3A_595 = vector.broadcast %and3A_152 : i32 to vector<16xi32>
              %shift_right_arithmetic3A_596 = arith.shrsi %get3A_594, %shift_right_arithmetic3A_595 : vector<16xi32>
              %and3A_597 = arith.constant 1 : i32
              %and3A_598 = vector.broadcast %and3A_597 : i32 to vector<16xi32>
              %and3A_599 = arith.andi %shift_right_arithmetic3A_596, %and3A_598 : vector<16xi32>
              %eq3A_600 = arith.constant 1 : i32
              %eq3A_601 = vector.broadcast %eq3A_600 : i32 to vector<16xi32>
              %eq3A_602 = arith.cmpi eq, %and3A_599, %eq3A_601 : vector<16xi32>
              %mul3A_603 = arith.constant 16 : i32
              %mul3A_604 = arith.muli %add3A_230, %mul3A_603 : i32
              %add3A_605 = vector.broadcast %mul3A_604 : i32 to vector<16xi32>
              %add3A_606 = arith.addi %iota3A, %add3A_605 : vector<16xi32>
              %min3A_607 = arith.constant 32 : i32
              %min3A_608 = arith.minsi %add3A_226, %min3A_607 : i32
              %swap3A_609 = arith.index_cast %min3A_608 : i32 to index
              %swap3A_610 = tpu.vector_load %arg11[%swap3A_609] masked %eq3A_602 {strides = array<i32>} : memref<48xi32, #tpu.memory_space<vmem>>, vector<16xi32>, vector<16xi1>
              tpu.vector_store %arg11[%swap3A_609], %add3A_606 masked %eq3A_602 {strides = array<i32>} : memref<48xi32, #tpu.memory_space<vmem>>, vector<16xi32>, vector<16xi1>
            } else {
            }
            %add3A_238 = arith.addi %add3A_226, %squeeze3A_232 : i32
            %mul3A_239 = arith.constant 32 : i32
            %mul3A_240 = arith.muli %scan3A_183, %mul3A_239 : i32
            %add3A_241 = arith.constant 3 : i32
            %add3A_242 = arith.addi %mul3A_240, %add3A_241 : i32
            %slice3A_243 = vector.extract_strided_slice %get3A_197 {offsets = [3], sizes = [1], strides = [1]} : vector<16xi32> to vector<1xi32>
            %squeeze3A_244 = vector.extract %slice3A_243[0] : i32 from vector<1xi32>
            %gt3A_245 = arith.constant 0 : i32
            %gt3A_246 = arith.cmpi sgt, %squeeze3A_244, %gt3A_245 : i32
            %convert_element_type3A_247 = arith.extui %gt3A_246 : i1 to i32
            %cond3A_248 = arith.constant 0 : i32
            %cond3A_249 = arith.cmpi ne, %convert_element_type3A_247, %cond3A_248 : i32
            scf.if %cond3A_249 {
              %mul3A_590 = arith.constant 16 : i32
              %mul3A_591 = arith.muli %add3A_242, %mul3A_590 : i32
              %add3A_592 = arith.addi %mul3A_150, %mul3A_591 : i32
              %get3A_593 = arith.index_cast %add3A_592 : i32 to index
              %get3A_594 = tpu.vector_load %arg9[%get3A_593] {strides = array<i32>} : memref<40960xi32, #tpu.memory_space<vmem>>, vector<16xi32>,
              %shift_right_arithmetic3A_595 = vector.broadcast %and3A_152 : i32 to vector<16xi32>
              %shift_right_arithmetic3A_596 = arith.shrsi %get3A_594, %shift_right_arithmetic3A_595 : vector<16xi32>
              %and3A_597 = arith.constant 1 : i32
              %and3A_598 = vector.broadcast %and3A_597 : i32 to vector<16xi32>
              %and3A_599 = arith.andi %shift_right_arithmetic3A_596, %and3A_598 : vector<16xi32>
              %eq3A_600 = arith.constant 1 : i32
              %eq3A_601 = vector.broadcast %eq3A_600 : i32 to vector<16xi32>
              %eq3A_602 = arith.cmpi eq, %and3A_599, %eq3A_601 : vector<16xi32>
              %mul3A_603 = arith.constant 16 : i32
              %mul3A_604 = arith.muli %add3A_242, %mul3A_603 : i32
              %add3A_605 = vector.broadcast %mul3A_604 : i32 to vector<16xi32>
              %add3A_606 = arith.addi %iota3A, %add3A_605 : vector<16xi32>
              %min3A_607 = arith.constant 32 : i32
              %min3A_608 = arith.minsi %add3A_238, %min3A_607 : i32
              %swap3A_609 = arith.index_cast %min3A_608 : i32 to index
              %swap3A_610 = tpu.vector_load %arg11[%swap3A_609] masked %eq3A_602 {strides = array<i32>} : memref<48xi32, #tpu.memory_space<vmem>>, vector<16xi32>, vector<16xi1>
              tpu.vector_store %arg11[%swap3A_609], %add3A_606 masked %eq3A_602 {strides = array<i32>} : memref<48xi32, #tpu.memory_space<vmem>>, vector<16xi32>, vector<16xi1>
            } else {
            }
            %add3A_250 = arith.addi %add3A_238, %squeeze3A_244 : i32
            %mul3A_251 = arith.constant 32 : i32
            %mul3A_252 = arith.muli %scan3A_183, %mul3A_251 : i32
            %add3A_253 = arith.constant 4 : i32
            %add3A_254 = arith.addi %mul3A_252, %add3A_253 : i32
            %slice3A_255 = vector.extract_strided_slice %get3A_197 {offsets = [4], sizes = [1], strides = [1]} : vector<16xi32> to vector<1xi32>
            %squeeze3A_256 = vector.extract %slice3A_255[0] : i32 from vector<1xi32>
            %gt3A_257 = arith.constant 0 : i32
            %gt3A_258 = arith.cmpi sgt, %squeeze3A_256, %gt3A_257 : i32
            %convert_element_type3A_259 = arith.extui %gt3A_258 : i1 to i32
            %cond3A_260 = arith.constant 0 : i32
            %cond3A_261 = arith.cmpi ne, %convert_element_type3A_259, %cond3A_260 : i32
            scf.if %cond3A_261 {
              %mul3A_590 = arith.constant 16 : i32
              %mul3A_591 = arith.muli %add3A_254, %mul3A_590 : i32
              %add3A_592 = arith.addi %mul3A_150, %mul3A_591 : i32
              %get3A_593 = arith.index_cast %add3A_592 : i32 to index
              %get3A_594 = tpu.vector_load %arg9[%get3A_593] {strides = array<i32>} : memref<40960xi32, #tpu.memory_space<vmem>>, vector<16xi32>,
              %shift_right_arithmetic3A_595 = vector.broadcast %and3A_152 : i32 to vector<16xi32>
              %shift_right_arithmetic3A_596 = arith.shrsi %get3A_594, %shift_right_arithmetic3A_595 : vector<16xi32>
              %and3A_597 = arith.constant 1 : i32
              %and3A_598 = vector.broadcast %and3A_597 : i32 to vector<16xi32>
              %and3A_599 = arith.andi %shift_right_arithmetic3A_596, %and3A_598 : vector<16xi32>
              %eq3A_600 = arith.constant 1 : i32
              %eq3A_601 = vector.broadcast %eq3A_600 : i32 to vector<16xi32>
              %eq3A_602 = arith.cmpi eq, %and3A_599, %eq3A_601 : vector<16xi32>
              %mul3A_603 = arith.constant 16 : i32
              %mul3A_604 = arith.muli %add3A_254, %mul3A_603 : i32
              %add3A_605 = vector.broadcast %mul3A_604 : i32 to vector<16xi32>
              %add3A_606 = arith.addi %iota3A, %add3A_605 : vector<16xi32>
              %min3A_607 = arith.constant 32 : i32
              %min3A_608 = arith.minsi %add3A_250, %min3A_607 : i32
              %swap3A_609 = arith.index_cast %min3A_608 : i32 to index
              %swap3A_610 = tpu.vector_load %arg11[%swap3A_609] masked %eq3A_602 {strides = array<i32>} : memref<48xi32, #tpu.memory_space<vmem>>, vector<16xi32>, vector<16xi1>
              tpu.vector_store %arg11[%swap3A_609], %add3A_606 masked %eq3A_602 {strides = array<i32>} : memref<48xi32, #tpu.memory_space<vmem>>, vector<16xi32>, vector<16xi1>
            } else {
            }
            %add3A_262 = arith.addi %add3A_250, %squeeze3A_256 : i32
            %mul3A_263 = arith.constant 32 : i32
            %mul3A_264 = arith.muli %scan3A_183, %mul3A_263 : i32
            %add3A_265 = arith.constant 5 : i32
            %add3A_266 = arith.addi %mul3A_264, %add3A_265 : i32
            %slice3A_267 = vector.extract_strided_slice %get3A_197 {offsets = [5], sizes = [1], strides = [1]} : vector<16xi32> to vector<1xi32>
            %squeeze3A_268 = vector.extract %slice3A_267[0] : i32 from vector<1xi32>
            %gt3A_269 = arith.constant 0 : i32
            %gt3A_270 = arith.cmpi sgt, %squeeze3A_268, %gt3A_269 : i32
            %convert_element_type3A_271 = arith.extui %gt3A_270 : i1 to i32
            %cond3A_272 = arith.constant 0 : i32
            %cond3A_273 = arith.cmpi ne, %convert_element_type3A_271, %cond3A_272 : i32
            scf.if %cond3A_273 {
              %mul3A_590 = arith.constant 16 : i32
              %mul3A_591 = arith.muli %add3A_266, %mul3A_590 : i32
              %add3A_592 = arith.addi %mul3A_150, %mul3A_591 : i32
              %get3A_593 = arith.index_cast %add3A_592 : i32 to index
              %get3A_594 = tpu.vector_load %arg9[%get3A_593] {strides = array<i32>} : memref<40960xi32, #tpu.memory_space<vmem>>, vector<16xi32>,
              %shift_right_arithmetic3A_595 = vector.broadcast %and3A_152 : i32 to vector<16xi32>
              %shift_right_arithmetic3A_596 = arith.shrsi %get3A_594, %shift_right_arithmetic3A_595 : vector<16xi32>
              %and3A_597 = arith.constant 1 : i32
              %and3A_598 = vector.broadcast %and3A_597 : i32 to vector<16xi32>
              %and3A_599 = arith.andi %shift_right_arithmetic3A_596, %and3A_598 : vector<16xi32>
              %eq3A_600 = arith.constant 1 : i32
              %eq3A_601 = vector.broadcast %eq3A_600 : i32 to vector<16xi32>
              %eq3A_602 = arith.cmpi eq, %and3A_599, %eq3A_601 : vector<16xi32>
              %mul3A_603 = arith.constant 16 : i32
              %mul3A_604 = arith.muli %add3A_266, %mul3A_603 : i32
              %add3A_605 = vector.broadcast %mul3A_604 : i32 to vector<16xi32>
              %add3A_606 = arith.addi %iota3A, %add3A_605 : vector<16xi32>
              %min3A_607 = arith.constant 32 : i32
              %min3A_608 = arith.minsi %add3A_262, %min3A_607 : i32
              %swap3A_609 = arith.index_cast %min3A_608 : i32 to index
              %swap3A_610 = tpu.vector_load %arg11[%swap3A_609] masked %eq3A_602 {strides = array<i32>} : memref<48xi32, #tpu.memory_space<vmem>>, vector<16xi32>, vector<16xi1>
              tpu.vector_store %arg11[%swap3A_609], %add3A_606 masked %eq3A_602 {strides = array<i32>} : memref<48xi32, #tpu.memory_space<vmem>>, vector<16xi32>, vector<16xi1>
            } else {
            }
            %add3A_274 = arith.addi %add3A_262, %squeeze3A_268 : i32
            %mul3A_275 = arith.constant 32 : i32
            %mul3A_276 = arith.muli %scan3A_183, %mul3A_275 : i32
            %add3A_277 = arith.constant 6 : i32
            %add3A_278 = arith.addi %mul3A_276, %add3A_277 : i32
            %slice3A_279 = vector.extract_strided_slice %get3A_197 {offsets = [6], sizes = [1], strides = [1]} : vector<16xi32> to vector<1xi32>
            %squeeze3A_280 = vector.extract %slice3A_279[0] : i32 from vector<1xi32>
            %gt3A_281 = arith.constant 0 : i32
            %gt3A_282 = arith.cmpi sgt, %squeeze3A_280, %gt3A_281 : i32
            %convert_element_type3A_283 = arith.extui %gt3A_282 : i1 to i32
            %cond3A_284 = arith.constant 0 : i32
            %cond3A_285 = arith.cmpi ne, %convert_element_type3A_283, %cond3A_284 : i32
            scf.if %cond3A_285 {
              %mul3A_590 = arith.constant 16 : i32
              %mul3A_591 = arith.muli %add3A_278, %mul3A_590 : i32
              %add3A_592 = arith.addi %mul3A_150, %mul3A_591 : i32
              %get3A_593 = arith.index_cast %add3A_592 : i32 to index
              %get3A_594 = tpu.vector_load %arg9[%get3A_593] {strides = array<i32>} : memref<40960xi32, #tpu.memory_space<vmem>>, vector<16xi32>,
              %shift_right_arithmetic3A_595 = vector.broadcast %and3A_152 : i32 to vector<16xi32>
              %shift_right_arithmetic3A_596 = arith.shrsi %get3A_594, %shift_right_arithmetic3A_595 : vector<16xi32>
              %and3A_597 = arith.constant 1 : i32
              %and3A_598 = vector.broadcast %and3A_597 : i32 to vector<16xi32>
              %and3A_599 = arith.andi %shift_right_arithmetic3A_596, %and3A_598 : vector<16xi32>
              %eq3A_600 = arith.constant 1 : i32
              %eq3A_601 = vector.broadcast %eq3A_600 : i32 to vector<16xi32>
              %eq3A_602 = arith.cmpi eq, %and3A_599, %eq3A_601 : vector<16xi32>
              %mul3A_603 = arith.constant 16 : i32
              %mul3A_604 = arith.muli %add3A_278, %mul3A_603 : i32
              %add3A_605 = vector.broadcast %mul3A_604 : i32 to vector<16xi32>
              %add3A_606 = arith.addi %iota3A, %add3A_605 : vector<16xi32>
              %min3A_607 = arith.constant 32 : i32
              %min3A_608 = arith.minsi %add3A_274, %min3A_607 : i32
              %swap3A_609 = arith.index_cast %min3A_608 : i32 to index
              %swap3A_610 = tpu.vector_load %arg11[%swap3A_609] masked %eq3A_602 {strides = array<i32>} : memref<48xi32, #tpu.memory_space<vmem>>, vector<16xi32>, vector<16xi1>
              tpu.vector_store %arg11[%swap3A_609], %add3A_606 masked %eq3A_602 {strides = array<i32>} : memref<48xi32, #tpu.memory_space<vmem>>, vector<16xi32>, vector<16xi1>
            } else {
            }
            %add3A_286 = arith.addi %add3A_274, %squeeze3A_280 : i32
            %mul3A_287 = arith.constant 32 : i32
            %mul3A_288 = arith.muli %scan3A_183, %mul3A_287 : i32
            %add3A_289 = arith.constant 7 : i32
            %add3A_290 = arith.addi %mul3A_288, %add3A_289 : i32
            %slice3A_291 = vector.extract_strided_slice %get3A_197 {offsets = [7], sizes = [1], strides = [1]} : vector<16xi32> to vector<1xi32>
            %squeeze3A_292 = vector.extract %slice3A_291[0] : i32 from vector<1xi32>
            %gt3A_293 = arith.constant 0 : i32
            %gt3A_294 = arith.cmpi sgt, %squeeze3A_292, %gt3A_293 : i32
            %convert_element_type3A_295 = arith.extui %gt3A_294 : i1 to i32
            %cond3A_296 = arith.constant 0 : i32
            %cond3A_297 = arith.cmpi ne, %convert_element_type3A_295, %cond3A_296 : i32
            scf.if %cond3A_297 {
              %mul3A_590 = arith.constant 16 : i32
              %mul3A_591 = arith.muli %add3A_290, %mul3A_590 : i32
              %add3A_592 = arith.addi %mul3A_150, %mul3A_591 : i32
              %get3A_593 = arith.index_cast %add3A_592 : i32 to index
              %get3A_594 = tpu.vector_load %arg9[%get3A_593] {strides = array<i32>} : memref<40960xi32, #tpu.memory_space<vmem>>, vector<16xi32>,
              %shift_right_arithmetic3A_595 = vector.broadcast %and3A_152 : i32 to vector<16xi32>
              %shift_right_arithmetic3A_596 = arith.shrsi %get3A_594, %shift_right_arithmetic3A_595 : vector<16xi32>
              %and3A_597 = arith.constant 1 : i32
              %and3A_598 = vector.broadcast %and3A_597 : i32 to vector<16xi32>
              %and3A_599 = arith.andi %shift_right_arithmetic3A_596, %and3A_598 : vector<16xi32>
              %eq3A_600 = arith.constant 1 : i32
              %eq3A_601 = vector.broadcast %eq3A_600 : i32 to vector<16xi32>
              %eq3A_602 = arith.cmpi eq, %and3A_599, %eq3A_601 : vector<16xi32>
              %mul3A_603 = arith.constant 16 : i32
              %mul3A_604 = arith.muli %add3A_290, %mul3A_603 : i32
              %add3A_605 = vector.broadcast %mul3A_604 : i32 to vector<16xi32>
              %add3A_606 = arith.addi %iota3A, %add3A_605 : vector<16xi32>
              %min3A_607 = arith.constant 32 : i32
              %min3A_608 = arith.minsi %add3A_286, %min3A_607 : i32
              %swap3A_609 = arith.index_cast %min3A_608 : i32 to index
              %swap3A_610 = tpu.vector_load %arg11[%swap3A_609] masked %eq3A_602 {strides = array<i32>} : memref<48xi32, #tpu.memory_space<vmem>>, vector<16xi32>, vector<16xi1>
              tpu.vector_store %arg11[%swap3A_609], %add3A_606 masked %eq3A_602 {strides = array<i32>} : memref<48xi32, #tpu.memory_space<vmem>>, vector<16xi32>, vector<16xi1>
            } else {
            }
            %add3A_298 = arith.addi %add3A_286, %squeeze3A_292 : i32
            %mul3A_299 = arith.constant 32 : i32
            %mul3A_300 = arith.muli %scan3A_183, %mul3A_299 : i32
            %add3A_301 = arith.constant 8 : i32
            %add3A_302 = arith.addi %mul3A_300, %add3A_301 : i32
            %slice3A_303 = vector.extract_strided_slice %get3A_197 {offsets = [8], sizes = [1], strides = [1]} : vector<16xi32> to vector<1xi32>
            %squeeze3A_304 = vector.extract %slice3A_303[0] : i32 from vector<1xi32>
            %gt3A_305 = arith.constant 0 : i32
            %gt3A_306 = arith.cmpi sgt, %squeeze3A_304, %gt3A_305 : i32
            %convert_element_type3A_307 = arith.extui %gt3A_306 : i1 to i32
            %cond3A_308 = arith.constant 0 : i32
            %cond3A_309 = arith.cmpi ne, %convert_element_type3A_307, %cond3A_308 : i32
            scf.if %cond3A_309 {
              %mul3A_590 = arith.constant 16 : i32
              %mul3A_591 = arith.muli %add3A_302, %mul3A_590 : i32
              %add3A_592 = arith.addi %mul3A_150, %mul3A_591 : i32
              %get3A_593 = arith.index_cast %add3A_592 : i32 to index
              %get3A_594 = tpu.vector_load %arg9[%get3A_593] {strides = array<i32>} : memref<40960xi32, #tpu.memory_space<vmem>>, vector<16xi32>,
              %shift_right_arithmetic3A_595 = vector.broadcast %and3A_152 : i32 to vector<16xi32>
              %shift_right_arithmetic3A_596 = arith.shrsi %get3A_594, %shift_right_arithmetic3A_595 : vector<16xi32>
              %and3A_597 = arith.constant 1 : i32
              %and3A_598 = vector.broadcast %and3A_597 : i32 to vector<16xi32>
              %and3A_599 = arith.andi %shift_right_arithmetic3A_596, %and3A_598 : vector<16xi32>
              %eq3A_600 = arith.constant 1 : i32
              %eq3A_601 = vector.broadcast %eq3A_600 : i32 to vector<16xi32>
              %eq3A_602 = arith.cmpi eq, %and3A_599, %eq3A_601 : vector<16xi32>
              %mul3A_603 = arith.constant 16 : i32
              %mul3A_604 = arith.muli %add3A_302, %mul3A_603 : i32
              %add3A_605 = vector.broadcast %mul3A_604 : i32 to vector<16xi32>
              %add3A_606 = arith.addi %iota3A, %add3A_605 : vector<16xi32>
              %min3A_607 = arith.constant 32 : i32
              %min3A_608 = arith.minsi %add3A_298, %min3A_607 : i32
              %swap3A_609 = arith.index_cast %min3A_608 : i32 to index
              %swap3A_610 = tpu.vector_load %arg11[%swap3A_609] masked %eq3A_602 {strides = array<i32>} : memref<48xi32, #tpu.memory_space<vmem>>, vector<16xi32>, vector<16xi1>
              tpu.vector_store %arg11[%swap3A_609], %add3A_606 masked %eq3A_602 {strides = array<i32>} : memref<48xi32, #tpu.memory_space<vmem>>, vector<16xi32>, vector<16xi1>
            } else {
            }
            %add3A_310 = arith.addi %add3A_298, %squeeze3A_304 : i32
            %mul3A_311 = arith.constant 32 : i32
            %mul3A_312 = arith.muli %scan3A_183, %mul3A_311 : i32
            %add3A_313 = arith.constant 9 : i32
            %add3A_314 = arith.addi %mul3A_312, %add3A_313 : i32
            %slice3A_315 = vector.extract_strided_slice %get3A_197 {offsets = [9], sizes = [1], strides = [1]} : vector<16xi32> to vector<1xi32>
            %squeeze3A_316 = vector.extract %slice3A_315[0] : i32 from vector<1xi32>
            %gt3A_317 = arith.constant 0 : i32
            %gt3A_318 = arith.cmpi sgt, %squeeze3A_316, %gt3A_317 : i32
            %convert_element_type3A_319 = arith.extui %gt3A_318 : i1 to i32
            %cond3A_320 = arith.constant 0 : i32
            %cond3A_321 = arith.cmpi ne, %convert_element_type3A_319, %cond3A_320 : i32
            scf.if %cond3A_321 {
              %mul3A_590 = arith.constant 16 : i32
              %mul3A_591 = arith.muli %add3A_314, %mul3A_590 : i32
              %add3A_592 = arith.addi %mul3A_150, %mul3A_591 : i32
              %get3A_593 = arith.index_cast %add3A_592 : i32 to index
              %get3A_594 = tpu.vector_load %arg9[%get3A_593] {strides = array<i32>} : memref<40960xi32, #tpu.memory_space<vmem>>, vector<16xi32>,
              %shift_right_arithmetic3A_595 = vector.broadcast %and3A_152 : i32 to vector<16xi32>
              %shift_right_arithmetic3A_596 = arith.shrsi %get3A_594, %shift_right_arithmetic3A_595 : vector<16xi32>
              %and3A_597 = arith.constant 1 : i32
              %and3A_598 = vector.broadcast %and3A_597 : i32 to vector<16xi32>
              %and3A_599 = arith.andi %shift_right_arithmetic3A_596, %and3A_598 : vector<16xi32>
              %eq3A_600 = arith.constant 1 : i32
              %eq3A_601 = vector.broadcast %eq3A_600 : i32 to vector<16xi32>
              %eq3A_602 = arith.cmpi eq, %and3A_599, %eq3A_601 : vector<16xi32>
              %mul3A_603 = arith.constant 16 : i32
              %mul3A_604 = arith.muli %add3A_314, %mul3A_603 : i32
              %add3A_605 = vector.broadcast %mul3A_604 : i32 to vector<16xi32>
              %add3A_606 = arith.addi %iota3A, %add3A_605 : vector<16xi32>
              %min3A_607 = arith.constant 32 : i32
              %min3A_608 = arith.minsi %add3A_310, %min3A_607 : i32
              %swap3A_609 = arith.index_cast %min3A_608 : i32 to index
              %swap3A_610 = tpu.vector_load %arg11[%swap3A_609] masked %eq3A_602 {strides = array<i32>} : memref<48xi32, #tpu.memory_space<vmem>>, vector<16xi32>, vector<16xi1>
              tpu.vector_store %arg11[%swap3A_609], %add3A_606 masked %eq3A_602 {strides = array<i32>} : memref<48xi32, #tpu.memory_space<vmem>>, vector<16xi32>, vector<16xi1>
            } else {
            }
            %add3A_322 = arith.addi %add3A_310, %squeeze3A_316 : i32
            %mul3A_323 = arith.constant 32 : i32
            %mul3A_324 = arith.muli %scan3A_183, %mul3A_323 : i32
            %add3A_325 = arith.constant 10 : i32
            %add3A_326 = arith.addi %mul3A_324, %add3A_325 : i32
            %slice3A_327 = vector.extract_strided_slice %get3A_197 {offsets = [10], sizes = [1], strides = [1]} : vector<16xi32> to vector<1xi32>
            %squeeze3A_328 = vector.extract %slice3A_327[0] : i32 from vector<1xi32>
            %gt3A_329 = arith.constant 0 : i32
            %gt3A_330 = arith.cmpi sgt, %squeeze3A_328, %gt3A_329 : i32
            %convert_element_type3A_331 = arith.extui %gt3A_330 : i1 to i32
            %cond3A_332 = arith.constant 0 : i32
            %cond3A_333 = arith.cmpi ne, %convert_element_type3A_331, %cond3A_332 : i32
            scf.if %cond3A_333 {
              %mul3A_590 = arith.constant 16 : i32
              %mul3A_591 = arith.muli %add3A_326, %mul3A_590 : i32
              %add3A_592 = arith.addi %mul3A_150, %mul3A_591 : i32
              %get3A_593 = arith.index_cast %add3A_592 : i32 to index
              %get3A_594 = tpu.vector_load %arg9[%get3A_593] {strides = array<i32>} : memref<40960xi32, #tpu.memory_space<vmem>>, vector<16xi32>,
              %shift_right_arithmetic3A_595 = vector.broadcast %and3A_152 : i32 to vector<16xi32>
              %shift_right_arithmetic3A_596 = arith.shrsi %get3A_594, %shift_right_arithmetic3A_595 : vector<16xi32>
              %and3A_597 = arith.constant 1 : i32
              %and3A_598 = vector.broadcast %and3A_597 : i32 to vector<16xi32>
              %and3A_599 = arith.andi %shift_right_arithmetic3A_596, %and3A_598 : vector<16xi32>
              %eq3A_600 = arith.constant 1 : i32
              %eq3A_601 = vector.broadcast %eq3A_600 : i32 to vector<16xi32>
              %eq3A_602 = arith.cmpi eq, %and3A_599, %eq3A_601 : vector<16xi32>
              %mul3A_603 = arith.constant 16 : i32
              %mul3A_604 = arith.muli %add3A_326, %mul3A_603 : i32
              %add3A_605 = vector.broadcast %mul3A_604 : i32 to vector<16xi32>
              %add3A_606 = arith.addi %iota3A, %add3A_605 : vector<16xi32>
              %min3A_607 = arith.constant 32 : i32
              %min3A_608 = arith.minsi %add3A_322, %min3A_607 : i32
              %swap3A_609 = arith.index_cast %min3A_608 : i32 to index
              %swap3A_610 = tpu.vector_load %arg11[%swap3A_609] masked %eq3A_602 {strides = array<i32>} : memref<48xi32, #tpu.memory_space<vmem>>, vector<16xi32>, vector<16xi1>
              tpu.vector_store %arg11[%swap3A_609], %add3A_606 masked %eq3A_602 {strides = array<i32>} : memref<48xi32, #tpu.memory_space<vmem>>, vector<16xi32>, vector<16xi1>
            } else {
            }
            %add3A_334 = arith.addi %add3A_322, %squeeze3A_328 : i32
            %mul3A_335 = arith.constant 32 : i32
            %mul3A_336 = arith.muli %scan3A_183, %mul3A_335 : i32
            %add3A_337 = arith.constant 11 : i32
            %add3A_338 = arith.addi %mul3A_336, %add3A_337 : i32
            %slice3A_339 = vector.extract_strided_slice %get3A_197 {offsets = [11], sizes = [1], strides = [1]} : vector<16xi32> to vector<1xi32>
            %squeeze3A_340 = vector.extract %slice3A_339[0] : i32 from vector<1xi32>
            %gt3A_341 = arith.constant 0 : i32
            %gt3A_342 = arith.cmpi sgt, %squeeze3A_340, %gt3A_341 : i32
            %convert_element_type3A_343 = arith.extui %gt3A_342 : i1 to i32
            %cond3A_344 = arith.constant 0 : i32
            %cond3A_345 = arith.cmpi ne, %convert_element_type3A_343, %cond3A_344 : i32
            scf.if %cond3A_345 {
              %mul3A_590 = arith.constant 16 : i32
              %mul3A_591 = arith.muli %add3A_338, %mul3A_590 : i32
              %add3A_592 = arith.addi %mul3A_150, %mul3A_591 : i32
              %get3A_593 = arith.index_cast %add3A_592 : i32 to index
              %get3A_594 = tpu.vector_load %arg9[%get3A_593] {strides = array<i32>} : memref<40960xi32, #tpu.memory_space<vmem>>, vector<16xi32>,
              %shift_right_arithmetic3A_595 = vector.broadcast %and3A_152 : i32 to vector<16xi32>
              %shift_right_arithmetic3A_596 = arith.shrsi %get3A_594, %shift_right_arithmetic3A_595 : vector<16xi32>
              %and3A_597 = arith.constant 1 : i32
              %and3A_598 = vector.broadcast %and3A_597 : i32 to vector<16xi32>
              %and3A_599 = arith.andi %shift_right_arithmetic3A_596, %and3A_598 : vector<16xi32>
              %eq3A_600 = arith.constant 1 : i32
              %eq3A_601 = vector.broadcast %eq3A_600 : i32 to vector<16xi32>
              %eq3A_602 = arith.cmpi eq, %and3A_599, %eq3A_601 : vector<16xi32>
              %mul3A_603 = arith.constant 16 : i32
              %mul3A_604 = arith.muli %add3A_338, %mul3A_603 : i32
              %add3A_605 = vector.broadcast %mul3A_604 : i32 to vector<16xi32>
              %add3A_606 = arith.addi %iota3A, %add3A_605 : vector<16xi32>
              %min3A_607 = arith.constant 32 : i32
              %min3A_608 = arith.minsi %add3A_334, %min3A_607 : i32
              %swap3A_609 = arith.index_cast %min3A_608 : i32 to index
              %swap3A_610 = tpu.vector_load %arg11[%swap3A_609] masked %eq3A_602 {strides = array<i32>} : memref<48xi32, #tpu.memory_space<vmem>>, vector<16xi32>, vector<16xi1>
              tpu.vector_store %arg11[%swap3A_609], %add3A_606 masked %eq3A_602 {strides = array<i32>} : memref<48xi32, #tpu.memory_space<vmem>>, vector<16xi32>, vector<16xi1>
            } else {
            }
            %add3A_346 = arith.addi %add3A_334, %squeeze3A_340 : i32
            %mul3A_347 = arith.constant 32 : i32
            %mul3A_348 = arith.muli %scan3A_183, %mul3A_347 : i32
            %add3A_349 = arith.constant 12 : i32
            %add3A_350 = arith.addi %mul3A_348, %add3A_349 : i32
            %slice3A_351 = vector.extract_strided_slice %get3A_197 {offsets = [12], sizes = [1], strides = [1]} : vector<16xi32> to vector<1xi32>
            %squeeze3A_352 = vector.extract %slice3A_351[0] : i32 from vector<1xi32>
            %gt3A_353 = arith.constant 0 : i32
            %gt3A_354 = arith.cmpi sgt, %squeeze3A_352, %gt3A_353 : i32
            %convert_element_type3A_355 = arith.extui %gt3A_354 : i1 to i32
            %cond3A_356 = arith.constant 0 : i32
            %cond3A_357 = arith.cmpi ne, %convert_element_type3A_355, %cond3A_356 : i32
            scf.if %cond3A_357 {
              %mul3A_590 = arith.constant 16 : i32
              %mul3A_591 = arith.muli %add3A_350, %mul3A_590 : i32
              %add3A_592 = arith.addi %mul3A_150, %mul3A_591 : i32
              %get3A_593 = arith.index_cast %add3A_592 : i32 to index
              %get3A_594 = tpu.vector_load %arg9[%get3A_593] {strides = array<i32>} : memref<40960xi32, #tpu.memory_space<vmem>>, vector<16xi32>,
              %shift_right_arithmetic3A_595 = vector.broadcast %and3A_152 : i32 to vector<16xi32>
              %shift_right_arithmetic3A_596 = arith.shrsi %get3A_594, %shift_right_arithmetic3A_595 : vector<16xi32>
              %and3A_597 = arith.constant 1 : i32
              %and3A_598 = vector.broadcast %and3A_597 : i32 to vector<16xi32>
              %and3A_599 = arith.andi %shift_right_arithmetic3A_596, %and3A_598 : vector<16xi32>
              %eq3A_600 = arith.constant 1 : i32
              %eq3A_601 = vector.broadcast %eq3A_600 : i32 to vector<16xi32>
              %eq3A_602 = arith.cmpi eq, %and3A_599, %eq3A_601 : vector<16xi32>
              %mul3A_603 = arith.constant 16 : i32
              %mul3A_604 = arith.muli %add3A_350, %mul3A_603 : i32
              %add3A_605 = vector.broadcast %mul3A_604 : i32 to vector<16xi32>
              %add3A_606 = arith.addi %iota3A, %add3A_605 : vector<16xi32>
              %min3A_607 = arith.constant 32 : i32
              %min3A_608 = arith.minsi %add3A_346, %min3A_607 : i32
              %swap3A_609 = arith.index_cast %min3A_608 : i32 to index
              %swap3A_610 = tpu.vector_load %arg11[%swap3A_609] masked %eq3A_602 {strides = array<i32>} : memref<48xi32, #tpu.memory_space<vmem>>, vector<16xi32>, vector<16xi1>
              tpu.vector_store %arg11[%swap3A_609], %add3A_606 masked %eq3A_602 {strides = array<i32>} : memref<48xi32, #tpu.memory_space<vmem>>, vector<16xi32>, vector<16xi1>
            } else {
            }
            %add3A_358 = arith.addi %add3A_346, %squeeze3A_352 : i32
            %mul3A_359 = arith.constant 32 : i32
            %mul3A_360 = arith.muli %scan3A_183, %mul3A_359 : i32
            %add3A_361 = arith.constant 13 : i32
            %add3A_362 = arith.addi %mul3A_360, %add3A_361 : i32
            %slice3A_363 = vector.extract_strided_slice %get3A_197 {offsets = [13], sizes = [1], strides = [1]} : vector<16xi32> to vector<1xi32>
            %squeeze3A_364 = vector.extract %slice3A_363[0] : i32 from vector<1xi32>
            %gt3A_365 = arith.constant 0 : i32
            %gt3A_366 = arith.cmpi sgt, %squeeze3A_364, %gt3A_365 : i32
            %convert_element_type3A_367 = arith.extui %gt3A_366 : i1 to i32
            %cond3A_368 = arith.constant 0 : i32
            %cond3A_369 = arith.cmpi ne, %convert_element_type3A_367, %cond3A_368 : i32
            scf.if %cond3A_369 {
              %mul3A_590 = arith.constant 16 : i32
              %mul3A_591 = arith.muli %add3A_362, %mul3A_590 : i32
              %add3A_592 = arith.addi %mul3A_150, %mul3A_591 : i32
              %get3A_593 = arith.index_cast %add3A_592 : i32 to index
              %get3A_594 = tpu.vector_load %arg9[%get3A_593] {strides = array<i32>} : memref<40960xi32, #tpu.memory_space<vmem>>, vector<16xi32>,
              %shift_right_arithmetic3A_595 = vector.broadcast %and3A_152 : i32 to vector<16xi32>
              %shift_right_arithmetic3A_596 = arith.shrsi %get3A_594, %shift_right_arithmetic3A_595 : vector<16xi32>
              %and3A_597 = arith.constant 1 : i32
              %and3A_598 = vector.broadcast %and3A_597 : i32 to vector<16xi32>
              %and3A_599 = arith.andi %shift_right_arithmetic3A_596, %and3A_598 : vector<16xi32>
              %eq3A_600 = arith.constant 1 : i32
              %eq3A_601 = vector.broadcast %eq3A_600 : i32 to vector<16xi32>
              %eq3A_602 = arith.cmpi eq, %and3A_599, %eq3A_601 : vector<16xi32>
              %mul3A_603 = arith.constant 16 : i32
              %mul3A_604 = arith.muli %add3A_362, %mul3A_603 : i32
              %add3A_605 = vector.broadcast %mul3A_604 : i32 to vector<16xi32>
              %add3A_606 = arith.addi %iota3A, %add3A_605 : vector<16xi32>
              %min3A_607 = arith.constant 32 : i32
              %min3A_608 = arith.minsi %add3A_358, %min3A_607 : i32
              %swap3A_609 = arith.index_cast %min3A_608 : i32 to index
              %swap3A_610 = tpu.vector_load %arg11[%swap3A_609] masked %eq3A_602 {strides = array<i32>} : memref<48xi32, #tpu.memory_space<vmem>>, vector<16xi32>, vector<16xi1>
              tpu.vector_store %arg11[%swap3A_609], %add3A_606 masked %eq3A_602 {strides = array<i32>} : memref<48xi32, #tpu.memory_space<vmem>>, vector<16xi32>, vector<16xi1>
            } else {
            }
            %add3A_370 = arith.addi %add3A_358, %squeeze3A_364 : i32
            %mul3A_371 = arith.constant 32 : i32
            %mul3A_372 = arith.muli %scan3A_183, %mul3A_371 : i32
            %add3A_373 = arith.constant 14 : i32
            %add3A_374 = arith.addi %mul3A_372, %add3A_373 : i32
            %slice3A_375 = vector.extract_strided_slice %get3A_197 {offsets = [14], sizes = [1], strides = [1]} : vector<16xi32> to vector<1xi32>
            %squeeze3A_376 = vector.extract %slice3A_375[0] : i32 from vector<1xi32>
            %gt3A_377 = arith.constant 0 : i32
            %gt3A_378 = arith.cmpi sgt, %squeeze3A_376, %gt3A_377 : i32
            %convert_element_type3A_379 = arith.extui %gt3A_378 : i1 to i32
            %cond3A_380 = arith.constant 0 : i32
            %cond3A_381 = arith.cmpi ne, %convert_element_type3A_379, %cond3A_380 : i32
            scf.if %cond3A_381 {
              %mul3A_590 = arith.constant 16 : i32
              %mul3A_591 = arith.muli %add3A_374, %mul3A_590 : i32
              %add3A_592 = arith.addi %mul3A_150, %mul3A_591 : i32
              %get3A_593 = arith.index_cast %add3A_592 : i32 to index
              %get3A_594 = tpu.vector_load %arg9[%get3A_593] {strides = array<i32>} : memref<40960xi32, #tpu.memory_space<vmem>>, vector<16xi32>,
              %shift_right_arithmetic3A_595 = vector.broadcast %and3A_152 : i32 to vector<16xi32>
              %shift_right_arithmetic3A_596 = arith.shrsi %get3A_594, %shift_right_arithmetic3A_595 : vector<16xi32>
              %and3A_597 = arith.constant 1 : i32
              %and3A_598 = vector.broadcast %and3A_597 : i32 to vector<16xi32>
              %and3A_599 = arith.andi %shift_right_arithmetic3A_596, %and3A_598 : vector<16xi32>
              %eq3A_600 = arith.constant 1 : i32
              %eq3A_601 = vector.broadcast %eq3A_600 : i32 to vector<16xi32>
              %eq3A_602 = arith.cmpi eq, %and3A_599, %eq3A_601 : vector<16xi32>
              %mul3A_603 = arith.constant 16 : i32
              %mul3A_604 = arith.muli %add3A_374, %mul3A_603 : i32
              %add3A_605 = vector.broadcast %mul3A_604 : i32 to vector<16xi32>
              %add3A_606 = arith.addi %iota3A, %add3A_605 : vector<16xi32>
              %min3A_607 = arith.constant 32 : i32
              %min3A_608 = arith.minsi %add3A_370, %min3A_607 : i32
              %swap3A_609 = arith.index_cast %min3A_608 : i32 to index
              %swap3A_610 = tpu.vector_load %arg11[%swap3A_609] masked %eq3A_602 {strides = array<i32>} : memref<48xi32, #tpu.memory_space<vmem>>, vector<16xi32>, vector<16xi1>
              tpu.vector_store %arg11[%swap3A_609], %add3A_606 masked %eq3A_602 {strides = array<i32>} : memref<48xi32, #tpu.memory_space<vmem>>, vector<16xi32>, vector<16xi1>
            } else {
            }
            %add3A_382 = arith.addi %add3A_370, %squeeze3A_376 : i32
            %mul3A_383 = arith.constant 32 : i32
            %mul3A_384 = arith.muli %scan3A_183, %mul3A_383 : i32
            %add3A_385 = arith.constant 15 : i32
            %add3A_386 = arith.addi %mul3A_384, %add3A_385 : i32
            %slice3A_387 = vector.extract_strided_slice %get3A_197 {offsets = [15], sizes = [1], strides = [1]} : vector<16xi32> to vector<1xi32>
            %squeeze3A_388 = vector.extract %slice3A_387[0] : i32 from vector<1xi32>
            %gt3A_389 = arith.constant 0 : i32
            %gt3A_390 = arith.cmpi sgt, %squeeze3A_388, %gt3A_389 : i32
            %convert_element_type3A_391 = arith.extui %gt3A_390 : i1 to i32
            %cond3A_392 = arith.constant 0 : i32
            %cond3A_393 = arith.cmpi ne, %convert_element_type3A_391, %cond3A_392 : i32
            scf.if %cond3A_393 {
              %mul3A_590 = arith.constant 16 : i32
              %mul3A_591 = arith.muli %add3A_386, %mul3A_590 : i32
              %add3A_592 = arith.addi %mul3A_150, %mul3A_591 : i32
              %get3A_593 = arith.index_cast %add3A_592 : i32 to index
              %get3A_594 = tpu.vector_load %arg9[%get3A_593] {strides = array<i32>} : memref<40960xi32, #tpu.memory_space<vmem>>, vector<16xi32>,
              %shift_right_arithmetic3A_595 = vector.broadcast %and3A_152 : i32 to vector<16xi32>
              %shift_right_arithmetic3A_596 = arith.shrsi %get3A_594, %shift_right_arithmetic3A_595 : vector<16xi32>
              %and3A_597 = arith.constant 1 : i32
              %and3A_598 = vector.broadcast %and3A_597 : i32 to vector<16xi32>
              %and3A_599 = arith.andi %shift_right_arithmetic3A_596, %and3A_598 : vector<16xi32>
              %eq3A_600 = arith.constant 1 : i32
              %eq3A_601 = vector.broadcast %eq3A_600 : i32 to vector<16xi32>
              %eq3A_602 = arith.cmpi eq, %and3A_599, %eq3A_601 : vector<16xi32>
              %mul3A_603 = arith.constant 16 : i32
              %mul3A_604 = arith.muli %add3A_386, %mul3A_603 : i32
              %add3A_605 = vector.broadcast %mul3A_604 : i32 to vector<16xi32>
              %add3A_606 = arith.addi %iota3A, %add3A_605 : vector<16xi32>
              %min3A_607 = arith.constant 32 : i32
              %min3A_608 = arith.minsi %add3A_382, %min3A_607 : i32
              %swap3A_609 = arith.index_cast %min3A_608 : i32 to index
              %swap3A_610 = tpu.vector_load %arg11[%swap3A_609] masked %eq3A_602 {strides = array<i32>} : memref<48xi32, #tpu.memory_space<vmem>>, vector<16xi32>, vector<16xi1>
              tpu.vector_store %arg11[%swap3A_609], %add3A_606 masked %eq3A_602 {strides = array<i32>} : memref<48xi32, #tpu.memory_space<vmem>>, vector<16xi32>, vector<16xi1>
            } else {
            }
            %add3A_394 = arith.addi %add3A_382, %squeeze3A_388 : i32
            %mul3A_395 = arith.constant 32 : i32
            %mul3A_396 = arith.muli %scan3A_183, %mul3A_395 : i32
            %add3A_397 = arith.constant 16 : i32
            %add3A_398 = arith.addi %mul3A_396, %add3A_397 : i32
            %slice3A_399 = vector.extract_strided_slice %get3A_205 {offsets = [0], sizes = [1], strides = [1]} : vector<16xi32> to vector<1xi32>
            %squeeze3A_400 = vector.extract %slice3A_399[0] : i32 from vector<1xi32>
            %gt3A_401 = arith.constant 0 : i32
            %gt3A_402 = arith.cmpi sgt, %squeeze3A_400, %gt3A_401 : i32
            %convert_element_type3A_403 = arith.extui %gt3A_402 : i1 to i32
            %cond3A_404 = arith.constant 0 : i32
            %cond3A_405 = arith.cmpi ne, %convert_element_type3A_403, %cond3A_404 : i32
            scf.if %cond3A_405 {
              %mul3A_590 = arith.constant 16 : i32
              %mul3A_591 = arith.muli %add3A_398, %mul3A_590 : i32
              %add3A_592 = arith.addi %mul3A_150, %mul3A_591 : i32
              %get3A_593 = arith.index_cast %add3A_592 : i32 to index
              %get3A_594 = tpu.vector_load %arg9[%get3A_593] {strides = array<i32>} : memref<40960xi32, #tpu.memory_space<vmem>>, vector<16xi32>,
              %shift_right_arithmetic3A_595 = vector.broadcast %and3A_152 : i32 to vector<16xi32>
              %shift_right_arithmetic3A_596 = arith.shrsi %get3A_594, %shift_right_arithmetic3A_595 : vector<16xi32>
              %and3A_597 = arith.constant 1 : i32
              %and3A_598 = vector.broadcast %and3A_597 : i32 to vector<16xi32>
              %and3A_599 = arith.andi %shift_right_arithmetic3A_596, %and3A_598 : vector<16xi32>
              %eq3A_600 = arith.constant 1 : i32
              %eq3A_601 = vector.broadcast %eq3A_600 : i32 to vector<16xi32>
              %eq3A_602 = arith.cmpi eq, %and3A_599, %eq3A_601 : vector<16xi32>
              %mul3A_603 = arith.constant 16 : i32
              %mul3A_604 = arith.muli %add3A_398, %mul3A_603 : i32
              %add3A_605 = vector.broadcast %mul3A_604 : i32 to vector<16xi32>
              %add3A_606 = arith.addi %iota3A, %add3A_605 : vector<16xi32>
              %min3A_607 = arith.constant 32 : i32
              %min3A_608 = arith.minsi %add3A_394, %min3A_607 : i32
              %swap3A_609 = arith.index_cast %min3A_608 : i32 to index
              %swap3A_610 = tpu.vector_load %arg11[%swap3A_609] masked %eq3A_602 {strides = array<i32>} : memref<48xi32, #tpu.memory_space<vmem>>, vector<16xi32>, vector<16xi1>
              tpu.vector_store %arg11[%swap3A_609], %add3A_606 masked %eq3A_602 {strides = array<i32>} : memref<48xi32, #tpu.memory_space<vmem>>, vector<16xi32>, vector<16xi1>
            } else {
            }
            %add3A_406 = arith.addi %add3A_394, %squeeze3A_400 : i32
            %mul3A_407 = arith.constant 32 : i32
            %mul3A_408 = arith.muli %scan3A_183, %mul3A_407 : i32
            %add3A_409 = arith.constant 17 : i32
            %add3A_410 = arith.addi %mul3A_408, %add3A_409 : i32
            %slice3A_411 = vector.extract_strided_slice %get3A_205 {offsets = [1], sizes = [1], strides = [1]} : vector<16xi32> to vector<1xi32>
            %squeeze3A_412 = vector.extract %slice3A_411[0] : i32 from vector<1xi32>
            %gt3A_413 = arith.constant 0 : i32
            %gt3A_414 = arith.cmpi sgt, %squeeze3A_412, %gt3A_413 : i32
            %convert_element_type3A_415 = arith.extui %gt3A_414 : i1 to i32
            %cond3A_416 = arith.constant 0 : i32
            %cond3A_417 = arith.cmpi ne, %convert_element_type3A_415, %cond3A_416 : i32
            scf.if %cond3A_417 {
              %mul3A_590 = arith.constant 16 : i32
              %mul3A_591 = arith.muli %add3A_410, %mul3A_590 : i32
              %add3A_592 = arith.addi %mul3A_150, %mul3A_591 : i32
              %get3A_593 = arith.index_cast %add3A_592 : i32 to index
              %get3A_594 = tpu.vector_load %arg9[%get3A_593] {strides = array<i32>} : memref<40960xi32, #tpu.memory_space<vmem>>, vector<16xi32>,
              %shift_right_arithmetic3A_595 = vector.broadcast %and3A_152 : i32 to vector<16xi32>
              %shift_right_arithmetic3A_596 = arith.shrsi %get3A_594, %shift_right_arithmetic3A_595 : vector<16xi32>
              %and3A_597 = arith.constant 1 : i32
              %and3A_598 = vector.broadcast %and3A_597 : i32 to vector<16xi32>
              %and3A_599 = arith.andi %shift_right_arithmetic3A_596, %and3A_598 : vector<16xi32>
              %eq3A_600 = arith.constant 1 : i32
              %eq3A_601 = vector.broadcast %eq3A_600 : i32 to vector<16xi32>
              %eq3A_602 = arith.cmpi eq, %and3A_599, %eq3A_601 : vector<16xi32>
              %mul3A_603 = arith.constant 16 : i32
              %mul3A_604 = arith.muli %add3A_410, %mul3A_603 : i32
              %add3A_605 = vector.broadcast %mul3A_604 : i32 to vector<16xi32>
              %add3A_606 = arith.addi %iota3A, %add3A_605 : vector<16xi32>
              %min3A_607 = arith.constant 32 : i32
              %min3A_608 = arith.minsi %add3A_406, %min3A_607 : i32
              %swap3A_609 = arith.index_cast %min3A_608 : i32 to index
              %swap3A_610 = tpu.vector_load %arg11[%swap3A_609] masked %eq3A_602 {strides = array<i32>} : memref<48xi32, #tpu.memory_space<vmem>>, vector<16xi32>, vector<16xi1>
              tpu.vector_store %arg11[%swap3A_609], %add3A_606 masked %eq3A_602 {strides = array<i32>} : memref<48xi32, #tpu.memory_space<vmem>>, vector<16xi32>, vector<16xi1>
            } else {
            }
            %add3A_418 = arith.addi %add3A_406, %squeeze3A_412 : i32
            %mul3A_419 = arith.constant 32 : i32
            %mul3A_420 = arith.muli %scan3A_183, %mul3A_419 : i32
            %add3A_421 = arith.constant 18 : i32
            %add3A_422 = arith.addi %mul3A_420, %add3A_421 : i32
            %slice3A_423 = vector.extract_strided_slice %get3A_205 {offsets = [2], sizes = [1], strides = [1]} : vector<16xi32> to vector<1xi32>
            %squeeze3A_424 = vector.extract %slice3A_423[0] : i32 from vector<1xi32>
            %gt3A_425 = arith.constant 0 : i32
            %gt3A_426 = arith.cmpi sgt, %squeeze3A_424, %gt3A_425 : i32
            %convert_element_type3A_427 = arith.extui %gt3A_426 : i1 to i32
            %cond3A_428 = arith.constant 0 : i32
            %cond3A_429 = arith.cmpi ne, %convert_element_type3A_427, %cond3A_428 : i32
            scf.if %cond3A_429 {
              %mul3A_590 = arith.constant 16 : i32
              %mul3A_591 = arith.muli %add3A_422, %mul3A_590 : i32
              %add3A_592 = arith.addi %mul3A_150, %mul3A_591 : i32
              %get3A_593 = arith.index_cast %add3A_592 : i32 to index
              %get3A_594 = tpu.vector_load %arg9[%get3A_593] {strides = array<i32>} : memref<40960xi32, #tpu.memory_space<vmem>>, vector<16xi32>,
              %shift_right_arithmetic3A_595 = vector.broadcast %and3A_152 : i32 to vector<16xi32>
              %shift_right_arithmetic3A_596 = arith.shrsi %get3A_594, %shift_right_arithmetic3A_595 : vector<16xi32>
              %and3A_597 = arith.constant 1 : i32
              %and3A_598 = vector.broadcast %and3A_597 : i32 to vector<16xi32>
              %and3A_599 = arith.andi %shift_right_arithmetic3A_596, %and3A_598 : vector<16xi32>
              %eq3A_600 = arith.constant 1 : i32
              %eq3A_601 = vector.broadcast %eq3A_600 : i32 to vector<16xi32>
              %eq3A_602 = arith.cmpi eq, %and3A_599, %eq3A_601 : vector<16xi32>
              %mul3A_603 = arith.constant 16 : i32
              %mul3A_604 = arith.muli %add3A_422, %mul3A_603 : i32
              %add3A_605 = vector.broadcast %mul3A_604 : i32 to vector<16xi32>
              %add3A_606 = arith.addi %iota3A, %add3A_605 : vector<16xi32>
              %min3A_607 = arith.constant 32 : i32
              %min3A_608 = arith.minsi %add3A_418, %min3A_607 : i32
              %swap3A_609 = arith.index_cast %min3A_608 : i32 to index
              %swap3A_610 = tpu.vector_load %arg11[%swap3A_609] masked %eq3A_602 {strides = array<i32>} : memref<48xi32, #tpu.memory_space<vmem>>, vector<16xi32>, vector<16xi1>
              tpu.vector_store %arg11[%swap3A_609], %add3A_606 masked %eq3A_602 {strides = array<i32>} : memref<48xi32, #tpu.memory_space<vmem>>, vector<16xi32>, vector<16xi1>
            } else {
            }
            %add3A_430 = arith.addi %add3A_418, %squeeze3A_424 : i32
            %mul3A_431 = arith.constant 32 : i32
            %mul3A_432 = arith.muli %scan3A_183, %mul3A_431 : i32
            %add3A_433 = arith.constant 19 : i32
            %add3A_434 = arith.addi %mul3A_432, %add3A_433 : i32
            %slice3A_435 = vector.extract_strided_slice %get3A_205 {offsets = [3], sizes = [1], strides = [1]} : vector<16xi32> to vector<1xi32>
            %squeeze3A_436 = vector.extract %slice3A_435[0] : i32 from vector<1xi32>
            %gt3A_437 = arith.constant 0 : i32
            %gt3A_438 = arith.cmpi sgt, %squeeze3A_436, %gt3A_437 : i32
            %convert_element_type3A_439 = arith.extui %gt3A_438 : i1 to i32
            %cond3A_440 = arith.constant 0 : i32
            %cond3A_441 = arith.cmpi ne, %convert_element_type3A_439, %cond3A_440 : i32
            scf.if %cond3A_441 {
              %mul3A_590 = arith.constant 16 : i32
              %mul3A_591 = arith.muli %add3A_434, %mul3A_590 : i32
              %add3A_592 = arith.addi %mul3A_150, %mul3A_591 : i32
              %get3A_593 = arith.index_cast %add3A_592 : i32 to index
              %get3A_594 = tpu.vector_load %arg9[%get3A_593] {strides = array<i32>} : memref<40960xi32, #tpu.memory_space<vmem>>, vector<16xi32>,
              %shift_right_arithmetic3A_595 = vector.broadcast %and3A_152 : i32 to vector<16xi32>
              %shift_right_arithmetic3A_596 = arith.shrsi %get3A_594, %shift_right_arithmetic3A_595 : vector<16xi32>
              %and3A_597 = arith.constant 1 : i32
              %and3A_598 = vector.broadcast %and3A_597 : i32 to vector<16xi32>
              %and3A_599 = arith.andi %shift_right_arithmetic3A_596, %and3A_598 : vector<16xi32>
              %eq3A_600 = arith.constant 1 : i32
              %eq3A_601 = vector.broadcast %eq3A_600 : i32 to vector<16xi32>
              %eq3A_602 = arith.cmpi eq, %and3A_599, %eq3A_601 : vector<16xi32>
              %mul3A_603 = arith.constant 16 : i32
              %mul3A_604 = arith.muli %add3A_434, %mul3A_603 : i32
              %add3A_605 = vector.broadcast %mul3A_604 : i32 to vector<16xi32>
              %add3A_606 = arith.addi %iota3A, %add3A_605 : vector<16xi32>
              %min3A_607 = arith.constant 32 : i32
              %min3A_608 = arith.minsi %add3A_430, %min3A_607 : i32
              %swap3A_609 = arith.index_cast %min3A_608 : i32 to index
              %swap3A_610 = tpu.vector_load %arg11[%swap3A_609] masked %eq3A_602 {strides = array<i32>} : memref<48xi32, #tpu.memory_space<vmem>>, vector<16xi32>, vector<16xi1>
              tpu.vector_store %arg11[%swap3A_609], %add3A_606 masked %eq3A_602 {strides = array<i32>} : memref<48xi32, #tpu.memory_space<vmem>>, vector<16xi32>, vector<16xi1>
            } else {
            }
            %add3A_442 = arith.addi %add3A_430, %squeeze3A_436 : i32
            %mul3A_443 = arith.constant 32 : i32
            %mul3A_444 = arith.muli %scan3A_183, %mul3A_443 : i32
            %add3A_445 = arith.constant 20 : i32
            %add3A_446 = arith.addi %mul3A_444, %add3A_445 : i32
            %slice3A_447 = vector.extract_strided_slice %get3A_205 {offsets = [4], sizes = [1], strides = [1]} : vector<16xi32> to vector<1xi32>
            %squeeze3A_448 = vector.extract %slice3A_447[0] : i32 from vector<1xi32>
            %gt3A_449 = arith.constant 0 : i32
            %gt3A_450 = arith.cmpi sgt, %squeeze3A_448, %gt3A_449 : i32
            %convert_element_type3A_451 = arith.extui %gt3A_450 : i1 to i32
            %cond3A_452 = arith.constant 0 : i32
            %cond3A_453 = arith.cmpi ne, %convert_element_type3A_451, %cond3A_452 : i32
            scf.if %cond3A_453 {
              %mul3A_590 = arith.constant 16 : i32
              %mul3A_591 = arith.muli %add3A_446, %mul3A_590 : i32
              %add3A_592 = arith.addi %mul3A_150, %mul3A_591 : i32
              %get3A_593 = arith.index_cast %add3A_592 : i32 to index
              %get3A_594 = tpu.vector_load %arg9[%get3A_593] {strides = array<i32>} : memref<40960xi32, #tpu.memory_space<vmem>>, vector<16xi32>,
              %shift_right_arithmetic3A_595 = vector.broadcast %and3A_152 : i32 to vector<16xi32>
              %shift_right_arithmetic3A_596 = arith.shrsi %get3A_594, %shift_right_arithmetic3A_595 : vector<16xi32>
              %and3A_597 = arith.constant 1 : i32
              %and3A_598 = vector.broadcast %and3A_597 : i32 to vector<16xi32>
              %and3A_599 = arith.andi %shift_right_arithmetic3A_596, %and3A_598 : vector<16xi32>
              %eq3A_600 = arith.constant 1 : i32
              %eq3A_601 = vector.broadcast %eq3A_600 : i32 to vector<16xi32>
              %eq3A_602 = arith.cmpi eq, %and3A_599, %eq3A_601 : vector<16xi32>
              %mul3A_603 = arith.constant 16 : i32
              %mul3A_604 = arith.muli %add3A_446, %mul3A_603 : i32
              %add3A_605 = vector.broadcast %mul3A_604 : i32 to vector<16xi32>
              %add3A_606 = arith.addi %iota3A, %add3A_605 : vector<16xi32>
              %min3A_607 = arith.constant 32 : i32
              %min3A_608 = arith.minsi %add3A_442, %min3A_607 : i32
              %swap3A_609 = arith.index_cast %min3A_608 : i32 to index
              %swap3A_610 = tpu.vector_load %arg11[%swap3A_609] masked %eq3A_602 {strides = array<i32>} : memref<48xi32, #tpu.memory_space<vmem>>, vector<16xi32>, vector<16xi1>
              tpu.vector_store %arg11[%swap3A_609], %add3A_606 masked %eq3A_602 {strides = array<i32>} : memref<48xi32, #tpu.memory_space<vmem>>, vector<16xi32>, vector<16xi1>
            } else {
            }
            %add3A_454 = arith.addi %add3A_442, %squeeze3A_448 : i32
            %mul3A_455 = arith.constant 32 : i32
            %mul3A_456 = arith.muli %scan3A_183, %mul3A_455 : i32
            %add3A_457 = arith.constant 21 : i32
            %add3A_458 = arith.addi %mul3A_456, %add3A_457 : i32
            %slice3A_459 = vector.extract_strided_slice %get3A_205 {offsets = [5], sizes = [1], strides = [1]} : vector<16xi32> to vector<1xi32>
            %squeeze3A_460 = vector.extract %slice3A_459[0] : i32 from vector<1xi32>
            %gt3A_461 = arith.constant 0 : i32
            %gt3A_462 = arith.cmpi sgt, %squeeze3A_460, %gt3A_461 : i32
            %convert_element_type3A_463 = arith.extui %gt3A_462 : i1 to i32
            %cond3A_464 = arith.constant 0 : i32
            %cond3A_465 = arith.cmpi ne, %convert_element_type3A_463, %cond3A_464 : i32
            scf.if %cond3A_465 {
              %mul3A_590 = arith.constant 16 : i32
              %mul3A_591 = arith.muli %add3A_458, %mul3A_590 : i32
              %add3A_592 = arith.addi %mul3A_150, %mul3A_591 : i32
              %get3A_593 = arith.index_cast %add3A_592 : i32 to index
              %get3A_594 = tpu.vector_load %arg9[%get3A_593] {strides = array<i32>} : memref<40960xi32, #tpu.memory_space<vmem>>, vector<16xi32>,
              %shift_right_arithmetic3A_595 = vector.broadcast %and3A_152 : i32 to vector<16xi32>
              %shift_right_arithmetic3A_596 = arith.shrsi %get3A_594, %shift_right_arithmetic3A_595 : vector<16xi32>
              %and3A_597 = arith.constant 1 : i32
              %and3A_598 = vector.broadcast %and3A_597 : i32 to vector<16xi32>
              %and3A_599 = arith.andi %shift_right_arithmetic3A_596, %and3A_598 : vector<16xi32>
              %eq3A_600 = arith.constant 1 : i32
              %eq3A_601 = vector.broadcast %eq3A_600 : i32 to vector<16xi32>
              %eq3A_602 = arith.cmpi eq, %and3A_599, %eq3A_601 : vector<16xi32>
              %mul3A_603 = arith.constant 16 : i32
              %mul3A_604 = arith.muli %add3A_458, %mul3A_603 : i32
              %add3A_605 = vector.broadcast %mul3A_604 : i32 to vector<16xi32>
              %add3A_606 = arith.addi %iota3A, %add3A_605 : vector<16xi32>
              %min3A_607 = arith.constant 32 : i32
              %min3A_608 = arith.minsi %add3A_454, %min3A_607 : i32
              %swap3A_609 = arith.index_cast %min3A_608 : i32 to index
              %swap3A_610 = tpu.vector_load %arg11[%swap3A_609] masked %eq3A_602 {strides = array<i32>} : memref<48xi32, #tpu.memory_space<vmem>>, vector<16xi32>, vector<16xi1>
              tpu.vector_store %arg11[%swap3A_609], %add3A_606 masked %eq3A_602 {strides = array<i32>} : memref<48xi32, #tpu.memory_space<vmem>>, vector<16xi32>, vector<16xi1>
            } else {
            }
            %add3A_466 = arith.addi %add3A_454, %squeeze3A_460 : i32
            %mul3A_467 = arith.constant 32 : i32
            %mul3A_468 = arith.muli %scan3A_183, %mul3A_467 : i32
            %add3A_469 = arith.constant 22 : i32
            %add3A_470 = arith.addi %mul3A_468, %add3A_469 : i32
            %slice3A_471 = vector.extract_strided_slice %get3A_205 {offsets = [6], sizes = [1], strides = [1]} : vector<16xi32> to vector<1xi32>
            %squeeze3A_472 = vector.extract %slice3A_471[0] : i32 from vector<1xi32>
            %gt3A_473 = arith.constant 0 : i32
            %gt3A_474 = arith.cmpi sgt, %squeeze3A_472, %gt3A_473 : i32
            %convert_element_type3A_475 = arith.extui %gt3A_474 : i1 to i32
            %cond3A_476 = arith.constant 0 : i32
            %cond3A_477 = arith.cmpi ne, %convert_element_type3A_475, %cond3A_476 : i32
            scf.if %cond3A_477 {
              %mul3A_590 = arith.constant 16 : i32
              %mul3A_591 = arith.muli %add3A_470, %mul3A_590 : i32
              %add3A_592 = arith.addi %mul3A_150, %mul3A_591 : i32
              %get3A_593 = arith.index_cast %add3A_592 : i32 to index
              %get3A_594 = tpu.vector_load %arg9[%get3A_593] {strides = array<i32>} : memref<40960xi32, #tpu.memory_space<vmem>>, vector<16xi32>,
              %shift_right_arithmetic3A_595 = vector.broadcast %and3A_152 : i32 to vector<16xi32>
              %shift_right_arithmetic3A_596 = arith.shrsi %get3A_594, %shift_right_arithmetic3A_595 : vector<16xi32>
              %and3A_597 = arith.constant 1 : i32
              %and3A_598 = vector.broadcast %and3A_597 : i32 to vector<16xi32>
              %and3A_599 = arith.andi %shift_right_arithmetic3A_596, %and3A_598 : vector<16xi32>
              %eq3A_600 = arith.constant 1 : i32
              %eq3A_601 = vector.broadcast %eq3A_600 : i32 to vector<16xi32>
              %eq3A_602 = arith.cmpi eq, %and3A_599, %eq3A_601 : vector<16xi32>
              %mul3A_603 = arith.constant 16 : i32
              %mul3A_604 = arith.muli %add3A_470, %mul3A_603 : i32
              %add3A_605 = vector.broadcast %mul3A_604 : i32 to vector<16xi32>
              %add3A_606 = arith.addi %iota3A, %add3A_605 : vector<16xi32>
              %min3A_607 = arith.constant 32 : i32
              %min3A_608 = arith.minsi %add3A_466, %min3A_607 : i32
              %swap3A_609 = arith.index_cast %min3A_608 : i32 to index
              %swap3A_610 = tpu.vector_load %arg11[%swap3A_609] masked %eq3A_602 {strides = array<i32>} : memref<48xi32, #tpu.memory_space<vmem>>, vector<16xi32>, vector<16xi1>
              tpu.vector_store %arg11[%swap3A_609], %add3A_606 masked %eq3A_602 {strides = array<i32>} : memref<48xi32, #tpu.memory_space<vmem>>, vector<16xi32>, vector<16xi1>
            } else {
            }
            %add3A_478 = arith.addi %add3A_466, %squeeze3A_472 : i32
            %mul3A_479 = arith.constant 32 : i32
            %mul3A_480 = arith.muli %scan3A_183, %mul3A_479 : i32
            %add3A_481 = arith.constant 23 : i32
            %add3A_482 = arith.addi %mul3A_480, %add3A_481 : i32
            %slice3A_483 = vector.extract_strided_slice %get3A_205 {offsets = [7], sizes = [1], strides = [1]} : vector<16xi32> to vector<1xi32>
            %squeeze3A_484 = vector.extract %slice3A_483[0] : i32 from vector<1xi32>
            %gt3A_485 = arith.constant 0 : i32
            %gt3A_486 = arith.cmpi sgt, %squeeze3A_484, %gt3A_485 : i32
            %convert_element_type3A_487 = arith.extui %gt3A_486 : i1 to i32
            %cond3A_488 = arith.constant 0 : i32
            %cond3A_489 = arith.cmpi ne, %convert_element_type3A_487, %cond3A_488 : i32
            scf.if %cond3A_489 {
              %mul3A_590 = arith.constant 16 : i32
              %mul3A_591 = arith.muli %add3A_482, %mul3A_590 : i32
              %add3A_592 = arith.addi %mul3A_150, %mul3A_591 : i32
              %get3A_593 = arith.index_cast %add3A_592 : i32 to index
              %get3A_594 = tpu.vector_load %arg9[%get3A_593] {strides = array<i32>} : memref<40960xi32, #tpu.memory_space<vmem>>, vector<16xi32>,
              %shift_right_arithmetic3A_595 = vector.broadcast %and3A_152 : i32 to vector<16xi32>
              %shift_right_arithmetic3A_596 = arith.shrsi %get3A_594, %shift_right_arithmetic3A_595 : vector<16xi32>
              %and3A_597 = arith.constant 1 : i32
              %and3A_598 = vector.broadcast %and3A_597 : i32 to vector<16xi32>
              %and3A_599 = arith.andi %shift_right_arithmetic3A_596, %and3A_598 : vector<16xi32>
              %eq3A_600 = arith.constant 1 : i32
              %eq3A_601 = vector.broadcast %eq3A_600 : i32 to vector<16xi32>
              %eq3A_602 = arith.cmpi eq, %and3A_599, %eq3A_601 : vector<16xi32>
              %mul3A_603 = arith.constant 16 : i32
              %mul3A_604 = arith.muli %add3A_482, %mul3A_603 : i32
              %add3A_605 = vector.broadcast %mul3A_604 : i32 to vector<16xi32>
              %add3A_606 = arith.addi %iota3A, %add3A_605 : vector<16xi32>
              %min3A_607 = arith.constant 32 : i32
              %min3A_608 = arith.minsi %add3A_478, %min3A_607 : i32
              %swap3A_609 = arith.index_cast %min3A_608 : i32 to index
              %swap3A_610 = tpu.vector_load %arg11[%swap3A_609] masked %eq3A_602 {strides = array<i32>} : memref<48xi32, #tpu.memory_space<vmem>>, vector<16xi32>, vector<16xi1>
              tpu.vector_store %arg11[%swap3A_609], %add3A_606 masked %eq3A_602 {strides = array<i32>} : memref<48xi32, #tpu.memory_space<vmem>>, vector<16xi32>, vector<16xi1>
            } else {
            }
            %add3A_490 = arith.addi %add3A_478, %squeeze3A_484 : i32
            %mul3A_491 = arith.constant 32 : i32
            %mul3A_492 = arith.muli %scan3A_183, %mul3A_491 : i32
            %add3A_493 = arith.constant 24 : i32
            %add3A_494 = arith.addi %mul3A_492, %add3A_493 : i32
            %slice3A_495 = vector.extract_strided_slice %get3A_205 {offsets = [8], sizes = [1], strides = [1]} : vector<16xi32> to vector<1xi32>
            %squeeze3A_496 = vector.extract %slice3A_495[0] : i32 from vector<1xi32>
            %gt3A_497 = arith.constant 0 : i32
            %gt3A_498 = arith.cmpi sgt, %squeeze3A_496, %gt3A_497 : i32
            %convert_element_type3A_499 = arith.extui %gt3A_498 : i1 to i32
            %cond3A_500 = arith.constant 0 : i32
            %cond3A_501 = arith.cmpi ne, %convert_element_type3A_499, %cond3A_500 : i32
            scf.if %cond3A_501 {
              %mul3A_590 = arith.constant 16 : i32
              %mul3A_591 = arith.muli %add3A_494, %mul3A_590 : i32
              %add3A_592 = arith.addi %mul3A_150, %mul3A_591 : i32
              %get3A_593 = arith.index_cast %add3A_592 : i32 to index
              %get3A_594 = tpu.vector_load %arg9[%get3A_593] {strides = array<i32>} : memref<40960xi32, #tpu.memory_space<vmem>>, vector<16xi32>,
              %shift_right_arithmetic3A_595 = vector.broadcast %and3A_152 : i32 to vector<16xi32>
              %shift_right_arithmetic3A_596 = arith.shrsi %get3A_594, %shift_right_arithmetic3A_595 : vector<16xi32>
              %and3A_597 = arith.constant 1 : i32
              %and3A_598 = vector.broadcast %and3A_597 : i32 to vector<16xi32>
              %and3A_599 = arith.andi %shift_right_arithmetic3A_596, %and3A_598 : vector<16xi32>
              %eq3A_600 = arith.constant 1 : i32
              %eq3A_601 = vector.broadcast %eq3A_600 : i32 to vector<16xi32>
              %eq3A_602 = arith.cmpi eq, %and3A_599, %eq3A_601 : vector<16xi32>
              %mul3A_603 = arith.constant 16 : i32
              %mul3A_604 = arith.muli %add3A_494, %mul3A_603 : i32
              %add3A_605 = vector.broadcast %mul3A_604 : i32 to vector<16xi32>
              %add3A_606 = arith.addi %iota3A, %add3A_605 : vector<16xi32>
              %min3A_607 = arith.constant 32 : i32
              %min3A_608 = arith.minsi %add3A_490, %min3A_607 : i32
              %swap3A_609 = arith.index_cast %min3A_608 : i32 to index
              %swap3A_610 = tpu.vector_load %arg11[%swap3A_609] masked %eq3A_602 {strides = array<i32>} : memref<48xi32, #tpu.memory_space<vmem>>, vector<16xi32>, vector<16xi1>
              tpu.vector_store %arg11[%swap3A_609], %add3A_606 masked %eq3A_602 {strides = array<i32>} : memref<48xi32, #tpu.memory_space<vmem>>, vector<16xi32>, vector<16xi1>
            } else {
            }
            %add3A_502 = arith.addi %add3A_490, %squeeze3A_496 : i32
            %mul3A_503 = arith.constant 32 : i32
            %mul3A_504 = arith.muli %scan3A_183, %mul3A_503 : i32
            %add3A_505 = arith.constant 25 : i32
            %add3A_506 = arith.addi %mul3A_504, %add3A_505 : i32
            %slice3A_507 = vector.extract_strided_slice %get3A_205 {offsets = [9], sizes = [1], strides = [1]} : vector<16xi32> to vector<1xi32>
            %squeeze3A_508 = vector.extract %slice3A_507[0] : i32 from vector<1xi32>
            %gt3A_509 = arith.constant 0 : i32
            %gt3A_510 = arith.cmpi sgt, %squeeze3A_508, %gt3A_509 : i32
            %convert_element_type3A_511 = arith.extui %gt3A_510 : i1 to i32
            %cond3A_512 = arith.constant 0 : i32
            %cond3A_513 = arith.cmpi ne, %convert_element_type3A_511, %cond3A_512 : i32
            scf.if %cond3A_513 {
              %mul3A_590 = arith.constant 16 : i32
              %mul3A_591 = arith.muli %add3A_506, %mul3A_590 : i32
              %add3A_592 = arith.addi %mul3A_150, %mul3A_591 : i32
              %get3A_593 = arith.index_cast %add3A_592 : i32 to index
              %get3A_594 = tpu.vector_load %arg9[%get3A_593] {strides = array<i32>} : memref<40960xi32, #tpu.memory_space<vmem>>, vector<16xi32>,
              %shift_right_arithmetic3A_595 = vector.broadcast %and3A_152 : i32 to vector<16xi32>
              %shift_right_arithmetic3A_596 = arith.shrsi %get3A_594, %shift_right_arithmetic3A_595 : vector<16xi32>
              %and3A_597 = arith.constant 1 : i32
              %and3A_598 = vector.broadcast %and3A_597 : i32 to vector<16xi32>
              %and3A_599 = arith.andi %shift_right_arithmetic3A_596, %and3A_598 : vector<16xi32>
              %eq3A_600 = arith.constant 1 : i32
              %eq3A_601 = vector.broadcast %eq3A_600 : i32 to vector<16xi32>
              %eq3A_602 = arith.cmpi eq, %and3A_599, %eq3A_601 : vector<16xi32>
              %mul3A_603 = arith.constant 16 : i32
              %mul3A_604 = arith.muli %add3A_506, %mul3A_603 : i32
              %add3A_605 = vector.broadcast %mul3A_604 : i32 to vector<16xi32>
              %add3A_606 = arith.addi %iota3A, %add3A_605 : vector<16xi32>
              %min3A_607 = arith.constant 32 : i32
              %min3A_608 = arith.minsi %add3A_502, %min3A_607 : i32
              %swap3A_609 = arith.index_cast %min3A_608 : i32 to index
              %swap3A_610 = tpu.vector_load %arg11[%swap3A_609] masked %eq3A_602 {strides = array<i32>} : memref<48xi32, #tpu.memory_space<vmem>>, vector<16xi32>, vector<16xi1>
              tpu.vector_store %arg11[%swap3A_609], %add3A_606 masked %eq3A_602 {strides = array<i32>} : memref<48xi32, #tpu.memory_space<vmem>>, vector<16xi32>, vector<16xi1>
            } else {
            }
            %add3A_514 = arith.addi %add3A_502, %squeeze3A_508 : i32
            %mul3A_515 = arith.constant 32 : i32
            %mul3A_516 = arith.muli %scan3A_183, %mul3A_515 : i32
            %add3A_517 = arith.constant 26 : i32
            %add3A_518 = arith.addi %mul3A_516, %add3A_517 : i32
            %slice3A_519 = vector.extract_strided_slice %get3A_205 {offsets = [10], sizes = [1], strides = [1]} : vector<16xi32> to vector<1xi32>
            %squeeze3A_520 = vector.extract %slice3A_519[0] : i32 from vector<1xi32>
            %gt3A_521 = arith.constant 0 : i32
            %gt3A_522 = arith.cmpi sgt, %squeeze3A_520, %gt3A_521 : i32
            %convert_element_type3A_523 = arith.extui %gt3A_522 : i1 to i32
            %cond3A_524 = arith.constant 0 : i32
            %cond3A_525 = arith.cmpi ne, %convert_element_type3A_523, %cond3A_524 : i32
            scf.if %cond3A_525 {
              %mul3A_590 = arith.constant 16 : i32
              %mul3A_591 = arith.muli %add3A_518, %mul3A_590 : i32
              %add3A_592 = arith.addi %mul3A_150, %mul3A_591 : i32
              %get3A_593 = arith.index_cast %add3A_592 : i32 to index
              %get3A_594 = tpu.vector_load %arg9[%get3A_593] {strides = array<i32>} : memref<40960xi32, #tpu.memory_space<vmem>>, vector<16xi32>,
              %shift_right_arithmetic3A_595 = vector.broadcast %and3A_152 : i32 to vector<16xi32>
              %shift_right_arithmetic3A_596 = arith.shrsi %get3A_594, %shift_right_arithmetic3A_595 : vector<16xi32>
              %and3A_597 = arith.constant 1 : i32
              %and3A_598 = vector.broadcast %and3A_597 : i32 to vector<16xi32>
              %and3A_599 = arith.andi %shift_right_arithmetic3A_596, %and3A_598 : vector<16xi32>
              %eq3A_600 = arith.constant 1 : i32
              %eq3A_601 = vector.broadcast %eq3A_600 : i32 to vector<16xi32>
              %eq3A_602 = arith.cmpi eq, %and3A_599, %eq3A_601 : vector<16xi32>
              %mul3A_603 = arith.constant 16 : i32
              %mul3A_604 = arith.muli %add3A_518, %mul3A_603 : i32
              %add3A_605 = vector.broadcast %mul3A_604 : i32 to vector<16xi32>
              %add3A_606 = arith.addi %iota3A, %add3A_605 : vector<16xi32>
              %min3A_607 = arith.constant 32 : i32
              %min3A_608 = arith.minsi %add3A_514, %min3A_607 : i32
              %swap3A_609 = arith.index_cast %min3A_608 : i32 to index
              %swap3A_610 = tpu.vector_load %arg11[%swap3A_609] masked %eq3A_602 {strides = array<i32>} : memref<48xi32, #tpu.memory_space<vmem>>, vector<16xi32>, vector<16xi1>
              tpu.vector_store %arg11[%swap3A_609], %add3A_606 masked %eq3A_602 {strides = array<i32>} : memref<48xi32, #tpu.memory_space<vmem>>, vector<16xi32>, vector<16xi1>
            } else {
            }
            %add3A_526 = arith.addi %add3A_514, %squeeze3A_520 : i32
            %mul3A_527 = arith.constant 32 : i32
            %mul3A_528 = arith.muli %scan3A_183, %mul3A_527 : i32
            %add3A_529 = arith.constant 27 : i32
            %add3A_530 = arith.addi %mul3A_528, %add3A_529 : i32
            %slice3A_531 = vector.extract_strided_slice %get3A_205 {offsets = [11], sizes = [1], strides = [1]} : vector<16xi32> to vector<1xi32>
            %squeeze3A_532 = vector.extract %slice3A_531[0] : i32 from vector<1xi32>
            %gt3A_533 = arith.constant 0 : i32
            %gt3A_534 = arith.cmpi sgt, %squeeze3A_532, %gt3A_533 : i32
            %convert_element_type3A_535 = arith.extui %gt3A_534 : i1 to i32
            %cond3A_536 = arith.constant 0 : i32
            %cond3A_537 = arith.cmpi ne, %convert_element_type3A_535, %cond3A_536 : i32
            scf.if %cond3A_537 {
              %mul3A_590 = arith.constant 16 : i32
              %mul3A_591 = arith.muli %add3A_530, %mul3A_590 : i32
              %add3A_592 = arith.addi %mul3A_150, %mul3A_591 : i32
              %get3A_593 = arith.index_cast %add3A_592 : i32 to index
              %get3A_594 = tpu.vector_load %arg9[%get3A_593] {strides = array<i32>} : memref<40960xi32, #tpu.memory_space<vmem>>, vector<16xi32>,
              %shift_right_arithmetic3A_595 = vector.broadcast %and3A_152 : i32 to vector<16xi32>
              %shift_right_arithmetic3A_596 = arith.shrsi %get3A_594, %shift_right_arithmetic3A_595 : vector<16xi32>
              %and3A_597 = arith.constant 1 : i32
              %and3A_598 = vector.broadcast %and3A_597 : i32 to vector<16xi32>
              %and3A_599 = arith.andi %shift_right_arithmetic3A_596, %and3A_598 : vector<16xi32>
              %eq3A_600 = arith.constant 1 : i32
              %eq3A_601 = vector.broadcast %eq3A_600 : i32 to vector<16xi32>
              %eq3A_602 = arith.cmpi eq, %and3A_599, %eq3A_601 : vector<16xi32>
              %mul3A_603 = arith.constant 16 : i32
              %mul3A_604 = arith.muli %add3A_530, %mul3A_603 : i32
              %add3A_605 = vector.broadcast %mul3A_604 : i32 to vector<16xi32>
              %add3A_606 = arith.addi %iota3A, %add3A_605 : vector<16xi32>
              %min3A_607 = arith.constant 32 : i32
              %min3A_608 = arith.minsi %add3A_526, %min3A_607 : i32
              %swap3A_609 = arith.index_cast %min3A_608 : i32 to index
              %swap3A_610 = tpu.vector_load %arg11[%swap3A_609] masked %eq3A_602 {strides = array<i32>} : memref<48xi32, #tpu.memory_space<vmem>>, vector<16xi32>, vector<16xi1>
              tpu.vector_store %arg11[%swap3A_609], %add3A_606 masked %eq3A_602 {strides = array<i32>} : memref<48xi32, #tpu.memory_space<vmem>>, vector<16xi32>, vector<16xi1>
            } else {
            }
            %add3A_538 = arith.addi %add3A_526, %squeeze3A_532 : i32
            %mul3A_539 = arith.constant 32 : i32
            %mul3A_540 = arith.muli %scan3A_183, %mul3A_539 : i32
            %add3A_541 = arith.constant 28 : i32
            %add3A_542 = arith.addi %mul3A_540, %add3A_541 : i32
            %slice3A_543 = vector.extract_strided_slice %get3A_205 {offsets = [12], sizes = [1], strides = [1]} : vector<16xi32> to vector<1xi32>
            %squeeze3A_544 = vector.extract %slice3A_543[0] : i32 from vector<1xi32>
            %gt3A_545 = arith.constant 0 : i32
            %gt3A_546 = arith.cmpi sgt, %squeeze3A_544, %gt3A_545 : i32
            %convert_element_type3A_547 = arith.extui %gt3A_546 : i1 to i32
            %cond3A_548 = arith.constant 0 : i32
            %cond3A_549 = arith.cmpi ne, %convert_element_type3A_547, %cond3A_548 : i32
            scf.if %cond3A_549 {
              %mul3A_590 = arith.constant 16 : i32
              %mul3A_591 = arith.muli %add3A_542, %mul3A_590 : i32
              %add3A_592 = arith.addi %mul3A_150, %mul3A_591 : i32
              %get3A_593 = arith.index_cast %add3A_592 : i32 to index
              %get3A_594 = tpu.vector_load %arg9[%get3A_593] {strides = array<i32>} : memref<40960xi32, #tpu.memory_space<vmem>>, vector<16xi32>,
              %shift_right_arithmetic3A_595 = vector.broadcast %and3A_152 : i32 to vector<16xi32>
              %shift_right_arithmetic3A_596 = arith.shrsi %get3A_594, %shift_right_arithmetic3A_595 : vector<16xi32>
              %and3A_597 = arith.constant 1 : i32
              %and3A_598 = vector.broadcast %and3A_597 : i32 to vector<16xi32>
              %and3A_599 = arith.andi %shift_right_arithmetic3A_596, %and3A_598 : vector<16xi32>
              %eq3A_600 = arith.constant 1 : i32
              %eq3A_601 = vector.broadcast %eq3A_600 : i32 to vector<16xi32>
              %eq3A_602 = arith.cmpi eq, %and3A_599, %eq3A_601 : vector<16xi32>
              %mul3A_603 = arith.constant 16 : i32
              %mul3A_604 = arith.muli %add3A_542, %mul3A_603 : i32
              %add3A_605 = vector.broadcast %mul3A_604 : i32 to vector<16xi32>
              %add3A_606 = arith.addi %iota3A, %add3A_605 : vector<16xi32>
              %min3A_607 = arith.constant 32 : i32
              %min3A_608 = arith.minsi %add3A_538, %min3A_607 : i32
              %swap3A_609 = arith.index_cast %min3A_608 : i32 to index
              %swap3A_610 = tpu.vector_load %arg11[%swap3A_609] masked %eq3A_602 {strides = array<i32>} : memref<48xi32, #tpu.memory_space<vmem>>, vector<16xi32>, vector<16xi1>
              tpu.vector_store %arg11[%swap3A_609], %add3A_606 masked %eq3A_602 {strides = array<i32>} : memref<48xi32, #tpu.memory_space<vmem>>, vector<16xi32>, vector<16xi1>
            } else {
            }
            %add3A_550 = arith.addi %add3A_538, %squeeze3A_544 : i32
            %mul3A_551 = arith.constant 32 : i32
            %mul3A_552 = arith.muli %scan3A_183, %mul3A_551 : i32
            %add3A_553 = arith.constant 29 : i32
            %add3A_554 = arith.addi %mul3A_552, %add3A_553 : i32
            %slice3A_555 = vector.extract_strided_slice %get3A_205 {offsets = [13], sizes = [1], strides = [1]} : vector<16xi32> to vector<1xi32>
            %squeeze3A_556 = vector.extract %slice3A_555[0] : i32 from vector<1xi32>
            %gt3A_557 = arith.constant 0 : i32
            %gt3A_558 = arith.cmpi sgt, %squeeze3A_556, %gt3A_557 : i32
            %convert_element_type3A_559 = arith.extui %gt3A_558 : i1 to i32
            %cond3A_560 = arith.constant 0 : i32
            %cond3A_561 = arith.cmpi ne, %convert_element_type3A_559, %cond3A_560 : i32
            scf.if %cond3A_561 {
              %mul3A_590 = arith.constant 16 : i32
              %mul3A_591 = arith.muli %add3A_554, %mul3A_590 : i32
              %add3A_592 = arith.addi %mul3A_150, %mul3A_591 : i32
              %get3A_593 = arith.index_cast %add3A_592 : i32 to index
              %get3A_594 = tpu.vector_load %arg9[%get3A_593] {strides = array<i32>} : memref<40960xi32, #tpu.memory_space<vmem>>, vector<16xi32>,
              %shift_right_arithmetic3A_595 = vector.broadcast %and3A_152 : i32 to vector<16xi32>
              %shift_right_arithmetic3A_596 = arith.shrsi %get3A_594, %shift_right_arithmetic3A_595 : vector<16xi32>
              %and3A_597 = arith.constant 1 : i32
              %and3A_598 = vector.broadcast %and3A_597 : i32 to vector<16xi32>
              %and3A_599 = arith.andi %shift_right_arithmetic3A_596, %and3A_598 : vector<16xi32>
              %eq3A_600 = arith.constant 1 : i32
              %eq3A_601 = vector.broadcast %eq3A_600 : i32 to vector<16xi32>
              %eq3A_602 = arith.cmpi eq, %and3A_599, %eq3A_601 : vector<16xi32>
              %mul3A_603 = arith.constant 16 : i32
              %mul3A_604 = arith.muli %add3A_554, %mul3A_603 : i32
              %add3A_605 = vector.broadcast %mul3A_604 : i32 to vector<16xi32>
              %add3A_606 = arith.addi %iota3A, %add3A_605 : vector<16xi32>
              %min3A_607 = arith.constant 32 : i32
              %min3A_608 = arith.minsi %add3A_550, %min3A_607 : i32
              %swap3A_609 = arith.index_cast %min3A_608 : i32 to index
              %swap3A_610 = tpu.vector_load %arg11[%swap3A_609] masked %eq3A_602 {strides = array<i32>} : memref<48xi32, #tpu.memory_space<vmem>>, vector<16xi32>, vector<16xi1>
              tpu.vector_store %arg11[%swap3A_609], %add3A_606 masked %eq3A_602 {strides = array<i32>} : memref<48xi32, #tpu.memory_space<vmem>>, vector<16xi32>, vector<16xi1>
            } else {
            }
            %add3A_562 = arith.addi %add3A_550, %squeeze3A_556 : i32
            %mul3A_563 = arith.constant 32 : i32
            %mul3A_564 = arith.muli %scan3A_183, %mul3A_563 : i32
            %add3A_565 = arith.constant 30 : i32
            %add3A_566 = arith.addi %mul3A_564, %add3A_565 : i32
            %slice3A_567 = vector.extract_strided_slice %get3A_205 {offsets = [14], sizes = [1], strides = [1]} : vector<16xi32> to vector<1xi32>
            %squeeze3A_568 = vector.extract %slice3A_567[0] : i32 from vector<1xi32>
            %gt3A_569 = arith.constant 0 : i32
            %gt3A_570 = arith.cmpi sgt, %squeeze3A_568, %gt3A_569 : i32
            %convert_element_type3A_571 = arith.extui %gt3A_570 : i1 to i32
            %cond3A_572 = arith.constant 0 : i32
            %cond3A_573 = arith.cmpi ne, %convert_element_type3A_571, %cond3A_572 : i32
            scf.if %cond3A_573 {
              %mul3A_590 = arith.constant 16 : i32
              %mul3A_591 = arith.muli %add3A_566, %mul3A_590 : i32
              %add3A_592 = arith.addi %mul3A_150, %mul3A_591 : i32
              %get3A_593 = arith.index_cast %add3A_592 : i32 to index
              %get3A_594 = tpu.vector_load %arg9[%get3A_593] {strides = array<i32>} : memref<40960xi32, #tpu.memory_space<vmem>>, vector<16xi32>,
              %shift_right_arithmetic3A_595 = vector.broadcast %and3A_152 : i32 to vector<16xi32>
              %shift_right_arithmetic3A_596 = arith.shrsi %get3A_594, %shift_right_arithmetic3A_595 : vector<16xi32>
              %and3A_597 = arith.constant 1 : i32
              %and3A_598 = vector.broadcast %and3A_597 : i32 to vector<16xi32>
              %and3A_599 = arith.andi %shift_right_arithmetic3A_596, %and3A_598 : vector<16xi32>
              %eq3A_600 = arith.constant 1 : i32
              %eq3A_601 = vector.broadcast %eq3A_600 : i32 to vector<16xi32>
              %eq3A_602 = arith.cmpi eq, %and3A_599, %eq3A_601 : vector<16xi32>
              %mul3A_603 = arith.constant 16 : i32
              %mul3A_604 = arith.muli %add3A_566, %mul3A_603 : i32
              %add3A_605 = vector.broadcast %mul3A_604 : i32 to vector<16xi32>
              %add3A_606 = arith.addi %iota3A, %add3A_605 : vector<16xi32>
              %min3A_607 = arith.constant 32 : i32
              %min3A_608 = arith.minsi %add3A_562, %min3A_607 : i32
              %swap3A_609 = arith.index_cast %min3A_608 : i32 to index
              %swap3A_610 = tpu.vector_load %arg11[%swap3A_609] masked %eq3A_602 {strides = array<i32>} : memref<48xi32, #tpu.memory_space<vmem>>, vector<16xi32>, vector<16xi1>
              tpu.vector_store %arg11[%swap3A_609], %add3A_606 masked %eq3A_602 {strides = array<i32>} : memref<48xi32, #tpu.memory_space<vmem>>, vector<16xi32>, vector<16xi1>
            } else {
            }
            %add3A_574 = arith.addi %add3A_562, %squeeze3A_568 : i32
            %mul3A_575 = arith.constant 32 : i32
            %mul3A_576 = arith.muli %scan3A_183, %mul3A_575 : i32
            %add3A_577 = arith.constant 31 : i32
            %add3A_578 = arith.addi %mul3A_576, %add3A_577 : i32
            %slice3A_579 = vector.extract_strided_slice %get3A_205 {offsets = [15], sizes = [1], strides = [1]} : vector<16xi32> to vector<1xi32>
            %squeeze3A_580 = vector.extract %slice3A_579[0] : i32 from vector<1xi32>
            %gt3A_581 = arith.constant 0 : i32
            %gt3A_582 = arith.cmpi sgt, %squeeze3A_580, %gt3A_581 : i32
            %convert_element_type3A_583 = arith.extui %gt3A_582 : i1 to i32
            %cond3A_584 = arith.constant 0 : i32
            %cond3A_585 = arith.cmpi ne, %convert_element_type3A_583, %cond3A_584 : i32
            scf.if %cond3A_585 {
              %mul3A_590 = arith.constant 16 : i32
              %mul3A_591 = arith.muli %add3A_578, %mul3A_590 : i32
              %add3A_592 = arith.addi %mul3A_150, %mul3A_591 : i32
              %get3A_593 = arith.index_cast %add3A_592 : i32 to index
              %get3A_594 = tpu.vector_load %arg9[%get3A_593] {strides = array<i32>} : memref<40960xi32, #tpu.memory_space<vmem>>, vector<16xi32>,
              %shift_right_arithmetic3A_595 = vector.broadcast %and3A_152 : i32 to vector<16xi32>
              %shift_right_arithmetic3A_596 = arith.shrsi %get3A_594, %shift_right_arithmetic3A_595 : vector<16xi32>
              %and3A_597 = arith.constant 1 : i32
              %and3A_598 = vector.broadcast %and3A_597 : i32 to vector<16xi32>
              %and3A_599 = arith.andi %shift_right_arithmetic3A_596, %and3A_598 : vector<16xi32>
              %eq3A_600 = arith.constant 1 : i32
              %eq3A_601 = vector.broadcast %eq3A_600 : i32 to vector<16xi32>
              %eq3A_602 = arith.cmpi eq, %and3A_599, %eq3A_601 : vector<16xi32>
              %mul3A_603 = arith.constant 16 : i32
              %mul3A_604 = arith.muli %add3A_578, %mul3A_603 : i32
              %add3A_605 = vector.broadcast %mul3A_604 : i32 to vector<16xi32>
              %add3A_606 = arith.addi %iota3A, %add3A_605 : vector<16xi32>
              %min3A_607 = arith.constant 32 : i32
              %min3A_608 = arith.minsi %add3A_574, %min3A_607 : i32
              %swap3A_609 = arith.index_cast %min3A_608 : i32 to index
              %swap3A_610 = tpu.vector_load %arg11[%swap3A_609] masked %eq3A_602 {strides = array<i32>} : memref<48xi32, #tpu.memory_space<vmem>>, vector<16xi32>, vector<16xi1>
              tpu.vector_store %arg11[%swap3A_609], %add3A_606 masked %eq3A_602 {strides = array<i32>} : memref<48xi32, #tpu.memory_space<vmem>>, vector<16xi32>, vector<16xi1>
            } else {
            }
            %add3A_586 = arith.addi %add3A_574, %squeeze3A_580 : i32
            %swap3A_587 = arith.constant 0 : i32
            %swap3A_588 = arith.index_cast %swap3A_587 : i32 to index
            %swap3A_589 = memref.load %arg17[%swap3A_588] : memref<1xi32, #tpu.memory_space<smem>>
            memref.store %add3A_586, %arg17[%swap3A_588] : memref<1xi32, #tpu.memory_space<smem>>
          } else {
          }
        }
        %scan3A_157 = arith.constant 20 : i32
        %get3A = arith.constant 0 : index
        %get3A_158 = tpu.vector_load %arg11[%get3A] {strides = array<i32>} : memref<48xi32, #tpu.memory_space<vmem>>, vector<16xi32>,
        %swap3A_159 = arith.constant 0 : index
        %swap3A_160 = tpu.vector_load %arg13[%swap3A_159] {strides = array<i32>} : memref<32xi32, #tpu.memory_space<vmem>>, vector<16xi32>,
        tpu.vector_store %arg13[%swap3A_159], %get3A_158 {strides = array<i32>} : memref<32xi32, #tpu.memory_space<vmem>>, vector<16xi32>,
        %get3A_161 = arith.constant 16 : index
        %get3A_162 = tpu.vector_load %arg11[%get3A_161] {strides = array<i32>} : memref<48xi32, #tpu.memory_space<vmem>>, vector<16xi32>,
        %swap3A_163 = arith.constant 16 : index
        %swap3A_164 = tpu.vector_load %arg13[%swap3A_163] {strides = array<i32>} : memref<32xi32, #tpu.memory_space<vmem>>, vector<16xi32>,
        tpu.vector_store %arg13[%swap3A_163], %get3A_162 {strides = array<i32>} : memref<32xi32, #tpu.memory_space<vmem>>, vector<16xi32>,
        %sub3A_165 = arith.subi %add3A_106, %mul3A_2 : i32
        %ge3A = arith.constant 2 : i32
        %ge3A_166 = arith.cmpi sge, %sub3A_165, %ge3A : i32
        %convert_element_type3A_167 = arith.extui %ge3A_166 : i1 to i32
        %cond3A_168 = arith.constant 0 : i32
        %cond3A_169 = arith.cmpi ne, %convert_element_type3A_167, %cond3A_168 : i32
        scf.if %cond3A_169 {
          %sub3A_183 = arith.constant 2 : i32
          %sub3A_184 = arith.subi %add3A_106, %sub3A_183 : i32
          %dma_wait3A_185 = arith.constant 0 : i32
          %dma_wait3A_186 = arith.constant 0 : i32
          %dma_wait3A_187 = tpu.memref_slice %arg14[%cond3A_110, %dma_wait3A_185, %dma_wait3A_186] : memref<2x32x512xf32, #tpu.memory_space<vmem>> -> memref<1x32x512xf32, #tpu.memory_space<vmem>>
          %dma_wait3A_188 = tpu.memref_squeeze %dma_wait3A_187 : memref<1x32x512xf32, #tpu.memory_space<vmem>> -> memref<32x512xf32, #tpu.memory_space<vmem>>
          %dma_wait3A_189 = arith.constant 0 : i32
          %dma_wait3A_190 = arith.constant 0 : i32
          %dma_wait3A_191 = tpu.memref_slice %arg7[%sub3A_184, %dma_wait3A_189, %dma_wait3A_190] : memref<2560x32x512xf32, #tpu.memory_space<hbm>> -> memref<1x32x512xf32, #tpu.memory_space<hbm>>
          %dma_wait3A_192 = tpu.memref_squeeze %dma_wait3A_191 : memref<1x32x512xf32, #tpu.memory_space<hbm>> -> memref<32x512xf32, #tpu.memory_space<hbm>>
          %dma_wait3A_193 = arith.constant 0 : i32
          %dma_wait3A_194 = arith.constant 0 : i32
          %dma_wait3A_195 = tpu.memref_slice %arg7[%sub3A_184, %dma_wait3A_193, %dma_wait3A_194] : memref<2560x32x512xf32, #tpu.memory_space<hbm>> -> memref<1x32x512xf32, #tpu.memory_space<hbm>>
          %dma_wait3A_196 = tpu.memref_squeeze %dma_wait3A_195 : memref<1x32x512xf32, #tpu.memory_space<hbm>> -> memref<32x512xf32, #tpu.memory_space<hbm>>
          %dma_wait3A_197 = arith.constant 0 : i32
          %dma_wait3A_198 = arith.constant 0 : i32
          %dma_wait3A_199 = tpu.memref_slice %arg14[%cond3A_110, %dma_wait3A_197, %dma_wait3A_198] : memref<2x32x512xf32, #tpu.memory_space<vmem>> -> memref<1x32x512xf32, #tpu.memory_space<vmem>>
          %dma_wait3A_200 = tpu.memref_squeeze %dma_wait3A_199 : memref<1x32x512xf32, #tpu.memory_space<vmem>> -> memref<32x512xf32, #tpu.memory_space<vmem>>
          tpu.wait_dma2 semaphore(%arg20 : memref<!tpu.dma_semaphore, #tpu.memory_space<semaphore_mem>>) src(%dma_wait3A_200 : memref<32x512xf32, #tpu.memory_space<vmem>>) dst(%dma_wait3A_196 : memref<32x512xf32, #tpu.memory_space<hbm>>)
        } else {
        }
        %sub3A_170 = arith.subi %add3A_106, %mul3A_2 : i32
        %ge3A_171 = arith.constant 1 : i32
        %ge3A_172 = arith.cmpi sge, %sub3A_170, %ge3A_171 : i32
        %convert_element_type3A_173 = arith.extui %ge3A_172 : i1 to i32
        %cond3A_174 = arith.constant 0 : i32
        %cond3A_175 = arith.cmpi ne, %convert_element_type3A_173, %cond3A_174 : i32
        scf.if %cond3A_175 {
          %dma_wait3A_183 = arith.constant 0 : i32
          %dma_wait3A_184 = arith.constant 0 : i32
          %dma_wait3A_185 = tpu.memref_slice %arg14[%cond3A_111, %dma_wait3A_183, %dma_wait3A_184] : memref<2x32x512xf32, #tpu.memory_space<vmem>> -> memref<1x32x512xf32, #tpu.memory_space<vmem>>
          %dma_wait3A_186 = tpu.memref_squeeze %dma_wait3A_185 : memref<1x32x512xf32, #tpu.memory_space<vmem>> -> memref<32x512xf32, #tpu.memory_space<vmem>>
          %dma_wait3A_187 = arith.constant 0 : i32
          %dma_wait3A_188 = arith.constant 0 : i32
          %dma_wait3A_189 = tpu.memref_slice %arg4[%dma_wait3A_187, %dma_wait3A_188] : memref<10000x512xf32, #tpu.memory_space<hbm>> -> memref<10000x512xf32, #tpu.memory_space<hbm>>
          tpu.wait_indirect_dma semaphore(%arg19 : memref<!tpu.dma_semaphore, #tpu.memory_space<semaphore_mem>>) src(%dma_wait3A_189 : memref<10000x512xf32, #tpu.memory_space<hbm>>) dst(%dma_wait3A_186 : memref<32x512xf32, #tpu.memory_space<vmem>>)
          %sub3A_190 = arith.constant 1 : i32
          %sub3A_191 = arith.subi %add3A_106, %sub3A_190 : i32
          %dma_start3A_192 = arith.constant 0 : i32
          %dma_start3A_193 = arith.constant 0 : i32
          %dma_start3A_194 = tpu.memref_slice %arg14[%cond3A_111, %dma_start3A_192, %dma_start3A_193] : memref<2x32x512xf32, #tpu.memory_space<vmem>> -> memref<1x32x512xf32, #tpu.memory_space<vmem>>
          %dma_start3A_195 = tpu.memref_squeeze %dma_start3A_194 : memref<1x32x512xf32, #tpu.memory_space<vmem>> -> memref<32x512xf32, #tpu.memory_space<vmem>>
          %dma_start3A_196 = arith.constant 0 : i32
          %dma_start3A_197 = arith.constant 0 : i32
          %dma_start3A_198 = tpu.memref_slice %arg7[%sub3A_191, %dma_start3A_196, %dma_start3A_197] : memref<2560x32x512xf32, #tpu.memory_space<hbm>> -> memref<1x32x512xf32, #tpu.memory_space<hbm>>
          %dma_start3A_199 = tpu.memref_squeeze %dma_start3A_198 : memref<1x32x512xf32, #tpu.memory_space<hbm>> -> memref<32x512xf32, #tpu.memory_space<hbm>>
          %dma_start3A_200 = arith.constant 0 : i32
          %dma_start3A_201 = arith.constant 0 : i32
          %dma_start3A_202 = tpu.memref_slice %arg7[%sub3A_191, %dma_start3A_200, %dma_start3A_201] : memref<2560x32x512xf32, #tpu.memory_space<hbm>> -> memref<1x32x512xf32, #tpu.memory_space<hbm>>
          %dma_start3A_203 = tpu.memref_squeeze %dma_start3A_202 : memref<1x32x512xf32, #tpu.memory_space<hbm>> -> memref<32x512xf32, #tpu.memory_space<hbm>>
          %dma_start3A_204 = arith.constant 0 : i32
          %dma_start3A_205 = arith.constant 0 : i32
          %dma_start3A_206 = tpu.memref_slice %arg14[%cond3A_111, %dma_start3A_204, %dma_start3A_205] : memref<2x32x512xf32, #tpu.memory_space<vmem>> -> memref<1x32x512xf32, #tpu.memory_space<vmem>>
          %dma_start3A_207 = tpu.memref_squeeze %dma_start3A_206 : memref<1x32x512xf32, #tpu.memory_space<vmem>> -> memref<32x512xf32, #tpu.memory_space<vmem>>
          tpu.enqueue_dma source(%dma_start3A_207 : memref<32x512xf32, #tpu.memory_space<vmem>>) target(%dma_start3A_203 : memref<32x512xf32, #tpu.memory_space<hbm>>) target_semaphore(%arg20 : memref<!tpu.dma_semaphore, #tpu.memory_space<semaphore_mem>>)
        } else {
        }
        %dma_start3A_176 = arith.constant 0 : i32
        %dma_start3A_177 = arith.constant 0 : i32
        %dma_start3A_178 = tpu.memref_slice %arg14[%cond3A_110, %dma_start3A_176, %dma_start3A_177] : memref<2x32x512xf32, #tpu.memory_space<vmem>> -> memref<1x32x512xf32, #tpu.memory_space<vmem>>
        %dma_start3A_179 = tpu.memref_squeeze %dma_start3A_178 : memref<1x32x512xf32, #tpu.memory_space<vmem>> -> memref<32x512xf32, #tpu.memory_space<vmem>>
        %dma_start3A_180 = arith.constant 0 : i32
        %dma_start3A_181 = arith.constant 0 : i32
        %dma_start3A_182 = tpu.memref_slice %arg4[%dma_start3A_180, %dma_start3A_181] : memref<10000x512xf32, #tpu.memory_space<hbm>> -> memref<10000x512xf32, #tpu.memory_space<hbm>>
        tpu.enqueue_indirect_dma source(%dma_start3A_182 : memref<10000x512xf32, #tpu.memory_space<hbm>>) target(%dma_start3A_179 : memref<32x512xf32, #tpu.memory_space<vmem>>) offsets(%arg13 : memref<32xi32, #tpu.memory_space<vmem>>) semaphore(%arg19 : memref<!tpu.dma_semaphore, #tpu.memory_space<semaphore_mem>>)
      } else {
      }
    }
    %scan3A_48 = arith.constant 40 : i32
    %sub3A_49 = arith.constant 2500 : i32
    %sub3A_50 = arith.subi %sub3A_49, %mul3A_2 : i32
    %min3A = arith.constant 80 : i32
    %min3A_51 = arith.minsi %sub3A_50, %min3A : i32
    %add3A_52 = arith.addi %mul3A_2, %min3A_51 : i32
    %sub3A_53 = arith.constant 1 : i32
    %sub3A_54 = arith.subi %add3A_52, %sub3A_53 : i32
    %sub3A_55 = arith.constant 1 : i32
    %sub3A_56 = arith.subi %min3A_51, %sub3A_55 : i32
    %jit3A = arith.constant 2 : i32
    %eq3A = arith.constant 0 : i32
    %eq3A_57 = arith.cmpi eq, %jit3A, %eq3A : i32
    %jit3A_58 = arith.constant 1 : i32
    %select_n3A = arith.select %eq3A_57, %jit3A_58, %jit3A : i32
    %rem3A = arith.remsi %sub3A_56, %select_n3A : i32
    %ne3A = arith.constant 0 : i32
    %ne3A_59 = arith.cmpi ne, %rem3A, %ne3A : i32
    %lt3A = arith.constant 0 : i32
    %lt3A_60 = arith.cmpi slt, %rem3A, %lt3A : i32
    %lt3A_61 = arith.constant 0 : i32
    %lt3A_62 = arith.cmpi slt, %select_n3A, %lt3A_61 : i32
    %ne3A_63 = arith.xori %lt3A_60, %lt3A_62 : i1
    %and3A = arith.andi %ne3A_63, %ne3A_59 : i1
    %add3A_64 = arith.addi %rem3A, %select_n3A : i32
    %select_n3A_65 = arith.select %and3A, %add3A_64, %rem3A : i32
    %eq3A_66 = arith.constant 0 : i32
    %eq3A_67 = arith.cmpi eq, %select_n3A_65, %eq3A_66 : i32
    %convert_element_type3A_68 = arith.extui %eq3A_67 : i1 to i32
    %cond3A_69 = arith.constant 0 : i32
    %cond3A_70 = arith.cmpi ne, %convert_element_type3A_68, %cond3A_69 : i32
    scf.if %cond3A_70 {
      %dma_wait3A_94 = arith.constant 0 : i32
      %dma_wait3A_95 = arith.constant 0 : i32
      %dma_wait3A_96 = arith.constant 0 : i32
      %dma_wait3A_97 = tpu.memref_slice %arg14[%dma_wait3A_94, %dma_wait3A_95, %dma_wait3A_96] : memref<2x32x512xf32, #tpu.memory_space<vmem>> -> memref<1x32x512xf32, #tpu.memory_space<vmem>>
      %dma_wait3A_98 = tpu.memref_squeeze %dma_wait3A_97 : memref<1x32x512xf32, #tpu.memory_space<vmem>> -> memref<32x512xf32, #tpu.memory_space<vmem>>
      %dma_wait3A_99 = arith.constant 0 : i32
      %dma_wait3A_100 = arith.constant 0 : i32
      %dma_wait3A_101 = tpu.memref_slice %arg4[%dma_wait3A_99, %dma_wait3A_100] : memref<10000x512xf32, #tpu.memory_space<hbm>> -> memref<10000x512xf32, #tpu.memory_space<hbm>>
      tpu.wait_indirect_dma semaphore(%arg19 : memref<!tpu.dma_semaphore, #tpu.memory_space<semaphore_mem>>) src(%dma_wait3A_101 : memref<10000x512xf32, #tpu.memory_space<hbm>>) dst(%dma_wait3A_98 : memref<32x512xf32, #tpu.memory_space<vmem>>)
      %run_scoped3A = arith.constant 0 : i32
      "tpu.region"() ({
        %run_scoped3A_107 = tpu.sem_alloc : memref<!tpu.dma_semaphore, #tpu.memory_space<semaphore_mem>>
        %dma_start3A_108 = arith.constant 0 : i32
        %dma_start3A_109 = arith.constant 0 : i32
        %dma_start3A_110 = tpu.memref_slice %arg14[%run_scoped3A, %dma_start3A_108, %dma_start3A_109] : memref<2x32x512xf32, #tpu.memory_space<vmem>> -> memref<1x32x512xf32, #tpu.memory_space<vmem>>
        %dma_start3A_111 = tpu.memref_squeeze %dma_start3A_110 : memref<1x32x512xf32, #tpu.memory_space<vmem>> -> memref<32x512xf32, #tpu.memory_space<vmem>>
        %dma_start3A_112 = arith.constant 0 : i32
        %dma_start3A_113 = arith.constant 0 : i32
        %dma_start3A_114 = tpu.memref_slice %arg7[%sub3A_54, %dma_start3A_112, %dma_start3A_113] : memref<2560x32x512xf32, #tpu.memory_space<hbm>> -> memref<1x32x512xf32, #tpu.memory_space<hbm>>
        %dma_start3A_115 = tpu.memref_squeeze %dma_start3A_114 : memref<1x32x512xf32, #tpu.memory_space<hbm>> -> memref<32x512xf32, #tpu.memory_space<hbm>>
        %dma_start3A_116 = arith.constant 0 : i32
        %dma_start3A_117 = arith.constant 0 : i32
        %dma_start3A_118 = tpu.memref_slice %arg7[%sub3A_54, %dma_start3A_116, %dma_start3A_117] : memref<2560x32x512xf32, #tpu.memory_space<hbm>> -> memref<1x32x512xf32, #tpu.memory_space<hbm>>
        %dma_start3A_119 = tpu.memref_squeeze %dma_start3A_118 : memref<1x32x512xf32, #tpu.memory_space<hbm>> -> memref<32x512xf32, #tpu.memory_space<hbm>>
        %dma_start3A_120 = arith.constant 0 : i32
        %dma_start3A_121 = arith.constant 0 : i32
        %dma_start3A_122 = tpu.memref_slice %arg14[%run_scoped3A, %dma_start3A_120, %dma_start3A_121] : memref<2x32x512xf32, #tpu.memory_space<vmem>> -> memref<1x32x512xf32, #tpu.memory_space<vmem>>
        %dma_start3A_123 = tpu.memref_squeeze %dma_start3A_122 : memref<1x32x512xf32, #tpu.memory_space<vmem>> -> memref<32x512xf32, #tpu.memory_space<vmem>>
        tpu.enqueue_dma source(%dma_start3A_123 : memref<32x512xf32, #tpu.memory_space<vmem>>) target(%dma_start3A_119 : memref<32x512xf32, #tpu.memory_space<hbm>>) target_semaphore(%run_scoped3A_107 : memref<!tpu.dma_semaphore, #tpu.memory_space<semaphore_mem>>)
        %dma_wait3A_124 = arith.constant 0 : i32
        %dma_wait3A_125 = arith.constant 0 : i32
        %dma_wait3A_126 = tpu.memref_slice %arg14[%run_scoped3A, %dma_wait3A_124, %dma_wait3A_125] : memref<2x32x512xf32, #tpu.memory_space<vmem>> -> memref<1x32x512xf32, #tpu.memory_space<vmem>>
        %dma_wait3A_127 = tpu.memref_squeeze %dma_wait3A_126 : memref<1x32x512xf32, #tpu.memory_space<vmem>> -> memref<32x512xf32, #tpu.memory_space<vmem>>
        %dma_wait3A_128 = arith.constant 0 : i32
        %dma_wait3A_129 = arith.constant 0 : i32
        %dma_wait3A_130 = tpu.memref_slice %arg7[%sub3A_54, %dma_wait3A_128, %dma_wait3A_129] : memref<2560x32x512xf32, #tpu.memory_space<hbm>> -> memref<1x32x512xf32, #tpu.memory_space<hbm>>
        %dma_wait3A_131 = tpu.memref_squeeze %dma_wait3A_130 : memref<1x32x512xf32, #tpu.memory_space<hbm>> -> memref<32x512xf32, #tpu.memory_space<hbm>>
        %dma_wait3A_132 = arith.constant 0 : i32
        %dma_wait3A_133 = arith.constant 0 : i32
        %dma_wait3A_134 = tpu.memref_slice %arg7[%sub3A_54, %dma_wait3A_132, %dma_wait3A_133] : memref<2560x32x512xf32, #tpu.memory_space<hbm>> -> memref<1x32x512xf32, #tpu.memory_space<hbm>>
        %dma_wait3A_135 = tpu.memref_squeeze %dma_wait3A_134 : memref<1x32x512xf32, #tpu.memory_space<hbm>> -> memref<32x512xf32, #tpu.memory_space<hbm>>
        %dma_wait3A_136 = arith.constant 0 : i32
        %dma_wait3A_137 = arith.constant 0 : i32
        %dma_wait3A_138 = tpu.memref_slice %arg14[%run_scoped3A, %dma_wait3A_136, %dma_wait3A_137] : memref<2x32x512xf32, #tpu.memory_space<vmem>> -> memref<1x32x512xf32, #tpu.memory_space<vmem>>
        %dma_wait3A_139 = tpu.memref_squeeze %dma_wait3A_138 : memref<1x32x512xf32, #tpu.memory_space<vmem>> -> memref<32x512xf32, #tpu.memory_space<vmem>>
        tpu.wait_dma2 semaphore(%run_scoped3A_107 : memref<!tpu.dma_semaphore, #tpu.memory_space<semaphore_mem>>) src(%dma_wait3A_139 : memref<32x512xf32, #tpu.memory_space<vmem>>) dst(%dma_wait3A_135 : memref<32x512xf32, #tpu.memory_space<hbm>>)
        tpu.yield
      }) : () -> ()
      %ge3A = arith.constant 2 : i32
      %ge3A_102 = arith.cmpi sge, %min3A_51, %ge3A : i32
      %convert_element_type3A_103 = arith.extui %ge3A_102 : i1 to i32
      %cond3A_104 = arith.constant 1 : i32
      %cond3A_105 = arith.constant 0 : i32
      %cond3A_106 = arith.cmpi ne, %convert_element_type3A_103, %cond3A_105 : i32
      scf.if %cond3A_106 {
        %sub3A_107 = arith.constant 1 : i32
        %sub3A_108 = arith.subi %sub3A_54, %sub3A_107 : i32
        %dma_wait3A_109 = arith.constant 0 : i32
        %dma_wait3A_110 = arith.constant 0 : i32
        %dma_wait3A_111 = tpu.memref_slice %arg14[%cond3A_104, %dma_wait3A_109, %dma_wait3A_110] : memref<2x32x512xf32, #tpu.memory_space<vmem>> -> memref<1x32x512xf32, #tpu.memory_space<vmem>>
        %dma_wait3A_112 = tpu.memref_squeeze %dma_wait3A_111 : memref<1x32x512xf32, #tpu.memory_space<vmem>> -> memref<32x512xf32, #tpu.memory_space<vmem>>
        %dma_wait3A_113 = arith.constant 0 : i32
        %dma_wait3A_114 = arith.constant 0 : i32
        %dma_wait3A_115 = tpu.memref_slice %arg7[%sub3A_108, %dma_wait3A_113, %dma_wait3A_114] : memref<2560x32x512xf32, #tpu.memory_space<hbm>> -> memref<1x32x512xf32, #tpu.memory_space<hbm>>
        %dma_wait3A_116 = tpu.memref_squeeze %dma_wait3A_115 : memref<1x32x512xf32, #tpu.memory_space<hbm>> -> memref<32x512xf32, #tpu.memory_space<hbm>>
        %dma_wait3A_117 = arith.constant 0 : i32
        %dma_wait3A_118 = arith.constant 0 : i32
        %dma_wait3A_119 = tpu.memref_slice %arg7[%sub3A_108, %dma_wait3A_117, %dma_wait3A_118] : memref<2560x32x512xf32, #tpu.memory_space<hbm>> -> memref<1x32x512xf32, #tpu.memory_space<hbm>>
        %dma_wait3A_120 = tpu.memref_squeeze %dma_wait3A_119 : memref<1x32x512xf32, #tpu.memory_space<hbm>> -> memref<32x512xf32, #tpu.memory_space<hbm>>
        %dma_wait3A_121 = arith.constant 0 : i32
        %dma_wait3A_122 = arith.constant 0 : i32
        %dma_wait3A_123 = tpu.memref_slice %arg14[%cond3A_104, %dma_wait3A_121, %dma_wait3A_122] : memref<2x32x512xf32, #tpu.memory_space<vmem>> -> memref<1x32x512xf32, #tpu.memory_space<vmem>>
        %dma_wait3A_124 = tpu.memref_squeeze %dma_wait3A_123 : memref<1x32x512xf32, #tpu.memory_space<vmem>> -> memref<32x512xf32, #tpu.memory_space<vmem>>
        tpu.wait_dma2 semaphore(%arg20 : memref<!tpu.dma_semaphore, #tpu.memory_space<semaphore_mem>>) src(%dma_wait3A_124 : memref<32x512xf32, #tpu.memory_space<vmem>>) dst(%dma_wait3A_120 : memref<32x512xf32, #tpu.memory_space<hbm>>)
      } else {
      }
    } else {
    }
    %sub3A_71 = arith.constant 1 : i32
    %sub3A_72 = arith.subi %min3A_51, %sub3A_71 : i32
    %jit3A_73 = arith.constant 2 : i32
    %eq3A_74 = arith.constant 0 : i32
    %eq3A_75 = arith.cmpi eq, %jit3A_73, %eq3A_74 : i32
    %jit3A_76 = arith.constant 1 : i32
    %select_n3A_77 = arith.select %eq3A_75, %jit3A_76, %jit3A_73 : i32
    %rem3A_78 = arith.remsi %sub3A_72, %select_n3A_77 : i32
    %ne3A_79 = arith.constant 0 : i32
    %ne3A_80 = arith.cmpi ne, %rem3A_78, %ne3A_79 : i32
    %lt3A_81 = arith.constant 0 : i32
    %lt3A_82 = arith.cmpi slt, %rem3A_78, %lt3A_81 : i32
    %lt3A_83 = arith.constant 0 : i32
    %lt3A_84 = arith.cmpi slt, %select_n3A_77, %lt3A_83 : i32
    %ne3A_85 = arith.xori %lt3A_82, %lt3A_84 : i1
    %and3A_86 = arith.andi %ne3A_85, %ne3A_80 : i1
    %add3A_87 = arith.addi %rem3A_78, %select_n3A_77 : i32
    %select_n3A_88 = arith.select %and3A_86, %add3A_87, %rem3A_78 : i32
    %eq3A_89 = arith.constant 1 : i32
    %eq3A_90 = arith.cmpi eq, %select_n3A_88, %eq3A_89 : i32
    %convert_element_type3A_91 = arith.extui %eq3A_90 : i1 to i32
    %cond3A_92 = arith.constant 0 : i32
    %cond3A_93 = arith.cmpi ne, %convert_element_type3A_91, %cond3A_92 : i32
    scf.if %cond3A_93 {
      %dma_wait3A_94 = arith.constant 1 : i32
      %dma_wait3A_95 = arith.constant 0 : i32
      %dma_wait3A_96 = arith.constant 0 : i32
      %dma_wait3A_97 = tpu.memref_slice %arg14[%dma_wait3A_94, %dma_wait3A_95, %dma_wait3A_96] : memref<2x32x512xf32, #tpu.memory_space<vmem>> -> memref<1x32x512xf32, #tpu.memory_space<vmem>>
      %dma_wait3A_98 = tpu.memref_squeeze %dma_wait3A_97 : memref<1x32x512xf32, #tpu.memory_space<vmem>> -> memref<32x512xf32, #tpu.memory_space<vmem>>
      %dma_wait3A_99 = arith.constant 0 : i32
      %dma_wait3A_100 = arith.constant 0 : i32
      %dma_wait3A_101 = tpu.memref_slice %arg4[%dma_wait3A_99, %dma_wait3A_100] : memref<10000x512xf32, #tpu.memory_space<hbm>> -> memref<10000x512xf32, #tpu.memory_space<hbm>>
      tpu.wait_indirect_dma semaphore(%arg19 : memref<!tpu.dma_semaphore, #tpu.memory_space<semaphore_mem>>) src(%dma_wait3A_101 : memref<10000x512xf32, #tpu.memory_space<hbm>>) dst(%dma_wait3A_98 : memref<32x512xf32, #tpu.memory_space<vmem>>)
      %run_scoped3A = arith.constant 1 : i32
      "tpu.region"() ({
        %run_scoped3A_107 = tpu.sem_alloc : memref<!tpu.dma_semaphore, #tpu.memory_space<semaphore_mem>>
        %dma_start3A_108 = arith.constant 0 : i32
        %dma_start3A_109 = arith.constant 0 : i32
        %dma_start3A_110 = tpu.memref_slice %arg14[%run_scoped3A, %dma_start3A_108, %dma_start3A_109] : memref<2x32x512xf32, #tpu.memory_space<vmem>> -> memref<1x32x512xf32, #tpu.memory_space<vmem>>
        %dma_start3A_111 = tpu.memref_squeeze %dma_start3A_110 : memref<1x32x512xf32, #tpu.memory_space<vmem>> -> memref<32x512xf32, #tpu.memory_space<vmem>>
        %dma_start3A_112 = arith.constant 0 : i32
        %dma_start3A_113 = arith.constant 0 : i32
        %dma_start3A_114 = tpu.memref_slice %arg7[%sub3A_54, %dma_start3A_112, %dma_start3A_113] : memref<2560x32x512xf32, #tpu.memory_space<hbm>> -> memref<1x32x512xf32, #tpu.memory_space<hbm>>
        %dma_start3A_115 = tpu.memref_squeeze %dma_start3A_114 : memref<1x32x512xf32, #tpu.memory_space<hbm>> -> memref<32x512xf32, #tpu.memory_space<hbm>>
        %dma_start3A_116 = arith.constant 0 : i32
        %dma_start3A_117 = arith.constant 0 : i32
        %dma_start3A_118 = tpu.memref_slice %arg7[%sub3A_54, %dma_start3A_116, %dma_start3A_117] : memref<2560x32x512xf32, #tpu.memory_space<hbm>> -> memref<1x32x512xf32, #tpu.memory_space<hbm>>
        %dma_start3A_119 = tpu.memref_squeeze %dma_start3A_118 : memref<1x32x512xf32, #tpu.memory_space<hbm>> -> memref<32x512xf32, #tpu.memory_space<hbm>>
        %dma_start3A_120 = arith.constant 0 : i32
        %dma_start3A_121 = arith.constant 0 : i32
        %dma_start3A_122 = tpu.memref_slice %arg14[%run_scoped3A, %dma_start3A_120, %dma_start3A_121] : memref<2x32x512xf32, #tpu.memory_space<vmem>> -> memref<1x32x512xf32, #tpu.memory_space<vmem>>
        %dma_start3A_123 = tpu.memref_squeeze %dma_start3A_122 : memref<1x32x512xf32, #tpu.memory_space<vmem>> -> memref<32x512xf32, #tpu.memory_space<vmem>>
        tpu.enqueue_dma source(%dma_start3A_123 : memref<32x512xf32, #tpu.memory_space<vmem>>) target(%dma_start3A_119 : memref<32x512xf32, #tpu.memory_space<hbm>>) target_semaphore(%run_scoped3A_107 : memref<!tpu.dma_semaphore, #tpu.memory_space<semaphore_mem>>)
        %dma_wait3A_124 = arith.constant 0 : i32
        %dma_wait3A_125 = arith.constant 0 : i32
        %dma_wait3A_126 = tpu.memref_slice %arg14[%run_scoped3A, %dma_wait3A_124, %dma_wait3A_125] : memref<2x32x512xf32, #tpu.memory_space<vmem>> -> memref<1x32x512xf32, #tpu.memory_space<vmem>>
        %dma_wait3A_127 = tpu.memref_squeeze %dma_wait3A_126 : memref<1x32x512xf32, #tpu.memory_space<vmem>> -> memref<32x512xf32, #tpu.memory_space<vmem>>
        %dma_wait3A_128 = arith.constant 0 : i32
        %dma_wait3A_129 = arith.constant 0 : i32
        %dma_wait3A_130 = tpu.memref_slice %arg7[%sub3A_54, %dma_wait3A_128, %dma_wait3A_129] : memref<2560x32x512xf32, #tpu.memory_space<hbm>> -> memref<1x32x512xf32, #tpu.memory_space<hbm>>
        %dma_wait3A_131 = tpu.memref_squeeze %dma_wait3A_130 : memref<1x32x512xf32, #tpu.memory_space<hbm>> -> memref<32x512xf32, #tpu.memory_space<hbm>>
        %dma_wait3A_132 = arith.constant 0 : i32
        %dma_wait3A_133 = arith.constant 0 : i32
        %dma_wait3A_134 = tpu.memref_slice %arg7[%sub3A_54, %dma_wait3A_132, %dma_wait3A_133] : memref<2560x32x512xf32, #tpu.memory_space<hbm>> -> memref<1x32x512xf32, #tpu.memory_space<hbm>>
        %dma_wait3A_135 = tpu.memref_squeeze %dma_wait3A_134 : memref<1x32x512xf32, #tpu.memory_space<hbm>> -> memref<32x512xf32, #tpu.memory_space<hbm>>
        %dma_wait3A_136 = arith.constant 0 : i32
        %dma_wait3A_137 = arith.constant 0 : i32
        %dma_wait3A_138 = tpu.memref_slice %arg14[%run_scoped3A, %dma_wait3A_136, %dma_wait3A_137] : memref<2x32x512xf32, #tpu.memory_space<vmem>> -> memref<1x32x512xf32, #tpu.memory_space<vmem>>
        %dma_wait3A_139 = tpu.memref_squeeze %dma_wait3A_138 : memref<1x32x512xf32, #tpu.memory_space<vmem>> -> memref<32x512xf32, #tpu.memory_space<vmem>>
        tpu.wait_dma2 semaphore(%run_scoped3A_107 : memref<!tpu.dma_semaphore, #tpu.memory_space<semaphore_mem>>) src(%dma_wait3A_139 : memref<32x512xf32, #tpu.memory_space<vmem>>) dst(%dma_wait3A_135 : memref<32x512xf32, #tpu.memory_space<hbm>>)
        tpu.yield
      }) : () -> ()
      %ge3A = arith.constant 2 : i32
      %ge3A_102 = arith.cmpi sge, %min3A_51, %ge3A : i32
      %convert_element_type3A_103 = arith.extui %ge3A_102 : i1 to i32
      %cond3A_104 = arith.constant 0 : i32
      %cond3A_105 = arith.constant 0 : i32
      %cond3A_106 = arith.cmpi ne, %convert_element_type3A_103, %cond3A_105 : i32
      scf.if %cond3A_106 {
        %sub3A_107 = arith.constant 1 : i32
        %sub3A_108 = arith.subi %sub3A_54, %sub3A_107 : i32
        %dma_wait3A_109 = arith.constant 0 : i32
        %dma_wait3A_110 = arith.constant 0 : i32
        %dma_wait3A_111 = tpu.memref_slice %arg14[%cond3A_104, %dma_wait3A_109, %dma_wait3A_110] : memref<2x32x512xf32, #tpu.memory_space<vmem>> -> memref<1x32x512xf32, #tpu.memory_space<vmem>>
        %dma_wait3A_112 = tpu.memref_squeeze %dma_wait3A_111 : memref<1x32x512xf32, #tpu.memory_space<vmem>> -> memref<32x512xf32, #tpu.memory_space<vmem>>
        %dma_wait3A_113 = arith.constant 0 : i32
        %dma_wait3A_114 = arith.constant 0 : i32
        %dma_wait3A_115 = tpu.memref_slice %arg7[%sub3A_108, %dma_wait3A_113, %dma_wait3A_114] : memref<2560x32x512xf32, #tpu.memory_space<hbm>> -> memref<1x32x512xf32, #tpu.memory_space<hbm>>
        %dma_wait3A_116 = tpu.memref_squeeze %dma_wait3A_115 : memref<1x32x512xf32, #tpu.memory_space<hbm>> -> memref<32x512xf32, #tpu.memory_space<hbm>>
        %dma_wait3A_117 = arith.constant 0 : i32
        %dma_wait3A_118 = arith.constant 0 : i32
        %dma_wait3A_119 = tpu.memref_slice %arg7[%sub3A_108, %dma_wait3A_117, %dma_wait3A_118] : memref<2560x32x512xf32, #tpu.memory_space<hbm>> -> memref<1x32x512xf32, #tpu.memory_space<hbm>>
        %dma_wait3A_120 = tpu.memref_squeeze %dma_wait3A_119 : memref<1x32x512xf32, #tpu.memory_space<hbm>> -> memref<32x512xf32, #tpu.memory_space<hbm>>
        %dma_wait3A_121 = arith.constant 0 : i32
        %dma_wait3A_122 = arith.constant 0 : i32
        %dma_wait3A_123 = tpu.memref_slice %arg14[%cond3A_104, %dma_wait3A_121, %dma_wait3A_122] : memref<2x32x512xf32, #tpu.memory_space<vmem>> -> memref<1x32x512xf32, #tpu.memory_space<vmem>>
        %dma_wait3A_124 = tpu.memref_squeeze %dma_wait3A_123 : memref<1x32x512xf32, #tpu.memory_space<vmem>> -> memref<32x512xf32, #tpu.memory_space<vmem>>
        tpu.wait_dma2 semaphore(%arg20 : memref<!tpu.dma_semaphore, #tpu.memory_space<semaphore_mem>>) src(%dma_wait3A_124 : memref<32x512xf32, #tpu.memory_space<vmem>>) dst(%dma_wait3A_120 : memref<32x512xf32, #tpu.memory_space<hbm>>)
      } else {
      }
    } else {
    }
    return
  }
}

#map = affine_map<(d0, d1) -> (0, 0)>
#map1 = affine_map<(d0, d1) -> (0)>
module attributes {stable_mosaic.version = 14 : i64} {
  func.func @_ups_body(%arg0: i32, %arg1: i32, %arg2: memref<2560x256xf32, #tpu.memory_space<hbm>>, %arg3: memref<10240x256xf32, #tpu.memory_space<hbm>>, %arg4: memref<10240xi32, #tpu.memory_space<hbm>>, %arg5: memref<10240x256xf32, #tpu.memory_space<hbm>>, %arg6: memref<32xi32, #tpu.memory_space<vmem>>, %arg7: memref<32x256xf32, #tpu.memory_space<vmem>>, %arg8: memref<32x256xf32, #tpu.memory_space<vmem>>, %arg9: memref<32x256xf32, #tpu.memory_space<vmem>>, %arg10: memref<!tpu.dma_semaphore, #tpu.memory_space<semaphore_mem>>) attributes {dimension_semantics = [#tpu.dimension_semantics<core_parallel>, #tpu.dimension_semantics<subcore_parallel>], iteration_bounds = array<i64: 2, 16>, scalar_prefetch = 0 : i64, scratch_operands = 5 : i64, tpu.core_type = #tpu.core_type<sc_vector_subcore>, window_params = [{transform_indices = #map}, {transform_indices = #map}, {transform_indices = #map1}, {transform_indices = #map}]} {
    %mul3A = arith.constant 2 : i32
    %mul3A_0 = arith.muli %arg1, %mul3A : i32
    %add3A = arith.addi %mul3A_0, %arg0 : i32
    %mul3A_1 = arith.constant 320 : i32
    %mul3A_2 = arith.muli %add3A, %mul3A_1 : i32
    %scan3A = arith.constant 0 : i32
    %scan3A_3 = arith.constant 10 : i32
    %scan3A_4 = arith.addi %scan3A, %scan3A_3 : i32
    %scan3A_5 = arith.constant 1 : i32
    scf.for %scan3A_7 = %scan3A to %scan3A_4 step %scan3A_5  : i32 {
      %mul3A_8 = arith.constant 32 : i32
      %mul3A_9 = arith.muli %scan3A_7, %mul3A_8 : i32
      %add3A_10 = arith.addi %mul3A_2, %mul3A_9 : i32
      "tpu.region"() ({
        %run_scoped3A = tpu.sem_alloc : memref<!tpu.dma_semaphore, #tpu.memory_space<semaphore_mem>>
        %dma_start3A_20 = tpu.memref_slice %arg4[%add3A_10] : memref<10240xi32, #tpu.memory_space<hbm>> -> memref<32xi32, #tpu.memory_space<hbm>>
        %dma_start3A_21 = tpu.memref_slice %arg4[%add3A_10] : memref<10240xi32, #tpu.memory_space<hbm>> -> memref<32xi32, #tpu.memory_space<hbm>>
        tpu.enqueue_dma source(%dma_start3A_21 : memref<32xi32, #tpu.memory_space<hbm>>) target(%arg6 : memref<32xi32, #tpu.memory_space<vmem>>) target_semaphore(%run_scoped3A : memref<!tpu.dma_semaphore, #tpu.memory_space<semaphore_mem>>)
        %dma_wait3A_22 = tpu.memref_slice %arg4[%add3A_10] : memref<10240xi32, #tpu.memory_space<hbm>> -> memref<32xi32, #tpu.memory_space<hbm>>
        %dma_wait3A_23 = tpu.memref_slice %arg4[%add3A_10] : memref<10240xi32, #tpu.memory_space<hbm>> -> memref<32xi32, #tpu.memory_space<hbm>>
        tpu.wait_dma2 semaphore(%run_scoped3A : memref<!tpu.dma_semaphore, #tpu.memory_space<semaphore_mem>>) src(%dma_wait3A_23 : memref<32xi32, #tpu.memory_space<hbm>>) dst(%arg6 : memref<32xi32, #tpu.memory_space<vmem>>)
        tpu.yield
      }) : () -> ()
      %dma_start3A = arith.constant 0 : i32
      %dma_start3A_11 = arith.constant 0 : i32
      %dma_start3A_12 = tpu.memref_slice %arg2[%dma_start3A, %dma_start3A_11] : memref<2560x256xf32, #tpu.memory_space<hbm>> -> memref<2560x256xf32, #tpu.memory_space<hbm>>
      tpu.enqueue_indirect_dma source(%dma_start3A_12 : memref<2560x256xf32, #tpu.memory_space<hbm>>) target(%arg7 : memref<32x256xf32, #tpu.memory_space<vmem>>) offsets(%arg6 : memref<32xi32, #tpu.memory_space<vmem>>) semaphore(%arg10 : memref<!tpu.dma_semaphore, #tpu.memory_space<semaphore_mem>>)
      "tpu.region"() ({
        %run_scoped3A = tpu.sem_alloc : memref<!tpu.dma_semaphore, #tpu.memory_space<semaphore_mem>>
        %dma_start3A_20 = arith.constant 0 : i32
        %dma_start3A_21 = tpu.memref_slice %arg3[%add3A_10, %dma_start3A_20] : memref<10240x256xf32, #tpu.memory_space<hbm>> -> memref<32x256xf32, #tpu.memory_space<hbm>>
        %dma_start3A_22 = arith.constant 0 : i32
        %dma_start3A_23 = tpu.memref_slice %arg3[%add3A_10, %dma_start3A_22] : memref<10240x256xf32, #tpu.memory_space<hbm>> -> memref<32x256xf32, #tpu.memory_space<hbm>>
        tpu.enqueue_dma source(%dma_start3A_23 : memref<32x256xf32, #tpu.memory_space<hbm>>) target(%arg8 : memref<32x256xf32, #tpu.memory_space<vmem>>) target_semaphore(%run_scoped3A : memref<!tpu.dma_semaphore, #tpu.memory_space<semaphore_mem>>)
        %dma_wait3A_24 = arith.constant 0 : i32
        %dma_wait3A_25 = tpu.memref_slice %arg3[%add3A_10, %dma_wait3A_24] : memref<10240x256xf32, #tpu.memory_space<hbm>> -> memref<32x256xf32, #tpu.memory_space<hbm>>
        %dma_wait3A_26 = arith.constant 0 : i32
        %dma_wait3A_27 = tpu.memref_slice %arg3[%add3A_10, %dma_wait3A_26] : memref<10240x256xf32, #tpu.memory_space<hbm>> -> memref<32x256xf32, #tpu.memory_space<hbm>>
        tpu.wait_dma2 semaphore(%run_scoped3A : memref<!tpu.dma_semaphore, #tpu.memory_space<semaphore_mem>>) src(%dma_wait3A_27 : memref<32x256xf32, #tpu.memory_space<hbm>>) dst(%arg8 : memref<32x256xf32, #tpu.memory_space<vmem>>)
        tpu.yield
      }) : () -> ()
      %dma_wait3A = arith.constant 0 : i32
      %dma_wait3A_13 = arith.constant 0 : i32
      %dma_wait3A_14 = tpu.memref_slice %arg2[%dma_wait3A, %dma_wait3A_13] : memref<2560x256xf32, #tpu.memory_space<hbm>> -> memref<2560x256xf32, #tpu.memory_space<hbm>>
      tpu.wait_indirect_dma semaphore(%arg10 : memref<!tpu.dma_semaphore, #tpu.memory_space<semaphore_mem>>) src(%dma_wait3A_14 : memref<2560x256xf32, #tpu.memory_space<hbm>>) dst(%arg7 : memref<32x256xf32, #tpu.memory_space<vmem>>)
      %scan3A_15 = arith.constant 0 : i32
      %scan3A_16 = arith.constant 32 : i32
      %scan3A_17 = arith.addi %scan3A_15, %scan3A_16 : i32
      %scan3A_18 = arith.constant 1 : i32
      scf.for %scan3A_20 = %scan3A_15 to %scan3A_17 step %scan3A_18  : i32 {
        %scan3A_21 = arith.constant 0 : i32
        %scan3A_22 = arith.constant 16 : i32
        %scan3A_23 = arith.addi %scan3A_21, %scan3A_22 : i32
        %scan3A_24 = arith.constant 1 : i32
        scf.for %scan3A_26 = %scan3A_21 to %scan3A_23 step %scan3A_24  : i32 {
          %mul3A_27 = arith.constant 16 : i32
          %mul3A_28 = arith.muli %scan3A_26, %mul3A_27 : i32
          %get3A = arith.index_cast %scan3A_20 : i32 to index
          %get3A_29 = arith.index_cast %mul3A_28 : i32 to index
          %get3A_30 = tpu.vector_load %arg8[%get3A, %get3A_29] {strides = array<i32>} : memref<32x256xf32, #tpu.memory_space<vmem>>, vector<16xf32>,
          %get3A_31 = arith.index_cast %scan3A_20 : i32 to index
          %get3A_32 = arith.index_cast %mul3A_28 : i32 to index
          %get3A_33 = tpu.vector_load %arg7[%get3A_31, %get3A_32] {strides = array<i32>} : memref<32x256xf32, #tpu.memory_space<vmem>>, vector<16xf32>,
          %add3A_34 = arith.addf %get3A_30, %get3A_33 : vector<16xf32>
          %swap3A = arith.index_cast %scan3A_20 : i32 to index
          %swap3A_35 = arith.index_cast %mul3A_28 : i32 to index
          %swap3A_36 = tpu.vector_load %arg9[%swap3A, %swap3A_35] {strides = array<i32>} : memref<32x256xf32, #tpu.memory_space<vmem>>, vector<16xf32>,
          tpu.vector_store %arg9[%swap3A, %swap3A_35], %add3A_34 {strides = array<i32>} : memref<32x256xf32, #tpu.memory_space<vmem>>, vector<16xf32>,
        }
        %scan3A_25 = arith.constant 16 : i32
      }
      %scan3A_19 = arith.constant 32 : i32
      "tpu.region"() ({
        %run_scoped3A = tpu.sem_alloc : memref<!tpu.dma_semaphore, #tpu.memory_space<semaphore_mem>>
        %dma_start3A_20 = arith.constant 0 : i32
        %dma_start3A_21 = tpu.memref_slice %arg5[%add3A_10, %dma_start3A_20] : memref<10240x256xf32, #tpu.memory_space<hbm>> -> memref<32x256xf32, #tpu.memory_space<hbm>>
        %dma_start3A_22 = arith.constant 0 : i32
        %dma_start3A_23 = tpu.memref_slice %arg5[%add3A_10, %dma_start3A_22] : memref<10240x256xf32, #tpu.memory_space<hbm>> -> memref<32x256xf32, #tpu.memory_space<hbm>>
        tpu.enqueue_dma source(%arg9 : memref<32x256xf32, #tpu.memory_space<vmem>>) target(%dma_start3A_23 : memref<32x256xf32, #tpu.memory_space<hbm>>) target_semaphore(%run_scoped3A : memref<!tpu.dma_semaphore, #tpu.memory_space<semaphore_mem>>)
        %dma_wait3A_24 = arith.constant 0 : i32
        %dma_wait3A_25 = tpu.memref_slice %arg5[%add3A_10, %dma_wait3A_24] : memref<10240x256xf32, #tpu.memory_space<hbm>> -> memref<32x256xf32, #tpu.memory_space<hbm>>
        %dma_wait3A_26 = arith.constant 0 : i32
        %dma_wait3A_27 = tpu.memref_slice %arg5[%add3A_10, %dma_wait3A_26] : memref<10240x256xf32, #tpu.memory_space<hbm>> -> memref<32x256xf32, #tpu.memory_space<hbm>>
        tpu.wait_dma2 semaphore(%run_scoped3A : memref<!tpu.dma_semaphore, #tpu.memory_space<semaphore_mem>>) src(%arg9 : memref<32x256xf32, #tpu.memory_space<vmem>>) dst(%dma_wait3A_27 : memref<32x256xf32, #tpu.memory_space<hbm>>)
        tpu.yield
      }) : () -> ()
    }
    %scan3A_6 = arith.constant 10 : i32
    return
  }
}

module attributes {stable_mosaic.version = 14 : i64} {
  func.func @_geom_body(%arg0: i32, %arg1: i32, %arg2: memref<256x8xf32, #tpu.memory_space<vmem>>, %arg3: memref<8x512xf32, #tpu.memory_space<vmem>>, %arg4: memref<8x512xi32, #tpu.memory_space<vmem>>, %arg5: memref<8x512xi32, #tpu.memory_space<vmem>>, %arg6: memref<1x256x32xi32, #tpu.memory_space<vmem>>, %arg7: memref<256x128xi32, #tpu.memory_space<vmem>>, %arg8: memref<8x10240xf32, #tpu.memory_space<vmem>>, %arg9: memref<8x10240xi32, #tpu.memory_space<vmem>>, %arg10: memref<256x1xf32, #tpu.memory_space<vmem>>) attributes {dimension_semantics = [#tpu.dimension_semantics<arbitrary>, #tpu.dimension_semantics<arbitrary>], iteration_bounds = array<i64: 10, 20>, scalar_prefetch = 0 : i64, scratch_operands = 3 : i64, tpu.core_type = #tpu.core_type<tc>, window_params = [{transform_indices = @transform_0, window_bounds = array<i64: 256, 8>}, {transform_indices = @transform_1, window_bounds = array<i64: 8, 512>}, {transform_indices = @transform_2, window_bounds = array<i64: 8, 512>}, {transform_indices = @transform_3, window_bounds = array<i64: 8, 512>}, {transform_indices = @transform_4, window_bounds = array<i64: 1, 256, 32>}, {transform_indices = @transform_5, window_bounds = array<i64: 256, 128>}]} {
    %get3A = arith.constant 0 : index
    %get3A_0 = arith.constant 0 : index
    %get3A_1 = vector.load %arg2[%get3A, %get3A_0] : memref<256x8xf32, #tpu.memory_space<vmem>>, vector<256x1xf32>
    %get3A_2 = arith.constant 0 : index
    %get3A_3 = arith.constant 1 : index
    %get3A_4 = vector.load %arg2[%get3A_2, %get3A_3] : memref<256x8xf32, #tpu.memory_space<vmem>>, vector<256x1xf32>
    %get3A_5 = arith.constant 0 : index
    %get3A_6 = arith.constant 2 : index
    %get3A_7 = vector.load %arg2[%get3A_5, %get3A_6] : memref<256x8xf32, #tpu.memory_space<vmem>>, vector<256x1xf32>
    %get3A_8 = arith.constant 0 : index
    %get3A_9 = arith.constant 0 : index
    %get3A_10 = vector.load %arg3[%get3A_8, %get3A_9] : memref<8x512xf32, #tpu.memory_space<vmem>>, vector<1x512xf32>
    %get3A_11 = arith.constant 1 : index
    %get3A_12 = arith.constant 0 : index
    %get3A_13 = vector.load %arg3[%get3A_11, %get3A_12] : memref<8x512xf32, #tpu.memory_space<vmem>>, vector<1x512xf32>
    %get3A_14 = arith.constant 2 : index
    %get3A_15 = arith.constant 0 : index
    %get3A_16 = vector.load %arg3[%get3A_14, %get3A_15] : memref<8x512xf32, #tpu.memory_space<vmem>>, vector<1x512xf32>
    %sub3A = vector.broadcast %get3A_1 : vector<256x1xf32> to vector<256x512xf32>
    %sub3A_17 = vector.broadcast %get3A_10 : vector<1x512xf32> to vector<256x512xf32>
    %sub3A_18 = arith.subf %sub3A, %sub3A_17 : vector<256x512xf32>
    %sub3A_19 = vector.broadcast %get3A_4 : vector<256x1xf32> to vector<256x512xf32>
    %sub3A_20 = vector.broadcast %get3A_13 : vector<1x512xf32> to vector<256x512xf32>
    %sub3A_21 = arith.subf %sub3A_19, %sub3A_20 : vector<256x512xf32>
    %sub3A_22 = vector.broadcast %get3A_7 : vector<256x1xf32> to vector<256x512xf32>
    %sub3A_23 = vector.broadcast %get3A_16 : vector<1x512xf32> to vector<256x512xf32>
    %sub3A_24 = arith.subf %sub3A_22, %sub3A_23 : vector<256x512xf32>
    %mul3A = arith.mulf %sub3A_18, %sub3A_18 : vector<256x512xf32>
    %mul3A_25 = arith.mulf %sub3A_21, %sub3A_21 : vector<256x512xf32>
    %add3A = arith.addf %mul3A, %mul3A_25 : vector<256x512xf32>
    %mul3A_26 = arith.mulf %sub3A_24, %sub3A_24 : vector<256x512xf32>
    %add3A_27 = arith.addf %add3A, %mul3A_26 : vector<256x512xf32>
    %max3A = arith.constant 0.000000e+00 : f32
    %max3A_28 = vector.broadcast %max3A : f32 to vector<256x512xf32>
    %max3A_29 = arith.maximumf %add3A_27, %max3A_28 : vector<256x512xf32>
    %sqrt3A = math.sqrt %max3A_29 : vector<256x512xf32>
    %lt3A = arith.constant 3.000000e-01 : f32
    %lt3A_30 = vector.broadcast %lt3A : f32 to vector<256x512xf32>
    %lt3A_31 = arith.cmpf olt, %sqrt3A, %lt3A_30 : vector<256x512xf32>
    %iota3A = tpu.iota {dimensions = array<i32: 0>} : vector<256x512xi32>
    %and3A = arith.constant 31 : i32
    %and3A_32 = vector.broadcast %and3A : i32 to vector<256x512xi32>
    %and3A_33 = arith.andi %iota3A, %and3A_32 : vector<256x512xi32>
    %shift_left3A = arith.constant 1 : i32
    %shift_left3A_34 = vector.broadcast %shift_left3A : i32 to vector<256x512xi32>
    %shift_left3A_35 = arith.shli %shift_left3A_34, %and3A_33 : vector<256x512xi32>
    %jit3A = arith.constant 0 : i32
    %broadcast_in_dim3A = vector.broadcast %jit3A : i32 to vector<256x512xi32>
    %select_n3A = arith.select %lt3A_31, %shift_left3A_35, %broadcast_in_dim3A : vector<256x512xi1>, vector<256x512xi32>
    %reshape3A = vector.shape_cast %select_n3A : vector<256x512xi32> to vector<8x32x512xi32>
    %reduce_sum3A = arith.constant dense<0> : vector<8x512xi32>
    %reduce_sum3A_36 = vector.multi_reduction <add>, %reshape3A, %reduce_sum3A [1] : vector<8x32x512xi32> to vector<8x512xi32>
    %swap3A = arith.constant 0 : index
    %swap3A_37 = arith.constant 0 : index
    %swap3A_38 = vector.load %arg4[%swap3A, %swap3A_37] : memref<8x512xi32, #tpu.memory_space<vmem>>, vector<8x512xi32>
    tpu.vector_store %arg4[%swap3A, %swap3A_37], %reduce_sum3A_36 {strides = array<i32>} : memref<8x512xi32, #tpu.memory_space<vmem>>, vector<8x512xi32>,
    %convert_element_type3A = arith.extui %lt3A_31 : vector<256x512xi1> to vector<256x512xi32>
    %convert_element_type3A_39 = arith.sitofp %convert_element_type3A : vector<256x512xi32> to vector<256x512xf32>
    %iota3A_40 = tpu.iota {dimensions = array<i32: 0>} : vector<512x32xi32>
    %shift_right_arithmetic3A = arith.constant 4 : i32
    %shift_right_arithmetic3A_41 = vector.broadcast %shift_right_arithmetic3A : i32 to vector<512x32xi32>
    %shift_right_arithmetic3A_42 = arith.shrsi %iota3A_40, %shift_right_arithmetic3A_41 : vector<512x32xi32>
    %iota3A_43 = tpu.iota {dimensions = array<i32: 1>} : vector<512x32xi32>
    %eq3A = arith.cmpi eq, %shift_right_arithmetic3A_42, %iota3A_43 : vector<512x32xi32>
    %convert_element_type3A_44 = arith.extui %eq3A : vector<512x32xi1> to vector<512x32xi32>
    %convert_element_type3A_45 = arith.sitofp %convert_element_type3A_44 : vector<512x32xi32> to vector<512x32xf32>
    %dot_general3A = arith.constant dense<0.000000e+00> : vector<256x32xf32>
    %dot_general3A_46 = tpu.matmul %convert_element_type3A_39, %convert_element_type3A_45, %dot_general3A {dimension_numbers = #tpu.dot_dimension_numbers<[1], [0], [0], [1], [0, 0, 1, 1], [], []>, transpose_lhs_hint = false} : vector<256x512xf32>, vector<512x32xf32>, vector<256x32xf32> -> vector<256x32xf32>
    %convert_element_type3A_47 = arith.fptosi %dot_general3A_46 : vector<256x32xf32> to vector<256x32xi32>
    %swap3A_48 = arith.constant 0 : index
    %swap3A_49 = arith.constant 0 : index
    %swap3A_50 = arith.constant 0 : index
    %swap3A_51 = vector.load %arg6[%swap3A_48, %swap3A_49, %swap3A_50] : memref<1x256x32xi32, #tpu.memory_space<vmem>>, vector<1x256x32xi32>
    %swap3A_52 = vector.shape_cast %swap3A_51 : vector<1x256x32xi32> to vector<256x32xi32>
    %swap3A_53 = vector.shape_cast %convert_element_type3A_47 : vector<256x32xi32> to vector<1x256x32xi32>
    tpu.vector_store %arg6[%swap3A_48, %swap3A_49, %swap3A_50], %swap3A_53 {strides = array<i32>} : memref<1x256x32xi32, #tpu.memory_space<vmem>>, vector<1x256x32xi32>,
    %reduce_sum3A_54 = arith.constant dense<0.000000e+00> : vector<256xf32>
    %reduce_sum3A_55 = vector.multi_reduction <add>, %convert_element_type3A_39, %reduce_sum3A_54 [1] : vector<256x512xf32> to vector<256xf32>
    %broadcast_in_dim3A_56 = vector.shape_cast %reduce_sum3A_55 : vector<256xf32> to vector<256x1xf32>
    %eq3A_57 = arith.constant 0 : i32
    %eq3A_58 = arith.cmpi eq, %arg1, %eq3A_57 : i32
    %get3A_59 = arith.constant 0 : index
    %get3A_60 = arith.constant 0 : index
    %get3A_61 = vector.load %arg10[%get3A_59, %get3A_60] : memref<256x1xf32, #tpu.memory_space<vmem>>, vector<256x1xf32>
    %jit3A_62 = arith.constant 0.000000e+00 : f32
    %broadcast_in_dim3A_63 = vector.broadcast %jit3A_62 : f32 to vector<256x1xf32>
    %select_n3A_64 = arith.select %eq3A_58, %broadcast_in_dim3A_63, %get3A_61 : vector<256x1xf32>
    %add3A_65 = arith.addf %select_n3A_64, %broadcast_in_dim3A_56 : vector<256x1xf32>
    %swap3A_66 = arith.constant 0 : index
    %swap3A_67 = arith.constant 0 : index
    %swap3A_68 = vector.load %arg10[%swap3A_66, %swap3A_67] : memref<256x1xf32, #tpu.memory_space<vmem>>, vector<256x1xf32>
    tpu.vector_store %arg10[%swap3A_66, %swap3A_67], %add3A_65 {strides = array<i32>} : memref<256x1xf32, #tpu.memory_space<vmem>>, vector<256x1xf32>,
    %mul3A_69 = arith.constant 512 : i32
    %mul3A_70 = arith.muli %arg1, %mul3A_69 : i32
    %reduce_min3A = arith.constant dense<0x7F800000> : vector<512xf32>
    %reduce_min3A_71 = vector.multi_reduction <minimumf>, %sqrt3A, %reduce_min3A [0] : vector<256x512xf32> to vector<512xf32>
    %broadcast_in_dim3A_72 = vector.shape_cast %reduce_min3A_71 : vector<512xf32> to vector<1x512xf32>
    %mul3A_73 = arith.constant 256 : i32
    %mul3A_74 = arith.muli %arg0, %mul3A_73 : i32
    %add3A_75 = vector.broadcast %mul3A_74 : i32 to vector<256x512xi32>
    %add3A_76 = arith.addi %iota3A, %add3A_75 : vector<256x512xi32>
    %eq3A_77 = vector.broadcast %broadcast_in_dim3A_72 : vector<1x512xf32> to vector<256x512xf32>
    %eq3A_78 = arith.cmpf oeq, %sqrt3A, %eq3A_77 : vector<256x512xf32>
    %jit3A_79 = arith.constant 1073741824 : i32
    %broadcast_in_dim3A_80 = vector.broadcast %jit3A_79 : i32 to vector<256x512xi32>
    %select_n3A_81 = arith.select %eq3A_78, %add3A_76, %broadcast_in_dim3A_80 : vector<256x512xi1>, vector<256x512xi32>
    %reduce_min3A_82 = arith.constant dense<2147483647> : vector<512xi32>
    %reduce_min3A_83 = vector.multi_reduction <minsi>, %select_n3A_81, %reduce_min3A_82 [0] : vector<256x512xi32> to vector<512xi32>
    %broadcast_in_dim3A_84 = vector.shape_cast %reduce_min3A_83 : vector<512xi32> to vector<1x512xi32>
    %eq3A_85 = arith.constant 0 : i32
    %eq3A_86 = arith.cmpi eq, %arg0, %eq3A_85 : i32
    %convert_element_type3A_87 = arith.extui %eq3A_86 : i1 to i32
    %cond3A = arith.constant 0 : i32
    %cond3A_88 = arith.cmpi ne, %convert_element_type3A_87, %cond3A : i32
    scf.if %cond3A_88 {
      %swap3A_103 = arith.constant 0 : index
      %swap3A_104 = arith.index_cast %mul3A_70 : i32 to index
      %swap3A_105 = vector.load %arg8[%swap3A_103, %swap3A_104] : memref<8x10240xf32, #tpu.memory_space<vmem>>, vector<1x512xf32>
      tpu.vector_store %arg8[%swap3A_103, %swap3A_104], %broadcast_in_dim3A_72 {strides = array<i32>} : memref<8x10240xf32, #tpu.memory_space<vmem>>, vector<1x512xf32>,
      %swap3A_106 = arith.constant 0 : index
      %swap3A_107 = arith.index_cast %mul3A_70 : i32 to index
      %swap3A_108 = vector.load %arg9[%swap3A_106, %swap3A_107] : memref<8x10240xi32, #tpu.memory_space<vmem>>, vector<1x512xi32>
      tpu.vector_store %arg9[%swap3A_106, %swap3A_107], %broadcast_in_dim3A_84 {strides = array<i32>} : memref<8x10240xi32, #tpu.memory_space<vmem>>, vector<1x512xi32>,
    } else {
    }
    %gt3A = arith.constant 0 : i32
    %gt3A_89 = arith.cmpi sgt, %arg0, %gt3A : i32
    %convert_element_type3A_90 = arith.extui %gt3A_89 : i1 to i32
    %cond3A_91 = arith.constant 0 : i32
    %cond3A_92 = arith.cmpi ne, %convert_element_type3A_90, %cond3A_91 : i32
    scf.if %cond3A_92 {
      %get3A_103 = arith.constant 0 : index
      %get3A_104 = arith.index_cast %mul3A_70 : i32 to index
      %get3A_105 = vector.load %arg8[%get3A_103, %get3A_104] : memref<8x10240xf32, #tpu.memory_space<vmem>>, vector<1x512xf32>
      %lt3A_106 = arith.cmpf olt, %broadcast_in_dim3A_72, %get3A_105 : vector<1x512xf32>
      %get3A_107 = arith.constant 0 : index
      %get3A_108 = arith.index_cast %mul3A_70 : i32 to index
      %get3A_109 = vector.load %arg9[%get3A_107, %get3A_108] : memref<8x10240xi32, #tpu.memory_space<vmem>>, vector<1x512xi32>
      %select_n3A_110 = arith.select %lt3A_106, %broadcast_in_dim3A_84, %get3A_109 : vector<1x512xi1>, vector<1x512xi32>
      %swap3A_111 = arith.constant 0 : index
      %swap3A_112 = arith.index_cast %mul3A_70 : i32 to index
      %swap3A_113 = vector.load %arg9[%swap3A_111, %swap3A_112] : memref<8x10240xi32, #tpu.memory_space<vmem>>, vector<1x512xi32>
      tpu.vector_store %arg9[%swap3A_111, %swap3A_112], %select_n3A_110 {strides = array<i32>} : memref<8x10240xi32, #tpu.memory_space<vmem>>, vector<1x512xi32>,
      %get3A_114 = arith.constant 0 : index
      %get3A_115 = arith.index_cast %mul3A_70 : i32 to index
      %get3A_116 = vector.load %arg8[%get3A_114, %get3A_115] : memref<8x10240xf32, #tpu.memory_space<vmem>>, vector<1x512xf32>
      %select_n3A_117 = arith.select %lt3A_106, %broadcast_in_dim3A_72, %get3A_116 : vector<1x512xi1>, vector<1x512xf32>
      %swap3A_118 = arith.constant 0 : index
      %swap3A_119 = arith.index_cast %mul3A_70 : i32 to index
      %swap3A_120 = vector.load %arg8[%swap3A_118, %swap3A_119] : memref<8x10240xf32, #tpu.memory_space<vmem>>, vector<1x512xf32>
      tpu.vector_store %arg8[%swap3A_118, %swap3A_119], %select_n3A_117 {strides = array<i32>} : memref<8x10240xf32, #tpu.memory_space<vmem>>, vector<1x512xf32>,
    } else {
    }
    %eq3A_93 = arith.constant 9 : i32
    %eq3A_94 = arith.cmpi eq, %arg0, %eq3A_93 : i32
    %convert_element_type3A_95 = arith.extui %eq3A_94 : i1 to i32
    %cond3A_96 = arith.constant 0 : i32
    %cond3A_97 = arith.cmpi ne, %convert_element_type3A_95, %cond3A_96 : i32
    scf.if %cond3A_97 {
      %get3A_103 = arith.constant 0 : index
      %get3A_104 = arith.index_cast %mul3A_70 : i32 to index
      %get3A_105 = vector.load %arg9[%get3A_103, %get3A_104] : memref<8x10240xi32, #tpu.memory_space<vmem>>, vector<1x512xi32>
      %broadcast_in_dim3A_106 = vector.shape_cast %get3A_105 : vector<1x512xi32> to vector<1x512xi32>
      %broadcast_in_dim3A_107 = vector.broadcast %broadcast_in_dim3A_106 : vector<1x512xi32> to vector<8x512xi32>
      %swap3A_108 = arith.constant 0 : index
      %swap3A_109 = arith.constant 0 : index
      %swap3A_110 = vector.load %arg5[%swap3A_108, %swap3A_109] : memref<8x512xi32, #tpu.memory_space<vmem>>, vector<8x512xi32>
      tpu.vector_store %arg5[%swap3A_108, %swap3A_109], %broadcast_in_dim3A_107 {strides = array<i32>} : memref<8x512xi32, #tpu.memory_space<vmem>>, vector<8x512xi32>,
    } else {
    }
    %eq3A_98 = arith.constant 19 : i32
    %eq3A_99 = arith.cmpi eq, %arg1, %eq3A_98 : i32
    %convert_element_type3A_100 = arith.extui %eq3A_99 : i1 to i32
    %cond3A_101 = arith.constant 0 : i32
    %cond3A_102 = arith.cmpi ne, %convert_element_type3A_100, %cond3A_101 : i32
    scf.if %cond3A_102 {
      %min3A = arith.constant 3.200000e+01 : f32
      %min3A_103 = vector.broadcast %min3A : f32 to vector<256x1xf32>
      %min3A_104 = arith.minimumf %add3A_65, %min3A_103 : vector<256x1xf32>
      %convert_element_type3A_105 = arith.fptosi %min3A_104 : vector<256x1xf32> to vector<256x1xi32>
      %broadcast_in_dim3A_106 = vector.shape_cast %convert_element_type3A_105 : vector<256x1xi32> to vector<256x1xi32>
      %broadcast_in_dim3A_107 = vector.broadcast %broadcast_in_dim3A_106 : vector<256x1xi32> to vector<256x128xi32>
      %swap3A_108 = arith.constant 0 : index
      %swap3A_109 = arith.constant 0 : index
      %swap3A_110 = vector.load %arg7[%swap3A_108, %swap3A_109] : memref<256x128xi32, #tpu.memory_space<vmem>>, vector<256x128xi32>
      tpu.vector_store %arg7[%swap3A_108, %swap3A_109], %broadcast_in_dim3A_107 {strides = array<i32>} : memref<256x128xi32, #tpu.memory_space<vmem>>, vector<256x128xi32>,
    } else {
    }
    return
  }
  func.func @transform_0(%arg0: i32, %arg1: i32) -> (i32, i32) {
    %c0_i32 = arith.constant 0 : i32
    %c0_i32_0 = arith.constant 0 : i32
    return %arg0, %c0_i32 : i32, i32
  }
  func.func @transform_1(%arg0: i32, %arg1: i32) -> (i32, i32) {
    %c0_i32 = arith.constant 0 : i32
    %c0_i32_0 = arith.constant 0 : i32
    return %c0_i32, %arg1 : i32, i32
  }
  func.func @transform_2(%arg0: i32, %arg1: i32) -> (i32, i32) {
    %c0_i32 = arith.constant 0 : i32
    return %arg0, %arg1 : i32, i32
  }
  func.func @transform_3(%arg0: i32, %arg1: i32) -> (i32, i32) {
    %c0_i32 = arith.constant 0 : i32
    %c0_i32_0 = arith.constant 0 : i32
    return %c0_i32, %arg1 : i32, i32
  }
  func.func @transform_4(%arg0: i32, %arg1: i32) -> (i32, i32, i32) {
    %c0_i32 = arith.constant 0 : i32
    %c0_i32_0 = arith.constant 0 : i32
    return %arg1, %arg0, %c0_i32 : i32, i32, i32
  }
  func.func @transform_5(%arg0: i32, %arg1: i32) -> (i32, i32) {
    %c0_i32 = arith.constant 0 : i32
    %c0_i32_0 = arith.constant 0 : i32
    return %arg0, %c0_i32 : i32, i32
  }
}

module attributes {stable_mosaic.version = 14 : i64} {
  func.func @_kvproj_body(%arg0: i32, %arg1: memref<1000x256xf32, #tpu.memory_space<vmem>>, %arg2: memref<256x512xf32, #tpu.memory_space<vmem>>, %arg3: memref<1000x512xf32, #tpu.memory_space<vmem>>) attributes {dimension_semantics = [#tpu.dimension_semantics<arbitrary>], iteration_bounds = array<i64: 10>, scalar_prefetch = 0 : i64, scratch_operands = 0 : i64, tpu.core_type = #tpu.core_type<tc>, window_params = [{transform_indices = @transform_0, window_bounds = array<i64: 1000, 256>}, {pipeline_mode = #tpu.pipeline_mode<synchronous>, transform_indices = @transform_1, window_bounds = array<i64: 256, 512>}, {transform_indices = @transform_2, window_bounds = array<i64: 1000, 512>}]} {
    %get3A = arith.constant 0 : index
    %get3A_0 = arith.constant 0 : index
    %get3A_1 = vector.load %arg1[%get3A, %get3A_0] : memref<1000x256xf32, #tpu.memory_space<vmem>>, vector<1000x256xf32>
    %get3A_2 = arith.constant 0 : index
    %get3A_3 = arith.constant 0 : index
    %get3A_4 = vector.load %arg2[%get3A_2, %get3A_3] : memref<256x512xf32, #tpu.memory_space<vmem>>, vector<256x512xf32>
    %dot_general3A = arith.constant dense<0.000000e+00> : vector<1000x512xf32>
    %dot_general3A_5 = tpu.matmul %get3A_1, %get3A_4, %dot_general3A {dimension_numbers = #tpu.dot_dimension_numbers<[1], [0], [0], [1], [0, 0, 1, 1], [], []>, transpose_lhs_hint = false} : vector<1000x256xf32>, vector<256x512xf32>, vector<1000x512xf32> -> vector<1000x512xf32>
    %swap3A = arith.constant 0 : index
    %swap3A_6 = arith.constant 0 : index
    %swap3A_7 = vector.load %arg3[%swap3A, %swap3A_6] : memref<1000x512xf32, #tpu.memory_space<vmem>>, vector<1000x512xf32>
    tpu.vector_store %arg3[%swap3A, %swap3A_6], %dot_general3A_5 {strides = array<i32>} : memref<1000x512xf32, #tpu.memory_space<vmem>>, vector<1000x512xf32>,
    return
  }
  func.func @transform_0(%arg0: i32) -> (i32, i32) {
    %c0_i32 = arith.constant 0 : i32
    %c0_i32_0 = arith.constant 0 : i32
    return %arg0, %c0_i32 : i32, i32
  }
  func.func @transform_1(%arg0: i32) -> (i32, i32) {
    %c0_i32 = arith.constant 0 : i32
    %c0_i32_0 = arith.constant 0 : i32
    %c0_i32_1 = arith.constant 0 : i32
    return %c0_i32, %c0_i32_0 : i32, i32
  }
  func.func @transform_2(%arg0: i32) -> (i32, i32) {
    %c0_i32 = arith.constant 0 : i32
    %c0_i32_0 = arith.constant 0 : i32
    return %arg0, %c0_i32 : i32, i32
  }
}

module attributes {stable_mosaic.version = 14 : i64} {
  func.func @_attn_body(%arg0: i32, %arg1: memref<128x256xf32, #tpu.memory_space<vmem>>, %arg2: memref<128x32x512xf32, #tpu.memory_space<vmem>>, %arg3: memref<128x128xi32, #tpu.memory_space<vmem>>, %arg4: memref<256x256xf32, #tpu.memory_space<vmem>>, %arg5: memref<256x256xf32, #tpu.memory_space<vmem>>, %arg6: memref<1x256xf32, #tpu.memory_space<vmem>>, %arg7: memref<1x256xf32, #tpu.memory_space<vmem>>, %arg8: memref<1x256xf32, #tpu.memory_space<vmem>>, %arg9: memref<256x1024xf32, #tpu.memory_space<vmem>>, %arg10: memref<1x1024xf32, #tpu.memory_space<vmem>>, %arg11: memref<1024x256xf32, #tpu.memory_space<vmem>>, %arg12: memref<1x256xf32, #tpu.memory_space<vmem>>, %arg13: memref<128x256xf32, #tpu.memory_space<vmem>>) attributes {dimension_semantics = [#tpu.dimension_semantics<arbitrary>], iteration_bounds = array<i64: 20>, scalar_prefetch = 0 : i64, scratch_operands = 0 : i64, tpu.core_type = #tpu.core_type<tc>, window_params = [{transform_indices = @transform_0, window_bounds = array<i64: 128, 256>}, {transform_indices = @transform_1, window_bounds = array<i64: 128, 32, 512>}, {transform_indices = @transform_2, window_bounds = array<i64: 128, 128>}, {pipeline_mode = #tpu.pipeline_mode<synchronous>, transform_indices = @transform_3, window_bounds = array<i64: 256, 256>}, {pipeline_mode = #tpu.pipeline_mode<synchronous>, transform_indices = @transform_4, window_bounds = array<i64: 256, 256>}, {pipeline_mode = #tpu.pipeline_mode<synchronous>, transform_indices = @transform_5, window_bounds = array<i64: 1, 256>}, {pipeline_mode = #tpu.pipeline_mode<synchronous>, transform_indices = @transform_6, window_bounds = array<i64: 1, 256>}, {pipeline_mode = #tpu.pipeline_mode<synchronous>, transform_indices = @transform_7, window_bounds = array<i64: 1, 256>}, {pipeline_mode = #tpu.pipeline_mode<synchronous>, transform_indices = @transform_8, window_bounds = array<i64: 256, 1024>}, {pipeline_mode = #tpu.pipeline_mode<synchronous>, transform_indices = @transform_9, window_bounds = array<i64: 1, 1024>}, {pipeline_mode = #tpu.pipeline_mode<synchronous>, transform_indices = @transform_10, window_bounds = array<i64: 1024, 256>}, {pipeline_mode = #tpu.pipeline_mode<synchronous>, transform_indices = @transform_11, window_bounds = array<i64: 1, 256>}, {transform_indices = @transform_12, window_bounds = array<i64: 128, 256>}]} {
    %get3A = arith.constant 0 : index
    %get3A_0 = arith.constant 0 : index
    %get3A_1 = vector.load %arg1[%get3A, %get3A_0] : memref<128x256xf32, #tpu.memory_space<vmem>>, vector<128x256xf32>
    %get3A_2 = arith.constant 0 : index
    %get3A_3 = arith.constant 0 : index
    %get3A_4 = vector.load %arg4[%get3A_2, %get3A_3] : memref<256x256xf32, #tpu.memory_space<vmem>>, vector<256x256xf32>
    %dot_general3A = arith.constant dense<0.000000e+00> : vector<128x256xf32>
    %dot_general3A_5 = tpu.matmul %get3A_1, %get3A_4, %dot_general3A {dimension_numbers = #tpu.dot_dimension_numbers<[1], [0], [0], [1], [0, 0, 1, 1], [], []>, transpose_lhs_hint = false} : vector<128x256xf32>, vector<256x256xf32>, vector<128x256xf32> -> vector<128x256xf32>
    %mul3A = arith.constant 0.176776692 : f32
    %mul3A_6 = vector.broadcast %mul3A : f32 to vector<128x256xf32>
    %mul3A_7 = arith.mulf %dot_general3A_5, %mul3A_6 : vector<128x256xf32>
    %get3A_8 = arith.constant 0 : index
    %get3A_9 = arith.constant 0 : index
    %get3A_10 = vector.load %arg3[%get3A_8, %get3A_9] : memref<128x128xi32, #tpu.memory_space<vmem>>, vector<128x1xi32>
    %iota3A = tpu.iota {dimensions = array<i32: 1>} : vector<128x32xi32>
    %lt3A = vector.broadcast %get3A_10 : vector<128x1xi32> to vector<128x32xi32>
    %lt3A_11 = arith.cmpi slt, %iota3A, %lt3A : vector<128x32xi32>
    %get3A_12 = arith.constant 0 : index
    %get3A_13 = arith.constant 0 : index
    %get3A_14 = arith.constant 0 : index
    %get3A_15 = vector.load %arg2[%get3A_12, %get3A_13, %get3A_14] : memref<128x32x512xf32, #tpu.memory_space<vmem>>, vector<128x32x32xf32>
    %get3A_16 = arith.constant 0 : index
    %get3A_17 = arith.constant 0 : index
    %get3A_18 = arith.constant 256 : index
    %get3A_19 = vector.load %arg2[%get3A_16, %get3A_17, %get3A_18] : memref<128x32x512xf32, #tpu.memory_space<vmem>>, vector<128x32x32xf32>
    %slice3A = vector.extract_strided_slice %mul3A_7 {offsets = [0, 0], sizes = [128, 32], strides = [1, 1]} : vector<128x256xf32> to vector<128x32xf32>
    %broadcast_in_dim3A = vector.shape_cast %slice3A : vector<128x32xf32> to vector<128x1x32xf32>
    %mul3A_20 = vector.broadcast %broadcast_in_dim3A : vector<128x1x32xf32> to vector<128x32x32xf32>
    %mul3A_21 = arith.mulf %mul3A_20, %get3A_15 : vector<128x32x32xf32>
    %reduce_sum3A = arith.constant dense<0.000000e+00> : vector<128x32xf32>
    %reduce_sum3A_22 = vector.multi_reduction <add>, %mul3A_21, %reduce_sum3A [2] : vector<128x32x32xf32> to vector<128x32xf32>
    %jit3A = arith.constant -1.000000e+09 : f32
    %broadcast_in_dim3A_23 = vector.broadcast %jit3A : f32 to vector<128x32xf32>
    %select_n3A = arith.select %lt3A_11, %reduce_sum3A_22, %broadcast_in_dim3A_23 : vector<128x32xi1>, vector<128x32xf32>
    %reduce_max3A = arith.constant dense<0xFF800000> : vector<128xf32>
    %reduce_max3A_24 = vector.multi_reduction <maximumf>, %select_n3A, %reduce_max3A [1] : vector<128x32xf32> to vector<128xf32>
    %broadcast_in_dim3A_25 = vector.shape_cast %reduce_max3A_24 : vector<128xf32> to vector<128x1xf32>
    %sub3A = vector.broadcast %broadcast_in_dim3A_25 : vector<128x1xf32> to vector<128x32xf32>
    %sub3A_26 = arith.subf %select_n3A, %sub3A : vector<128x32xf32>
    %exp3A = math.exp %sub3A_26 : vector<128x32xf32>
    %reduce_sum3A_27 = arith.constant dense<0.000000e+00> : vector<128xf32>
    %reduce_sum3A_28 = vector.multi_reduction <add>, %exp3A, %reduce_sum3A_27 [1] : vector<128x32xf32> to vector<128xf32>
    %broadcast_in_dim3A_29 = vector.shape_cast %reduce_sum3A_28 : vector<128xf32> to vector<128x1xf32>
    %div3A = vector.broadcast %broadcast_in_dim3A_29 : vector<128x1xf32> to vector<128x32xf32>
    %div3A_30 = arith.divf %exp3A, %div3A : vector<128x32xf32>
    %broadcast_in_dim3A_31 = vector.shape_cast %div3A_30 : vector<128x32xf32> to vector<128x32x1xf32>
    %mul3A_32 = vector.broadcast %broadcast_in_dim3A_31 : vector<128x32x1xf32> to vector<128x32x32xf32>
    %mul3A_33 = arith.mulf %mul3A_32, %get3A_19 : vector<128x32x32xf32>
    %reduce_sum3A_34 = arith.constant dense<0.000000e+00> : vector<128x32xf32>
    %reduce_sum3A_35 = vector.multi_reduction <add>, %mul3A_33, %reduce_sum3A_34 [1] : vector<128x32x32xf32> to vector<128x32xf32>
    %get3A_36 = arith.constant 0 : index
    %get3A_37 = arith.constant 0 : index
    %get3A_38 = arith.constant 32 : index
    %get3A_39 = vector.load %arg2[%get3A_36, %get3A_37, %get3A_38] : memref<128x32x512xf32, #tpu.memory_space<vmem>>, vector<128x32x32xf32>
    %get3A_40 = arith.constant 0 : index
    %get3A_41 = arith.constant 0 : index
    %get3A_42 = arith.constant 288 : index
    %get3A_43 = vector.load %arg2[%get3A_40, %get3A_41, %get3A_42] : memref<128x32x512xf32, #tpu.memory_space<vmem>>, vector<128x32x32xf32>
    %slice3A_44 = vector.extract_strided_slice %mul3A_7 {offsets = [0, 32], sizes = [128, 32], strides = [1, 1]} : vector<128x256xf32> to vector<128x32xf32>
    %broadcast_in_dim3A_45 = vector.shape_cast %slice3A_44 : vector<128x32xf32> to vector<128x1x32xf32>
    %mul3A_46 = vector.broadcast %broadcast_in_dim3A_45 : vector<128x1x32xf32> to vector<128x32x32xf32>
    %mul3A_47 = arith.mulf %mul3A_46, %get3A_39 : vector<128x32x32xf32>
    %reduce_sum3A_48 = arith.constant dense<0.000000e+00> : vector<128x32xf32>
    %reduce_sum3A_49 = vector.multi_reduction <add>, %mul3A_47, %reduce_sum3A_48 [2] : vector<128x32x32xf32> to vector<128x32xf32>
    %jit3A_50 = arith.constant -1.000000e+09 : f32
    %broadcast_in_dim3A_51 = vector.broadcast %jit3A_50 : f32 to vector<128x32xf32>
    %select_n3A_52 = arith.select %lt3A_11, %reduce_sum3A_49, %broadcast_in_dim3A_51 : vector<128x32xi1>, vector<128x32xf32>
    %reduce_max3A_53 = arith.constant dense<0xFF800000> : vector<128xf32>
    %reduce_max3A_54 = vector.multi_reduction <maximumf>, %select_n3A_52, %reduce_max3A_53 [1] : vector<128x32xf32> to vector<128xf32>
    %broadcast_in_dim3A_55 = vector.shape_cast %reduce_max3A_54 : vector<128xf32> to vector<128x1xf32>
    %sub3A_56 = vector.broadcast %broadcast_in_dim3A_55 : vector<128x1xf32> to vector<128x32xf32>
    %sub3A_57 = arith.subf %select_n3A_52, %sub3A_56 : vector<128x32xf32>
    %exp3A_58 = math.exp %sub3A_57 : vector<128x32xf32>
    %reduce_sum3A_59 = arith.constant dense<0.000000e+00> : vector<128xf32>
    %reduce_sum3A_60 = vector.multi_reduction <add>, %exp3A_58, %reduce_sum3A_59 [1] : vector<128x32xf32> to vector<128xf32>
    %broadcast_in_dim3A_61 = vector.shape_cast %reduce_sum3A_60 : vector<128xf32> to vector<128x1xf32>
    %div3A_62 = vector.broadcast %broadcast_in_dim3A_61 : vector<128x1xf32> to vector<128x32xf32>
    %div3A_63 = arith.divf %exp3A_58, %div3A_62 : vector<128x32xf32>
    %broadcast_in_dim3A_64 = vector.shape_cast %div3A_63 : vector<128x32xf32> to vector<128x32x1xf32>
    %mul3A_65 = vector.broadcast %broadcast_in_dim3A_64 : vector<128x32x1xf32> to vector<128x32x32xf32>
    %mul3A_66 = arith.mulf %mul3A_65, %get3A_43 : vector<128x32x32xf32>
    %reduce_sum3A_67 = arith.constant dense<0.000000e+00> : vector<128x32xf32>
    %reduce_sum3A_68 = vector.multi_reduction <add>, %mul3A_66, %reduce_sum3A_67 [1] : vector<128x32x32xf32> to vector<128x32xf32>
    %get3A_69 = arith.constant 0 : index
    %get3A_70 = arith.constant 0 : index
    %get3A_71 = arith.constant 64 : index
    %get3A_72 = vector.load %arg2[%get3A_69, %get3A_70, %get3A_71] : memref<128x32x512xf32, #tpu.memory_space<vmem>>, vector<128x32x32xf32>
    %get3A_73 = arith.constant 0 : index
    %get3A_74 = arith.constant 0 : index
    %get3A_75 = arith.constant 320 : index
    %get3A_76 = vector.load %arg2[%get3A_73, %get3A_74, %get3A_75] : memref<128x32x512xf32, #tpu.memory_space<vmem>>, vector<128x32x32xf32>
    %slice3A_77 = vector.extract_strided_slice %mul3A_7 {offsets = [0, 64], sizes = [128, 32], strides = [1, 1]} : vector<128x256xf32> to vector<128x32xf32>
    %broadcast_in_dim3A_78 = vector.shape_cast %slice3A_77 : vector<128x32xf32> to vector<128x1x32xf32>
    %mul3A_79 = vector.broadcast %broadcast_in_dim3A_78 : vector<128x1x32xf32> to vector<128x32x32xf32>
    %mul3A_80 = arith.mulf %mul3A_79, %get3A_72 : vector<128x32x32xf32>
    %reduce_sum3A_81 = arith.constant dense<0.000000e+00> : vector<128x32xf32>
    %reduce_sum3A_82 = vector.multi_reduction <add>, %mul3A_80, %reduce_sum3A_81 [2] : vector<128x32x32xf32> to vector<128x32xf32>
    %jit3A_83 = arith.constant -1.000000e+09 : f32
    %broadcast_in_dim3A_84 = vector.broadcast %jit3A_83 : f32 to vector<128x32xf32>
    %select_n3A_85 = arith.select %lt3A_11, %reduce_sum3A_82, %broadcast_in_dim3A_84 : vector<128x32xi1>, vector<128x32xf32>
    %reduce_max3A_86 = arith.constant dense<0xFF800000> : vector<128xf32>
    %reduce_max3A_87 = vector.multi_reduction <maximumf>, %select_n3A_85, %reduce_max3A_86 [1] : vector<128x32xf32> to vector<128xf32>
    %broadcast_in_dim3A_88 = vector.shape_cast %reduce_max3A_87 : vector<128xf32> to vector<128x1xf32>
    %sub3A_89 = vector.broadcast %broadcast_in_dim3A_88 : vector<128x1xf32> to vector<128x32xf32>
    %sub3A_90 = arith.subf %select_n3A_85, %sub3A_89 : vector<128x32xf32>
    %exp3A_91 = math.exp %sub3A_90 : vector<128x32xf32>
    %reduce_sum3A_92 = arith.constant dense<0.000000e+00> : vector<128xf32>
    %reduce_sum3A_93 = vector.multi_reduction <add>, %exp3A_91, %reduce_sum3A_92 [1] : vector<128x32xf32> to vector<128xf32>
    %broadcast_in_dim3A_94 = vector.shape_cast %reduce_sum3A_93 : vector<128xf32> to vector<128x1xf32>
    %div3A_95 = vector.broadcast %broadcast_in_dim3A_94 : vector<128x1xf32> to vector<128x32xf32>
    %div3A_96 = arith.divf %exp3A_91, %div3A_95 : vector<128x32xf32>
    %broadcast_in_dim3A_97 = vector.shape_cast %div3A_96 : vector<128x32xf32> to vector<128x32x1xf32>
    %mul3A_98 = vector.broadcast %broadcast_in_dim3A_97 : vector<128x32x1xf32> to vector<128x32x32xf32>
    %mul3A_99 = arith.mulf %mul3A_98, %get3A_76 : vector<128x32x32xf32>
    %reduce_sum3A_100 = arith.constant dense<0.000000e+00> : vector<128x32xf32>
    %reduce_sum3A_101 = vector.multi_reduction <add>, %mul3A_99, %reduce_sum3A_100 [1] : vector<128x32x32xf32> to vector<128x32xf32>
    %get3A_102 = arith.constant 0 : index
    %get3A_103 = arith.constant 0 : index
    %get3A_104 = arith.constant 96 : index
    %get3A_105 = vector.load %arg2[%get3A_102, %get3A_103, %get3A_104] : memref<128x32x512xf32, #tpu.memory_space<vmem>>, vector<128x32x32xf32>
    %get3A_106 = arith.constant 0 : index
    %get3A_107 = arith.constant 0 : index
    %get3A_108 = arith.constant 352 : index
    %get3A_109 = vector.load %arg2[%get3A_106, %get3A_107, %get3A_108] : memref<128x32x512xf32, #tpu.memory_space<vmem>>, vector<128x32x32xf32>
    %slice3A_110 = vector.extract_strided_slice %mul3A_7 {offsets = [0, 96], sizes = [128, 32], strides = [1, 1]} : vector<128x256xf32> to vector<128x32xf32>
    %broadcast_in_dim3A_111 = vector.shape_cast %slice3A_110 : vector<128x32xf32> to vector<128x1x32xf32>
    %mul3A_112 = vector.broadcast %broadcast_in_dim3A_111 : vector<128x1x32xf32> to vector<128x32x32xf32>
    %mul3A_113 = arith.mulf %mul3A_112, %get3A_105 : vector<128x32x32xf32>
    %reduce_sum3A_114 = arith.constant dense<0.000000e+00> : vector<128x32xf32>
    %reduce_sum3A_115 = vector.multi_reduction <add>, %mul3A_113, %reduce_sum3A_114 [2] : vector<128x32x32xf32> to vector<128x32xf32>
    %jit3A_116 = arith.constant -1.000000e+09 : f32
    %broadcast_in_dim3A_117 = vector.broadcast %jit3A_116 : f32 to vector<128x32xf32>
    %select_n3A_118 = arith.select %lt3A_11, %reduce_sum3A_115, %broadcast_in_dim3A_117 : vector<128x32xi1>, vector<128x32xf32>
    %reduce_max3A_119 = arith.constant dense<0xFF800000> : vector<128xf32>
    %reduce_max3A_120 = vector.multi_reduction <maximumf>, %select_n3A_118, %reduce_max3A_119 [1] : vector<128x32xf32> to vector<128xf32>
    %broadcast_in_dim3A_121 = vector.shape_cast %reduce_max3A_120 : vector<128xf32> to vector<128x1xf32>
    %sub3A_122 = vector.broadcast %broadcast_in_dim3A_121 : vector<128x1xf32> to vector<128x32xf32>
    %sub3A_123 = arith.subf %select_n3A_118, %sub3A_122 : vector<128x32xf32>
    %exp3A_124 = math.exp %sub3A_123 : vector<128x32xf32>
    %reduce_sum3A_125 = arith.constant dense<0.000000e+00> : vector<128xf32>
    %reduce_sum3A_126 = vector.multi_reduction <add>, %exp3A_124, %reduce_sum3A_125 [1] : vector<128x32xf32> to vector<128xf32>
    %broadcast_in_dim3A_127 = vector.shape_cast %reduce_sum3A_126 : vector<128xf32> to vector<128x1xf32>
    %div3A_128 = vector.broadcast %broadcast_in_dim3A_127 : vector<128x1xf32> to vector<128x32xf32>
    %div3A_129 = arith.divf %exp3A_124, %div3A_128 : vector<128x32xf32>
    %broadcast_in_dim3A_130 = vector.shape_cast %div3A_129 : vector<128x32xf32> to vector<128x32x1xf32>
    %mul3A_131 = vector.broadcast %broadcast_in_dim3A_130 : vector<128x32x1xf32> to vector<128x32x32xf32>
    %mul3A_132 = arith.mulf %mul3A_131, %get3A_109 : vector<128x32x32xf32>
    %reduce_sum3A_133 = arith.constant dense<0.000000e+00> : vector<128x32xf32>
    %reduce_sum3A_134 = vector.multi_reduction <add>, %mul3A_132, %reduce_sum3A_133 [1] : vector<128x32x32xf32> to vector<128x32xf32>
    %get3A_135 = arith.constant 0 : index
    %get3A_136 = arith.constant 0 : index
    %get3A_137 = arith.constant 128 : index
    %get3A_138 = vector.load %arg2[%get3A_135, %get3A_136, %get3A_137] : memref<128x32x512xf32, #tpu.memory_space<vmem>>, vector<128x32x32xf32>
    %get3A_139 = arith.constant 0 : index
    %get3A_140 = arith.constant 0 : index
    %get3A_141 = arith.constant 384 : index
    %get3A_142 = vector.load %arg2[%get3A_139, %get3A_140, %get3A_141] : memref<128x32x512xf32, #tpu.memory_space<vmem>>, vector<128x32x32xf32>
    %slice3A_143 = vector.extract_strided_slice %mul3A_7 {offsets = [0, 128], sizes = [128, 32], strides = [1, 1]} : vector<128x256xf32> to vector<128x32xf32>
    %broadcast_in_dim3A_144 = vector.shape_cast %slice3A_143 : vector<128x32xf32> to vector<128x1x32xf32>
    %mul3A_145 = vector.broadcast %broadcast_in_dim3A_144 : vector<128x1x32xf32> to vector<128x32x32xf32>
    %mul3A_146 = arith.mulf %mul3A_145, %get3A_138 : vector<128x32x32xf32>
    %reduce_sum3A_147 = arith.constant dense<0.000000e+00> : vector<128x32xf32>
    %reduce_sum3A_148 = vector.multi_reduction <add>, %mul3A_146, %reduce_sum3A_147 [2] : vector<128x32x32xf32> to vector<128x32xf32>
    %jit3A_149 = arith.constant -1.000000e+09 : f32
    %broadcast_in_dim3A_150 = vector.broadcast %jit3A_149 : f32 to vector<128x32xf32>
    %select_n3A_151 = arith.select %lt3A_11, %reduce_sum3A_148, %broadcast_in_dim3A_150 : vector<128x32xi1>, vector<128x32xf32>
    %reduce_max3A_152 = arith.constant dense<0xFF800000> : vector<128xf32>
    %reduce_max3A_153 = vector.multi_reduction <maximumf>, %select_n3A_151, %reduce_max3A_152 [1] : vector<128x32xf32> to vector<128xf32>
    %broadcast_in_dim3A_154 = vector.shape_cast %reduce_max3A_153 : vector<128xf32> to vector<128x1xf32>
    %sub3A_155 = vector.broadcast %broadcast_in_dim3A_154 : vector<128x1xf32> to vector<128x32xf32>
    %sub3A_156 = arith.subf %select_n3A_151, %sub3A_155 : vector<128x32xf32>
    %exp3A_157 = math.exp %sub3A_156 : vector<128x32xf32>
    %reduce_sum3A_158 = arith.constant dense<0.000000e+00> : vector<128xf32>
    %reduce_sum3A_159 = vector.multi_reduction <add>, %exp3A_157, %reduce_sum3A_158 [1] : vector<128x32xf32> to vector<128xf32>
    %broadcast_in_dim3A_160 = vector.shape_cast %reduce_sum3A_159 : vector<128xf32> to vector<128x1xf32>
    %div3A_161 = vector.broadcast %broadcast_in_dim3A_160 : vector<128x1xf32> to vector<128x32xf32>
    %div3A_162 = arith.divf %exp3A_157, %div3A_161 : vector<128x32xf32>
    %broadcast_in_dim3A_163 = vector.shape_cast %div3A_162 : vector<128x32xf32> to vector<128x32x1xf32>
    %mul3A_164 = vector.broadcast %broadcast_in_dim3A_163 : vector<128x32x1xf32> to vector<128x32x32xf32>
    %mul3A_165 = arith.mulf %mul3A_164, %get3A_142 : vector<128x32x32xf32>
    %reduce_sum3A_166 = arith.constant dense<0.000000e+00> : vector<128x32xf32>
    %reduce_sum3A_167 = vector.multi_reduction <add>, %mul3A_165, %reduce_sum3A_166 [1] : vector<128x32x32xf32> to vector<128x32xf32>
    %get3A_168 = arith.constant 0 : index
    %get3A_169 = arith.constant 0 : index
    %get3A_170 = arith.constant 160 : index
    %get3A_171 = vector.load %arg2[%get3A_168, %get3A_169, %get3A_170] : memref<128x32x512xf32, #tpu.memory_space<vmem>>, vector<128x32x32xf32>
    %get3A_172 = arith.constant 0 : index
    %get3A_173 = arith.constant 0 : index
    %get3A_174 = arith.constant 416 : index
    %get3A_175 = vector.load %arg2[%get3A_172, %get3A_173, %get3A_174] : memref<128x32x512xf32, #tpu.memory_space<vmem>>, vector<128x32x32xf32>
    %slice3A_176 = vector.extract_strided_slice %mul3A_7 {offsets = [0, 160], sizes = [128, 32], strides = [1, 1]} : vector<128x256xf32> to vector<128x32xf32>
    %broadcast_in_dim3A_177 = vector.shape_cast %slice3A_176 : vector<128x32xf32> to vector<128x1x32xf32>
    %mul3A_178 = vector.broadcast %broadcast_in_dim3A_177 : vector<128x1x32xf32> to vector<128x32x32xf32>
    %mul3A_179 = arith.mulf %mul3A_178, %get3A_171 : vector<128x32x32xf32>
    %reduce_sum3A_180 = arith.constant dense<0.000000e+00> : vector<128x32xf32>
    %reduce_sum3A_181 = vector.multi_reduction <add>, %mul3A_179, %reduce_sum3A_180 [2] : vector<128x32x32xf32> to vector<128x32xf32>
    %jit3A_182 = arith.constant -1.000000e+09 : f32
    %broadcast_in_dim3A_183 = vector.broadcast %jit3A_182 : f32 to vector<128x32xf32>
    %select_n3A_184 = arith.select %lt3A_11, %reduce_sum3A_181, %broadcast_in_dim3A_183 : vector<128x32xi1>, vector<128x32xf32>
    %reduce_max3A_185 = arith.constant dense<0xFF800000> : vector<128xf32>
    %reduce_max3A_186 = vector.multi_reduction <maximumf>, %select_n3A_184, %reduce_max3A_185 [1] : vector<128x32xf32> to vector<128xf32>
    %broadcast_in_dim3A_187 = vector.shape_cast %reduce_max3A_186 : vector<128xf32> to vector<128x1xf32>
    %sub3A_188 = vector.broadcast %broadcast_in_dim3A_187 : vector<128x1xf32> to vector<128x32xf32>
    %sub3A_189 = arith.subf %select_n3A_184, %sub3A_188 : vector<128x32xf32>
    %exp3A_190 = math.exp %sub3A_189 : vector<128x32xf32>
    %reduce_sum3A_191 = arith.constant dense<0.000000e+00> : vector<128xf32>
    %reduce_sum3A_192 = vector.multi_reduction <add>, %exp3A_190, %reduce_sum3A_191 [1] : vector<128x32xf32> to vector<128xf32>
    %broadcast_in_dim3A_193 = vector.shape_cast %reduce_sum3A_192 : vector<128xf32> to vector<128x1xf32>
    %div3A_194 = vector.broadcast %broadcast_in_dim3A_193 : vector<128x1xf32> to vector<128x32xf32>
    %div3A_195 = arith.divf %exp3A_190, %div3A_194 : vector<128x32xf32>
    %broadcast_in_dim3A_196 = vector.shape_cast %div3A_195 : vector<128x32xf32> to vector<128x32x1xf32>
    %mul3A_197 = vector.broadcast %broadcast_in_dim3A_196 : vector<128x32x1xf32> to vector<128x32x32xf32>
    %mul3A_198 = arith.mulf %mul3A_197, %get3A_175 : vector<128x32x32xf32>
    %reduce_sum3A_199 = arith.constant dense<0.000000e+00> : vector<128x32xf32>
    %reduce_sum3A_200 = vector.multi_reduction <add>, %mul3A_198, %reduce_sum3A_199 [1] : vector<128x32x32xf32> to vector<128x32xf32>
    %get3A_201 = arith.constant 0 : index
    %get3A_202 = arith.constant 0 : index
    %get3A_203 = arith.constant 192 : index
    %get3A_204 = vector.load %arg2[%get3A_201, %get3A_202, %get3A_203] : memref<128x32x512xf32, #tpu.memory_space<vmem>>, vector<128x32x32xf32>
    %get3A_205 = arith.constant 0 : index
    %get3A_206 = arith.constant 0 : index
    %get3A_207 = arith.constant 448 : index
    %get3A_208 = vector.load %arg2[%get3A_205, %get3A_206, %get3A_207] : memref<128x32x512xf32, #tpu.memory_space<vmem>>, vector<128x32x32xf32>
    %slice3A_209 = vector.extract_strided_slice %mul3A_7 {offsets = [0, 192], sizes = [128, 32], strides = [1, 1]} : vector<128x256xf32> to vector<128x32xf32>
    %broadcast_in_dim3A_210 = vector.shape_cast %slice3A_209 : vector<128x32xf32> to vector<128x1x32xf32>
    %mul3A_211 = vector.broadcast %broadcast_in_dim3A_210 : vector<128x1x32xf32> to vector<128x32x32xf32>
    %mul3A_212 = arith.mulf %mul3A_211, %get3A_204 : vector<128x32x32xf32>
    %reduce_sum3A_213 = arith.constant dense<0.000000e+00> : vector<128x32xf32>
    %reduce_sum3A_214 = vector.multi_reduction <add>, %mul3A_212, %reduce_sum3A_213 [2] : vector<128x32x32xf32> to vector<128x32xf32>
    %jit3A_215 = arith.constant -1.000000e+09 : f32
    %broadcast_in_dim3A_216 = vector.broadcast %jit3A_215 : f32 to vector<128x32xf32>
    %select_n3A_217 = arith.select %lt3A_11, %reduce_sum3A_214, %broadcast_in_dim3A_216 : vector<128x32xi1>, vector<128x32xf32>
    %reduce_max3A_218 = arith.constant dense<0xFF800000> : vector<128xf32>
    %reduce_max3A_219 = vector.multi_reduction <maximumf>, %select_n3A_217, %reduce_max3A_218 [1] : vector<128x32xf32> to vector<128xf32>
    %broadcast_in_dim3A_220 = vector.shape_cast %reduce_max3A_219 : vector<128xf32> to vector<128x1xf32>
    %sub3A_221 = vector.broadcast %broadcast_in_dim3A_220 : vector<128x1xf32> to vector<128x32xf32>
    %sub3A_222 = arith.subf %select_n3A_217, %sub3A_221 : vector<128x32xf32>
    %exp3A_223 = math.exp %sub3A_222 : vector<128x32xf32>
    %reduce_sum3A_224 = arith.constant dense<0.000000e+00> : vector<128xf32>
    %reduce_sum3A_225 = vector.multi_reduction <add>, %exp3A_223, %reduce_sum3A_224 [1] : vector<128x32xf32> to vector<128xf32>
    %broadcast_in_dim3A_226 = vector.shape_cast %reduce_sum3A_225 : vector<128xf32> to vector<128x1xf32>
    %div3A_227 = vector.broadcast %broadcast_in_dim3A_226 : vector<128x1xf32> to vector<128x32xf32>
    %div3A_228 = arith.divf %exp3A_223, %div3A_227 : vector<128x32xf32>
    %broadcast_in_dim3A_229 = vector.shape_cast %div3A_228 : vector<128x32xf32> to vector<128x32x1xf32>
    %mul3A_230 = vector.broadcast %broadcast_in_dim3A_229 : vector<128x32x1xf32> to vector<128x32x32xf32>
    %mul3A_231 = arith.mulf %mul3A_230, %get3A_208 : vector<128x32x32xf32>
    %reduce_sum3A_232 = arith.constant dense<0.000000e+00> : vector<128x32xf32>
    %reduce_sum3A_233 = vector.multi_reduction <add>, %mul3A_231, %reduce_sum3A_232 [1] : vector<128x32x32xf32> to vector<128x32xf32>
    %get3A_234 = arith.constant 0 : index
    %get3A_235 = arith.constant 0 : index
    %get3A_236 = arith.constant 224 : index
    %get3A_237 = vector.load %arg2[%get3A_234, %get3A_235, %get3A_236] : memref<128x32x512xf32, #tpu.memory_space<vmem>>, vector<128x32x32xf32>
    %get3A_238 = arith.constant 0 : index
    %get3A_239 = arith.constant 0 : index
    %get3A_240 = arith.constant 480 : index
    %get3A_241 = vector.load %arg2[%get3A_238, %get3A_239, %get3A_240] : memref<128x32x512xf32, #tpu.memory_space<vmem>>, vector<128x32x32xf32>
    %slice3A_242 = vector.extract_strided_slice %mul3A_7 {offsets = [0, 224], sizes = [128, 32], strides = [1, 1]} : vector<128x256xf32> to vector<128x32xf32>
    %broadcast_in_dim3A_243 = vector.shape_cast %slice3A_242 : vector<128x32xf32> to vector<128x1x32xf32>
    %mul3A_244 = vector.broadcast %broadcast_in_dim3A_243 : vector<128x1x32xf32> to vector<128x32x32xf32>
    %mul3A_245 = arith.mulf %mul3A_244, %get3A_237 : vector<128x32x32xf32>
    %reduce_sum3A_246 = arith.constant dense<0.000000e+00> : vector<128x32xf32>
    %reduce_sum3A_247 = vector.multi_reduction <add>, %mul3A_245, %reduce_sum3A_246 [2] : vector<128x32x32xf32> to vector<128x32xf32>
    %jit3A_248 = arith.constant -1.000000e+09 : f32
    %broadcast_in_dim3A_249 = vector.broadcast %jit3A_248 : f32 to vector<128x32xf32>
    %select_n3A_250 = arith.select %lt3A_11, %reduce_sum3A_247, %broadcast_in_dim3A_249 : vector<128x32xi1>, vector<128x32xf32>
    %reduce_max3A_251 = arith.constant dense<0xFF800000> : vector<128xf32>
    %reduce_max3A_252 = vector.multi_reduction <maximumf>, %select_n3A_250, %reduce_max3A_251 [1] : vector<128x32xf32> to vector<128xf32>
    %broadcast_in_dim3A_253 = vector.shape_cast %reduce_max3A_252 : vector<128xf32> to vector<128x1xf32>
    %sub3A_254 = vector.broadcast %broadcast_in_dim3A_253 : vector<128x1xf32> to vector<128x32xf32>
    %sub3A_255 = arith.subf %select_n3A_250, %sub3A_254 : vector<128x32xf32>
    %exp3A_256 = math.exp %sub3A_255 : vector<128x32xf32>
    %reduce_sum3A_257 = arith.constant dense<0.000000e+00> : vector<128xf32>
    %reduce_sum3A_258 = vector.multi_reduction <add>, %exp3A_256, %reduce_sum3A_257 [1] : vector<128x32xf32> to vector<128xf32>
    %broadcast_in_dim3A_259 = vector.shape_cast %reduce_sum3A_258 : vector<128xf32> to vector<128x1xf32>
    %div3A_260 = vector.broadcast %broadcast_in_dim3A_259 : vector<128x1xf32> to vector<128x32xf32>
    %div3A_261 = arith.divf %exp3A_256, %div3A_260 : vector<128x32xf32>
    %broadcast_in_dim3A_262 = vector.shape_cast %div3A_261 : vector<128x32xf32> to vector<128x32x1xf32>
    %mul3A_263 = vector.broadcast %broadcast_in_dim3A_262 : vector<128x32x1xf32> to vector<128x32x32xf32>
    %mul3A_264 = arith.mulf %mul3A_263, %get3A_241 : vector<128x32x32xf32>
    %reduce_sum3A_265 = arith.constant dense<0.000000e+00> : vector<128x32xf32>
    %reduce_sum3A_266 = vector.multi_reduction <add>, %mul3A_264, %reduce_sum3A_265 [1] : vector<128x32x32xf32> to vector<128x32xf32>
    %concatenate3A = tpu.concatenate %reduce_sum3A_35, %reduce_sum3A_68, %reduce_sum3A_101, %reduce_sum3A_134, %reduce_sum3A_167, %reduce_sum3A_200, %reduce_sum3A_233, %reduce_sum3A_266 in 1 : vector<128x32xf32>, vector<128x32xf32>, vector<128x32xf32>, vector<128x32xf32>, vector<128x32xf32>, vector<128x32xf32>, vector<128x32xf32>, vector<128x32xf32> -> vector<128x256xf32>
    %get3A_267 = arith.constant 0 : index
    %get3A_268 = arith.constant 0 : index
    %get3A_269 = vector.load %arg5[%get3A_267, %get3A_268] : memref<256x256xf32, #tpu.memory_space<vmem>>, vector<256x256xf32>
    %dot_general3A_270 = arith.constant dense<0.000000e+00> : vector<128x256xf32>
    %dot_general3A_271 = tpu.matmul %concatenate3A, %get3A_269, %dot_general3A_270 {dimension_numbers = #tpu.dot_dimension_numbers<[1], [0], [0], [1], [0, 0, 1, 1], [], []>, transpose_lhs_hint = false} : vector<128x256xf32>, vector<256x256xf32>, vector<128x256xf32> -> vector<128x256xf32>
    %get3A_272 = arith.constant 0 : index
    %get3A_273 = arith.constant 0 : index
    %get3A_274 = vector.load %arg6[%get3A_272, %get3A_273] : memref<1x256xf32, #tpu.memory_space<vmem>>, vector<1x256xf32>
    %add3A = vector.broadcast %get3A_274 : vector<1x256xf32> to vector<128x256xf32>
    %add3A_275 = arith.addf %dot_general3A_271, %add3A : vector<128x256xf32>
    %get3A_276 = arith.constant 0 : index
    %get3A_277 = arith.constant 0 : index
    %get3A_278 = vector.load %arg7[%get3A_276, %get3A_277] : memref<1x256xf32, #tpu.memory_space<vmem>>, vector<1x256xf32>
    %get3A_279 = arith.constant 0 : index
    %get3A_280 = arith.constant 0 : index
    %get3A_281 = vector.load %arg8[%get3A_279, %get3A_280] : memref<1x256xf32, #tpu.memory_space<vmem>>, vector<1x256xf32>
    %reduce_sum3A_282 = arith.constant dense<0.000000e+00> : vector<128xf32>
    %reduce_sum3A_283 = vector.multi_reduction <add>, %add3A_275, %reduce_sum3A_282 [1] : vector<128x256xf32> to vector<128xf32>
    %broadcast_in_dim3A_284 = vector.shape_cast %reduce_sum3A_283 : vector<128xf32> to vector<128x1xf32>
    %div3A_285 = arith.constant 2.560000e+02 : f32
    %div3A_286 = vector.broadcast %div3A_285 : f32 to vector<128x1xf32>
    %div3A_287 = arith.divf %broadcast_in_dim3A_284, %div3A_286 : vector<128x1xf32>
    %sub3A_288 = vector.broadcast %div3A_287 : vector<128x1xf32> to vector<128x256xf32>
    %sub3A_289 = arith.subf %add3A_275, %sub3A_288 : vector<128x256xf32>
    %integer_pow3A = arith.mulf %sub3A_289, %sub3A_289 : vector<128x256xf32>
    %reduce_sum3A_290 = arith.constant dense<0.000000e+00> : vector<128xf32>
    %reduce_sum3A_291 = vector.multi_reduction <add>, %integer_pow3A, %reduce_sum3A_290 [1] : vector<128x256xf32> to vector<128xf32>
    %broadcast_in_dim3A_292 = vector.shape_cast %reduce_sum3A_291 : vector<128xf32> to vector<128x1xf32>
    %div3A_293 = arith.constant 2.560000e+02 : f32
    %div3A_294 = vector.broadcast %div3A_293 : f32 to vector<128x1xf32>
    %div3A_295 = arith.divf %broadcast_in_dim3A_292, %div3A_294 : vector<128x1xf32>
    %sub3A_296 = vector.broadcast %div3A_287 : vector<128x1xf32> to vector<128x256xf32>
    %sub3A_297 = arith.subf %add3A_275, %sub3A_296 : vector<128x256xf32>
    %add3A_298 = arith.constant 9.99999974E-6 : f32
    %add3A_299 = vector.broadcast %add3A_298 : f32 to vector<128x1xf32>
    %add3A_300 = arith.addf %div3A_295, %add3A_299 : vector<128x1xf32>
    %sqrt3A = math.sqrt %add3A_300 : vector<128x1xf32>
    %div3A_301 = vector.broadcast %sqrt3A : vector<128x1xf32> to vector<128x256xf32>
    %div3A_302 = arith.divf %sub3A_297, %div3A_301 : vector<128x256xf32>
    %mul3A_303 = vector.broadcast %get3A_278 : vector<1x256xf32> to vector<128x256xf32>
    %mul3A_304 = arith.mulf %div3A_302, %mul3A_303 : vector<128x256xf32>
    %add3A_305 = vector.broadcast %get3A_281 : vector<1x256xf32> to vector<128x256xf32>
    %add3A_306 = arith.addf %mul3A_304, %add3A_305 : vector<128x256xf32>
    %add3A_307 = arith.addf %get3A_1, %add3A_306 : vector<128x256xf32>
    %get3A_308 = arith.constant 0 : index
    %get3A_309 = arith.constant 0 : index
    %get3A_310 = vector.load %arg9[%get3A_308, %get3A_309] : memref<256x1024xf32, #tpu.memory_space<vmem>>, vector<256x1024xf32>
    %dot_general3A_311 = arith.constant dense<0.000000e+00> : vector<128x1024xf32>
    %dot_general3A_312 = tpu.matmul %add3A_307, %get3A_310, %dot_general3A_311 {dimension_numbers = #tpu.dot_dimension_numbers<[1], [0], [0], [1], [0, 0, 1, 1], [], []>, transpose_lhs_hint = false} : vector<128x256xf32>, vector<256x1024xf32>, vector<128x1024xf32> -> vector<128x1024xf32>
    %get3A_313 = arith.constant 0 : index
    %get3A_314 = arith.constant 0 : index
    %get3A_315 = vector.load %arg10[%get3A_313, %get3A_314] : memref<1x1024xf32, #tpu.memory_space<vmem>>, vector<1x1024xf32>
    %add3A_316 = vector.broadcast %get3A_315 : vector<1x1024xf32> to vector<128x1024xf32>
    %add3A_317 = arith.addf %dot_general3A_312, %add3A_316 : vector<128x1024xf32>
    %max3A = arith.constant 0.000000e+00 : f32
    %max3A_318 = vector.broadcast %max3A : f32 to vector<128x1024xf32>
    %max3A_319 = arith.maximumf %add3A_317, %max3A_318 : vector<128x1024xf32>
    %get3A_320 = arith.constant 0 : index
    %get3A_321 = arith.constant 0 : index
    %get3A_322 = vector.load %arg11[%get3A_320, %get3A_321] : memref<1024x256xf32, #tpu.memory_space<vmem>>, vector<1024x256xf32>
    %dot_general3A_323 = arith.constant dense<0.000000e+00> : vector<128x256xf32>
    %dot_general3A_324 = tpu.matmul %max3A_319, %get3A_322, %dot_general3A_323 {dimension_numbers = #tpu.dot_dimension_numbers<[1], [0], [0], [1], [0, 0, 1, 1], [], []>, transpose_lhs_hint = false} : vector<128x1024xf32>, vector<1024x256xf32>, vector<128x256xf32> -> vector<128x256xf32>
    %get3A_325 = arith.constant 0 : index
    %get3A_326 = arith.constant 0 : index
    %get3A_327 = vector.load %arg12[%get3A_325, %get3A_326] : memref<1x256xf32, #tpu.memory_space<vmem>>, vector<1x256xf32>
    %add3A_328 = vector.broadcast %get3A_327 : vector<1x256xf32> to vector<128x256xf32>
    %add3A_329 = arith.addf %dot_general3A_324, %add3A_328 : vector<128x256xf32>
    %reduce_sum3A_330 = arith.constant dense<0.000000e+00> : vector<128xf32>
    %reduce_sum3A_331 = vector.multi_reduction <add>, %add3A_329, %reduce_sum3A_330 [1] : vector<128x256xf32> to vector<128xf32>
    %broadcast_in_dim3A_332 = vector.shape_cast %reduce_sum3A_331 : vector<128xf32> to vector<128x1xf32>
    %div3A_333 = arith.constant 2.560000e+02 : f32
    %div3A_334 = vector.broadcast %div3A_333 : f32 to vector<128x1xf32>
    %div3A_335 = arith.divf %broadcast_in_dim3A_332, %div3A_334 : vector<128x1xf32>
    %sub3A_336 = vector.broadcast %div3A_335 : vector<128x1xf32> to vector<128x256xf32>
    %sub3A_337 = arith.subf %add3A_329, %sub3A_336 : vector<128x256xf32>
    %integer_pow3A_338 = arith.mulf %sub3A_337, %sub3A_337 : vector<128x256xf32>
    %reduce_sum3A_339 = arith.constant dense<0.000000e+00> : vector<128xf32>
    %reduce_sum3A_340 = vector.multi_reduction <add>, %integer_pow3A_338, %reduce_sum3A_339 [1] : vector<128x256xf32> to vector<128xf32>
    %broadcast_in_dim3A_341 = vector.shape_cast %reduce_sum3A_340 : vector<128xf32> to vector<128x1xf32>
    %div3A_342 = arith.constant 2.560000e+02 : f32
    %div3A_343 = vector.broadcast %div3A_342 : f32 to vector<128x1xf32>
    %div3A_344 = arith.divf %broadcast_in_dim3A_341, %div3A_343 : vector<128x1xf32>
    %sub3A_345 = vector.broadcast %div3A_335 : vector<128x1xf32> to vector<128x256xf32>
    %sub3A_346 = arith.subf %add3A_329, %sub3A_345 : vector<128x256xf32>
    %add3A_347 = arith.constant 9.99999974E-6 : f32
    %add3A_348 = vector.broadcast %add3A_347 : f32 to vector<128x1xf32>
    %add3A_349 = arith.addf %div3A_344, %add3A_348 : vector<128x1xf32>
    %sqrt3A_350 = math.sqrt %add3A_349 : vector<128x1xf32>
    %div3A_351 = vector.broadcast %sqrt3A_350 : vector<128x1xf32> to vector<128x256xf32>
    %div3A_352 = arith.divf %sub3A_346, %div3A_351 : vector<128x256xf32>
    %mul3A_353 = vector.broadcast %get3A_278 : vector<1x256xf32> to vector<128x256xf32>
    %mul3A_354 = arith.mulf %div3A_352, %mul3A_353 : vector<128x256xf32>
    %add3A_355 = vector.broadcast %get3A_281 : vector<1x256xf32> to vector<128x256xf32>
    %add3A_356 = arith.addf %mul3A_354, %add3A_355 : vector<128x256xf32>
    %add3A_357 = arith.addf %add3A_307, %add3A_356 : vector<128x256xf32>
    %swap3A = arith.constant 0 : index
    %swap3A_358 = arith.constant 0 : index
    %swap3A_359 = vector.load %arg13[%swap3A, %swap3A_358] : memref<128x256xf32, #tpu.memory_space<vmem>>, vector<128x256xf32>
    tpu.vector_store %arg13[%swap3A, %swap3A_358], %add3A_357 {strides = array<i32>} : memref<128x256xf32, #tpu.memory_space<vmem>>, vector<128x256xf32>,
    return
  }
  func.func @transform_0(%arg0: i32) -> (i32, i32) {
    %c0_i32 = arith.constant 0 : i32
    %c0_i32_0 = arith.constant 0 : i32
    return %arg0, %c0_i32 : i32, i32
  }
  func.func @transform_1(%arg0: i32) -> (i32, i32, i32) {
    %c0_i32 = arith.constant 0 : i32
    %c0_i32_0 = arith.constant 0 : i32
    %c0_i32_1 = arith.constant 0 : i32
    return %arg0, %c0_i32, %c0_i32_0 : i32, i32, i32
  }
  func.func @transform_2(%arg0: i32) -> (i32, i32) {
    %c0_i32 = arith.constant 0 : i32
    %c0_i32_0 = arith.constant 0 : i32
    return %arg0, %c0_i32 : i32, i32
  }
  func.func @transform_3(%arg0: i32) -> (i32, i32) {
    %c0_i32 = arith.constant 0 : i32
    %c0_i32_0 = arith.constant 0 : i32
    %c0_i32_1 = arith.constant 0 : i32
    return %c0_i32, %c0_i32_0 : i32, i32
  }
  func.func @transform_4(%arg0: i32) -> (i32, i32) {
    %c0_i32 = arith.constant 0 : i32
    %c0_i32_0 = arith.constant 0 : i32
    %c0_i32_1 = arith.constant 0 : i32
    return %c0_i32, %c0_i32_0 : i32, i32
  }
  func.func @transform_5(%arg0: i32) -> (i32, i32) {
    %c0_i32 = arith.constant 0 : i32
    %c0_i32_0 = arith.constant 0 : i32
    %c0_i32_1 = arith.constant 0 : i32
    return %c0_i32, %c0_i32_0 : i32, i32
  }
  func.func @transform_6(%arg0: i32) -> (i32, i32) {
    %c0_i32 = arith.constant 0 : i32
    %c0_i32_0 = arith.constant 0 : i32
    %c0_i32_1 = arith.constant 0 : i32
    return %c0_i32, %c0_i32_0 : i32, i32
  }
  func.func @transform_7(%arg0: i32) -> (i32, i32) {
    %c0_i32 = arith.constant 0 : i32
    %c0_i32_0 = arith.constant 0 : i32
    %c0_i32_1 = arith.constant 0 : i32
    return %c0_i32, %c0_i32_0 : i32, i32
  }
  func.func @transform_8(%arg0: i32) -> (i32, i32) {
    %c0_i32 = arith.constant 0 : i32
    %c0_i32_0 = arith.constant 0 : i32
    %c0_i32_1 = arith.constant 0 : i32
    return %c0_i32, %c0_i32_0 : i32, i32
  }
  func.func @transform_9(%arg0: i32) -> (i32, i32) {
    %c0_i32 = arith.constant 0 : i32
    %c0_i32_0 = arith.constant 0 : i32
    %c0_i32_1 = arith.constant 0 : i32
    return %c0_i32, %c0_i32_0 : i32, i32
  }
  func.func @transform_10(%arg0: i32) -> (i32, i32) {
    %c0_i32 = arith.constant 0 : i32
    %c0_i32_0 = arith.constant 0 : i32
    %c0_i32_1 = arith.constant 0 : i32
    return %c0_i32, %c0_i32_0 : i32, i32
  }
  func.func @transform_11(%arg0: i32) -> (i32, i32) {
    %c0_i32 = arith.constant 0 : i32
    %c0_i32_0 = arith.constant 0 : i32
    %c0_i32_1 = arith.constant 0 : i32
    return %c0_i32, %c0_i32_0 : i32, i32
  }
  func.func @transform_12(%arg0: i32) -> (i32, i32) {
    %c0_i32 = arith.constant 0 : i32
    %c0_i32_0 = arith.constant 0 : i32
    return %arg0, %c0_i32 : i32, i32
  }
}

</mosaic_0001>

<sc_bundles>
// kernel: kernel.10.cloned.1.call-start
scs
__scs_entry_jumppad:
0x0: {  	(pc) =	sbr.rel $0x88, $3  }
0x1: {  	(tag) =	ssettag $0x0;
	lr =	simm.s32 $0x1  }
0x2: {  	[smem:$0x3F96] =	sst lr;
	_ =	strace $0xD0000000  }
0x3: {  	_ = 	snop  }
0x4: {  	_ = 	snop  }
0x5: {  	_ = 	snop  }
0x6: {  	_ = 	snop  }
0x7: {  	_ = 	snop  }
__scs_overlays_trampoline_lowered:
0x8: {  	[smem:$0x3FA5] =	sst s0  }
0x9: {  	[smem:$0x3FA6] =	sst s1  }
0xa: {  	[smem:$0x3FA7] =	sst s2  }
0xb: {  	[smem:$0x3FA8] =	sst s3  }
0xc: {  	[smem:$0x3FA9] =	sst s4  }
0xd: {  	[smem:$0x3FAA] =	sst s5  }
0xe: {  	[smem:$0x3FAB] =	sst s6  }
0xf: {  	[smem:$0x3FAC] =	sst s7  }
0x10: {  	[smem:$0x3FAD] =	sst s8  }
0x11: {  	[smem:$0x3FAE] =	sst s9;
	s0 =	simm.s32 @!p0 $0x0  }
0x12: {  	s1 =	sld [smem:$0x3F94];
	s0 =	simm.s32 @p0 $0x1  }
0x13: {  	[smem:$0x3FAF] =	sst s0;
	s0 =	simm.s32 @!p1 $0x0  }
0x14: {  	s2 =	sld [smem:$0x3F93];
	s0 =	simm.s32 @p1 $0x1  }
0x15: {  	[smem:$0x3FB0] =	sst s0;
	s0 =	simm.s32 @!p2 $0x0  }
0x16: {  	s3 =	sld [smem:$0x3FDB];
	s0 =	simm.s32 @p2 $0x1  }
0x17: {  	s4 =	simm.s32 $0x1BF5;
	[smem:$0x3FB2] =	sst s0  }
0x18: {  	s0 =	sld [smem:$0x3F95];
	_ =	swait.ge [sflag:s4], $0x0  }
0x19: {  	s7 =	sld [smem:$0x3F96]  }
0x1a: {  	s8 =	sadd.s32 $0xFFFFE003, lr  }
0x1b: {  	s9 =	sadd.s32 $0xFFFFFEF7, lr;
	s5 =	simm.s32 $0xFFFFFFFF;
	p2 =	slt.u32 s8, $0xFFFFF086  }
0x1c: {  	p1 =	slt.u32 s9, $0xF7A;
	s5 =	simm.s32 @!p2 $0x0  }
0x1d: {  	s5 =	simm.s32 @p1 $0x1;
	p0 =	seq.s32 s7, s2  }
0x1e: {  	s7 =	smul.u32 @!p0 $0xF7A, s2;
	p2 =	seq.s32 @!p0 s5, $0x0  }
0x1f: {  	s9 =	smul.u32 $0xF7A, s1;
	s8 =	simm.s32 @!p0 $0x1BF5;
	p2 =	por !p2, p0  }
0x20: {  	[sflag:s8] =	ssyncset.s32 @!p0 $0xFFFFF086;
	s6 =	sadd.s32 @!p0 s3, s7;
	s7 =	simm.s32 @!p0 $0x108  }
0x21: {  	s3 =	sadd.s32 s3, s9;
	s6 =	sadd.s32 @!p0 $0x88, s6;
	s7 =	simm.s32 @p2 $0x1082  }
0x22: {  	[simem:s7], [sflag:s8] =	dma.local @!p0 [hbm:s6], $0xF7A  }
0x23: {  	s9 =	sor.u32 $0xD0000000, s2;
	s6 =	simm.s32 $0x108;
	_ =	swait.ge @!p0 [sflag:s8], $0x0  }
0x24: {  	s3 =	sadd.s32 $0x88, s3;
	s6 =	simm.s32 @!p1 $0x1082;
	[sflag:s4] =	ssyncset.s32 $0xFFFFF086  }
0x25: {  	[simem:s6], [sflag:s4] =	dma.local [hbm:s3], $0xF7A  }
0x26: {  	[smem:$0x3F96] =	sst s1;
	(tag) =	ssettag s2;
	_ =	strace s9  }
0x27: {  	s1 =	sld [smem:$0x3FA6]  }
0x28: {  	s2 =	sld [smem:$0x3FA7]  }
0x29: {  	s4 =	sld [smem:$0x3FA9]  }
0x2a: {  	p0 =	seq.s32 s5, $0x0;
	s5 =	sld [smem:$0x3FAA]  }
0x2b: {  	s6 =	sld [smem:$0x3FAB]  }
0x2c: {  	s7 =	sld [smem:$0x3FAC]  }
0x2d: {  	s3 =	simm.s32 $0x108;
	s8 =	sld [smem:$0x3FAD]  }
0x2e: {  	s3 =	simm.s32 @!p0 $0x1082;
	s9 =	sld [smem:$0x3FAE]  }
0x2f: {  	lr =	sadd.s32 s0, s3;
	s0 =	sld [smem:$0x3FA5]  }
0x30: {  	s3 =	sld [smem:$0x3FA8]  }
0x31: {  	[smem:$0x3FB1] =	sst s10  }
0x32: {  	s10 =	sld [smem:$0x3FAF];
	_ =	sdelay $0x3  }
0x33: {  	p0 =	seq.s32 s10, $0x1;
	s10 =	sld [smem:$0x3FB1];
	_ =	sdelay $0x3  }
0x34: {  	[smem:$0x3FB1] =	sst s10  }
0x35: {  	s10 =	sld [smem:$0x3FB0];
	_ =	sdelay $0x3  }
0x36: {  	p1 =	seq.s32 s10, $0x1;
	s10 =	sld [smem:$0x3FB1];
	_ =	sdelay $0x3  }
0x37: {  	[smem:$0x3FB1] =	sst s10  }
0x38: {  	s10 =	sld [smem:$0x3FB2]  }
0x39: {  	_ = 	snop;
	(pc) =	sbr.ind lr, $3  }
0x3a: {  	_ = 	snop  }
0x3b: {  	_ = 	snop  }
0x3c: {  	p2 =	seq.s32 s10, $0x1;
	s10 =	sld [smem:$0x3FB1]  }
0x3d: {  	_ =	shalt  }
0x3e: {  	_ =	shalt  }
0x3f: {  	_ =	shalt  }
0x40: {  	_ =	shalt  }
0x41: {  	_ =	shalt  }
0x42: {  	_ =	shalt  }
0x43: {  	_ =	shalt  }
0x44: {  	_ =	shalt  }
0x45: {  	_ =	shalt  }
0x46: {  	_ =	shalt  }
0x47: {  	_ =	shalt  }
0x48: {  	_ =	shalt  }
0x49: {  	_ =	shalt  }
0x4a: {  	_ =	shalt  }
0x4b: {  	_ =	shalt  }
0x4c: {  	_ =	shalt  }
0x4d: {  	_ =	shalt  }
0x4e: {  	_ =	shalt  }
0x4f: {  	_ =	shalt  }
0x50: {  	_ =	shalt  }
0x51: {  	_ =	shalt  }
0x52: {  	_ =	shalt  }
0x53: {  	_ =	shalt  }
0x54: {  	_ =	shalt  }
0x55: {  	_ =	shalt  }
0x56: {  	_ =	shalt  }
0x57: {  	_ =	shalt  }
0x58: {  	_ =	shalt  }
0x59: {  	_ =	shalt  }
0x5a: {  	_ =	shalt  }
0x5b: {  	_ =	shalt  }
0x5c: {  	_ =	shalt  }
0x5d: {  	_ =	shalt  }
0x5e: {  	_ =	shalt  }
0x5f: {  	_ =	shalt  }
0x60: {  	_ =	shalt  }
0x61: {  	_ =	shalt  }
0x62: {  	_ =	shalt  }
0x63: {  	_ =	shalt  }
0x64: {  	_ =	shalt  }
0x65: {  	_ =	shalt  }
0x66: {  	_ =	shalt  }
0x67: {  	_ =	shalt  }
0x68: {  	_ =	shalt  }
0x69: {  	_ =	shalt  }
0x6a: {  	_ =	shalt  }
0x6b: {  	_ =	shalt  }
0x6c: {  	_ =	shalt  }
0x6d: {  	_ =	shalt  }
0x6e: {  	_ =	shalt  }
0x6f: {  	_ =	shalt  }
0x70: {  	_ =	shalt  }
0x71: {  	_ =	shalt  }
0x72: {  	_ =	shalt  }
0x73: {  	_ =	shalt  }
0x74: {  	_ =	shalt  }
0x75: {  	_ =	shalt  }
0x76: {  	_ =	shalt  }
0x77: {  	_ =	shalt  }
0x78: {  	_ =	shalt  }
0x79: {  	_ =	shalt  }
0x7a: {  	_ =	shalt  }
0x7b: {  	_ =	shalt  }
0x7c: {  	_ =	shalt  }
0x7d: {  	_ =	shalt  }
0x7e: {  	_ =	shalt  }
0x7f: {  	_ =	shalt  }
0x80: {  	_ =	shalt  }
0x81: {  	_ =	shalt  }
0x82: {  	_ =	shalt  }
0x83: {  	_ =	shalt  }
0x84: {  	_ =	shalt  }
0x85: {  	_ =	shalt  }
0x86: {  	_ =	shalt  }
0x87: {  	_ =	shalt  }
.Lfunc_end0:
.L_simem_size_0:
called_computation.1_lowered:
.L_overlay_start_0:
0x88: {  	s2 =	sld [smem:$0x3FD9]  }
0x89: {  	s3 =	sld [smem:$0x3FFE];
	_ =	sdelay $0x1  }
0x8a: {  	s1 =	srdreg.scid  }
0x8b: {  	s0 =	sand.u32 $0x1, s1  }
0x8c: {  	s17 =	sshll.u32 s0, $0xA;
	s2 =	sadd.s32 s3, s2  }
0x8d: {  	s2 =	sadd.s32 s2, s17  }
0x8e: {  	[smem:$0x3FBD] =	sst s2  }
0x8f: {  	_ = 	snop  }
0x90: {  	s2 =	sld [smem:$0x3FD0];
	(tm) =	ssettm $0x1  }
0x91: {  	s18 =	sld [smem:$0x3FFB];
	_ =	sdelay $0x3  }
0x92: {  	_ =	strace s18  }
0x93: {  	s3 =	sld [smem:$0x3FFC];
	_ =	sdelay $0x3  }
0x94: {  	_ =	strace s3  }
0x95: {  	s3 =	sld [smem:$0x3FFD];
	_ =	sdelay $0x3  }
0x96: {  	_ =	strace s3  }
0x97: {  	_ =	strace $0x8FFFFFFF  }
0x98: {  	s19 =	sld [smem:$0x3FDB];
	_ =	sdelay $0x1  }
0x99: {  	s4 =	simm.s32 $_scs_section_size  }
0x9a: {  	s5 =	simm.s32 $_size__tile_overlayer_lowered;
	s6 =	simm.s32 $_tile_overlayer_lowered  }
0x9b: {  	s22 =	simm.s32 $0x1BFF;
	s21 =	sshll.u32 s6, $0x1;
	s3 =	sadd.s32 s4, s19  }
0x9c: {  	s7 =	simm.s32 $0x0;
	s20 =	sshll.u32 s5, $0x1;
	s5 =	sadd.s32 s21, s3  }
0x9d: {  	[timem:s7], [sflag:s22] =	dma.local [hbm:s5], s20  }
0x9e: {  	_ =	swait.ge [sflag:s22], s20  }
0x9f: {  	s4 =	ssub.s32 $0x0, s20;
	[sflag:s22] =	ssyncset.done $0x0  }
0xa0: {  	[sflag:s22] =	ssyncadd.s32 s4;
	_ =	sdelay $0x1  }
0xa1: {  	s23 =	simm.s32 $0x1B8B  }
0xa2: {  	_ =	swait.ge [sflag:s23], $0x1  }
0xa3: {  	[sflag:s23] =	ssyncset.done $0x0  }
0xa4: {  	s25 =	simm.s32 $0x1B8E;
	s24 =	sld [smem:$0x3FFE];
	[sflag:s23] =	ssyncadd.s32 $0xFFFFFFFF  }
0xa5: {  	s26 =	simm.s32 $execute0_lowered;
	[smem:$0x3FD2] =	sst s25  }
0xa6: {  	s5 =	sshll.u32 s26, $0x1;
	_ =	strace $0x80000049;
	[dreg:$0x1] =	wrdreg $0xFFFFFFFF  }
0xa7: {  	s28 =	simm.s32 $_size_execute0_lowered;
	s3 =	sadd.s32 s3, s5;
	[dreg:$0x0] =	wrdreg $0x0  }
0xa8: {  	s5 =	sshll.u32 s28, $0x1;
	[dreg:$0x2] =	wrdreg s3  }
0xa9: {  	[dreg:$0x3] =	wrdreg s5  }
0xaa: {  	[dreg:$0x4] =	wrdreg $0xC0  }
0xab: {  	_ =	task [dreg:s7], $0x5FFFF  }
0xac: {  	[dreg:$0x1] =	wrdreg $0xFFFFFFFF  }
0xad: {  	[dreg:$0x0] =	wrdreg $0x60  }
0xae: {  	[dreg:$0x2] =	wrdreg s2  }
0xaf: {  	[dreg:$0x3] =	wrdreg s24  }
0xb0: {  	[dreg:$0x4] =	wrdreg $0x9  }
0xb1: {  	_ =	task.clear_ibuf [dreg:s7], $0x5FFFF;
	_ =	strace $0x90000049  }
0xb2: {  	s29 =	simm.s32 $0x9;
	_ =	strace $0x8000004B  }
0xb3: {  	_ =	swait.ge [sflag:s29], $0x1  }
0xb4: {  	[sflag:s29] =	ssyncadd.s32 $0xFFFFFFFF  }
0xb5: {  	_ =	strace $0x9000004B  }
0xb6: {  	_ =	sfence  }
0xb7: {  	s30 =	sld [smem:$0x0];
	_ =	sdelay $0x2  }
0xb8: {  	s31 =	sshll.u32 s1, $0xD;
	s1 =	sshrl.u32 s1, $0x2  }
0xb9: {  	s3 =	sand.u32 $0x4000, s31;
	s1 =	sadd.s32 s1, s30  }
0xba: {  	s0 =	sor.u32 s3, s0;
	s1 =	sshll.u32 s1, $0x11  }
0xbb: {  	s0 =	sor.u32 s1, s0  }
0xbc: {  	s0 =	sadd.s32 $0x8F2B, s0  }
0xbd: {  	[sflag:s0] =	ssyncadd.remote.s32 $0x1  }
0xbe: {  	_ =	sfence.sel $0xFFFF  }
0xbf: {  	[dreg:$0x0] =	wrdreg $0xFFFFFFFF;
	(pc) =	sbr.abs _section_cstart, $3  }
0xc0: {  	[dreg:$0x1] =	wrdreg $0xFFFFFFFF  }
0xc1: {  	_ =	task.clear_ibuf [dreg:s7], $0x2FFFF;
	_ =	strace $0x9FFFFFFF  }
0xc2: {  	(tm) =	ssettm $0x7FFFFFFF  }
0xc3: {  	_ =	shalt  }
tec
execute0_lowered:
.L_overlay_start_1:
0x0: {  	(tag) =	ssettag $0x1  }
0x1: {  	s1 =	rddreg [dreg:$0x0]  }
0x2: {  	s6 =	rddreg [dreg:$0x1]  }
0x3: {  	s0 =	rddreg [dreg:$0x2];
	s2 =	simm.s32 $0x0  }
0x4: {  	s3 =	srdreg.scid;
	s11 =	simm.s32 $0x880;
	s12 =	simm.s32 $0x1080  }
0x5: {  	s13 =	simm.s32 $0x1880;
	s14 =	simm.s32 $0x2080;
	s15 =	simm.s32 $0x1  }
0x6: {  	s16 =	simm.s32 $0x4080;
	s17 =	simm.s32 $0x0;
	[smem:$0x7FF] =	sst s2  }
0x7: {  	s7 =	sand.u32 $0x1, s3;
	s3 =	stileid.u32;
	s4 =	sadd.s32 $0x5E3E00, s6  }
0x8: {  	s5 =	sadd.s32 $0xB3400, s6;
	s6 =	sadd.s32 $0x2E00, s6;
	s8 =	ssub.s32 $0x2, s7  }
0x9: {  	v2 =	vlaneseq.u32;
	_ =	strace $0x8000004A;
	s10 =	sshll.u32 s3, $0x1;
	s9 =	sshrl.u32 s8, $0x1  }
0xa: {  	vm0 =	vmmov $0xffff;
	v1 =	vshrl.u32 v2, $0x3;
	s7 =	sor.u32 s7, s10;
	s10 =	simm.s32 $0x80;
	s8 =	ssub.s32 s8, s9  }
0xb: {  	v0 =	vand.u32 $0x7, v2;
	v2 =	vor.u32 $0x8, v2;
	v1 =	vmul.u32 $0x8, v1;
	s7 =	smul.u32 $0x140, s7;
	s9 =	simm.s32 $0x2;
	s8 =	smax.u32 s8, $0x1  }
.LBB2_1:
0xc: {  	s18 =	simm.s32 $0x0  }
.LBB2_2:
0xd: {  	s19 =	sshll.u32 s18, $0x5  }
0xe: {  	s20 =	sadd.s32 s7, s19  }
0xf: {  	s19 =	sshrl.u32 s20, $0x3  }
0x10: {  	s21 =	sadd.s32 s5, s19;
	s19 =	simm.s32 $0x0  }
0x11: {  	[tilespmem:s19], [sflag:$0x2] =	stream.linear.gather [hbm4b:s21+s19], $0x20, $0x38;
	[tilespmem:$0x6080] =	vst v63  }
0x12: {  	_ =	swait.ge [sflag:s9], $0x20  }
0x13: {  	[sflag:s9] =	ssyncset.done $0x0  }
0x14: {  	[sflag:s9] =	ssyncadd.s32 $0xFFFFFFE0  }
0x15: {  	v3 =	vld [tilespmem:$0x0];
	_ =	sdelay $0x4  }
0x16: {  	v4 =	vshll.u32 v3, $0x1  }
0x17: {  	v3 =	vand.u32 $0x7, v3;
	v4 =	vand.u32 $0xFFFFFFF0, v4  }
0x18: {  	v3 =	vor.u32 v3, v4  }
0x19: {  	v4 =	vperm.xlane v3, v0;
	_ =	sdelay $0x1  }
0x1a: {  	v3 =	vperm.xlane v3, v2;
	v4 =	vadd.s32 v1, v4;
	_ =	sdelay $0x1  }
0x1b: {  	v3 =	vadd.s32 v1, v3;
	_ =	sdelay $0x2  }
0x1c: {  	[tilespmem:s10], [sflag:$0x1] =	stream.indirect_vreg.gather [hbm4b:s1+s19], $0x80, v4, vm0, $0xb8;
	[tilespmem:$0x6080] =	vst v63  }
0x1d: {  	_ = 	snop  }
0x1e: {  	[tilespmem:s11], [sflag:$0x1] =	stream.indirect_vreg.gather [hbm4b:s1+s19], $0x80, v3, vm0, $0xb8;
	[tilespmem:$0x6080] =	vst v63  }
0x1f: {  	v3 =	vld [tilespmem:$0x10];
	_ =	sdelay $0x4  }
0x20: {  	v63 =	vshll.u32 v3, $0x1  }
0x21: {  	v3 =	vand.u32 $0x7, v3;
	v4 =	vand.u32 $0xFFFFFFF0, v63  }
0x22: {  	v3 =	vor.u32 v3, v4  }
0x23: {  	v4 =	vperm.xlane v3, v0;
	_ =	sdelay $0x1  }
0x24: {  	v3 =	vperm.xlane v3, v2;
	v4 =	vadd.s32 v1, v4;
	_ =	sdelay $0x1  }
0x25: {  	v3 =	vadd.s32 v1, v3;
	_ =	sdelay $0x2  }
0x26: {  	[tilespmem:s12], [sflag:$0x1] =	stream.indirect_vreg.gather [hbm4b:s1+s19], $0x80, v4, vm0, $0xb8;
	[tilespmem:$0x6080] =	vst v63  }
0x27: {  	s20 =	sshll.u32 s20, $0x5  }
0x28: {  	[tilespmem:s13], [sflag:$0x1] =	stream.indirect_vreg.gather [hbm4b:s1+s19], $0x80, v3, vm0, $0xb8;
	[tilespmem:$0x6080] =	vst v63  }
0x29: {  	s31 =	sadd.s32 s4, s20  }
0x2a: {  	[tilespmem:s14], [sflag:$0x2] =	stream.linear.gather [hbm4b:s31+s19], $0x2000, $0x38;
	[tilespmem:$0x6080] =	vst v63  }
0x2b: {  	_ =	swait.ge [sflag:s9], $0x2000  }
0x2c: {  	[sflag:s9] =	ssyncset.done $0x0  }
0x2d: {  	[sflag:s9] =	ssyncadd.s32 $0xFFFFE000  }
0x2e: {  	_ =	swait.ge [sflag:s15], $0x2000  }
0x2f: {  	[sflag:s15] =	ssyncset.done $0x0  }
0x30: {  	s21 =	simm.s32 $0x0;
	[sflag:s15] =	ssyncadd.s32 $0xFFFFE000  }
.LBB2_3:
0x31: {  	s22 =	sshll.u32 s21, $0x8;
	s23 =	sshll.u32 s21, $0x7  }
0x32: {  	s22 =	sand.u32 $0x1800, s22;
	s23 =	sand.u32 $0x380, s23  }
0x33: {  	s31 =	sand.u32 $0x400, s19;
	s22 =	sor.u32 s22, s23  }
0x34: {  	s24 =	sand.u32 $0x70, s19;
	s23 =	sor.u32 s31, s22  }
0x35: {  	s23 =	sor.u32 s24, s23  }
0x36: {  	v3 =	vld [tilespmem:s23+$0x2080]  }
0x37: {  	v4 =	vld [tilespmem:s23+$0x80]  }
0x38: {  	s25 =	simm.s32 $0x80;
	s24 =	simm.s32 $0x10  }
.LBB2_4:
0x39: {  	s26 =	sand.u32 $0x70, s24;
	s28 =	sand.u32 $0x400, s25;
	p0 =	sne.s32 s24, $0xF0  }
.Ltmp0:
0x3a: {  	s24 =	sadd.s32 $0x10, s24;
	s28 =	sor.u32 s28, s22;
	(pc) =	sbr.rel @p0 .LBB2_4-.Ltmp0, $4  }
0x3b: {  	s26 =	sor.u32 s26, s28  }
0x3c: {  	v5 =	vadd.f32 v4, v3;
	v3 =	vld [tilespmem:s26+$0x2080]  }
0x3d: {  	v4 =	vld [tilespmem:s26+$0x80]  }
0x3e: {  	s25 =	sadd.s32 $0x80, s25;
	[tilespmem:s23+$0x4080] =	vst v5;
	s23 =	smov.u32 s26  }
0x3f: {  	s21 =	sadd.s32 $0x1, s21  }
0x40: {  	p0 =	sne.s32 s21, $0x20  }
.Ltmp1:
0x41: {  	_ = 	snop;
	(pc) =	sbr.rel @p0 .LBB2_3-.Ltmp1, $3  }
0x42: {  	_ = 	snop  }
0x43: {  	v3 =	vadd.f32 v4, v3;
	_ =	sdelay $0x1  }
0x44: {  	[tilespmem:s23+$0x4080] =	vst v3  }
0x45: {  	s18 =	sadd.s32 $0x1, s18  }
0x46: {  	p0 =	sne.s32 s18, $0xA  }
.Ltmp2:
0x47: {  	s19 =	sadd.s32 s6, s20;
	(pc) =	sbr.rel @p0 .LBB2_2-.Ltmp2, $4  }
0x48: {  	[hbm4b:s19+s2] =	stream.linear.scatter [tilespmem:s16], [sflag:$0x2], $0x2000, $0x38;
	[tilespmem:$0x6080] =	vst v63  }
0x49: {  	_ =	swait.ge [sflag:s9], $0x2000  }
0x4a: {  	[sflag:s9] =	ssyncset.done $0x0  }
0x4b: {  	[sflag:s9] =	ssyncadd.s32 $0xFFFFE000  }
0x4c: {  	s17 =	sadd.s32 $0x1, s17  }
0x4d: {  	p0 =	sne.s32 s17, s8  }
.Ltmp3:
0x4e: {  	_ = 	snop;
	(pc) =	sbr.rel @p0 .LBB2_1-.Ltmp3, $1  }
0x4f: {  	_ =	sdelay $0x3  }
0x50: {  	_ =	sfence.sel $0x180000  }
0x51: {  	[bflag:$0x0] =	sbarrier.arrive $0xFFFF  }
0x52: {  	p0 =	sne.s32 s3, $0x0;
	_ =	strace $0x9000004A  }
0x53: {  	s0 =	sadd.s32 @!p0 $0x100000, s0;
	[bflag:$0x2] =	sbarrier.arrive $0xFFFF  }
0x54: {  	[sflag:s0] =	ssyncadd.tile.s32 @!p0 $0x1;
	_ =	shalt  }
.Lfunc_end2:
_tile_overlayer_lowered:
.L_overlay_start_2:
0x55: {  	(tag) =	ssettag $0x2  }
0x56: {  	s0 =	rddreg [dreg:$0x0];
	s2 =	stileid.u32  }
0x57: {  	s1 =	rddreg [dreg:$0x1];
	p0 =	sne.s32 s2, $0x0  }
0x58: {  	s3 =	rddreg [dreg:$0x2];
	[bflag:$0x3] =	sbarrier.arrive $0xFFFF;
	s2 =	simm.s32 @!p0 $0x1C02  }
0x59: {  	[timem:s3], [sflag:s2] =	dma.local @!p0 [hbm:s0], s1  }
0x5a: {  	s0 =	simm.s32 @!p0 $0x2  }
0x5b: {  	_ =	swait.ge @!p0 [sflag:s0], s1  }
0x5c: {  	s1 =	ssub.s32 @!p0 $0x0, s1;
	[sflag:s0] =	ssyncset.done @!p0 $0x0  }
0x5d: {  	[sflag:s0] =	ssyncadd.s32 @!p0 s1  }
0x5e: {  	[bflag:$0x3] =	sbarrier.arrive $0xFFFF  }
0x5f: {  	_ =	shalt  }

// kernel: kernel.7.cloned.1.call-start
scs
__scs_entry_jumppad:
0x0: {  	(pc) =	sbr.rel $0x88, $3  }
0x1: {  	(tag) =	ssettag $0x0;
	lr =	simm.s32 $0x1  }
0x2: {  	[smem:$0x3F96] =	sst lr;
	_ =	strace $0xD0000000  }
0x3: {  	_ = 	snop  }
0x4: {  	_ = 	snop  }
0x5: {  	_ = 	snop  }
0x6: {  	_ = 	snop  }
0x7: {  	_ = 	snop  }
__scs_overlays_trampoline_lowered:
0x8: {  	[smem:$0x3FA5] =	sst s0  }
0x9: {  	[smem:$0x3FA6] =	sst s1  }
0xa: {  	[smem:$0x3FA7] =	sst s2  }
0xb: {  	[smem:$0x3FA8] =	sst s3  }
0xc: {  	[smem:$0x3FA9] =	sst s4  }
0xd: {  	[smem:$0x3FAA] =	sst s5  }
0xe: {  	[smem:$0x3FAB] =	sst s6  }
0xf: {  	[smem:$0x3FAC] =	sst s7  }
0x10: {  	[smem:$0x3FAD] =	sst s8  }
0x11: {  	[smem:$0x3FAE] =	sst s9;
	s0 =	simm.s32 @!p0 $0x0  }
0x12: {  	s1 =	sld [smem:$0x3F94];
	s0 =	simm.s32 @p0 $0x1  }
0x13: {  	[smem:$0x3FAF] =	sst s0;
	s0 =	simm.s32 @!p1 $0x0  }
0x14: {  	s2 =	sld [smem:$0x3F93];
	s0 =	simm.s32 @p1 $0x1  }
0x15: {  	[smem:$0x3FB0] =	sst s0;
	s0 =	simm.s32 @!p2 $0x0  }
0x16: {  	s3 =	sld [smem:$0x3FDB];
	s0 =	simm.s32 @p2 $0x1  }
0x17: {  	s4 =	simm.s32 $0x1BF5;
	[smem:$0x3FB2] =	sst s0  }
0x18: {  	s0 =	sld [smem:$0x3F95];
	_ =	swait.ge [sflag:s4], $0x0  }
0x19: {  	s7 =	sld [smem:$0x3F96]  }
0x1a: {  	s8 =	sadd.s32 $0xFFFFE003, lr  }
0x1b: {  	s9 =	sadd.s32 $0xFFFFFEF7, lr;
	s5 =	simm.s32 $0xFFFFFFFF;
	p2 =	slt.u32 s8, $0xFFFFF086  }
0x1c: {  	p1 =	slt.u32 s9, $0xF7A;
	s5 =	simm.s32 @!p2 $0x0  }
0x1d: {  	s5 =	simm.s32 @p1 $0x1;
	p0 =	seq.s32 s7, s2  }
0x1e: {  	s7 =	smul.u32 @!p0 $0xF7A, s2;
	p2 =	seq.s32 @!p0 s5, $0x0  }
0x1f: {  	s9 =	smul.u32 $0xF7A, s1;
	s8 =	simm.s32 @!p0 $0x1BF5;
	p2 =	por !p2, p0  }
0x20: {  	[sflag:s8] =	ssyncset.s32 @!p0 $0xFFFFF086;
	s6 =	sadd.s32 @!p0 s3, s7;
	s7 =	simm.s32 @!p0 $0x108  }
0x21: {  	s3 =	sadd.s32 s3, s9;
	s6 =	sadd.s32 @!p0 $0x88, s6;
	s7 =	simm.s32 @p2 $0x1082  }
0x22: {  	[simem:s7], [sflag:s8] =	dma.local @!p0 [hbm:s6], $0xF7A  }
0x23: {  	s9 =	sor.u32 $0xD0000000, s2;
	s6 =	simm.s32 $0x108;
	_ =	swait.ge @!p0 [sflag:s8], $0x0  }
0x24: {  	s3 =	sadd.s32 $0x88, s3;
	s6 =	simm.s32 @!p1 $0x1082;
	[sflag:s4] =	ssyncset.s32 $0xFFFFF086  }
0x25: {  	[simem:s6], [sflag:s4] =	dma.local [hbm:s3], $0xF7A  }
0x26: {  	[smem:$0x3F96] =	sst s1;
	(tag) =	ssettag s2;
	_ =	strace s9  }
0x27: {  	s1 =	sld [smem:$0x3FA6]  }
0x28: {  	s2 =	sld [smem:$0x3FA7]  }
0x29: {  	s4 =	sld [smem:$0x3FA9]  }
0x2a: {  	p0 =	seq.s32 s5, $0x0;
	s5 =	sld [smem:$0x3FAA]  }
0x2b: {  	s6 =	sld [smem:$0x3FAB]  }
0x2c: {  	s7 =	sld [smem:$0x3FAC]  }
0x2d: {  	s3 =	simm.s32 $0x108;
	s8 =	sld [smem:$0x3FAD]  }
0x2e: {  	s3 =	simm.s32 @!p0 $0x1082;
	s9 =	sld [smem:$0x3FAE]  }
0x2f: {  	lr =	sadd.s32 s0, s3;
	s0 =	sld [smem:$0x3FA5]  }
0x30: {  	s3 =	sld [smem:$0x3FA8]  }
0x31: {  	[smem:$0x3FB1] =	sst s10  }
0x32: {  	s10 =	sld [smem:$0x3FAF];
	_ =	sdelay $0x3  }
0x33: {  	p0 =	seq.s32 s10, $0x1;
	s10 =	sld [smem:$0x3FB1];
	_ =	sdelay $0x3  }
0x34: {  	[smem:$0x3FB1] =	sst s10  }
0x35: {  	s10 =	sld [smem:$0x3FB0];
	_ =	sdelay $0x3  }
0x36: {  	p1 =	seq.s32 s10, $0x1;
	s10 =	sld [smem:$0x3FB1];
	_ =	sdelay $0x3  }
0x37: {  	[smem:$0x3FB1] =	sst s10  }
0x38: {  	s10 =	sld [smem:$0x3FB2]  }
0x39: {  	_ = 	snop;
	(pc) =	sbr.ind lr, $3  }
0x3a: {  	_ = 	snop  }
0x3b: {  	_ = 	snop  }
0x3c: {  	p2 =	seq.s32 s10, $0x1;
	s10 =	sld [smem:$0x3FB1]  }
0x3d: {  	_ =	shalt  }
0x3e: {  	_ =	shalt  }
0x3f: {  	_ =	shalt  }
0x40: {  	_ =	shalt  }
0x41: {  	_ =	shalt  }
0x42: {  	_ =	shalt  }
0x43: {  	_ =	shalt  }
0x44: {  	_ =	shalt  }
0x45: {  	_ =	shalt  }
0x46: {  	_ =	shalt  }
0x47: {  	_ =	shalt  }
0x48: {  	_ =	shalt  }
0x49: {  	_ =	shalt  }
0x4a: {  	_ =	shalt  }
0x4b: {  	_ =	shalt  }
0x4c: {  	_ =	shalt  }
0x4d: {  	_ =	shalt  }
0x4e: {  	_ =	shalt  }
0x4f: {  	_ =	shalt  }
0x50: {  	_ =	shalt  }
0x51: {  	_ =	shalt  }
0x52: {  	_ =	shalt  }
0x53: {  	_ =	shalt  }
0x54: {  	_ =	shalt  }
0x55: {  	_ =	shalt  }
0x56: {  	_ =	shalt  }
0x57: {  	_ =	shalt  }
0x58: {  	_ =	shalt  }
0x59: {  	_ =	shalt  }
0x5a: {  	_ =	shalt  }
0x5b: {  	_ =	shalt  }
0x5c: {  	_ =	shalt  }
0x5d: {  	_ =	shalt  }
0x5e: {  	_ =	shalt  }
0x5f: {  	_ =	shalt  }
0x60: {  	_ =	shalt  }
0x61: {  	_ =	shalt  }
0x62: {  	_ =	shalt  }
0x63: {  	_ =	shalt  }
0x64: {  	_ =	shalt  }
0x65: {  	_ =	shalt  }
0x66: {  	_ =	shalt  }
0x67: {  	_ =	shalt  }
0x68: {  	_ =	shalt  }
0x69: {  	_ =	shalt  }
0x6a: {  	_ =	shalt  }
0x6b: {  	_ =	shalt  }
0x6c: {  	_ =	shalt  }
0x6d: {  	_ =	shalt  }
0x6e: {  	_ =	shalt  }
0x6f: {  	_ =	shalt  }
0x70: {  	_ =	shalt  }
0x71: {  	_ =	shalt  }
0x72: {  	_ =	shalt  }
0x73: {  	_ =	shalt  }
0x74: {  	_ =	shalt  }
0x75: {  	_ =	shalt  }
0x76: {  	_ =	shalt  }
0x77: {  	_ =	shalt  }
0x78: {  	_ =	shalt  }
0x79: {  	_ =	shalt  }
0x7a: {  	_ =	shalt  }
0x7b: {  	_ =	shalt  }
0x7c: {  	_ =	shalt  }
0x7d: {  	_ =	shalt  }
0x7e: {  	_ =	shalt  }
0x7f: {  	_ =	shalt  }
0x80: {  	_ =	shalt  }
0x81: {  	_ =	shalt  }
0x82: {  	_ =	shalt  }
0x83: {  	_ =	shalt  }
0x84: {  	_ =	shalt  }
0x85: {  	_ =	shalt  }
0x86: {  	_ =	shalt  }
0x87: {  	_ =	shalt  }
.Lfunc_end0:
.L_simem_size_0:
called_computation_lowered:
.L_overlay_start_0:
0x88: {  	s2 =	sld [smem:$0x3FD9]  }
0x89: {  	s3 =	sld [smem:$0x3FFE];
	_ =	sdelay $0x1  }
0x8a: {  	s1 =	srdreg.scid  }
0x8b: {  	s0 =	sand.u32 $0x1, s1  }
0x8c: {  	s17 =	sshll.u32 s0, $0xA;
	s2 =	sadd.s32 s3, s2  }
0x8d: {  	s2 =	sadd.s32 s2, s17  }
0x8e: {  	[smem:$0x3FBD] =	sst s2  }
0x8f: {  	_ = 	snop  }
0x90: {  	s2 =	sld [smem:$0x3FC8]  }
0x91: {  	s18 =	sld [smem:$0x3FD0];
	(tm) =	ssettm $0x1  }
0x92: {  	s4 =	sld [smem:$0x3FFB];
	_ =	sdelay $0x3  }
0x93: {  	_ =	strace s4  }
0x94: {  	s4 =	sld [smem:$0x3FFC];
	_ =	sdelay $0x3  }
0x95: {  	_ =	strace s4  }
0x96: {  	s4 =	sld [smem:$0x3FFD];
	_ =	sdelay $0x3  }
0x97: {  	_ =	strace s4  }
0x98: {  	_ =	strace $0x8FFFFFFF  }
0x99: {  	s19 =	sld [smem:$0x3FDB];
	_ =	sdelay $0x1  }
0x9a: {  	s5 =	simm.s32 $_scs_section_size  }
0x9b: {  	s6 =	simm.s32 $_size__tile_overlayer_lowered;
	s7 =	simm.s32 $_tile_overlayer_lowered  }
0x9c: {  	s22 =	simm.s32 $0x1BFF;
	s21 =	sshll.u32 s7, $0x1;
	s4 =	sadd.s32 s5, s19  }
0x9d: {  	s8 =	simm.s32 $0x0;
	s20 =	sshll.u32 s6, $0x1;
	s6 =	sadd.s32 s21, s4  }
0x9e: {  	[timem:s8], [sflag:s22] =	dma.local [hbm:s6], s20  }
0x9f: {  	_ =	swait.ge [sflag:s22], s20  }
0xa0: {  	s5 =	ssub.s32 $0x0, s20;
	[sflag:s22] =	ssyncset.done $0x0  }
0xa1: {  	[sflag:s22] =	ssyncadd.s32 s5;
	_ =	sdelay $0x1  }
0xa2: {  	s23 =	simm.s32 $0x1B8B  }
0xa3: {  	_ =	swait.ge [sflag:s23], $0x1  }
0xa4: {  	[sflag:s23] =	ssyncset.done $0x0  }
0xa5: {  	s25 =	simm.s32 $0x1B8E;
	s24 =	sld [smem:$0x3FFE];
	[sflag:s23] =	ssyncadd.s32 $0xFFFFFFFF  }
0xa6: {  	s26 =	simm.s32 $execute0_lowered;
	[smem:$0x3FD2] =	sst s25  }
0xa7: {  	s6 =	sshll.u32 s26, $0x1;
	_ =	strace $0x80000046;
	[dreg:$0x1] =	wrdreg $0xFFFFFFFF  }
0xa8: {  	s28 =	simm.s32 $_size_execute0_lowered;
	s4 =	sadd.s32 s4, s6;
	[dreg:$0x0] =	wrdreg $0x0  }
0xa9: {  	s6 =	sshll.u32 s28, $0x1;
	[dreg:$0x2] =	wrdreg s4  }
0xaa: {  	[dreg:$0x3] =	wrdreg s6  }
0xab: {  	[dreg:$0x4] =	wrdreg $0xC0  }
0xac: {  	_ =	task [dreg:s8], $0x5FFFF  }
0xad: {  	[dreg:$0x1] =	wrdreg $0xFFFFFFFF  }
0xae: {  	[dreg:$0x0] =	wrdreg $0x60  }
0xaf: {  	[dreg:$0x2] =	wrdreg s24  }
0xb0: {  	[dreg:$0x3] =	wrdreg s18  }
0xb1: {  	[dreg:$0x4] =	wrdreg s2  }
0xb2: {  	[dreg:$0x5] =	wrdreg $0x9  }
0xb3: {  	_ =	task.clear_ibuf [dreg:s8], $0x6FFFF;
	_ =	strace $0x90000046  }
0xb4: {  	s29 =	simm.s32 $0x9;
	_ =	strace $0x80000048  }
0xb5: {  	_ =	swait.ge [sflag:s29], $0x1  }
0xb6: {  	[sflag:s29] =	ssyncadd.s32 $0xFFFFFFFF  }
0xb7: {  	_ =	strace $0x90000048  }
0xb8: {  	_ =	sfence  }
0xb9: {  	s30 =	sld [smem:$0x0];
	_ =	sdelay $0x2  }
0xba: {  	s31 =	sshll.u32 s1, $0xD;
	s1 =	sshrl.u32 s1, $0x2  }
0xbb: {  	s3 =	sand.u32 $0x4000, s31;
	s1 =	sadd.s32 s1, s30  }
0xbc: {  	s0 =	sor.u32 s3, s0;
	s1 =	sshll.u32 s1, $0x11  }
0xbd: {  	s0 =	sor.u32 s1, s0  }
0xbe: {  	s0 =	sadd.s32 $0x8F2B, s0  }
0xbf: {  	[sflag:s0] =	ssyncadd.remote.s32 $0x1  }
0xc0: {  	_ =	sfence.sel $0xFFFF  }
0xc1: {  	[dreg:$0x0] =	wrdreg $0xFFFFFFFF;
	(pc) =	sbr.abs _section_cstart, $3  }
0xc2: {  	[dreg:$0x1] =	wrdreg $0xFFFFFFFF  }
0xc3: {  	_ =	task.clear_ibuf [dreg:s8], $0x2FFFF;
	_ =	strace $0x9FFFFFFF  }
0xc4: {  	(tm) =	ssettm $0x7FFFFFFF  }
0xc5: {  	_ =	shalt  }
tec
execute0_lowered:
.L_overlay_start_1:
0x0: {  	(tag) =	ssettag $0x1  }
0x1: {  	s0 =	rddreg [dreg:$0x0]  }
0x2: {  	s2 =	rddreg [dreg:$0x1];
	s1 =	srdreg.scid  }
0x3: {  	s20 =	stileid.u32;
	s4 =	simm.s32 $0x0;
	s28 =	simm.s32 $0x1  }
0x4: {  	s29 =	simm.s32 $0xA680;
	s1 =	sand.u32 $0x1, s1;
	s3 =	sshll.u32 s20, $0x1  }
0x5: {  	[smem:$0x7FF] =	sst s4;
	s8 =	sadd.s32 $0xCAE00, s0;
	s30 =	smul.u32 $0xA0, s20  }
0x6: {  	s3 =	sor.u32 s1, s3;
	s11 =	ssub.s32 $0x2, s1;
	s1 =	smul.u32 $0x50, s1  }
0x7: {  	s6 =	sadd.s32 $0x3000, s0;
	s7 =	sadd.s32 $0xE3E00, s0;
	s5 =	smul.u32 $0x50, s3  }
0x8: {  	_ =	strace $0x80000047;
	s3 =	smul.u32 $0xA00, s3;
	s16 =	sshrl.u32 s11, $0x1  }
0x9: {  	s11 =	ssub.s32 s11, s16;
	s20 =	sadd.s32 s1, s30;
	s9 =	sshrl.u32 s5, $0x3  }
0xa: {  	s3 =	sadd.s32 s3, s0;
	s12 =	sshrl.u32 s5, $0x5;
	s13 =	sshrl.u32 s5, $0x8  }
0xb: {  	s14 =	sshll.u32 s5, $0x2;
	s31 =	ssub.s32 $0x9C4, s5;
	[dreg:$0x9] =	wrdreg s20  }
0xc: {  	s10 =	sadd.s32 s9, s0;
	s13 =	smul.u32 $0x14000, s13;
	s15 =	sadd.s32 $0x1, s12  }
0xd: {  	s14 =	sand.u32 $0x380, s14;
	s18 =	sadd.s32 $0x2, s12;
	s3 =	sadd.s32 $0x9F400, s3  }
0xe: {  	s17 =	sshrl.u32 s15, $0x3;
	s15 =	sshll.u32 s15, $0x7;
	s22 =	sshrl.u32 s18, $0x3  }
0xf: {  	s23 =	sshll.u32 s18, $0x7;
	s10 =	sadd.s32 $0x2E00, s10;
	[dreg:$0xa] =	wrdreg s3  }
0x10: {  	p0 =	sgt.u32 s12, s18;
	p1 =	sge.u32 s12, s18;
	p2 =	sgt.u32 s18, s18  }
0x11: {  	s3 =	simm.s32 $0x0;
	s13 =	sor.u32 s13, s14;
	s19 =	smul.u32 $0x14000, s17  }
0x12: {  	s15 =	sand.u32 $0x380, s15;
	s14 =	smul.u32 $0x14000, s22;
	s16 =	sand.u32 $0x380, s23  }
0x13: {  	[dreg:$0x8] =	wrdreg s10;
	s22 =	sshrl.u32 s20, $0x5;
	s13 =	sshrl.u32 s13, $0x3  }
0x14: {  	s10 =	simm.s32 $0xEE80;
	s13 =	sadd.s32 s8, s13;
	s21 =	sor.u32 s15, s19  }
0x15: {  	s15 =	sadd.s32 $0x3, s12;
	s25 =	sor.u32 s16, s14;
	s16 =	sadd.s32 $0x50, s5  }
0x16: {  	s12 =	simm.s32 $0xFE80;
	[dreg:$0x4] =	wrdreg s13;
	s13 =	sshrl.u32 s21, $0x3  }
0x17: {  	s24 =	sshrl.u32 s15, $0x3;
	s19 =	sshll.u32 s15, $0x7;
	s21 =	smul.u32 $0x280, s9  }
0x18: {  	p3 =	sgt.u32 s15, s18;
	s9 =	simm.s32 $0xE680;
	s15 =	simm.s32 $0x11680  }
0x19: {  	s18 =	simm.s32 $0x11E80;
	s17 =	smul.u32 $0x14000, s24;
	s13 =	sadd.s32 s8, s13  }
0x1a: {  	s26 =	sand.u32 $0x380, s19;
	s19 =	smin.u32 s31, $0x50;
	s24 =	smul.u32 $0xA000, s22  }
0x1b: {  	s31 =	smax.u32 s11, $0x1;
	s11 =	simm.s32 $0xF680;
	s14 =	sor.u32 s26, s17  }
0x1c: {  	[dreg:$0x5] =	wrdreg s13;
	s13 =	sshrl.u32 s25, $0x3;
	s14 =	sshrl.u32 s14, $0x3  }
0x1d: {  	[dreg:$0xd] =	wrdreg s31;
	s13 =	sadd.s32 s8, s13;
	s8 =	sadd.s32 s8, s14  }
0x1e: {  	s1 =	sadd.s32 s2, s21;
	[dreg:$0x7] =	wrdreg s8;
	s8 =	sadd.s32 s5, s19  }
.Ltmp0:
0x1f: {  	[dreg:$0xb] =	wrdreg s1;
	s8 =	sshll.u32 s8, $0xE;
	(pc) =	sbr.rel .LBB2_1-.Ltmp0, $4  }
0x20: {  	s17 =	sadd.s32 $0x3100, s0;
	s30 =	ssub.s32 $0x400, s24;
	s23 =	sadd.s32 $0xFFFFC000, s8  }
0x21: {  	v2 =	vlaneseq.u32;
	[dreg:$0x6] =	wrdreg s13;
	s20 =	sshra.s32 s30, $0x2;
	s25 =	sshrl.u32 s23, $0x3  }
0x22: {  	vm0 =	vmmov $0xffff;
	v3 =	vimm.s32 $0x0;
	v1 =	vshrl.u32 v2, $0x3;
	s14 =	simm.s32 $0x10E80;
	s19 =	simm.s32 $0x5;
	s26 =	sadd.s32 s7, s25  }
0x23: {  	v0 =	vand.u32 $0x7, v2;
	v2 =	vor.u32 $0x8, v2;
	v1 =	vmul.u32 $0x8, v1;
	s8 =	simm.s32 $0x2;
	s23 =	simm.s32 $0x10680;
	[dreg:$0xc] =	wrdreg s26  }
.LBB2_13:
0x24: {  	_ =	swait.ge [sflag:s8], $0x4000  }
0x25: {  	[sflag:s8] =	ssyncset.done $0x0  }
0x26: {  	s19 =	simm.s32 $0x5;
	s0 =	rddreg [dreg:$0xc];
	[sflag:s8] =	ssyncadd.s32 $0xFFFFC000  }
0x27: {  	[hbm4b:s0+s4] =	stream.linear.scatter [tilespmem:s9], [sflag:$0x5], $0x4000, $0x38;
	[tilespmem:$0x17700] =	vst v63  }
0x28: {  	_ =	swait.ge [sflag:s19], $0x4000  }
0x29: {  	[sflag:s19] =	ssyncset.done $0x0  }
0x2a: {  	s1 =	simm.s32 $0x3;
	[sflag:s19] =	ssyncadd.s32 $0xFFFFC000  }
0x2b: {  	_ =	swait.ge [sflag:s1], $0x4000  }
0x2c: {  	s3 =	rddreg [dreg:$0xe]  }
0x2d: {  	s31 =	rddreg [dreg:$0xd];
	s3 =	sadd.s32 $0x1, s3  }
0x2e: {  	p4 =	sne.s32 s3, s31  }
.Ltmp1:
0x2f: {  	_ = 	snop;
	(pc) =	sbr.rel @!p4 .LBB2_14-.Ltmp1, $3  }
0x30: {  	_ =	sdelay $0x1  }
0x31: {  	[sflag:s1] =	ssyncset.done $0x0  }
0x32: {  	[sflag:s1] =	ssyncadd.s32 $0xFFFFC000  }
.LBB2_1:
0x33: {  	[dreg:$0xe] =	wrdreg s3;
	s0 =	simm.s32 @!p0 $0x80  }
0x34: {  	s1 =	simm.s32 @!p0 $0x400;
	s3 =	simm.s32 @!p0 $0x0;
	s13 =	rddreg [dreg:$0x4]  }
0x35: {  	[tilespmem:s3], [sflag:$0x5] =	stream.strided.gather @!p0 [hbm4b:s13+s0], $0x2800, s1, s0, $0x38;
	[tilespmem:$0x17700] =	vst v63  }
0x36: {  	s0 =	simm.s32 @!p0 $0x5  }
0x37: {  	_ =	swait.ge @!p0 [sflag:s0], $0x2800  }
0x38: {  	s1 =	simm.s32 @!p1 $0x400;
	s3 =	simm.s32 @!p1 $0x2800;
	[sflag:s0] =	ssyncset.done @!p0 $0x0  }
0x39: {  	s13 =	rddreg [dreg:$0x5];
	[sflag:s0] =	ssyncadd.s32 @!p0 $0xFFFFD800;
	s0 =	simm.s32 @!p1 $0x80  }
0x3a: {  	[tilespmem:s3], [sflag:$0x5] =	stream.strided.gather @!p1 [hbm4b:s13+s0], $0x2800, s1, s0, $0x38;
	[tilespmem:$0x17700] =	vst v63  }
0x3b: {  	s0 =	simm.s32 @!p1 $0x5  }
0x3c: {  	_ =	swait.ge @!p1 [sflag:s0], $0x2800  }
0x3d: {  	s1 =	simm.s32 @!p2 $0x400;
	s3 =	simm.s32 @!p2 $0x5000;
	[sflag:s0] =	ssyncset.done @!p1 $0x0  }
0x3e: {  	s13 =	rddreg [dreg:$0x6];
	[sflag:s0] =	ssyncadd.s32 @!p1 $0xFFFFD800;
	s0 =	simm.s32 @!p2 $0x80  }
0x3f: {  	[tilespmem:s3], [sflag:$0x5] =	stream.strided.gather @!p2 [hbm4b:s13+s0], $0x2800, s1, s0, $0x38;
	[tilespmem:$0x17700] =	vst v63  }
0x40: {  	s0 =	simm.s32 @!p2 $0x5  }
0x41: {  	_ =	swait.ge @!p2 [sflag:s0], $0x2800  }
0x42: {  	s1 =	simm.s32 @!p3 $0x400;
	s3 =	simm.s32 @!p3 $0x7800;
	[sflag:s0] =	ssyncset.done @!p2 $0x0  }
0x43: {  	s13 =	rddreg [dreg:$0x7];
	[sflag:s0] =	ssyncadd.s32 @!p2 $0xFFFFD800;
	s0 =	simm.s32 @!p3 $0x80  }
0x44: {  	[tilespmem:s3], [sflag:$0x5] =	stream.strided.gather @!p3 [hbm4b:s13+s0], $0x2800, s1, s0, $0x38;
	[tilespmem:$0x17700] =	vst v63  }
0x45: {  	s0 =	simm.s32 @!p3 $0x5  }
0x46: {  	_ =	swait.ge @!p3 [sflag:s0], $0x2800  }
0x47: {  	[sflag:s0] =	ssyncset.done @!p3 $0x0  }
0x48: {  	s13 =	simm.s32 $0x12680;
	s3 =	rddreg [dreg:$0x8];
	[sflag:s0] =	ssyncadd.s32 @!p3 $0xFFFFD800  }
0x49: {  	[tilespmem:s13], [sflag:$0x5] =	stream.linear.gather [hbm4b:s3+s4], $0x50, $0x38;
	[tilespmem:$0x17700] =	vst v63  }
0x4a: {  	_ =	swait.ge [sflag:s19], $0x50  }
0x4b: {  	[sflag:s19] =	ssyncset.done $0x0  }
0x4c: {  	[sflag:s19] =	ssyncadd.s32 $0xFFFFFFB0  }
0x4d: {  	v4 =	vld [tilespmem:$0x12680];
	_ =	sdelay $0x4  }
0x4e: {  	v5 =	vshll.u32 v4, $0x1  }
0x4f: {  	v4 =	vand.u32 $0x7, v4;
	v5 =	vand.u32 $0xFFFFFFF0, v5  }
0x50: {  	v4 =	vor.u32 v4, v5  }
0x51: {  	v5 =	vperm.xlane v4, v0;
	_ =	sdelay $0x1  }
0x52: {  	v4 =	vperm.xlane v4, v2;
	v5 =	vadd.s32 v1, v5;
	_ =	sdelay $0x1  }
0x53: {  	v4 =	vadd.s32 v1, v4;
	_ =	sdelay $0x1  }
0x54: {  	s1 =	simm.s32 $0x12700;
	s0 =	rddreg [dreg:$0x2]  }
0x55: {  	[tilespmem:s1], [sflag:$0x4] =	stream.indirect_vreg.gather [hbm4b:s0+s4], $0x80, v5, vm0, $0xb8;
	[tilespmem:$0x17700] =	vst v63  }
0x56: {  	s21 =	simm.s32 $0x12F00  }
0x57: {  	[tilespmem:s21], [sflag:$0x4] =	stream.indirect_vreg.gather [hbm4b:s0+s4], $0x80, v4, vm0, $0xb8;
	[tilespmem:$0x17700] =	vst v63  }
0x58: {  	v4 =	vld [tilespmem:$0x12690];
	_ =	sdelay $0x4  }
0x59: {  	v5 =	vshll.u32 v4, $0x1  }
0x5a: {  	v4 =	vand.u32 $0x7, v4;
	v5 =	vand.u32 $0xFFFFFFF0, v5  }
0x5b: {  	v4 =	vor.u32 v4, v5  }
0x5c: {  	v5 =	vperm.xlane v4, v0;
	_ =	sdelay $0x1  }
0x5d: {  	v4 =	vperm.xlane v4, v2;
	v5 =	vadd.s32 v1, v5;
	_ =	sdelay $0x1  }
0x5e: {  	v4 =	vadd.s32 v1, v4;
	_ =	sdelay $0x1  }
0x5f: {  	s22 =	simm.s32 $0x13700  }
0x60: {  	[tilespmem:s22], [sflag:$0x4] =	stream.indirect_vreg.gather [hbm4b:s0+s4], $0x80, v5, vm0, $0xb8;
	[tilespmem:$0x17700] =	vst v63  }
0x61: {  	s24 =	simm.s32 $0x13F00  }
0x62: {  	[tilespmem:s24], [sflag:$0x4] =	stream.indirect_vreg.gather [hbm4b:s0+s4], $0x80, v4, vm0, $0xb8;
	[tilespmem:$0x17700] =	vst v63  }
0x63: {  	v4 =	vld [tilespmem:$0x126A0];
	_ =	sdelay $0x4  }
0x64: {  	v5 =	vshll.u32 v4, $0x1  }
0x65: {  	v4 =	vand.u32 $0x7, v4;
	v5 =	vand.u32 $0xFFFFFFF0, v5  }
0x66: {  	v4 =	vor.u32 v4, v5  }
0x67: {  	v5 =	vperm.xlane v4, v0;
	_ =	sdelay $0x1  }
0x68: {  	v4 =	vperm.xlane v4, v2;
	v5 =	vadd.s32 v1, v5;
	_ =	sdelay $0x1  }
0x69: {  	v4 =	vadd.s32 v1, v4;
	_ =	sdelay $0x1  }
0x6a: {  	s25 =	simm.s32 $0x14700  }
0x6b: {  	[tilespmem:s25], [sflag:$0x4] =	stream.indirect_vreg.gather [hbm4b:s0+s4], $0x80, v5, vm0, $0xb8;
	[tilespmem:$0x17700] =	vst v63  }
0x6c: {  	s26 =	simm.s32 $0x14F00  }
0x6d: {  	[tilespmem:s26], [sflag:$0x4] =	stream.indirect_vreg.gather [hbm4b:s0+s4], $0x80, v4, vm0, $0xb8;
	[tilespmem:$0x17700] =	vst v63  }
0x6e: {  	v4 =	vld [tilespmem:$0x126B0];
	_ =	sdelay $0x4  }
0x6f: {  	v5 =	vshll.u32 v4, $0x1  }
0x70: {  	v4 =	vand.u32 $0x7, v4;
	v5 =	vand.u32 $0xFFFFFFF0, v5  }
0x71: {  	v4 =	vor.u32 v4, v5  }
0x72: {  	v5 =	vperm.xlane v4, v0;
	_ =	sdelay $0x1  }
0x73: {  	v4 =	vperm.xlane v4, v2;
	v5 =	vadd.s32 v1, v5;
	_ =	sdelay $0x1  }
0x74: {  	v4 =	vadd.s32 v1, v4;
	_ =	sdelay $0x1  }
0x75: {  	s30 =	simm.s32 $0x15700  }
0x76: {  	[tilespmem:s30], [sflag:$0x4] =	stream.indirect_vreg.gather [hbm4b:s0+s4], $0x80, v5, vm0, $0xb8;
	[tilespmem:$0x17700] =	vst v63  }
0x77: {  	s31 =	simm.s32 $0x15F00  }
0x78: {  	[tilespmem:s31], [sflag:$0x4] =	stream.indirect_vreg.gather [hbm4b:s0+s4], $0x80, v4, vm0, $0xb8;
	[tilespmem:$0x17700] =	vst v63  }
0x79: {  	v4 =	vld [tilespmem:$0x126C0];
	_ =	sdelay $0x4  }
0x7a: {  	v5 =	vshll.u32 v4, $0x1  }
0x7b: {  	v4 =	vand.u32 $0x7, v4;
	v5 =	vand.u32 $0xFFFFFFF0, v5  }
0x7c: {  	v4 =	vor.u32 v4, v5  }
0x7d: {  	v5 =	vperm.xlane v4, v0;
	_ =	sdelay $0x1  }
0x7e: {  	v4 =	vperm.xlane v4, v2;
	v5 =	vadd.s32 v1, v5;
	_ =	sdelay $0x1  }
0x7f: {  	v4 =	vadd.s32 v1, v4;
	_ =	sdelay $0x1  }
0x80: {  	s13 =	simm.s32 $0x16700  }
0x81: {  	[tilespmem:s13], [sflag:$0x4] =	stream.indirect_vreg.gather [hbm4b:s0+s4], $0x80, v5, vm0, $0xb8;
	[tilespmem:$0x17700] =	vst v63  }
0x82: {  	s21 =	simm.s32 $0x16F00;
	s22 =	simm.s32 $0x4  }
0x83: {  	[tilespmem:s21], [sflag:$0x4] =	stream.indirect_vreg.gather [hbm4b:s0+s4], $0x80, v4, vm0, $0xb8;
	[tilespmem:$0x17700] =	vst v63  }
0x84: {  	_ =	swait.ge [sflag:s22], $0x5000  }
0x85: {  	[sflag:s22] =	ssyncset.done $0x0  }
0x86: {  	s24 =	rddreg [dreg:$0xa];
	[sflag:s22] =	ssyncadd.s32 $0xFFFFB000  }
0x87: {  	[hbm4b:s24+s4] =	stream.linear.scatter [tilespmem:s1], [sflag:$0x5], $0x5000, $0x38;
	[tilespmem:$0x17700] =	vst v63  }
.Ltmp2:
0x88: {  	_ = 	snop;
	(pc) =	sbr.rel .LBB2_2-.Ltmp2, $4  }
0x89: {  	s26 =	simm.s32 $0x80;
	s30 =	simm.s32 $0x400;
	_ =	swait.ge [sflag:s19], $0x5000  }
0x8a: {  	s31 =	simm.s32 $0xA000;
	[sflag:s19] =	ssyncset.done $0x0;
	s25 =	rddreg [dreg:$0xb]  }
0x8b: {  	s21 =	rddreg [dreg:$0x9];
	[sflag:s19] =	ssyncadd.s32 $0xFFFFB000;
	s19 =	simm.s32 $0x0  }
0x8c: {  	[tilespmem:s31], [sflag:$0x1] =	stream.strided.gather [hbm4b:s25+s26], $0x280, s30, s26, $0x38;
	[tilespmem:$0x17700] =	vst v63  }
.LBB2_11:
0x8d: {  	v4 =	vld [tilespmem:$0xA500]  }
0x8e: {  	v5 =	vld [tilespmem:$0xA510];
	_ =	sdelay $0x3  }
0x8f: {  	[tilespmem:$0xA600] =	vst v4  }
0x90: {  	s0 =	simm.s32 @!p4 $0x3;
	[tilespmem:$0xA610] =	vst v5  }
0x91: {  	_ =	swait.ge @!p4 [sflag:s0], $0x4000  }
0x92: {  	[sflag:s0] =	ssyncset.done @!p4 $0x0  }
0x93: {  	[sflag:s0] =	ssyncadd.s32 @!p4 $0xFFFFC000  }
0x94: {  	_ =	swait.ge [sflag:s8], $0x4000  }
0x95: {  	s31 =	sshll.u32 s22, $0xB;
	[sflag:s8] =	ssyncset.done $0x0  }
0x96: {  	s0 =	sadd.s32 s7, s31;
	[sflag:s8] =	ssyncadd.s32 $0xFFFFC000  }
0x97: {  	[hbm4b:s0+s4] =	stream.linear.scatter [tilespmem:s29], [sflag:$0x3], $0x4000, $0x38;
	[tilespmem:$0x17700] =	vst v63  }
0x98: {  	v4 =	vld [tilespmem:$0xA600];
	_ =	sdelay $0x4  }
0x99: {  	v5 =	vshll.u32 v4, $0x2  }
0x9a: {  	v4 =	vand.u32 $0x7, v4;
	v5 =	vand.u32 $0xFFFFFFE0, v5  }
0x9b: {  	v4 =	vor.u32 v4, v5  }
0x9c: {  	v5 =	vperm.xlane v4, v0;
	_ =	sdelay $0x1  }
0x9d: {  	v5 =	vadd.s32 v1, v5;
	_ =	sdelay $0x1  }
0x9e: {  	v4 =	vperm.xlane v4, v2;
	_ =	sdelay $0x1  }
0x9f: {  	v4 =	vadd.s32 v1, v4  }
0xa0: {  	[tilespmem:s9], [sflag:$0x2] =	stream.indirect_vreg.gather [hbm4b:s6+s4], $0x80, v5, vm0, $0xb8;
	[tilespmem:$0x17700] =	vst v63  }
0xa1: {  	_ = 	snop  }
0xa2: {  	[tilespmem:s10], [sflag:$0x2] =	stream.indirect_vreg.gather [hbm4b:s17+s4], $0x80, v5, vm0, $0xb8;
	[tilespmem:$0x17700] =	vst v63  }
0xa3: {  	_ = 	snop  }
0xa4: {  	[tilespmem:s11], [sflag:$0x2] =	stream.indirect_vreg.gather [hbm4b:s6+s4], $0x80, v4, vm0, $0xb8;
	[tilespmem:$0x17700] =	vst v63  }
0xa5: {  	_ = 	snop  }
0xa6: {  	[tilespmem:s12], [sflag:$0x2] =	stream.indirect_vreg.gather [hbm4b:s17+s4], $0x80, v4, vm0, $0xb8;
	[tilespmem:$0x17700] =	vst v63  }
0xa7: {  	v4 =	vld [tilespmem:$0xA610];
	_ =	sdelay $0x4  }
0xa8: {  	v5 =	vshll.u32 v4, $0x2  }
0xa9: {  	v4 =	vand.u32 $0x7, v4;
	v5 =	vand.u32 $0xFFFFFFE0, v5  }
0xaa: {  	v4 =	vor.u32 v4, v5  }
0xab: {  	v5 =	vperm.xlane v4, v0;
	_ =	sdelay $0x1  }
0xac: {  	v5 =	vadd.s32 v1, v5;
	_ =	sdelay $0x1  }
0xad: {  	v4 =	vperm.xlane v4, v2;
	_ =	sdelay $0x1  }
0xae: {  	v4 =	vadd.s32 v1, v4  }
0xaf: {  	[tilespmem:s23], [sflag:$0x2] =	stream.indirect_vreg.gather [hbm4b:s6+s4], $0x80, v5, vm0, $0xb8;
	[tilespmem:$0x17700] =	vst v63  }
0xb0: {  	_ = 	snop  }
0xb1: {  	[tilespmem:s14], [sflag:$0x2] =	stream.indirect_vreg.gather [hbm4b:s17+s4], $0x80, v5, vm0, $0xb8;
	[tilespmem:$0x17700] =	vst v63  }
0xb2: {  	_ = 	snop  }
0xb3: {  	[tilespmem:s15], [sflag:$0x2] =	stream.indirect_vreg.gather [hbm4b:s6+s4], $0x80, v4, vm0, $0xb8;
	[tilespmem:$0x17700] =	vst v63  }
0xb4: {  	_ = 	snop  }
0xb5: {  	[tilespmem:s18], [sflag:$0x2] =	stream.indirect_vreg.gather [hbm4b:s17+s4], $0x80, v4, vm0, $0xb8;
	[tilespmem:$0x17700] =	vst v63  }
.LBB2_12:
0xb6: {  	s19 =	sadd.s32 $0x1, s19  }
0xb7: {  	p4 =	sne.s32 s19, $0x28  }
.Ltmp3:
0xb8: {  	_ = 	snop;
	(pc) =	sbr.rel @!p4 .LBB2_13-.Ltmp3, $2  }
0xb9: {  	_ =	sdelay $0x2  }
0xba: {  	s21 =	sadd.s32 $0x2, s21  }
.LBB2_2:
0xbb: {  	s0 =	sshll.u32 s19, $0x1  }
0xbc: {  	s22 =	sadd.s32 s5, s0  }
0xbd: {  	p4 =	sgt.u32 s22, $0x9C3  }
.Ltmp4:
0xbe: {  	_ = 	snop;
	(pc) =	sbr.rel @p4 .LBB2_12-.Ltmp4, $1  }
0xbf: {  	_ =	sdelay $0x3  }
0xc0: {  	s13 =	sor.u32 $0x1, s22  }
0xc1: {  	p4 =	sge.u32 s13, s16  }
0xc2: {  	s0 =	sshrl.u32 @!p4 s22, $0x3  }
0xc3: {  	s1 =	sshll.u32 @!p4 s13, $0x7;
	s0 =	smul.u32 @!p4 $0x1400, s0  }
0xc4: {  	s1 =	sand.u32 @!p4 $0x380, s1  }
0xc5: {  	s0 =	sor.u32 @!p4 s0, s1  }
0xc6: {  	s24 =	sshrl.u32 s21, $0x5;
	s3 =	simm.s32 @!p4 $0x80;
	s0 =	sshrl.u32 @!p4 s0, $0x3  }
0xc7: {  	s30 =	simm.s32 @!p4 $0x400;
	s31 =	simm.s32 @!p4 $0xA280;
	s0 =	sadd.s32 @!p4 s2, s0  }
0xc8: {  	[tilespmem:s31], [sflag:$0x1] =	stream.strided.gather @!p4 [hbm4b:s0+s3], $0x280, s30, s3, $0x38;
	[tilespmem:$0x17700] =	vst v63  }
0xc9: {  	s25 =	smul.u32 $0xA000, s24;
	_ =	swait.ge [sflag:s28], $0x280  }
.Ltmp5:
0xca: {  	[sflag:s28] =	ssyncset.done $0x0;
	(pc) =	sbr.rel .LBB2_4-.Ltmp5, $4  }
0xcb: {  	[sflag:s28] =	ssyncadd.s32 $0xFFFFFD80  }
0xcc: {  	s26 =	sand.u32 $0x1E, s22;
	s0 =	sshra.s32 s25, $0x2;
	[tilespmem:$0xA500] =	vst v3  }
0xcd: {  	s3 =	sadd.s32 s0, s20;
	s30 =	sadd.s32 s0, s20;
	s0 =	simm.s32 $0x0;
	[tilespmem:$0xA510] =	vst v3  }
0xce: {  	v4 =	vmov s26;
	s1 =	simm.s32 $0xA010;
	s31 =	simm.s32 $0x1F0;
	[tilespmem:$0xA520] =	vst v3;
	[smem:$0x0] =	sst s0  }
.LBB2_6:
0xcf: {  	s31 =	sadd.s32 $0x200, s31  }
0xd0: {  	p4 =	sne.s32 s31, $0x29F0  }
.Ltmp6:
0xd1: {  	_ = 	snop;
	(pc) =	sbr.rel @!p4 .LBB2_7-.Ltmp6, $2  }
0xd2: {  	_ =	sdelay $0x2  }
0xd3: {  	s1 =	sadd.s32 $0x20, s1;
	s30 =	sadd.s32 $0x200, s30  }
.LBB2_4:
0xd4: {  	p4 =	sgt.s32 s0, $0x1F  }
.Ltmp7:
0xd5: {  	_ = 	snop;
	(pc) =	sbr.rel @p4 .LBB2_6-.Ltmp7, $1  }
0xd6: {  	_ =	sdelay $0x3  }
0xd7: {  	v6 =	vld [tilespmem:s1+$0xFFFFFFF0];
	_ =	sdelay $0x4  }
0xd8: {  	(v2sf) =	vpush v6, $0x0;
	_ =	sdelay $0x8  }
0xd9: {  	(v2sf) =	vpush v6, $0x1;
	_ =	sdelay $0x5  }
0xda: {  	s24 =	spop (v2sf)  }
0xdb: {  	p4 =	slt.s32 s24, $0x1  }
0xdc: {  	v5 =	vld @!p4 [tilespmem:s30+$0xFFFFFF00]  }
0xdd: {  	(v2sf) =	vpush v6, $0x2;
	_ =	sdelay $0x3  }
0xde: {  	v5 =	vshrl.u32 @!p4 v5, v4  }
0xdf: {  	s25 =	sadd.s32 @!p4 $0xFFFFFE10, s31;
	v8 =	vlaneseq.u32 @!p4;
	v7 =	vand.u32 @!p4 $0x1, v5  }
0xe0: {  	s26 =	spop (v2sf);
	vm1 =	veq.s32 @!p4 v7, $0x1;
	v7 =	vor.u32 @!p4 s25, v8  }
0xe1: {  	v5 =	vld [tilespmem:s1+$0x0];
	[tilespmem:s0+$0xA500] =	vst.msk @!p4 vm1, v7;
	p4 =	slt.s32 s26, $0x1  }
0xe2: {  	v7 =	vld @!p4 [tilespmem:s30+$0xFFFFFF10]  }
0xe3: {  	(v2sf) =	vpush v6, $0x3;
	_ =	sdelay $0x2  }
0xe4: {  	s0 =	sadd.s32 s0, s24  }
0xe5: {  	p5 =	slt.s32 @!p4 s0, $0x20;
	v7 =	vshrl.u32 @!p4 v7, v4  }
0xe6: {  	s24 =	sadd.s32 @!p4 $0xFFFFFE20, s31;
	v8 =	vlaneseq.u32 @!p4;
	p5 =	por !p5, p4;
	v7 =	vand.u32 @!p4 $0x1, v7  }
0xe7: {  	s25 =	sadd.s32 s26, s0;
	s0 =	simm.s32 @p5 $0x20;
	s26 =	spop (v2sf);
	vm1 =	veq.s32 @!p4 v7, $0x1;
	v7 =	vor.u32 @!p4 s24, v8  }
0xe8: {  	[tilespmem:s0+$0xA500] =	vst.msk @!p4 vm1, v7;
	p4 =	slt.s32 s26, $0x1  }
0xe9: {  	v7 =	vld @!p4 [tilespmem:s30+$0xFFFFFF20]  }
0xea: {  	(v2sf) =	vpush v6, $0x4;
	_ =	sdelay $0x3  }
0xeb: {  	p5 =	slt.s32 @!p4 s25, $0x20;
	v7 =	vshrl.u32 @!p4 v7, v4  }
0xec: {  	s0 =	sadd.s32 @!p4 $0xFFFFFE30, s31;
	v8 =	vlaneseq.u32 @!p4;
	p5 =	por !p5, p4;
	v7 =	vand.u32 @!p4 $0x1, v7  }
0xed: {  	s24 =	sadd.s32 s26, s25;
	s26 =	spop (v2sf);
	s25 =	simm.s32 @p5 $0x20;
	vm1 =	veq.s32 @!p4 v7, $0x1;
	v7 =	vor.u32 @!p4 s0, v8  }
0xee: {  	[tilespmem:s25+$0xA500] =	vst.msk @!p4 vm1, v7;
	p4 =	slt.s32 s26, $0x1  }
0xef: {  	v7 =	vld @!p4 [tilespmem:s30+$0xFFFFFF30]  }
0xf0: {  	(v2sf) =	vpush v6, $0x5;
	_ =	sdelay $0x3  }
0xf1: {  	p5 =	slt.s32 @!p4 s24, $0x20;
	v7 =	vshrl.u32 @!p4 v7, v4  }
0xf2: {  	s25 =	sadd.s32 @!p4 $0xFFFFFE40, s31;
	v8 =	vlaneseq.u32 @!p4;
	p5 =	por !p5, p4;
	v7 =	vand.u32 @!p4 $0x1, v7  }
0xf3: {  	s0 =	sadd.s32 s26, s24;
	s26 =	spop (v2sf);
	s24 =	simm.s32 @p5 $0x20;
	vm1 =	veq.s32 @!p4 v7, $0x1;
	v7 =	vor.u32 @!p4 s25, v8  }
0xf4: {  	[tilespmem:s24+$0xA500] =	vst.msk @!p4 vm1, v7;
	p4 =	slt.s32 s26, $0x1  }
0xf5: {  	v7 =	vld @!p4 [tilespmem:s30+$0xFFFFFF40]  }
0xf6: {  	(v2sf) =	vpush v6, $0x6;
	_ =	sdelay $0x3  }
0xf7: {  	p5 =	slt.s32 @!p4 s0, $0x20;
	v7 =	vshrl.u32 @!p4 v7, v4  }
0xf8: {  	s24 =	sadd.s32 @!p4 $0xFFFFFE50, s31;
	v8 =	vlaneseq.u32 @!p4;
	p5 =	por !p5, p4;
	v7 =	vand.u32 @!p4 $0x1, v7  }
0xf9: {  	s25 =	sadd.s32 s26, s0;
	s26 =	spop (v2sf);
	s0 =	simm.s32 @p5 $0x20;
	vm1 =	veq.s32 @!p4 v7, $0x1;
	v7 =	vor.u32 @!p4 s24, v8  }
0xfa: {  	[tilespmem:s0+$0xA500] =	vst.msk @!p4 vm1, v7;
	p4 =	slt.s32 s26, $0x1  }
0xfb: {  	v7 =	vld @!p4 [tilespmem:s30+$0xFFFFFF50]  }
0xfc: {  	(v2sf) =	vpush v6, $0x7;
	_ =	sdelay $0x3  }
0xfd: {  	p5 =	slt.s32 @!p4 s25, $0x20;
	v7 =	vshrl.u32 @!p4 v7, v4  }
0xfe: {  	s0 =	sadd.s32 @!p4 $0xFFFFFE60, s31;
	v8 =	vlaneseq.u32 @!p4;
	p5 =	por !p5, p4;
	v7 =	vand.u32 @!p4 $0x1, v7  }
0xff: {  	s24 =	sadd.s32 s26, s25;
	s26 =	spop (v2sf);
	s25 =	simm.s32 @p5 $0x20;
	vm1 =	veq.s32 @!p4 v7, $0x1;
	v7 =	vor.u32 @!p4 s0, v8  }
0x100: {  	[tilespmem:s25+$0xA500] =	vst.msk @!p4 vm1, v7;
	p4 =	slt.s32 s26, $0x1  }
0x101: {  	v7 =	vld @!p4 [tilespmem:s30+$0xFFFFFF60]  }
0x102: {  	(v2sf) =	vpush v6, $0x8;
	_ =	sdelay $0x3  }
0x103: {  	p5 =	slt.s32 @!p4 s24, $0x20;
	v7 =	vshrl.u32 @!p4 v7, v4  }
0x104: {  	s25 =	sadd.s32 @!p4 $0xFFFFFE70, s31;
	v8 =	vlaneseq.u32 @!p4;
	p5 =	por !p5, p4;
	v7 =	vand.u32 @!p4 $0x1, v7  }
0x105: {  	s0 =	sadd.s32 s26, s24;
	s26 =	spop (v2sf);
	s24 =	simm.s32 @p5 $0x20;
	vm1 =	veq.s32 @!p4 v7, $0x1;
	v7 =	vor.u32 @!p4 s25, v8  }
0x106: {  	[tilespmem:s24+$0xA500] =	vst.msk @!p4 vm1, v7;
	p4 =	slt.s32 s26, $0x1  }
0x107: {  	v7 =	vld @!p4 [tilespmem:s30+$0xFFFFFF70]  }
0x108: {  	(v2sf) =	vpush v6, $0x9;
	_ =	sdelay $0x3  }
0x109: {  	p5 =	slt.s32 @!p4 s0, $0x20;
	v7 =	vshrl.u32 @!p4 v7, v4  }
0x10a: {  	s24 =	sadd.s32 @!p4 $0xFFFFFE80, s31;
	v8 =	vlaneseq.u32 @!p4;
	p5 =	por !p5, p4;
	v7 =	vand.u32 @!p4 $0x1, v7  }
0x10b: {  	s25 =	sadd.s32 s26, s0;
	s26 =	spop (v2sf);
	s0 =	simm.s32 @p5 $0x20;
	vm1 =	veq.s32 @!p4 v7, $0x1;
	v7 =	vor.u32 @!p4 s24, v8  }
0x10c: {  	[tilespmem:s0+$0xA500] =	vst.msk @!p4 vm1, v7;
	p4 =	slt.s32 s26, $0x1  }
0x10d: {  	v7 =	vld @!p4 [tilespmem:s30+$0xFFFFFF80]  }
0x10e: {  	(v2sf) =	vpush v6, $0xA;
	_ =	sdelay $0x3  }
0x10f: {  	p5 =	slt.s32 @!p4 s25, $0x20;
	v7 =	vshrl.u32 @!p4 v7, v4  }
0x110: {  	s0 =	sadd.s32 @!p4 $0xFFFFFE90, s31;
	v8 =	vlaneseq.u32 @!p4;
	p5 =	por !p5, p4;
	v7 =	vand.u32 @!p4 $0x1, v7  }
0x111: {  	s24 =	sadd.s32 s26, s25;
	s26 =	spop (v2sf);
	s25 =	simm.s32 @p5 $0x20;
	vm1 =	veq.s32 @!p4 v7, $0x1;
	v7 =	vor.u32 @!p4 s0, v8  }
0x112: {  	[tilespmem:s25+$0xA500] =	vst.msk @!p4 vm1, v7;
	p4 =	slt.s32 s26, $0x1  }
0x113: {  	v7 =	vld @!p4 [tilespmem:s30+$0xFFFFFF90]  }
0x114: {  	(v2sf) =	vpush v6, $0xB;
	_ =	sdelay $0x3  }
0x115: {  	p5 =	slt.s32 @!p4 s24, $0x20;
	v7 =	vshrl.u32 @!p4 v7, v4  }
0x116: {  	s25 =	sadd.s32 @!p4 $0xFFFFFEA0, s31;
	v8 =	vlaneseq.u32 @!p4;
	p5 =	por !p5, p4;
	v7 =	vand.u32 @!p4 $0x1, v7  }
0x117: {  	s0 =	sadd.s32 s26, s24;
	s26 =	spop (v2sf);
	s24 =	simm.s32 @p5 $0x20;
	vm1 =	veq.s32 @!p4 v7, $0x1;
	v7 =	vor.u32 @!p4 s25, v8  }
0x118: {  	[tilespmem:s24+$0xA500] =	vst.msk @!p4 vm1, v7;
	p4 =	slt.s32 s26, $0x1  }
0x119: {  	v7 =	vld @!p4 [tilespmem:s30+$0xFFFFFFA0]  }
0x11a: {  	(v2sf) =	vpush v6, $0xC;
	_ =	sdelay $0x3  }
0x11b: {  	p5 =	slt.s32 @!p4 s0, $0x20;
	v7 =	vshrl.u32 @!p4 v7, v4  }
0x11c: {  	s24 =	sadd.s32 @!p4 $0xFFFFFEB0, s31;
	v8 =	vlaneseq.u32 @!p4;
	p5 =	por !p5, p4;
	v7 =	vand.u32 @!p4 $0x1, v7  }
0x11d: {  	s25 =	sadd.s32 s26, s0;
	s26 =	spop (v2sf);
	s0 =	simm.s32 @p5 $0x20;
	vm1 =	veq.s32 @!p4 v7, $0x1;
	v7 =	vor.u32 @!p4 s24, v8  }
0x11e: {  	[tilespmem:s0+$0xA500] =	vst.msk @!p4 vm1, v7;
	p4 =	slt.s32 s26, $0x1  }
0x11f: {  	v7 =	vld @!p4 [tilespmem:s30+$0xFFFFFFB0]  }
0x120: {  	(v2sf) =	vpush v6, $0xD;
	_ =	sdelay $0x3  }
0x121: {  	p5 =	slt.s32 @!p4 s25, $0x20;
	v7 =	vshrl.u32 @!p4 v7, v4  }
0x122: {  	s0 =	sadd.s32 @!p4 $0xFFFFFEC0, s31;
	v8 =	vlaneseq.u32 @!p4;
	p5 =	por !p5, p4;
	v7 =	vand.u32 @!p4 $0x1, v7  }
0x123: {  	s24 =	sadd.s32 s26, s25;
	s26 =	spop (v2sf);
	s25 =	simm.s32 @p5 $0x20;
	vm1 =	veq.s32 @!p4 v7, $0x1;
	v7 =	vor.u32 @!p4 s0, v8  }
0x124: {  	[tilespmem:s25+$0xA500] =	vst.msk @!p4 vm1, v7;
	p4 =	slt.s32 s26, $0x1  }
0x125: {  	v7 =	vld @!p4 [tilespmem:s30+$0xFFFFFFC0]  }
0x126: {  	(v2sf) =	vpush v6, $0xE;
	_ =	sdelay $0x3  }
0x127: {  	p5 =	slt.s32 @!p4 s24, $0x20;
	v7 =	vshrl.u32 @!p4 v7, v4  }
0x128: {  	s25 =	sadd.s32 @!p4 $0xFFFFFED0, s31;
	v8 =	vlaneseq.u32 @!p4;
	p5 =	por !p5, p4;
	v7 =	vand.u32 @!p4 $0x1, v7  }
0x129: {  	s0 =	sadd.s32 s26, s24;
	s26 =	spop (v2sf);
	s24 =	simm.s32 @p5 $0x20;
	vm1 =	veq.s32 @!p4 v7, $0x1;
	v7 =	vor.u32 @!p4 s25, v8  }
0x12a: {  	[tilespmem:s24+$0xA500] =	vst.msk @!p4 vm1, v7;
	p4 =	slt.s32 s26, $0x1  }
0x12b: {  	v7 =	vld @!p4 [tilespmem:s30+$0xFFFFFFD0]  }
0x12c: {  	(v2sf) =	vpush v6, $0xF;
	_ =	sdelay $0x3  }
0x12d: {  	p5 =	slt.s32 @!p4 s0, $0x20;
	v6 =	vshrl.u32 @!p4 v7, v4  }
0x12e: {  	s24 =	sadd.s32 @!p4 $0xFFFFFEE0, s31;
	p5 =	por !p5, p4;
	v7 =	vlaneseq.u32 @!p4;
	v6 =	vand.u32 @!p4 $0x1, v6  }
0x12f: {  	s25 =	sadd.s32 s26, s0;
	s26 =	spop (v2sf);
	s0 =	simm.s32 @p5 $0x20;
	vm1 =	veq.s32 @!p4 v6, $0x1;
	v6 =	vor.u32 @!p4 s24, v7  }
0x130: {  	[tilespmem:s0+$0xA500] =	vst.msk @!p4 vm1, v6;
	p4 =	slt.s32 s26, $0x1  }
0x131: {  	v6 =	vld @!p4 [tilespmem:s30+$0xFFFFFFE0]  }
0x132: {  	(v2sf) =	vpush v5, $0x0;
	_ =	sdelay $0x3  }
0x133: {  	p5 =	slt.s32 @!p4 s25, $0x20;
	v6 =	vshrl.u32 @!p4 v6, v4  }
0x134: {  	s0 =	sadd.s32 @!p4 $0xFFFFFEF0, s31;
	v7 =	vlaneseq.u32 @!p4;
	p5 =	por !p5, p4;
	v6 =	vand.u32 @!p4 $0x1, v6  }
0x135: {  	s24 =	sadd.s32 s26, s25;
	s26 =	spop (v2sf);
	s25 =	simm.s32 @p5 $0x20;
	vm1 =	veq.s32 @!p4 v6, $0x1;
	v6 =	vor.u32 @!p4 s0, v7  }
0x136: {  	[tilespmem:s25+$0xA500] =	vst.msk @!p4 vm1, v6;
	p4 =	slt.s32 s26, $0x1  }
0x137: {  	v6 =	vld @!p4 [tilespmem:s30+$0xFFFFFFF0]  }
0x138: {  	(v2sf) =	vpush v5, $0x1;
	_ =	sdelay $0x3  }
0x139: {  	p5 =	slt.s32 @!p4 s24, $0x20;
	v6 =	vshrl.u32 @!p4 v6, v4  }
0x13a: {  	s25 =	sadd.s32 @!p4 $0xFFFFFF00, s31;
	v7 =	vlaneseq.u32 @!p4;
	p5 =	por !p5, p4;
	v6 =	vand.u32 @!p4 $0x1, v6  }
0x13b: {  	s0 =	sadd.s32 s26, s24;
	s26 =	spop (v2sf);
	s24 =	simm.s32 @p5 $0x20;
	vm1 =	veq.s32 @!p4 v6, $0x1;
	v6 =	vor.u32 @!p4 s25, v7  }
0x13c: {  	[tilespmem:s24+$0xA500] =	vst.msk @!p4 vm1, v6;
	p4 =	slt.s32 s26, $0x1  }
0x13d: {  	v6 =	vld @!p4 [tilespmem:s30+$0x0]  }
0x13e: {  	(v2sf) =	vpush v5, $0x2;
	_ =	sdelay $0x3  }
0x13f: {  	p5 =	slt.s32 @!p4 s0, $0x20;
	v6 =	vshrl.u32 @!p4 v6, v4  }
0x140: {  	s24 =	sadd.s32 @!p4 $0xFFFFFF10, s31;
	v7 =	vlaneseq.u32 @!p4;
	p5 =	por !p5, p4;
	v6 =	vand.u32 @!p4 $0x1, v6  }
0x141: {  	s25 =	sadd.s32 s26, s0;
	s26 =	spop (v2sf);
	s0 =	simm.s32 @p5 $0x20;
	vm1 =	veq.s32 @!p4 v6, $0x1;
	v6 =	vor.u32 @!p4 s24, v7  }
0x142: {  	[tilespmem:s0+$0xA500] =	vst.msk @!p4 vm1, v6;
	p4 =	slt.s32 s26, $0x1  }
0x143: {  	v6 =	vld @!p4 [tilespmem:s30+$0x10]  }
0x144: {  	(v2sf) =	vpush v5, $0x3;
	_ =	sdelay $0x3  }
0x145: {  	p5 =	slt.s32 @!p4 s25, $0x20;
	v6 =	vshrl.u32 @!p4 v6, v4  }
0x146: {  	s0 =	sadd.s32 @!p4 $0xFFFFFF20, s31;
	v7 =	vlaneseq.u32 @!p4;
	p5 =	por !p5, p4;
	v6 =	vand.u32 @!p4 $0x1, v6  }
0x147: {  	s24 =	sadd.s32 s26, s25;
	s26 =	spop (v2sf);
	s25 =	simm.s32 @p5 $0x20;
	vm1 =	veq.s32 @!p4 v6, $0x1;
	v6 =	vor.u32 @!p4 s0, v7  }
0x148: {  	[tilespmem:s25+$0xA500] =	vst.msk @!p4 vm1, v6;
	p4 =	slt.s32 s26, $0x1  }
0x149: {  	v6 =	vld @!p4 [tilespmem:s30+$0x20]  }
0x14a: {  	(v2sf) =	vpush v5, $0x4;
	_ =	sdelay $0x3  }
0x14b: {  	p5 =	slt.s32 @!p4 s24, $0x20;
	v6 =	vshrl.u32 @!p4 v6, v4  }
0x14c: {  	s25 =	sadd.s32 @!p4 $0xFFFFFF30, s31;
	v7 =	vlaneseq.u32 @!p4;
	p5 =	por !p5, p4;
	v6 =	vand.u32 @!p4 $0x1, v6  }
0x14d: {  	s0 =	sadd.s32 s26, s24;
	s26 =	spop (v2sf);
	s24 =	simm.s32 @p5 $0x20;
	vm1 =	veq.s32 @!p4 v6, $0x1;
	v6 =	vor.u32 @!p4 s25, v7  }
0x14e: {  	[tilespmem:s24+$0xA500] =	vst.msk @!p4 vm1, v6;
	p4 =	slt.s32 s26, $0x1  }
0x14f: {  	v6 =	vld @!p4 [tilespmem:s30+$0x30]  }
0x150: {  	(v2sf) =	vpush v5, $0x5;
	_ =	sdelay $0x3  }
0x151: {  	p5 =	slt.s32 @!p4 s0, $0x20;
	v6 =	vshrl.u32 @!p4 v6, v4  }
0x152: {  	s24 =	sadd.s32 @!p4 $0xFFFFFF40, s31;
	v7 =	vlaneseq.u32 @!p4;
	p5 =	por !p5, p4;
	v6 =	vand.u32 @!p4 $0x1, v6  }
0x153: {  	s25 =	sadd.s32 s26, s0;
	s26 =	spop (v2sf);
	s0 =	simm.s32 @p5 $0x20;
	vm1 =	veq.s32 @!p4 v6, $0x1;
	v6 =	vor.u32 @!p4 s24, v7  }
0x154: {  	[tilespmem:s0+$0xA500] =	vst.msk @!p4 vm1, v6;
	p4 =	slt.s32 s26, $0x1  }
0x155: {  	v6 =	vld @!p4 [tilespmem:s30+$0x40]  }
0x156: {  	(v2sf) =	vpush v5, $0x6;
	_ =	sdelay $0x3  }
0x157: {  	p5 =	slt.s32 @!p4 s25, $0x20;
	v6 =	vshrl.u32 @!p4 v6, v4  }
0x158: {  	s0 =	sadd.s32 @!p4 $0xFFFFFF50, s31;
	v7 =	vlaneseq.u32 @!p4;
	p5 =	por !p5, p4;
	v6 =	vand.u32 @!p4 $0x1, v6  }
0x159: {  	s24 =	sadd.s32 s26, s25;
	s26 =	spop (v2sf);
	s25 =	simm.s32 @p5 $0x20;
	vm1 =	veq.s32 @!p4 v6, $0x1;
	v6 =	vor.u32 @!p4 s0, v7  }
0x15a: {  	[tilespmem:s25+$0xA500] =	vst.msk @!p4 vm1, v6;
	p4 =	slt.s32 s26, $0x1  }
0x15b: {  	v6 =	vld @!p4 [tilespmem:s30+$0x50]  }
0x15c: {  	(v2sf) =	vpush v5, $0x7;
	_ =	sdelay $0x3  }
0x15d: {  	p5 =	slt.s32 @!p4 s24, $0x20;
	v6 =	vshrl.u32 @!p4 v6, v4  }
0x15e: {  	s25 =	sadd.s32 @!p4 $0xFFFFFF60, s31;
	v7 =	vlaneseq.u32 @!p4;
	p5 =	por !p5, p4;
	v6 =	vand.u32 @!p4 $0x1, v6  }
0x15f: {  	s0 =	sadd.s32 s26, s24;
	s26 =	spop (v2sf);
	s24 =	simm.s32 @p5 $0x20;
	vm1 =	veq.s32 @!p4 v6, $0x1;
	v6 =	vor.u32 @!p4 s25, v7  }
0x160: {  	[tilespmem:s24+$0xA500] =	vst.msk @!p4 vm1, v6;
	p4 =	slt.s32 s26, $0x1  }
0x161: {  	v6 =	vld @!p4 [tilespmem:s30+$0x60]  }
0x162: {  	(v2sf) =	vpush v5, $0x8;
	_ =	sdelay $0x3  }
0x163: {  	p5 =	slt.s32 @!p4 s0, $0x20;
	v6 =	vshrl.u32 @!p4 v6, v4  }
0x164: {  	s24 =	sadd.s32 @!p4 $0xFFFFFF70, s31;
	v7 =	vlaneseq.u32 @!p4;
	p5 =	por !p5, p4;
	v6 =	vand.u32 @!p4 $0x1, v6  }
0x165: {  	s25 =	sadd.s32 s26, s0;
	s26 =	spop (v2sf);
	s0 =	simm.s32 @p5 $0x20;
	vm1 =	veq.s32 @!p4 v6, $0x1;
	v6 =	vor.u32 @!p4 s24, v7  }
0x166: {  	[tilespmem:s0+$0xA500] =	vst.msk @!p4 vm1, v6;
	p4 =	slt.s32 s26, $0x1  }
0x167: {  	v6 =	vld @!p4 [tilespmem:s30+$0x70]  }
0x168: {  	(v2sf) =	vpush v5, $0x9;
	_ =	sdelay $0x3  }
0x169: {  	p5 =	slt.s32 @!p4 s25, $0x20;
	v6 =	vshrl.u32 @!p4 v6, v4  }
0x16a: {  	s0 =	sadd.s32 @!p4 $0xFFFFFF80, s31;
	v7 =	vlaneseq.u32 @!p4;
	p5 =	por !p5, p4;
	v6 =	vand.u32 @!p4 $0x1, v6  }
0x16b: {  	s24 =	sadd.s32 s26, s25;
	s26 =	spop (v2sf);
	s25 =	simm.s32 @p5 $0x20;
	vm1 =	veq.s32 @!p4 v6, $0x1;
	v6 =	vor.u32 @!p4 s0, v7  }
0x16c: {  	[tilespmem:s25+$0xA500] =	vst.msk @!p4 vm1, v6;
	p4 =	slt.s32 s26, $0x1  }
0x16d: {  	v6 =	vld @!p4 [tilespmem:s30+$0x80]  }
0x16e: {  	(v2sf) =	vpush v5, $0xA;
	_ =	sdelay $0x3  }
0x16f: {  	p5 =	slt.s32 @!p4 s24, $0x20;
	v6 =	vshrl.u32 @!p4 v6, v4  }
0x170: {  	s25 =	sadd.s32 @!p4 $0xFFFFFF90, s31;
	v7 =	vlaneseq.u32 @!p4;
	p5 =	por !p5, p4;
	v6 =	vand.u32 @!p4 $0x1, v6  }
0x171: {  	s0 =	sadd.s32 s26, s24;
	s26 =	spop (v2sf);
	s24 =	simm.s32 @p5 $0x20;
	vm1 =	veq.s32 @!p4 v6, $0x1;
	v6 =	vor.u32 @!p4 s25, v7  }
0x172: {  	[tilespmem:s24+$0xA500] =	vst.msk @!p4 vm1, v6;
	p4 =	slt.s32 s26, $0x1  }
0x173: {  	v6 =	vld @!p4 [tilespmem:s30+$0x90]  }
0x174: {  	(v2sf) =	vpush v5, $0xB;
	_ =	sdelay $0x3  }
0x175: {  	p5 =	slt.s32 @!p4 s0, $0x20;
	v6 =	vshrl.u32 @!p4 v6, v4  }
0x176: {  	s24 =	sadd.s32 @!p4 $0xFFFFFFA0, s31;
	v7 =	vlaneseq.u32 @!p4;
	p5 =	por !p5, p4;
	v6 =	vand.u32 @!p4 $0x1, v6  }
0x177: {  	s25 =	sadd.s32 s26, s0;
	s26 =	spop (v2sf);
	s0 =	simm.s32 @p5 $0x20;
	vm1 =	veq.s32 @!p4 v6, $0x1;
	v6 =	vor.u32 @!p4 s24, v7  }
0x178: {  	[tilespmem:s0+$0xA500] =	vst.msk @!p4 vm1, v6;
	p4 =	slt.s32 s26, $0x1  }
0x179: {  	v6 =	vld @!p4 [tilespmem:s30+$0xA0]  }
0x17a: {  	(v2sf) =	vpush v5, $0xC;
	_ =	sdelay $0x3  }
0x17b: {  	p5 =	slt.s32 @!p4 s25, $0x20;
	v6 =	vshrl.u32 @!p4 v6, v4  }
0x17c: {  	s0 =	sadd.s32 @!p4 $0xFFFFFFB0, s31;
	v7 =	vlaneseq.u32 @!p4;
	p5 =	por !p5, p4;
	v6 =	vand.u32 @!p4 $0x1, v6  }
0x17d: {  	s24 =	sadd.s32 s26, s25;
	s26 =	spop (v2sf);
	s25 =	simm.s32 @p5 $0x20;
	vm1 =	veq.s32 @!p4 v6, $0x1;
	v6 =	vor.u32 @!p4 s0, v7  }
0x17e: {  	[tilespmem:s25+$0xA500] =	vst.msk @!p4 vm1, v6;
	p4 =	slt.s32 s26, $0x1  }
0x17f: {  	v6 =	vld @!p4 [tilespmem:s30+$0xB0]  }
0x180: {  	(v2sf) =	vpush v5, $0xD;
	_ =	sdelay $0x3  }
0x181: {  	p5 =	slt.s32 @!p4 s24, $0x20;
	v6 =	vshrl.u32 @!p4 v6, v4  }
0x182: {  	s25 =	sadd.s32 @!p4 $0xFFFFFFC0, s31;
	v7 =	vlaneseq.u32 @!p4;
	p5 =	por !p5, p4;
	v6 =	vand.u32 @!p4 $0x1, v6  }
0x183: {  	s0 =	sadd.s32 s26, s24;
	s26 =	spop (v2sf);
	s24 =	simm.s32 @p5 $0x20;
	vm1 =	veq.s32 @!p4 v6, $0x1;
	v6 =	vor.u32 @!p4 s25, v7  }
0x184: {  	[tilespmem:s24+$0xA500] =	vst.msk @!p4 vm1, v6;
	p4 =	slt.s32 s26, $0x1  }
0x185: {  	v6 =	vld @!p4 [tilespmem:s30+$0xC0]  }
0x186: {  	(v2sf) =	vpush v5, $0xE;
	_ =	sdelay $0x3  }
0x187: {  	p5 =	slt.s32 @!p4 s0, $0x20;
	v6 =	vshrl.u32 @!p4 v6, v4  }
0x188: {  	s24 =	sadd.s32 @!p4 $0xFFFFFFD0, s31;
	v7 =	vlaneseq.u32 @!p4;
	p5 =	por !p5, p4;
	v6 =	vand.u32 @!p4 $0x1, v6  }
0x189: {  	s25 =	sadd.s32 s26, s0;
	s26 =	spop (v2sf);
	s0 =	simm.s32 @p5 $0x20;
	vm1 =	veq.s32 @!p4 v6, $0x1;
	v6 =	vor.u32 @!p4 s24, v7  }
0x18a: {  	[tilespmem:s0+$0xA500] =	vst.msk @!p4 vm1, v6;
	p4 =	slt.s32 s26, $0x1  }
0x18b: {  	v6 =	vld @!p4 [tilespmem:s30+$0xD0]  }
0x18c: {  	(v2sf) =	vpush v5, $0xF;
	_ =	sdelay $0x3  }
0x18d: {  	p5 =	slt.s32 @!p4 s25, $0x20;
	v5 =	vshrl.u32 @!p4 v6, v4  }
0x18e: {  	s0 =	sadd.s32 @!p4 $0xFFFFFFE0, s31;
	p5 =	por !p5, p4;
	v6 =	vlaneseq.u32 @!p4;
	v5 =	vand.u32 @!p4 $0x1, v5  }
0x18f: {  	s24 =	sadd.s32 s26, s25;
	s26 =	spop (v2sf);
	s25 =	simm.s32 @p5 $0x20;
	v6 =	vor.u32 @!p4 s0, v6;
	vm1 =	veq.s32 @!p4 v5, $0x1  }
0x190: {  	[tilespmem:s25+$0xA500] =	vst.msk @!p4 vm1, v6;
	p4 =	slt.s32 s26, $0x1  }
0x191: {  	v5 =	vld @!p4 [tilespmem:s30+$0xE0];
	_ =	sdelay $0x4  }
0x192: {  	p5 =	slt.s32 @!p4 s24, $0x20;
	v5 =	vshrl.u32 @!p4 v5, v4  }
0x193: {  	s25 =	sadd.s32 @!p4 $0xFFFFFFF0, s31;
	v6 =	vlaneseq.u32 @!p4;
	p5 =	por !p5, p4;
	v5 =	vand.u32 @!p4 $0x1, v5  }
0x194: {  	s26 =	sadd.s32 s26, s24;
	s24 =	simm.s32 @p5 $0x20;
	vm1 =	veq.s32 @!p4 v5, $0x1;
	v5 =	vor.u32 @!p4 s25, v6;
	s25 =	spop (v2sf)  }
0x195: {  	[tilespmem:s24+$0xA500] =	vst.msk @!p4 vm1, v5;
	p4 =	slt.s32 s25, $0x1  }
0x196: {  	v5 =	vld @!p4 [tilespmem:s30+$0xF0];
	_ =	sdelay $0x3  }
.Ltmp8:
0x197: {  	_ = 	snop;
	(pc) =	sbr.rel .LBB2_6-.Ltmp8, $4  }
0x198: {  	p5 =	slt.s32 @!p4 s26, $0x20;
	v5 =	vshrl.u32 @!p4 v5, v4  }
0x199: {  	v6 =	vlaneseq.u32 @!p4;
	p5 =	por !p5, p4;
	v5 =	vand.u32 @!p4 $0x1, v5  }
0x19a: {  	s0 =	sadd.s32 s25, s26;
	s26 =	simm.s32 @p5 $0x20;
	vm1 =	veq.s32 @!p4 v5, $0x1;
	v5 =	vor.u32 @!p4 s31, v6  }
0x19b: {  	[smem:$0x0] =	sst s0;
	[tilespmem:s26+$0xA500] =	vst.msk @!p4 vm1, v5  }
.LBB2_7:
0x19c: {  	v4 =	vld [tilespmem:$0xA500]  }
0x19d: {  	v5 =	vld [tilespmem:$0xA510];
	_ =	sdelay $0x3  }
0x19e: {  	p4 =	seq.s32 s19, $0x0;
	[tilespmem:$0xA580] =	vst v4  }
0x19f: {  	s0 =	simm.s32 @!p4 $0x3;
	[tilespmem:$0xA590] =	vst v5  }
0x1a0: {  	_ =	swait.ge @!p4 [sflag:s0], $0x4000  }
0x1a1: {  	[sflag:s0] =	ssyncset.done @!p4 $0x0  }
0x1a2: {  	[sflag:s0] =	ssyncadd.s32 @!p4 $0xFFFFC000;
	s0 =	simm.s32 @!p4 $0x2  }
0x1a3: {  	s1 =	sshll.u32 @!p4 s22, $0xE;
	_ =	swait.ge @!p4 [sflag:s0], $0x4000  }
0x1a4: {  	s1 =	sadd.s32 @!p4 $0xFFFFC000, s1;
	[sflag:s0] =	ssyncset.done @!p4 $0x0  }
0x1a5: {  	[sflag:s0] =	ssyncadd.s32 @!p4 $0xFFFFC000;
	s0 =	sshrl.u32 @!p4 s1, $0x3  }
0x1a6: {  	s24 =	simm.s32 @!p4 $0xE680;
	s1 =	simm.s32 @!p4 $0x0;
	s0 =	sadd.s32 @!p4 s7, s0  }
0x1a7: {  	[hbm4b:s0+s1] =	stream.linear.scatter @!p4 [tilespmem:s24], [sflag:$0x3], $0x4000, $0x38;
	[tilespmem:$0x17700] =	vst v63  }
0x1a8: {  	v4 =	vld [tilespmem:$0xA580];
	_ =	sdelay $0x4  }
0x1a9: {  	v5 =	vshll.u32 v4, $0x2  }
0x1aa: {  	v4 =	vand.u32 $0x7, v4;
	v5 =	vand.u32 $0xFFFFFFE0, v5  }
0x1ab: {  	v4 =	vor.u32 v4, v5  }
0x1ac: {  	v5 =	vperm.xlane v4, v0;
	_ =	sdelay $0x1  }
0x1ad: {  	v5 =	vadd.s32 v1, v5;
	_ =	sdelay $0x1  }
0x1ae: {  	v4 =	vperm.xlane v4, v2;
	_ =	sdelay $0x1  }
0x1af: {  	v4 =	vadd.s32 v1, v4  }
0x1b0: {  	[tilespmem:s29], [sflag:$0x2] =	stream.indirect_vreg.gather [hbm4b:s6+s4], $0x80, v5, vm0, $0xb8;
	[tilespmem:$0x17700] =	vst v63  }
0x1b1: {  	s1 =	simm.s32 $0xAE80  }
0x1b2: {  	[tilespmem:s1], [sflag:$0x2] =	stream.indirect_vreg.gather [hbm4b:s17+s4], $0x80, v5, vm0, $0xb8;
	[tilespmem:$0x17700] =	vst v63  }
0x1b3: {  	s24 =	simm.s32 $0xB680  }
0x1b4: {  	[tilespmem:s24], [sflag:$0x2] =	stream.indirect_vreg.gather [hbm4b:s6+s4], $0x80, v4, vm0, $0xb8;
	[tilespmem:$0x17700] =	vst v63  }
0x1b5: {  	s25 =	simm.s32 $0xBE80  }
0x1b6: {  	[tilespmem:s25], [sflag:$0x2] =	stream.indirect_vreg.gather [hbm4b:s17+s4], $0x80, v4, vm0, $0xb8;
	[tilespmem:$0x17700] =	vst v63  }
0x1b7: {  	v4 =	vld [tilespmem:$0xA590];
	_ =	sdelay $0x4  }
0x1b8: {  	v5 =	vshll.u32 v4, $0x2  }
0x1b9: {  	v4 =	vand.u32 $0x7, v4;
	v5 =	vand.u32 $0xFFFFFFE0, v5  }
0x1ba: {  	v4 =	vor.u32 v4, v5  }
0x1bb: {  	v5 =	vperm.xlane v4, v0;
	_ =	sdelay $0x1  }
0x1bc: {  	v5 =	vadd.s32 v1, v5;
	_ =	sdelay $0x2  }
0x1bd: {  	p5 =	sgt.u32 s22, $0x9C1;
	s0 =	sadd.s32 $0x2, s22;
	v4 =	vperm.xlane v4, v2  }
0x1be: {  	s26 =	simm.s32 $0xC680;
	p6 =	sge.u32 @!p5 s0, s16  }
0x1bf: {  	v4 =	vadd.s32 v1, v4;
	[tilespmem:s26], [sflag:$0x2] =	stream.indirect_vreg.gather [hbm4b:s6+s4], $0x80, v5, vm0, $0xb8;
	[tilespmem:$0x17700] =	vst v63  }
0x1c0: {  	p5 =	por p6, p5;
	s1 =	simm.s32 $0xCE80  }
0x1c1: {  	[tilespmem:s1], [sflag:$0x2] =	stream.indirect_vreg.gather [hbm4b:s17+s4], $0x80, v5, vm0, $0xb8;
	[tilespmem:$0x17700] =	vst v63  }
0x1c2: {  	s1 =	sshrl.u32 @!p5 s0, $0x3;
	s0 =	sshll.u32 @!p5 s0, $0x7  }
0x1c3: {  	s24 =	simm.s32 $0xD680;
	s1 =	smul.u32 @!p5 $0x1400, s1;
	s0 =	sand.u32 @!p5 $0x300, s0  }
0x1c4: {  	[tilespmem:s24], [sflag:$0x2] =	stream.indirect_vreg.gather [hbm4b:s6+s4], $0x80, v4, vm0, $0xb8;
	[tilespmem:$0x17700] =	vst v63  }
0x1c5: {  	s25 =	simm.s32 $0xDE80;
	s0 =	sor.u32 @!p5 s0, s1  }
0x1c6: {  	[tilespmem:s25], [sflag:$0x2] =	stream.indirect_vreg.gather [hbm4b:s17+s4], $0x80, v4, vm0, $0xb8;
	[tilespmem:$0x17700] =	vst v63  }
0x1c7: {  	s24 =	simm.s32 @!p5 $0x400;
	s0 =	sshrl.u32 @!p5 s0, $0x3  }
0x1c8: {  	s1 =	simm.s32 @!p5 $0x80;
	s25 =	simm.s32 @!p5 $0xA000;
	s0 =	sadd.s32 @!p5 s2, s0  }
0x1c9: {  	[tilespmem:s25], [sflag:$0x1] =	stream.strided.gather @!p5 [hbm4b:s0+s1], $0x280, s24, s1, $0x38;
	[tilespmem:$0x17700] =	vst v63  }
0x1ca: {  	_ =	swait.ge [sflag:s28], $0x280  }
.Ltmp9:
0x1cb: {  	[sflag:s28] =	ssyncset.done $0x0;
	(pc) =	sbr.rel .LBB2_8-.Ltmp9, $4  }
0x1cc: {  	[sflag:s28] =	ssyncadd.s32 $0xFFFFFD80  }
0x1cd: {  	[tilespmem:$0xA500] =	vst v3  }
0x1ce: {  	s30 =	simm.s32 $0x0;
	s31 =	simm.s32 $0xA290;
	s26 =	sand.u32 $0x1F, s13;
	[tilespmem:$0xA510] =	vst v3  }
0x1cf: {  	s13 =	simm.s32 $0x1F0;
	v4 =	vmov s26;
	s0 =	simm.s32 $0x0;
	[smem:$0x0] =	sst s30;
	[tilespmem:$0xA520] =	vst v3  }
.LBB2_10:
0x1d0: {  	s13 =	sadd.s32 $0x200, s13  }
0x1d1: {  	p5 =	sne.s32 s13, $0x29F0  }
.Ltmp10:
0x1d2: {  	_ = 	snop;
	(pc) =	sbr.rel @!p5 .LBB2_11-.Ltmp10, $2  }
0x1d3: {  	_ =	sdelay $0x2  }
0x1d4: {  	s30 =	sadd.s32 $0x20, s30;
	s31 =	sadd.s32 $0x20, s31;
	s3 =	sadd.s32 $0x200, s3  }
.LBB2_8:
0x1d5: {  	p5 =	sgt.s32 s0, $0x1F  }
.Ltmp11:
0x1d6: {  	_ = 	snop;
	(pc) =	sbr.rel @p5 .LBB2_10-.Ltmp11, $1  }
0x1d7: {  	_ =	sdelay $0x3  }
0x1d8: {  	s1 =	sand.u32 $0x3E0, s30  }
0x1d9: {  	v6 =	vld [tilespmem:s1+$0xA280];
	_ =	sdelay $0x4  }
0x1da: {  	(v2sf) =	vpush v6, $0x0;
	_ =	sdelay $0x8  }
0x1db: {  	(v2sf) =	vpush v6, $0x1;
	_ =	sdelay $0x5  }
0x1dc: {  	s25 =	spop (v2sf)  }
0x1dd: {  	p5 =	slt.s32 s25, $0x1  }
0x1de: {  	v5 =	vld @!p5 [tilespmem:s3+$0xFFFFFF00]  }
0x1df: {  	(v2sf) =	vpush v6, $0x2;
	_ =	sdelay $0x3  }
0x1e0: {  	v5 =	vshrl.u32 @!p5 v5, v4  }
0x1e1: {  	s24 =	sadd.s32 @!p5 $0xFFFFFE10, s13;
	v8 =	vlaneseq.u32 @!p5;
	v7 =	vand.u32 @!p5 $0x1, v5  }
0x1e2: {  	s26 =	spop (v2sf);
	vm1 =	veq.s32 @!p5 v7, $0x1;
	v7 =	vor.u32 @!p5 s24, v8  }
0x1e3: {  	v5 =	vld [tilespmem:s31+$0x0];
	[tilespmem:s0+$0xA500] =	vst.msk @!p5 vm1, v7;
	p5 =	slt.s32 s26, $0x1  }
0x1e4: {  	v7 =	vld @!p5 [tilespmem:s3+$0xFFFFFF10]  }
0x1e5: {  	(v2sf) =	vpush v6, $0x3;
	_ =	sdelay $0x2  }
0x1e6: {  	s0 =	sadd.s32 s0, s25  }
0x1e7: {  	p6 =	slt.s32 @!p5 s0, $0x20;
	v7 =	vshrl.u32 @!p5 v7, v4  }
0x1e8: {  	s1 =	sadd.s32 @!p5 $0xFFFFFE20, s13;
	v8 =	vlaneseq.u32 @!p5;
	p6 =	por !p6, p5;
	v7 =	vand.u32 @!p5 $0x1, v7  }
0x1e9: {  	s24 =	sadd.s32 s26, s0;
	s0 =	simm.s32 @p6 $0x20;
	s25 =	spop (v2sf);
	vm1 =	veq.s32 @!p5 v7, $0x1;
	v7 =	vor.u32 @!p5 s1, v8  }
0x1ea: {  	[tilespmem:s0+$0xA500] =	vst.msk @!p5 vm1, v7;
	p5 =	slt.s32 s25, $0x1  }
0x1eb: {  	v7 =	vld @!p5 [tilespmem:s3+$0xFFFFFF20]  }
0x1ec: {  	(v2sf) =	vpush v6, $0x4;
	_ =	sdelay $0x3  }
0x1ed: {  	p6 =	slt.s32 @!p5 s24, $0x20;
	v7 =	vshrl.u32 @!p5 v7, v4  }
0x1ee: {  	s0 =	sadd.s32 @!p5 $0xFFFFFE30, s13;
	v8 =	vlaneseq.u32 @!p5;
	p6 =	por !p6, p5;
	v7 =	vand.u32 @!p5 $0x1, v7  }
0x1ef: {  	s26 =	spop (v2sf);
	s1 =	sadd.s32 s25, s24;
	s24 =	simm.s32 @p6 $0x20;
	vm1 =	veq.s32 @!p5 v7, $0x1;
	v7 =	vor.u32 @!p5 s0, v8  }
0x1f0: {  	[tilespmem:s24+$0xA500] =	vst.msk @!p5 vm1, v7;
	p5 =	slt.s32 s26, $0x1  }
0x1f1: {  	v7 =	vld @!p5 [tilespmem:s3+$0xFFFFFF30]  }
0x1f2: {  	(v2sf) =	vpush v6, $0x5;
	_ =	sdelay $0x3  }
0x1f3: {  	p6 =	slt.s32 @!p5 s1, $0x20;
	v7 =	vshrl.u32 @!p5 v7, v4  }
0x1f4: {  	s24 =	sadd.s32 @!p5 $0xFFFFFE40, s13;
	v8 =	vlaneseq.u32 @!p5;
	p6 =	por !p6, p5;
	v7 =	vand.u32 @!p5 $0x1, v7  }
0x1f5: {  	s0 =	sadd.s32 s26, s1;
	s25 =	spop (v2sf);
	s1 =	simm.s32 @p6 $0x20;
	vm1 =	veq.s32 @!p5 v7, $0x1;
	v7 =	vor.u32 @!p5 s24, v8  }
0x1f6: {  	[tilespmem:s1+$0xA500] =	vst.msk @!p5 vm1, v7;
	p5 =	slt.s32 s25, $0x1  }
0x1f7: {  	v7 =	vld @!p5 [tilespmem:s3+$0xFFFFFF40]  }
0x1f8: {  	(v2sf) =	vpush v6, $0x6;
	_ =	sdelay $0x3  }
0x1f9: {  	p6 =	slt.s32 @!p5 s0, $0x20;
	v7 =	vshrl.u32 @!p5 v7, v4  }
0x1fa: {  	s1 =	sadd.s32 @!p5 $0xFFFFFE50, s13;
	v8 =	vlaneseq.u32 @!p5;
	p6 =	por !p6, p5;
	v7 =	vand.u32 @!p5 $0x1, v7  }
0x1fb: {  	s26 =	spop (v2sf);
	s24 =	sadd.s32 s25, s0;
	s0 =	simm.s32 @p6 $0x20;
	vm1 =	veq.s32 @!p5 v7, $0x1;
	v7 =	vor.u32 @!p5 s1, v8  }
0x1fc: {  	[tilespmem:s0+$0xA500] =	vst.msk @!p5 vm1, v7;
	p5 =	slt.s32 s26, $0x1  }
0x1fd: {  	v7 =	vld @!p5 [tilespmem:s3+$0xFFFFFF50]  }
0x1fe: {  	(v2sf) =	vpush v6, $0x7;
	_ =	sdelay $0x3  }
0x1ff: {  	p6 =	slt.s32 @!p5 s24, $0x20;
	v7 =	vshrl.u32 @!p5 v7, v4  }
0x200: {  	s0 =	sadd.s32 @!p5 $0xFFFFFE60, s13;
	v8 =	vlaneseq.u32 @!p5;
	p6 =	por !p6, p5;
	v7 =	vand.u32 @!p5 $0x1, v7  }
0x201: {  	s1 =	sadd.s32 s26, s24;
	s25 =	spop (v2sf);
	s24 =	simm.s32 @p6 $0x20;
	vm1 =	veq.s32 @!p5 v7, $0x1;
	v7 =	vor.u32 @!p5 s0, v8  }
0x202: {  	[tilespmem:s24+$0xA500] =	vst.msk @!p5 vm1, v7;
	p5 =	slt.s32 s25, $0x1  }
0x203: {  	v7 =	vld @!p5 [tilespmem:s3+$0xFFFFFF60]  }
0x204: {  	(v2sf) =	vpush v6, $0x8;
	_ =	sdelay $0x3  }
0x205: {  	p6 =	slt.s32 @!p5 s1, $0x20;
	v7 =	vshrl.u32 @!p5 v7, v4  }
0x206: {  	s24 =	sadd.s32 @!p5 $0xFFFFFE70, s13;
	v8 =	vlaneseq.u32 @!p5;
	p6 =	por !p6, p5;
	v7 =	vand.u32 @!p5 $0x1, v7  }
0x207: {  	s26 =	spop (v2sf);
	s0 =	sadd.s32 s25, s1;
	s1 =	simm.s32 @p6 $0x20;
	vm1 =	veq.s32 @!p5 v7, $0x1;
	v7 =	vor.u32 @!p5 s24, v8  }
0x208: {  	[tilespmem:s1+$0xA500] =	vst.msk @!p5 vm1, v7;
	p5 =	slt.s32 s26, $0x1  }
0x209: {  	v7 =	vld @!p5 [tilespmem:s3+$0xFFFFFF70]  }
0x20a: {  	(v2sf) =	vpush v6, $0x9;
	_ =	sdelay $0x3  }
0x20b: {  	p6 =	slt.s32 @!p5 s0, $0x20;
	v7 =	vshrl.u32 @!p5 v7, v4  }
0x20c: {  	s1 =	sadd.s32 @!p5 $0xFFFFFE80, s13;
	v8 =	vlaneseq.u32 @!p5;
	p6 =	por !p6, p5;
	v7 =	vand.u32 @!p5 $0x1, v7  }
0x20d: {  	s25 =	spop (v2sf);
	s24 =	sadd.s32 s26, s0;
	s0 =	simm.s32 @p6 $0x20;
	vm1 =	veq.s32 @!p5 v7, $0x1;
	v7 =	vor.u32 @!p5 s1, v8  }
0x20e: {  	[tilespmem:s0+$0xA500] =	vst.msk @!p5 vm1, v7;
	p5 =	slt.s32 s25, $0x1  }
0x20f: {  	v7 =	vld @!p5 [tilespmem:s3+$0xFFFFFF80]  }
0x210: {  	(v2sf) =	vpush v6, $0xA;
	_ =	sdelay $0x3  }
0x211: {  	p6 =	slt.s32 @!p5 s24, $0x20;
	v7 =	vshrl.u32 @!p5 v7, v4  }
0x212: {  	s0 =	sadd.s32 @!p5 $0xFFFFFE90, s13;
	v8 =	vlaneseq.u32 @!p5;
	p6 =	por !p6, p5;
	v7 =	vand.u32 @!p5 $0x1, v7  }
0x213: {  	s26 =	spop (v2sf);
	s1 =	sadd.s32 s25, s24;
	s24 =	simm.s32 @p6 $0x20;
	vm1 =	veq.s32 @!p5 v7, $0x1;
	v7 =	vor.u32 @!p5 s0, v8  }
0x214: {  	[tilespmem:s24+$0xA500] =	vst.msk @!p5 vm1, v7;
	p5 =	slt.s32 s26, $0x1  }
0x215: {  	v7 =	vld @!p5 [tilespmem:s3+$0xFFFFFF90]  }
0x216: {  	(v2sf) =	vpush v6, $0xB;
	_ =	sdelay $0x3  }
0x217: {  	p6 =	slt.s32 @!p5 s1, $0x20;
	v7 =	vshrl.u32 @!p5 v7, v4  }
0x218: {  	s24 =	sadd.s32 @!p5 $0xFFFFFEA0, s13;
	v8 =	vlaneseq.u32 @!p5;
	p6 =	por !p6, p5;
	v7 =	vand.u32 @!p5 $0x1, v7  }
0x219: {  	s25 =	spop (v2sf);
	s0 =	sadd.s32 s26, s1;
	s1 =	simm.s32 @p6 $0x20;
	vm1 =	veq.s32 @!p5 v7, $0x1;
	v7 =	vor.u32 @!p5 s24, v8  }
0x21a: {  	[tilespmem:s1+$0xA500] =	vst.msk @!p5 vm1, v7;
	p5 =	slt.s32 s25, $0x1  }
0x21b: {  	v7 =	vld @!p5 [tilespmem:s3+$0xFFFFFFA0]  }
0x21c: {  	(v2sf) =	vpush v6, $0xC;
	_ =	sdelay $0x3  }
0x21d: {  	p6 =	slt.s32 @!p5 s0, $0x20;
	v7 =	vshrl.u32 @!p5 v7, v4  }
0x21e: {  	s1 =	sadd.s32 @!p5 $0xFFFFFEB0, s13;
	v8 =	vlaneseq.u32 @!p5;
	p6 =	por !p6, p5;
	v7 =	vand.u32 @!p5 $0x1, v7  }
0x21f: {  	s26 =	spop (v2sf);
	s24 =	sadd.s32 s25, s0;
	s0 =	simm.s32 @p6 $0x20;
	vm1 =	veq.s32 @!p5 v7, $0x1;
	v7 =	vor.u32 @!p5 s1, v8  }
0x220: {  	[tilespmem:s0+$0xA500] =	vst.msk @!p5 vm1, v7;
	p5 =	slt.s32 s26, $0x1  }
0x221: {  	v7 =	vld @!p5 [tilespmem:s3+$0xFFFFFFB0]  }
0x222: {  	(v2sf) =	vpush v6, $0xD;
	_ =	sdelay $0x3  }
0x223: {  	p6 =	slt.s32 @!p5 s24, $0x20;
	v7 =	vshrl.u32 @!p5 v7, v4  }
0x224: {  	s0 =	sadd.s32 @!p5 $0xFFFFFEC0, s13;
	v8 =	vlaneseq.u32 @!p5;
	p6 =	por !p6, p5;
	v7 =	vand.u32 @!p5 $0x1, v7  }
0x225: {  	s25 =	spop (v2sf);
	s1 =	sadd.s32 s26, s24;
	s24 =	simm.s32 @p6 $0x20;
	vm1 =	veq.s32 @!p5 v7, $0x1;
	v7 =	vor.u32 @!p5 s0, v8  }
0x226: {  	[tilespmem:s24+$0xA500] =	vst.msk @!p5 vm1, v7;
	p5 =	slt.s32 s25, $0x1  }
0x227: {  	v7 =	vld @!p5 [tilespmem:s3+$0xFFFFFFC0]  }
0x228: {  	(v2sf) =	vpush v6, $0xE;
	_ =	sdelay $0x3  }
0x229: {  	p6 =	slt.s32 @!p5 s1, $0x20;
	v7 =	vshrl.u32 @!p5 v7, v4  }
0x22a: {  	s24 =	sadd.s32 @!p5 $0xFFFFFED0, s13;
	v8 =	vlaneseq.u32 @!p5;
	p6 =	por !p6, p5;
	v7 =	vand.u32 @!p5 $0x1, v7  }
0x22b: {  	s26 =	spop (v2sf);
	s0 =	sadd.s32 s25, s1;
	s1 =	simm.s32 @p6 $0x20;
	vm1 =	veq.s32 @!p5 v7, $0x1;
	v7 =	vor.u32 @!p5 s24, v8  }
0x22c: {  	[tilespmem:s1+$0xA500] =	vst.msk @!p5 vm1, v7;
	p5 =	slt.s32 s26, $0x1  }
0x22d: {  	v7 =	vld @!p5 [tilespmem:s3+$0xFFFFFFD0]  }
0x22e: {  	(v2sf) =	vpush v6, $0xF;
	_ =	sdelay $0x3  }
0x22f: {  	p6 =	slt.s32 @!p5 s0, $0x20;
	v6 =	vshrl.u32 @!p5 v7, v4  }
0x230: {  	s1 =	sadd.s32 @!p5 $0xFFFFFEE0, s13;
	p6 =	por !p6, p5;
	v7 =	vlaneseq.u32 @!p5;
	v6 =	vand.u32 @!p5 $0x1, v6  }
0x231: {  	s25 =	spop (v2sf);
	s24 =	sadd.s32 s26, s0;
	s0 =	simm.s32 @p6 $0x20;
	vm1 =	veq.s32 @!p5 v6, $0x1;
	v6 =	vor.u32 @!p5 s1, v7  }
0x232: {  	[tilespmem:s0+$0xA500] =	vst.msk @!p5 vm1, v6;
	p5 =	slt.s32 s25, $0x1  }
0x233: {  	v6 =	vld @!p5 [tilespmem:s3+$0xFFFFFFE0]  }
0x234: {  	(v2sf) =	vpush v5, $0x0;
	_ =	sdelay $0x3  }
0x235: {  	p6 =	slt.s32 @!p5 s24, $0x20;
	v6 =	vshrl.u32 @!p5 v6, v4  }
0x236: {  	s0 =	sadd.s32 @!p5 $0xFFFFFEF0, s13;
	v7 =	vlaneseq.u32 @!p5;
	p6 =	por !p6, p5;
	v6 =	vand.u32 @!p5 $0x1, v6  }
0x237: {  	s26 =	spop (v2sf);
	s1 =	sadd.s32 s25, s24;
	s24 =	simm.s32 @p6 $0x20;
	vm1 =	veq.s32 @!p5 v6, $0x1;
	v6 =	vor.u32 @!p5 s0, v7  }
0x238: {  	[tilespmem:s24+$0xA500] =	vst.msk @!p5 vm1, v6;
	p5 =	slt.s32 s26, $0x1  }
0x239: {  	v6 =	vld @!p5 [tilespmem:s3+$0xFFFFFFF0]  }
0x23a: {  	(v2sf) =	vpush v5, $0x1;
	_ =	sdelay $0x3  }
0x23b: {  	p6 =	slt.s32 @!p5 s1, $0x20;
	v6 =	vshrl.u32 @!p5 v6, v4  }
0x23c: {  	s24 =	sadd.s32 @!p5 $0xFFFFFF00, s13;
	v7 =	vlaneseq.u32 @!p5;
	p6 =	por !p6, p5;
	v6 =	vand.u32 @!p5 $0x1, v6  }
0x23d: {  	s25 =	spop (v2sf);
	s0 =	sadd.s32 s26, s1;
	s1 =	simm.s32 @p6 $0x20;
	vm1 =	veq.s32 @!p5 v6, $0x1;
	v6 =	vor.u32 @!p5 s24, v7  }
0x23e: {  	[tilespmem:s1+$0xA500] =	vst.msk @!p5 vm1, v6;
	p5 =	slt.s32 s25, $0x1  }
0x23f: {  	v6 =	vld @!p5 [tilespmem:s3+$0x0]  }
0x240: {  	(v2sf) =	vpush v5, $0x2;
	_ =	sdelay $0x3  }
0x241: {  	p6 =	slt.s32 @!p5 s0, $0x20;
	v6 =	vshrl.u32 @!p5 v6, v4  }
0x242: {  	s1 =	sadd.s32 @!p5 $0xFFFFFF10, s13;
	v7 =	vlaneseq.u32 @!p5;
	p6 =	por !p6, p5;
	v6 =	vand.u32 @!p5 $0x1, v6  }
0x243: {  	s26 =	spop (v2sf);
	s24 =	sadd.s32 s25, s0;
	s0 =	simm.s32 @p6 $0x20;
	vm1 =	veq.s32 @!p5 v6, $0x1;
	v6 =	vor.u32 @!p5 s1, v7  }
0x244: {  	[tilespmem:s0+$0xA500] =	vst.msk @!p5 vm1, v6;
	p5 =	slt.s32 s26, $0x1  }
0x245: {  	v6 =	vld @!p5 [tilespmem:s3+$0x10]  }
0x246: {  	(v2sf) =	vpush v5, $0x3;
	_ =	sdelay $0x3  }
0x247: {  	p6 =	slt.s32 @!p5 s24, $0x20;
	v6 =	vshrl.u32 @!p5 v6, v4  }
0x248: {  	s0 =	sadd.s32 @!p5 $0xFFFFFF20, s13;
	v7 =	vlaneseq.u32 @!p5;
	p6 =	por !p6, p5;
	v6 =	vand.u32 @!p5 $0x1, v6  }
0x249: {  	s25 =	spop (v2sf);
	s1 =	sadd.s32 s26, s24;
	s24 =	simm.s32 @p6 $0x20;
	vm1 =	veq.s32 @!p5 v6, $0x1;
	v6 =	vor.u32 @!p5 s0, v7  }
0x24a: {  	[tilespmem:s24+$0xA500] =	vst.msk @!p5 vm1, v6;
	p5 =	slt.s32 s25, $0x1  }
0x24b: {  	v6 =	vld @!p5 [tilespmem:s3+$0x20]  }
0x24c: {  	(v2sf) =	vpush v5, $0x4;
	_ =	sdelay $0x3  }
0x24d: {  	p6 =	slt.s32 @!p5 s1, $0x20;
	v6 =	vshrl.u32 @!p5 v6, v4  }
0x24e: {  	s24 =	sadd.s32 @!p5 $0xFFFFFF30, s13;
	v7 =	vlaneseq.u32 @!p5;
	p6 =	por !p6, p5;
	v6 =	vand.u32 @!p5 $0x1, v6  }
0x24f: {  	s26 =	spop (v2sf);
	s0 =	sadd.s32 s25, s1;
	s1 =	simm.s32 @p6 $0x20;
	vm1 =	veq.s32 @!p5 v6, $0x1;
	v6 =	vor.u32 @!p5 s24, v7  }
0x250: {  	[tilespmem:s1+$0xA500] =	vst.msk @!p5 vm1, v6;
	p5 =	slt.s32 s26, $0x1  }
0x251: {  	v6 =	vld @!p5 [tilespmem:s3+$0x30]  }
0x252: {  	(v2sf) =	vpush v5, $0x5;
	_ =	sdelay $0x3  }
0x253: {  	p6 =	slt.s32 @!p5 s0, $0x20;
	v6 =	vshrl.u32 @!p5 v6, v4  }
0x254: {  	s1 =	sadd.s32 @!p5 $0xFFFFFF40, s13;
	v7 =	vlaneseq.u32 @!p5;
	p6 =	por !p6, p5;
	v6 =	vand.u32 @!p5 $0x1, v6  }
0x255: {  	s25 =	spop (v2sf);
	s24 =	sadd.s32 s26, s0;
	s0 =	simm.s32 @p6 $0x20;
	vm1 =	veq.s32 @!p5 v6, $0x1;
	v6 =	vor.u32 @!p5 s1, v7  }
0x256: {  	[tilespmem:s0+$0xA500] =	vst.msk @!p5 vm1, v6;
	p5 =	slt.s32 s25, $0x1  }
0x257: {  	v6 =	vld @!p5 [tilespmem:s3+$0x40]  }
0x258: {  	(v2sf) =	vpush v5, $0x6;
	_ =	sdelay $0x3  }
0x259: {  	p6 =	slt.s32 @!p5 s24, $0x20;
	v6 =	vshrl.u32 @!p5 v6, v4  }
0x25a: {  	s0 =	sadd.s32 @!p5 $0xFFFFFF50, s13;
	v7 =	vlaneseq.u32 @!p5;
	p6 =	por !p6, p5;
	v6 =	vand.u32 @!p5 $0x1, v6  }
0x25b: {  	s26 =	spop (v2sf);
	s1 =	sadd.s32 s25, s24;
	s24 =	simm.s32 @p6 $0x20;
	vm1 =	veq.s32 @!p5 v6, $0x1;
	v6 =	vor.u32 @!p5 s0, v7  }
0x25c: {  	[tilespmem:s24+$0xA500] =	vst.msk @!p5 vm1, v6;
	p5 =	slt.s32 s26, $0x1  }
0x25d: {  	v6 =	vld @!p5 [tilespmem:s3+$0x50]  }
0x25e: {  	(v2sf) =	vpush v5, $0x7;
	_ =	sdelay $0x3  }
0x25f: {  	p6 =	slt.s32 @!p5 s1, $0x20;
	v6 =	vshrl.u32 @!p5 v6, v4  }
0x260: {  	s24 =	sadd.s32 @!p5 $0xFFFFFF60, s13;
	v7 =	vlaneseq.u32 @!p5;
	p6 =	por !p6, p5;
	v6 =	vand.u32 @!p5 $0x1, v6  }
0x261: {  	s25 =	spop (v2sf);
	s0 =	sadd.s32 s26, s1;
	s1 =	simm.s32 @p6 $0x20;
	vm1 =	veq.s32 @!p5 v6, $0x1;
	v6 =	vor.u32 @!p5 s24, v7  }
0x262: {  	[tilespmem:s1+$0xA500] =	vst.msk @!p5 vm1, v6;
	p5 =	slt.s32 s25, $0x1  }
0x263: {  	v6 =	vld @!p5 [tilespmem:s3+$0x60]  }
0x264: {  	(v2sf) =	vpush v5, $0x8;
	_ =	sdelay $0x3  }
0x265: {  	p6 =	slt.s32 @!p5 s0, $0x20;
	v6 =	vshrl.u32 @!p5 v6, v4  }
0x266: {  	s1 =	sadd.s32 @!p5 $0xFFFFFF70, s13;
	v7 =	vlaneseq.u32 @!p5;
	p6 =	por !p6, p5;
	v6 =	vand.u32 @!p5 $0x1, v6  }
0x267: {  	s26 =	spop (v2sf);
	s24 =	sadd.s32 s25, s0;
	s0 =	simm.s32 @p6 $0x20;
	vm1 =	veq.s32 @!p5 v6, $0x1;
	v6 =	vor.u32 @!p5 s1, v7  }
0x268: {  	[tilespmem:s0+$0xA500] =	vst.msk @!p5 vm1, v6;
	p5 =	slt.s32 s26, $0x1  }
0x269: {  	v6 =	vld @!p5 [tilespmem:s3+$0x70]  }
0x26a: {  	(v2sf) =	vpush v5, $0x9;
	_ =	sdelay $0x3  }
0x26b: {  	p6 =	slt.s32 @!p5 s24, $0x20;
	v6 =	vshrl.u32 @!p5 v6, v4  }
0x26c: {  	s0 =	sadd.s32 @!p5 $0xFFFFFF80, s13;
	v7 =	vlaneseq.u32 @!p5;
	p6 =	por !p6, p5;
	v6 =	vand.u32 @!p5 $0x1, v6  }
0x26d: {  	s25 =	spop (v2sf);
	s1 =	sadd.s32 s26, s24;
	s24 =	simm.s32 @p6 $0x20;
	vm1 =	veq.s32 @!p5 v6, $0x1;
	v6 =	vor.u32 @!p5 s0, v7  }
0x26e: {  	[tilespmem:s24+$0xA500] =	vst.msk @!p5 vm1, v6;
	p5 =	slt.s32 s25, $0x1  }
0x26f: {  	v6 =	vld @!p5 [tilespmem:s3+$0x80]  }
0x270: {  	(v2sf) =	vpush v5, $0xA;
	_ =	sdelay $0x3  }
0x271: {  	p6 =	slt.s32 @!p5 s1, $0x20;
	v6 =	vshrl.u32 @!p5 v6, v4  }
0x272: {  	s24 =	sadd.s32 @!p5 $0xFFFFFF90, s13;
	v7 =	vlaneseq.u32 @!p5;
	p6 =	por !p6, p5;
	v6 =	vand.u32 @!p5 $0x1, v6  }
0x273: {  	s26 =	spop (v2sf);
	s0 =	sadd.s32 s25, s1;
	s1 =	simm.s32 @p6 $0x20;
	vm1 =	veq.s32 @!p5 v6, $0x1;
	v6 =	vor.u32 @!p5 s24, v7  }
0x274: {  	[tilespmem:s1+$0xA500] =	vst.msk @!p5 vm1, v6;
	p5 =	slt.s32 s26, $0x1  }
0x275: {  	v6 =	vld @!p5 [tilespmem:s3+$0x90]  }
0x276: {  	(v2sf) =	vpush v5, $0xB;
	_ =	sdelay $0x3  }
0x277: {  	p6 =	slt.s32 @!p5 s0, $0x20;
	v6 =	vshrl.u32 @!p5 v6, v4  }
0x278: {  	s1 =	sadd.s32 @!p5 $0xFFFFFFA0, s13;
	v7 =	vlaneseq.u32 @!p5;
	p6 =	por !p6, p5;
	v6 =	vand.u32 @!p5 $0x1, v6  }
0x279: {  	s25 =	spop (v2sf);
	s24 =	sadd.s32 s26, s0;
	s0 =	simm.s32 @p6 $0x20;
	vm1 =	veq.s32 @!p5 v6, $0x1;
	v6 =	vor.u32 @!p5 s1, v7  }
0x27a: {  	[tilespmem:s0+$0xA500] =	vst.msk @!p5 vm1, v6;
	p5 =	slt.s32 s25, $0x1  }
0x27b: {  	v6 =	vld @!p5 [tilespmem:s3+$0xA0]  }
0x27c: {  	(v2sf) =	vpush v5, $0xC;
	_ =	sdelay $0x3  }
0x27d: {  	p6 =	slt.s32 @!p5 s24, $0x20;
	v6 =	vshrl.u32 @!p5 v6, v4  }
0x27e: {  	s0 =	sadd.s32 @!p5 $0xFFFFFFB0, s13;
	v7 =	vlaneseq.u32 @!p5;
	p6 =	por !p6, p5;
	v6 =	vand.u32 @!p5 $0x1, v6  }
0x27f: {  	s26 =	spop (v2sf);
	s1 =	sadd.s32 s25, s24;
	s24 =	simm.s32 @p6 $0x20;
	vm1 =	veq.s32 @!p5 v6, $0x1;
	v6 =	vor.u32 @!p5 s0, v7  }
0x280: {  	[tilespmem:s24+$0xA500] =	vst.msk @!p5 vm1, v6;
	p5 =	slt.s32 s26, $0x1  }
0x281: {  	v6 =	vld @!p5 [tilespmem:s3+$0xB0]  }
0x282: {  	(v2sf) =	vpush v5, $0xD;
	_ =	sdelay $0x3  }
0x283: {  	p6 =	slt.s32 @!p5 s1, $0x20;
	v6 =	vshrl.u32 @!p5 v6, v4  }
0x284: {  	s24 =	sadd.s32 @!p5 $0xFFFFFFC0, s13;
	v7 =	vlaneseq.u32 @!p5;
	p6 =	por !p6, p5;
	v6 =	vand.u32 @!p5 $0x1, v6  }
0x285: {  	s25 =	spop (v2sf);
	s0 =	sadd.s32 s26, s1;
	s1 =	simm.s32 @p6 $0x20;
	vm1 =	veq.s32 @!p5 v6, $0x1;
	v6 =	vor.u32 @!p5 s24, v7  }
0x286: {  	[tilespmem:s1+$0xA500] =	vst.msk @!p5 vm1, v6;
	p5 =	slt.s32 s25, $0x1  }
0x287: {  	v6 =	vld @!p5 [tilespmem:s3+$0xC0]  }
0x288: {  	(v2sf) =	vpush v5, $0xE;
	_ =	sdelay $0x3  }
0x289: {  	p6 =	slt.s32 @!p5 s0, $0x20;
	v6 =	vshrl.u32 @!p5 v6, v4  }
0x28a: {  	s1 =	sadd.s32 @!p5 $0xFFFFFFD0, s13;
	v7 =	vlaneseq.u32 @!p5;
	p6 =	por !p6, p5;
	v6 =	vand.u32 @!p5 $0x1, v6  }
0x28b: {  	s26 =	spop (v2sf);
	s24 =	sadd.s32 s25, s0;
	s0 =	simm.s32 @p6 $0x20;
	vm1 =	veq.s32 @!p5 v6, $0x1;
	v6 =	vor.u32 @!p5 s1, v7  }
0x28c: {  	[tilespmem:s0+$0xA500] =	vst.msk @!p5 vm1, v6;
	p5 =	slt.s32 s26, $0x1  }
0x28d: {  	v6 =	vld @!p5 [tilespmem:s3+$0xD0]  }
0x28e: {  	(v2sf) =	vpush v5, $0xF;
	_ =	sdelay $0x3  }
0x28f: {  	p6 =	slt.s32 @!p5 s24, $0x20;
	v5 =	vshrl.u32 @!p5 v6, v4  }
0x290: {  	s0 =	sadd.s32 @!p5 $0xFFFFFFE0, s13;
	p6 =	por !p6, p5;
	v6 =	vlaneseq.u32 @!p5;
	v5 =	vand.u32 @!p5 $0x1, v5  }
0x291: {  	s25 =	spop (v2sf);
	s1 =	sadd.s32 s26, s24;
	s24 =	simm.s32 @p6 $0x20;
	v6 =	vor.u32 @!p5 s0, v6;
	vm1 =	veq.s32 @!p5 v5, $0x1  }
0x292: {  	[tilespmem:s24+$0xA500] =	vst.msk @!p5 vm1, v6;
	p5 =	slt.s32 s25, $0x1  }
0x293: {  	v5 =	vld @!p5 [tilespmem:s3+$0xE0];
	_ =	sdelay $0x4  }
0x294: {  	p6 =	slt.s32 @!p5 s1, $0x20;
	v5 =	vshrl.u32 @!p5 v5, v4  }
0x295: {  	s24 =	sadd.s32 @!p5 $0xFFFFFFF0, s13;
	v6 =	vlaneseq.u32 @!p5;
	p6 =	por !p6, p5;
	v5 =	vand.u32 @!p5 $0x1, v5  }
0x296: {  	s26 =	spop (v2sf);
	s25 =	sadd.s32 s25, s1;
	s1 =	simm.s32 @p6 $0x20;
	vm1 =	veq.s32 @!p5 v5, $0x1;
	v5 =	vor.u32 @!p5 s24, v6  }
0x297: {  	[tilespmem:s1+$0xA500] =	vst.msk @!p5 vm1, v5;
	p5 =	slt.s32 s26, $0x1  }
0x298: {  	v5 =	vld @!p5 [tilespmem:s3+$0xF0];
	_ =	sdelay $0x3  }
.Ltmp12:
0x299: {  	_ = 	snop;
	(pc) =	sbr.rel .LBB2_10-.Ltmp12, $4  }
0x29a: {  	p6 =	slt.s32 @!p5 s25, $0x20;
	v5 =	vshrl.u32 @!p5 v5, v4  }
0x29b: {  	v6 =	vlaneseq.u32 @!p5;
	p6 =	por !p6, p5;
	v5 =	vand.u32 @!p5 $0x1, v5  }
0x29c: {  	s0 =	sadd.s32 s26, s25;
	s25 =	simm.s32 @p6 $0x20;
	vm1 =	veq.s32 @!p5 v5, $0x1;
	v5 =	vor.u32 @!p5 s13, v6  }
0x29d: {  	[smem:$0x0] =	sst s0;
	[tilespmem:s25+$0xA500] =	vst.msk @!p5 vm1, v5  }
.LBB2_14:
0x29e: {  	_ =	sfence.sel $0x180000  }
0x29f: {  	[bflag:$0x0] =	sbarrier.arrive $0xFFFF  }
0x2a0: {  	_ =	strace $0x90000047  }
0x2a1: {  	s0 =	stileid.u32;
	[bflag:$0x2] =	sbarrier.arrive $0xFFFF  }
0x2a2: {  	p0 =	sne.s32 s0, $0x0;
	s0 =	rddreg [dreg:$0x3]  }
0x2a3: {  	s0 =	sadd.s32 @!p0 $0x100000, s0  }
0x2a4: {  	[sflag:s0] =	ssyncadd.tile.s32 @!p0 $0x1;
	_ =	shalt  }
.Lfunc_end2:
_tile_overlayer_lowered:
.L_overlay_start_2:
0x2a5: {  	(tag) =	ssettag $0x2  }
0x2a6: {  	s0 =	rddreg [dreg:$0x0];
	s2 =	stileid.u32  }
0x2a7: {  	s1 =	rddreg [dreg:$0x1];
	p0 =	sne.s32 s2, $0x0  }
0x2a8: {  	s3 =	rddreg [dreg:$0x2];
	[bflag:$0x3] =	sbarrier.arrive $0xFFFF;
	s2 =	simm.s32 @!p0 $0x1C05  }
0x2a9: {  	[timem:s3], [sflag:s2] =	dma.local @!p0 [hbm:s0], s1  }
0x2aa: {  	s0 =	simm.s32 @!p0 $0x5  }
0x2ab: {  	_ =	swait.ge @!p0 [sflag:s0], s1  }
0x2ac: {  	s1 =	ssub.s32 @!p0 $0x0, s1;
	[sflag:s0] =	ssyncset.done @!p0 $0x0  }
0x2ad: {  	[sflag:s0] =	ssyncadd.s32 @!p0 s1  }
0x2ae: {  	[bflag:$0x3] =	sbarrier.arrive $0xFFFF  }
0x2af: {  	_ =	shalt  }

</sc_bundles>
